<compile_context>
chip_gen: v7x
topology: tpu7x:2x2x1
jax: 0.10.2.dev20260603
libtpu: 0.0.44.dev20260713+nightly
codegen_flags: <defaults>
</compile_context>

<pallas_src>
import functools

import jax
import jax.numpy as jnp
from jax import lax
from jax.experimental import pallas as pl
from jax.experimental.pallas import tpu as pltpu
from jax.experimental.pallas import tpu_sc as plsc

B = 4096
L = 200
EMB = 64
HID = 128

NC = 2
NS = 16
NW = NC * NS
BPW = B // NW
GATHER = L
STEPS = BPW
NBUF = 4
ROWS_PER_ACC = 10


def _cbow_pool_build():
    mesh = plsc.VectorSubcoreMesh(core_axis_name="c", subcore_axis_name="s")

    @functools.partial(
        pl.kernel,
        out_type=jax.ShapeDtypeStruct((B, EMB), jnp.float32),
        mesh=mesh,
        compiler_params=pltpu.CompilerParams(use_tc_tiling_on_sc=False),
        scratch_types=[
            pltpu.VMEM((BPW, 128), jnp.int32),
            pltpu.VMEM((BPW, 128), jnp.int32),
            pltpu.VMEM((NBUF, GATHER, EMB), jnp.float32),
            pltpu.VMEM((BPW, EMB), jnp.float32),
            pltpu.SemaphoreType.DMA,
            pltpu.SemaphoreType.DMA,
            pltpu.SemaphoreType.DMA,
            pltpu.SemaphoreType.DMA,
        ],
    )
    def pool(wa_hbm, wb_hbm, emb_hbm, out_hbm, ia_v, ib_v, rows_v, hout_v,
             s0, s1, s2, s3):
        sems = [s0, s1, s2, s3]
        wid = lax.axis_index("s") * NC + lax.axis_index("c")

        pltpu.sync_copy(wa_hbm.at[pl.ds(wid * BPW, BPW)], ia_v)
        pltpu.sync_copy(wb_hbm.at[pl.ds(wid * BPW, BPW)], ib_v)

        def issue(b, s):
            pltpu.async_copy(
                emb_hbm.at[ia_v.at[b]], rows_v.at[s, pl.ds(0, 128)], sems[s]
            )
            pltpu.async_copy(
                emb_hbm.at[ib_v.at[b, pl.ds(56, 72)]],
                rows_v.at[s, pl.ds(128, 72)],
                sems[s],
            )

        for s in range(NBUF):
            issue(s, s)

        def accum(s):
            def body(r10, acc):
                a0, a1, a2, a3 = acc
                for u in range(ROWS_PER_ACC):
                    r = r10 * ROWS_PER_ACC + u
                    a0 = a0 + rows_v[s, r, pl.ds(0, 16)]
                    a1 = a1 + rows_v[s, r, pl.ds(16, 16)]
                    a2 = a2 + rows_v[s, r, pl.ds(32, 16)]
                    a3 = a3 + rows_v[s, r, pl.ds(48, 16)]
                return (a0, a1, a2, a3)
            zeros4 = tuple(jnp.zeros((16,), jnp.float32) for _ in range(4))
            return lax.fori_loop(0, GATHER // ROWS_PER_ACC, body, zeros4)

        def wait(s):
            pltpu.make_async_copy(
                emb_hbm.at[ia_v.at[0]], rows_v.at[s, pl.ds(0, 128)], sems[s]
            ).wait()
            pltpu.make_async_copy(
                emb_hbm.at[ib_v.at[0, pl.ds(56, 72)]],
                rows_v.at[s, pl.ds(128, 72)],
                sems[s],
            ).wait()

        def step_block(i, issue_next):
            for s in range(NBUF):
                wait(s)
                acc = accum(s)
                b = i * NBUF + s
                hout_v[b, pl.ds(0, 16)] = acc[0]
                hout_v[b, pl.ds(16, 16)] = acc[1]
                hout_v[b, pl.ds(32, 16)] = acc[2]
                hout_v[b, pl.ds(48, 16)] = acc[3]
                if issue_next:
                    issue(b + NBUF, s)

        def main_body(i, carry):
            step_block(i, True)
            return carry

        lax.fori_loop(0, STEPS // NBUF - 1, main_body, 0)
        step_block(STEPS // NBUF - 1, False)

        pltpu.sync_copy(hout_v, out_hbm.at[pl.ds(wid * BPW, BPW)])

    return pool


_cbow_pool = _cbow_pool_build()


def _mlp_body(h_ref, w0_ref, b0_ref, w1_ref, b1_ref, wout_ref, bout_ref, o_ref):
    h = h_ref[...]
    t = jnp.tanh(jnp.dot(h, w0_ref[...], preferred_element_type=jnp.float32)
                 + b0_ref[...])
    t = jnp.tanh(jnp.dot(t, w1_ref[...], preferred_element_type=jnp.float32)
                 + b1_ref[...])
    o_ref[...] = (jnp.sum(t * wout_ref[...], axis=1, keepdims=True)
                  + bout_ref[...])


def kernel(words, emb, W0, b0, W1, b1, Wout, bout):
    w32 = words.astype(jnp.int32)
    wa = w32[:, :128]
    wb = w32[:, L - 128:]
    h = _cbow_pool(wa, wb, emb)
    out = pl.pallas_call(
        _mlp_body,
        out_shape=jax.ShapeDtypeStruct((B, 1), jnp.float32),
    )(
        h,
        W0,
        b0.reshape(1, HID),
        W1,
        b1.reshape(1, HID),
        Wout.reshape(1, HID),
        bout.reshape(1, 1),
    )
    return out

# --- scband reference (transcript-rebuilt; emitter-appended) ---
"""Pipeline reference for scband-deep-cbo-w-57578331570367 (READ-ONLY COPY).

The authoritative reference and input builder live on the scoring server;
editing this copy changes nothing except your own understanding.
"""

import jax, jax.numpy as jnp
import numpy as np

NWORDS = 1000000
EMB = 64
HID = 128
NTAGS = 1
B = 4096
L = 200

def setup_inputs(seed: int = 0) -> dict:
    key = jax.random.key(seed)
    ks = jax.random.split(key, 8)
    words = jax.random.randint(ks[0], (B, L), 0, NWORDS)
    # xavier-uniform-ish init for embedding and linear weights
    lim_e = np.sqrt(6.0 / (NWORDS + EMB))
    emb = jax.random.uniform(ks[1], (NWORDS, EMB), dtype=jnp.float32, minval=-lim_e, maxval=lim_e)
    lim0 = np.sqrt(6.0 / (EMB + HID))
    W0 = jax.random.uniform(ks[2], (EMB, HID), dtype=jnp.float32, minval=-lim0, maxval=lim0)
    b0 = jnp.zeros((HID,), dtype=jnp.float32)
    lim1 = np.sqrt(6.0 / (HID + HID))
    W1 = jax.random.uniform(ks[3], (HID, HID), dtype=jnp.float32, minval=-lim1, maxval=lim1)
    b1 = jnp.zeros((HID,), dtype=jnp.float32)
    limo = np.sqrt(6.0 / (HID + NTAGS))
    Wout = jax.random.uniform(ks[4], (HID, NTAGS), dtype=jnp.float32, minval=-limo, maxval=limo)
    bout = jnp.zeros((NTAGS,), dtype=jnp.float32)
    return {"words": words, "emb": emb, "W0": W0, "b0": b0, "W1": W1, "b1": b1, "Wout": Wout, "bout": bout}

def reference(words, emb, W0, b0, W1, b1, Wout, bout):
    # embedding lookup: [B, L, EMB]
    e = jnp.take(emb, words, axis=0)
    # CBoW sum over sequence dim
    h = jnp.sum(e, axis=1)
    # nlayers=2 tanh MLP
    h = jnp.tanh(h @ W0 + b0)
    h = jnp.tanh(h @ W1 + b1)
    out = h @ Wout + bout
    return out

if __name__ == "__main__":
    import jax
    _d = setup_inputs()
    print(jax.jit(kernel)(*tuple(_d.values())))

</pallas_src>

<mosaic_0001>
#map = affine_map<(d0, d1) -> (0, 0)>
module attributes {stable_mosaic.version = 14 : i64} {
  func.func @pool(%arg0: i32, %arg1: i32, %arg2: memref<4096x128xi32, #tpu.memory_space<hbm>>, %arg3: memref<4096x128xi32, #tpu.memory_space<hbm>>, %arg4: memref<1000000x64xf32, #tpu.memory_space<hbm>>, %arg5: memref<4096x64xf32, #tpu.memory_space<hbm>>, %arg6: memref<128x128xi32, #tpu.memory_space<vmem>>, %arg7: memref<128x128xi32, #tpu.memory_space<vmem>>, %arg8: memref<4x200x64xf32, #tpu.memory_space<vmem>>, %arg9: memref<128x64xf32, #tpu.memory_space<vmem>>, %arg10: memref<!tpu.dma_semaphore, #tpu.memory_space<semaphore_mem>>, %arg11: memref<!tpu.dma_semaphore, #tpu.memory_space<semaphore_mem>>, %arg12: memref<!tpu.dma_semaphore, #tpu.memory_space<semaphore_mem>>, %arg13: memref<!tpu.dma_semaphore, #tpu.memory_space<semaphore_mem>>) attributes {dimension_semantics = [#tpu.dimension_semantics<core_parallel>, #tpu.dimension_semantics<subcore_parallel>], iteration_bounds = array<i64: 2, 16>, scalar_prefetch = 0 : i64, scratch_operands = 8 : i64, tpu.core_type = #tpu.core_type<sc_vector_subcore>, window_params = [{transform_indices = #map}, {transform_indices = #map}, {transform_indices = #map}, {transform_indices = #map}]} {
    %mul3A = arith.constant 2 : i32
    %mul3A_0 = arith.muli %arg1, %mul3A : i32
    %add3A = arith.addi %mul3A_0, %arg0 : i32
    %mul3A_1 = arith.constant 128 : i32
    %mul3A_2 = arith.muli %add3A, %mul3A_1 : i32
    "tpu.region"() ({
      %run_scoped3A = tpu.sem_alloc : memref<!tpu.dma_semaphore, #tpu.memory_space<semaphore_mem>>
      %dma_start3A_352 = arith.constant 0 : i32
      %dma_start3A_353 = tpu.memref_slice %arg2[%mul3A_2, %dma_start3A_352] : memref<4096x128xi32, #tpu.memory_space<hbm>> -> memref<128x128xi32, #tpu.memory_space<hbm>>
      %dma_start3A_354 = arith.constant 0 : i32
      %dma_start3A_355 = tpu.memref_slice %arg2[%mul3A_2, %dma_start3A_354] : memref<4096x128xi32, #tpu.memory_space<hbm>> -> memref<128x128xi32, #tpu.memory_space<hbm>>
      tpu.enqueue_dma source(%dma_start3A_355 : memref<128x128xi32, #tpu.memory_space<hbm>>) target(%arg6 : memref<128x128xi32, #tpu.memory_space<vmem>>) target_semaphore(%run_scoped3A : memref<!tpu.dma_semaphore, #tpu.memory_space<semaphore_mem>>)
      %dma_wait3A_356 = arith.constant 0 : i32
      %dma_wait3A_357 = tpu.memref_slice %arg2[%mul3A_2, %dma_wait3A_356] : memref<4096x128xi32, #tpu.memory_space<hbm>> -> memref<128x128xi32, #tpu.memory_space<hbm>>
      %dma_wait3A_358 = arith.constant 0 : i32
      %dma_wait3A_359 = tpu.memref_slice %arg2[%mul3A_2, %dma_wait3A_358] : memref<4096x128xi32, #tpu.memory_space<hbm>> -> memref<128x128xi32, #tpu.memory_space<hbm>>
      tpu.wait_dma2 semaphore(%run_scoped3A : memref<!tpu.dma_semaphore, #tpu.memory_space<semaphore_mem>>) src(%dma_wait3A_359 : memref<128x128xi32, #tpu.memory_space<hbm>>) dst(%arg6 : memref<128x128xi32, #tpu.memory_space<vmem>>)
      tpu.yield
    }) : () -> ()
    %mul3A_3 = arith.constant 128 : i32
    %mul3A_4 = arith.muli %add3A, %mul3A_3 : i32
    "tpu.region"() ({
      %run_scoped3A = tpu.sem_alloc : memref<!tpu.dma_semaphore, #tpu.memory_space<semaphore_mem>>
      %dma_start3A_352 = arith.constant 0 : i32
      %dma_start3A_353 = tpu.memref_slice %arg3[%mul3A_4, %dma_start3A_352] : memref<4096x128xi32, #tpu.memory_space<hbm>> -> memref<128x128xi32, #tpu.memory_space<hbm>>
      %dma_start3A_354 = arith.constant 0 : i32
      %dma_start3A_355 = tpu.memref_slice %arg3[%mul3A_4, %dma_start3A_354] : memref<4096x128xi32, #tpu.memory_space<hbm>> -> memref<128x128xi32, #tpu.memory_space<hbm>>
      tpu.enqueue_dma source(%dma_start3A_355 : memref<128x128xi32, #tpu.memory_space<hbm>>) target(%arg7 : memref<128x128xi32, #tpu.memory_space<vmem>>) target_semaphore(%run_scoped3A : memref<!tpu.dma_semaphore, #tpu.memory_space<semaphore_mem>>)
      %dma_wait3A_356 = arith.constant 0 : i32
      %dma_wait3A_357 = tpu.memref_slice %arg3[%mul3A_4, %dma_wait3A_356] : memref<4096x128xi32, #tpu.memory_space<hbm>> -> memref<128x128xi32, #tpu.memory_space<hbm>>
      %dma_wait3A_358 = arith.constant 0 : i32
      %dma_wait3A_359 = tpu.memref_slice %arg3[%mul3A_4, %dma_wait3A_358] : memref<4096x128xi32, #tpu.memory_space<hbm>> -> memref<128x128xi32, #tpu.memory_space<hbm>>
      tpu.wait_dma2 semaphore(%run_scoped3A : memref<!tpu.dma_semaphore, #tpu.memory_space<semaphore_mem>>) src(%dma_wait3A_359 : memref<128x128xi32, #tpu.memory_space<hbm>>) dst(%arg7 : memref<128x128xi32, #tpu.memory_space<vmem>>)
      tpu.yield
    }) : () -> ()
    %dma_start3A = arith.constant 0 : i32
    %dma_start3A_5 = arith.constant 0 : i32
    %dma_start3A_6 = arith.constant 0 : i32
    %dma_start3A_7 = arith.constant 0 : i32
    %dma_start3A_8 = tpu.memref_slice %arg8[%dma_start3A_5, %dma_start3A_6, %dma_start3A_7] : memref<4x200x64xf32, #tpu.memory_space<vmem>> -> memref<1x128x64xf32, #tpu.memory_space<vmem>>
    %dma_start3A_9 = tpu.memref_squeeze %dma_start3A_8 : memref<1x128x64xf32, #tpu.memory_space<vmem>> -> memref<128x64xf32, #tpu.memory_space<vmem>>
    %dma_start3A_10 = arith.constant 0 : i32
    %dma_start3A_11 = tpu.memref_slice %arg6[%dma_start3A, %dma_start3A_10] : memref<128x128xi32, #tpu.memory_space<vmem>> -> memref<1x128xi32, #tpu.memory_space<vmem>>
    %dma_start3A_12 = tpu.memref_squeeze %dma_start3A_11 : memref<1x128xi32, #tpu.memory_space<vmem>> -> memref<128xi32, #tpu.memory_space<vmem>>
    %dma_start3A_13 = arith.constant 0 : i32
    %dma_start3A_14 = arith.constant 0 : i32
    %dma_start3A_15 = tpu.memref_slice %arg4[%dma_start3A_13, %dma_start3A_14] : memref<1000000x64xf32, #tpu.memory_space<hbm>> -> memref<1000000x64xf32, #tpu.memory_space<hbm>>
    tpu.enqueue_indirect_dma source(%dma_start3A_15 : memref<1000000x64xf32, #tpu.memory_space<hbm>>) target(%dma_start3A_9 : memref<128x64xf32, #tpu.memory_space<vmem>>) offsets(%dma_start3A_12 : memref<128xi32, #tpu.memory_space<vmem>>) semaphore(%arg10 : memref<!tpu.dma_semaphore, #tpu.memory_space<semaphore_mem>>)
    %dma_start3A_16 = arith.constant 0 : i32
    %dma_start3A_17 = arith.constant 0 : i32
    %dma_start3A_18 = arith.constant 128 : i32
    %dma_start3A_19 = arith.constant 0 : i32
    %dma_start3A_20 = tpu.memref_slice %arg8[%dma_start3A_17, %dma_start3A_18, %dma_start3A_19] : memref<4x200x64xf32, #tpu.memory_space<vmem>> -> memref<1x72x64xf32, #tpu.memory_space<vmem>>
    %dma_start3A_21 = tpu.memref_squeeze %dma_start3A_20 : memref<1x72x64xf32, #tpu.memory_space<vmem>> -> memref<72x64xf32, #tpu.memory_space<vmem>>
    %dma_start3A_22 = arith.constant 56 : i32
    %dma_start3A_23 = tpu.memref_slice %arg7[%dma_start3A_16, %dma_start3A_22] : memref<128x128xi32, #tpu.memory_space<vmem>> -> memref<1x72xi32, #tpu.memory_space<vmem>>
    %dma_start3A_24 = tpu.memref_squeeze %dma_start3A_23 : memref<1x72xi32, #tpu.memory_space<vmem>> -> memref<72xi32, #tpu.memory_space<vmem>>
    %dma_start3A_25 = arith.constant 0 : i32
    %dma_start3A_26 = arith.constant 0 : i32
    %dma_start3A_27 = tpu.memref_slice %arg4[%dma_start3A_25, %dma_start3A_26] : memref<1000000x64xf32, #tpu.memory_space<hbm>> -> memref<1000000x64xf32, #tpu.memory_space<hbm>>
    tpu.enqueue_indirect_dma source(%dma_start3A_27 : memref<1000000x64xf32, #tpu.memory_space<hbm>>) target(%dma_start3A_21 : memref<72x64xf32, #tpu.memory_space<vmem>>) offsets(%dma_start3A_24 : memref<72xi32, #tpu.memory_space<vmem>>) semaphore(%arg10 : memref<!tpu.dma_semaphore, #tpu.memory_space<semaphore_mem>>)
    %dma_start3A_28 = arith.constant 1 : i32
    %dma_start3A_29 = arith.constant 1 : i32
    %dma_start3A_30 = arith.constant 0 : i32
    %dma_start3A_31 = arith.constant 0 : i32
    %dma_start3A_32 = tpu.memref_slice %arg8[%dma_start3A_29, %dma_start3A_30, %dma_start3A_31] : memref<4x200x64xf32, #tpu.memory_space<vmem>> -> memref<1x128x64xf32, #tpu.memory_space<vmem>>
    %dma_start3A_33 = tpu.memref_squeeze %dma_start3A_32 : memref<1x128x64xf32, #tpu.memory_space<vmem>> -> memref<128x64xf32, #tpu.memory_space<vmem>>
    %dma_start3A_34 = arith.constant 0 : i32
    %dma_start3A_35 = tpu.memref_slice %arg6[%dma_start3A_28, %dma_start3A_34] : memref<128x128xi32, #tpu.memory_space<vmem>> -> memref<1x128xi32, #tpu.memory_space<vmem>>
    %dma_start3A_36 = tpu.memref_squeeze %dma_start3A_35 : memref<1x128xi32, #tpu.memory_space<vmem>> -> memref<128xi32, #tpu.memory_space<vmem>>
    %dma_start3A_37 = arith.constant 0 : i32
    %dma_start3A_38 = arith.constant 0 : i32
    %dma_start3A_39 = tpu.memref_slice %arg4[%dma_start3A_37, %dma_start3A_38] : memref<1000000x64xf32, #tpu.memory_space<hbm>> -> memref<1000000x64xf32, #tpu.memory_space<hbm>>
    tpu.enqueue_indirect_dma source(%dma_start3A_39 : memref<1000000x64xf32, #tpu.memory_space<hbm>>) target(%dma_start3A_33 : memref<128x64xf32, #tpu.memory_space<vmem>>) offsets(%dma_start3A_36 : memref<128xi32, #tpu.memory_space<vmem>>) semaphore(%arg11 : memref<!tpu.dma_semaphore, #tpu.memory_space<semaphore_mem>>)
    %dma_start3A_40 = arith.constant 1 : i32
    %dma_start3A_41 = arith.constant 1 : i32
    %dma_start3A_42 = arith.constant 128 : i32
    %dma_start3A_43 = arith.constant 0 : i32
    %dma_start3A_44 = tpu.memref_slice %arg8[%dma_start3A_41, %dma_start3A_42, %dma_start3A_43] : memref<4x200x64xf32, #tpu.memory_space<vmem>> -> memref<1x72x64xf32, #tpu.memory_space<vmem>>
    %dma_start3A_45 = tpu.memref_squeeze %dma_start3A_44 : memref<1x72x64xf32, #tpu.memory_space<vmem>> -> memref<72x64xf32, #tpu.memory_space<vmem>>
    %dma_start3A_46 = arith.constant 56 : i32
    %dma_start3A_47 = tpu.memref_slice %arg7[%dma_start3A_40, %dma_start3A_46] : memref<128x128xi32, #tpu.memory_space<vmem>> -> memref<1x72xi32, #tpu.memory_space<vmem>>
    %dma_start3A_48 = tpu.memref_squeeze %dma_start3A_47 : memref<1x72xi32, #tpu.memory_space<vmem>> -> memref<72xi32, #tpu.memory_space<vmem>>
    %dma_start3A_49 = arith.constant 0 : i32
    %dma_start3A_50 = arith.constant 0 : i32
    %dma_start3A_51 = tpu.memref_slice %arg4[%dma_start3A_49, %dma_start3A_50] : memref<1000000x64xf32, #tpu.memory_space<hbm>> -> memref<1000000x64xf32, #tpu.memory_space<hbm>>
    tpu.enqueue_indirect_dma source(%dma_start3A_51 : memref<1000000x64xf32, #tpu.memory_space<hbm>>) target(%dma_start3A_45 : memref<72x64xf32, #tpu.memory_space<vmem>>) offsets(%dma_start3A_48 : memref<72xi32, #tpu.memory_space<vmem>>) semaphore(%arg11 : memref<!tpu.dma_semaphore, #tpu.memory_space<semaphore_mem>>)
    %dma_start3A_52 = arith.constant 2 : i32
    %dma_start3A_53 = arith.constant 2 : i32
    %dma_start3A_54 = arith.constant 0 : i32
    %dma_start3A_55 = arith.constant 0 : i32
    %dma_start3A_56 = tpu.memref_slice %arg8[%dma_start3A_53, %dma_start3A_54, %dma_start3A_55] : memref<4x200x64xf32, #tpu.memory_space<vmem>> -> memref<1x128x64xf32, #tpu.memory_space<vmem>>
    %dma_start3A_57 = tpu.memref_squeeze %dma_start3A_56 : memref<1x128x64xf32, #tpu.memory_space<vmem>> -> memref<128x64xf32, #tpu.memory_space<vmem>>
    %dma_start3A_58 = arith.constant 0 : i32
    %dma_start3A_59 = tpu.memref_slice %arg6[%dma_start3A_52, %dma_start3A_58] : memref<128x128xi32, #tpu.memory_space<vmem>> -> memref<1x128xi32, #tpu.memory_space<vmem>>
    %dma_start3A_60 = tpu.memref_squeeze %dma_start3A_59 : memref<1x128xi32, #tpu.memory_space<vmem>> -> memref<128xi32, #tpu.memory_space<vmem>>
    %dma_start3A_61 = arith.constant 0 : i32
    %dma_start3A_62 = arith.constant 0 : i32
    %dma_start3A_63 = tpu.memref_slice %arg4[%dma_start3A_61, %dma_start3A_62] : memref<1000000x64xf32, #tpu.memory_space<hbm>> -> memref<1000000x64xf32, #tpu.memory_space<hbm>>
    tpu.enqueue_indirect_dma source(%dma_start3A_63 : memref<1000000x64xf32, #tpu.memory_space<hbm>>) target(%dma_start3A_57 : memref<128x64xf32, #tpu.memory_space<vmem>>) offsets(%dma_start3A_60 : memref<128xi32, #tpu.memory_space<vmem>>) semaphore(%arg12 : memref<!tpu.dma_semaphore, #tpu.memory_space<semaphore_mem>>)
    %dma_start3A_64 = arith.constant 2 : i32
    %dma_start3A_65 = arith.constant 2 : i32
    %dma_start3A_66 = arith.constant 128 : i32
    %dma_start3A_67 = arith.constant 0 : i32
    %dma_start3A_68 = tpu.memref_slice %arg8[%dma_start3A_65, %dma_start3A_66, %dma_start3A_67] : memref<4x200x64xf32, #tpu.memory_space<vmem>> -> memref<1x72x64xf32, #tpu.memory_space<vmem>>
    %dma_start3A_69 = tpu.memref_squeeze %dma_start3A_68 : memref<1x72x64xf32, #tpu.memory_space<vmem>> -> memref<72x64xf32, #tpu.memory_space<vmem>>
    %dma_start3A_70 = arith.constant 56 : i32
    %dma_start3A_71 = tpu.memref_slice %arg7[%dma_start3A_64, %dma_start3A_70] : memref<128x128xi32, #tpu.memory_space<vmem>> -> memref<1x72xi32, #tpu.memory_space<vmem>>
    %dma_start3A_72 = tpu.memref_squeeze %dma_start3A_71 : memref<1x72xi32, #tpu.memory_space<vmem>> -> memref<72xi32, #tpu.memory_space<vmem>>
    %dma_start3A_73 = arith.constant 0 : i32
    %dma_start3A_74 = arith.constant 0 : i32
    %dma_start3A_75 = tpu.memref_slice %arg4[%dma_start3A_73, %dma_start3A_74] : memref<1000000x64xf32, #tpu.memory_space<hbm>> -> memref<1000000x64xf32, #tpu.memory_space<hbm>>
    tpu.enqueue_indirect_dma source(%dma_start3A_75 : memref<1000000x64xf32, #tpu.memory_space<hbm>>) target(%dma_start3A_69 : memref<72x64xf32, #tpu.memory_space<vmem>>) offsets(%dma_start3A_72 : memref<72xi32, #tpu.memory_space<vmem>>) semaphore(%arg12 : memref<!tpu.dma_semaphore, #tpu.memory_space<semaphore_mem>>)
    %dma_start3A_76 = arith.constant 3 : i32
    %dma_start3A_77 = arith.constant 3 : i32
    %dma_start3A_78 = arith.constant 0 : i32
    %dma_start3A_79 = arith.constant 0 : i32
    %dma_start3A_80 = tpu.memref_slice %arg8[%dma_start3A_77, %dma_start3A_78, %dma_start3A_79] : memref<4x200x64xf32, #tpu.memory_space<vmem>> -> memref<1x128x64xf32, #tpu.memory_space<vmem>>
    %dma_start3A_81 = tpu.memref_squeeze %dma_start3A_80 : memref<1x128x64xf32, #tpu.memory_space<vmem>> -> memref<128x64xf32, #tpu.memory_space<vmem>>
    %dma_start3A_82 = arith.constant 0 : i32
    %dma_start3A_83 = tpu.memref_slice %arg6[%dma_start3A_76, %dma_start3A_82] : memref<128x128xi32, #tpu.memory_space<vmem>> -> memref<1x128xi32, #tpu.memory_space<vmem>>
    %dma_start3A_84 = tpu.memref_squeeze %dma_start3A_83 : memref<1x128xi32, #tpu.memory_space<vmem>> -> memref<128xi32, #tpu.memory_space<vmem>>
    %dma_start3A_85 = arith.constant 0 : i32
    %dma_start3A_86 = arith.constant 0 : i32
    %dma_start3A_87 = tpu.memref_slice %arg4[%dma_start3A_85, %dma_start3A_86] : memref<1000000x64xf32, #tpu.memory_space<hbm>> -> memref<1000000x64xf32, #tpu.memory_space<hbm>>
    tpu.enqueue_indirect_dma source(%dma_start3A_87 : memref<1000000x64xf32, #tpu.memory_space<hbm>>) target(%dma_start3A_81 : memref<128x64xf32, #tpu.memory_space<vmem>>) offsets(%dma_start3A_84 : memref<128xi32, #tpu.memory_space<vmem>>) semaphore(%arg13 : memref<!tpu.dma_semaphore, #tpu.memory_space<semaphore_mem>>)
    %dma_start3A_88 = arith.constant 3 : i32
    %dma_start3A_89 = arith.constant 3 : i32
    %dma_start3A_90 = arith.constant 128 : i32
    %dma_start3A_91 = arith.constant 0 : i32
    %dma_start3A_92 = tpu.memref_slice %arg8[%dma_start3A_89, %dma_start3A_90, %dma_start3A_91] : memref<4x200x64xf32, #tpu.memory_space<vmem>> -> memref<1x72x64xf32, #tpu.memory_space<vmem>>
    %dma_start3A_93 = tpu.memref_squeeze %dma_start3A_92 : memref<1x72x64xf32, #tpu.memory_space<vmem>> -> memref<72x64xf32, #tpu.memory_space<vmem>>
    %dma_start3A_94 = arith.constant 56 : i32
    %dma_start3A_95 = tpu.memref_slice %arg7[%dma_start3A_88, %dma_start3A_94] : memref<128x128xi32, #tpu.memory_space<vmem>> -> memref<1x72xi32, #tpu.memory_space<vmem>>
    %dma_start3A_96 = tpu.memref_squeeze %dma_start3A_95 : memref<1x72xi32, #tpu.memory_space<vmem>> -> memref<72xi32, #tpu.memory_space<vmem>>
    %dma_start3A_97 = arith.constant 0 : i32
    %dma_start3A_98 = arith.constant 0 : i32
    %dma_start3A_99 = tpu.memref_slice %arg4[%dma_start3A_97, %dma_start3A_98] : memref<1000000x64xf32, #tpu.memory_space<hbm>> -> memref<1000000x64xf32, #tpu.memory_space<hbm>>
    tpu.enqueue_indirect_dma source(%dma_start3A_99 : memref<1000000x64xf32, #tpu.memory_space<hbm>>) target(%dma_start3A_93 : memref<72x64xf32, #tpu.memory_space<vmem>>) offsets(%dma_start3A_96 : memref<72xi32, #tpu.memory_space<vmem>>) semaphore(%arg13 : memref<!tpu.dma_semaphore, #tpu.memory_space<semaphore_mem>>)
    %scan3A = arith.constant 0 : i32
    %scan3A_100 = arith.constant 0 : i32
    %scan3A_101 = arith.constant 31 : i32
    %scan3A_102 = arith.addi %scan3A_100, %scan3A_101 : i32
    %scan3A_103 = arith.constant 1 : i32
    scf.for %scan3A_352 = %scan3A_100 to %scan3A_102 step %scan3A_103  : i32 {
      %dma_wait3A_353 = arith.constant 0 : i32
      %dma_wait3A_354 = arith.constant 0 : i32
      %dma_wait3A_355 = arith.constant 0 : i32
      %dma_wait3A_356 = arith.constant 0 : i32
      %dma_wait3A_357 = tpu.memref_slice %arg8[%dma_wait3A_354, %dma_wait3A_355, %dma_wait3A_356] : memref<4x200x64xf32, #tpu.memory_space<vmem>> -> memref<1x128x64xf32, #tpu.memory_space<vmem>>
      %dma_wait3A_358 = tpu.memref_squeeze %dma_wait3A_357 : memref<1x128x64xf32, #tpu.memory_space<vmem>> -> memref<128x64xf32, #tpu.memory_space<vmem>>
      %dma_wait3A_359 = arith.constant 0 : i32
      %dma_wait3A_360 = tpu.memref_slice %arg6[%dma_wait3A_353, %dma_wait3A_359] : memref<128x128xi32, #tpu.memory_space<vmem>> -> memref<1x128xi32, #tpu.memory_space<vmem>>
      %dma_wait3A_361 = tpu.memref_squeeze %dma_wait3A_360 : memref<1x128xi32, #tpu.memory_space<vmem>> -> memref<128xi32, #tpu.memory_space<vmem>>
      %dma_wait3A_362 = arith.constant 0 : i32
      %dma_wait3A_363 = arith.constant 0 : i32
      %dma_wait3A_364 = tpu.memref_slice %arg4[%dma_wait3A_362, %dma_wait3A_363] : memref<1000000x64xf32, #tpu.memory_space<hbm>> -> memref<1000000x64xf32, #tpu.memory_space<hbm>>
      tpu.wait_indirect_dma semaphore(%arg10 : memref<!tpu.dma_semaphore, #tpu.memory_space<semaphore_mem>>) src(%dma_wait3A_364 : memref<1000000x64xf32, #tpu.memory_space<hbm>>) dst(%dma_wait3A_358 : memref<128x64xf32, #tpu.memory_space<vmem>>)
      %dma_wait3A_365 = arith.constant 0 : i32
      %dma_wait3A_366 = arith.constant 0 : i32
      %dma_wait3A_367 = arith.constant 128 : i32
      %dma_wait3A_368 = arith.constant 0 : i32
      %dma_wait3A_369 = tpu.memref_slice %arg8[%dma_wait3A_366, %dma_wait3A_367, %dma_wait3A_368] : memref<4x200x64xf32, #tpu.memory_space<vmem>> -> memref<1x72x64xf32, #tpu.memory_space<vmem>>
      %dma_wait3A_370 = tpu.memref_squeeze %dma_wait3A_369 : memref<1x72x64xf32, #tpu.memory_space<vmem>> -> memref<72x64xf32, #tpu.memory_space<vmem>>
      %dma_wait3A_371 = arith.constant 56 : i32
      %dma_wait3A_372 = tpu.memref_slice %arg7[%dma_wait3A_365, %dma_wait3A_371] : memref<128x128xi32, #tpu.memory_space<vmem>> -> memref<1x72xi32, #tpu.memory_space<vmem>>
      %dma_wait3A_373 = tpu.memref_squeeze %dma_wait3A_372 : memref<1x72xi32, #tpu.memory_space<vmem>> -> memref<72xi32, #tpu.memory_space<vmem>>
      %dma_wait3A_374 = arith.constant 0 : i32
      %dma_wait3A_375 = arith.constant 0 : i32
      %dma_wait3A_376 = tpu.memref_slice %arg4[%dma_wait3A_374, %dma_wait3A_375] : memref<1000000x64xf32, #tpu.memory_space<hbm>> -> memref<1000000x64xf32, #tpu.memory_space<hbm>>
      tpu.wait_indirect_dma semaphore(%arg10 : memref<!tpu.dma_semaphore, #tpu.memory_space<semaphore_mem>>) src(%dma_wait3A_376 : memref<1000000x64xf32, #tpu.memory_space<hbm>>) dst(%dma_wait3A_370 : memref<72x64xf32, #tpu.memory_space<vmem>>)
      %broadcast_in_dim3A_377 = arith.constant 0.000000e+00 : f32
      %broadcast_in_dim3A_378 = vector.broadcast %broadcast_in_dim3A_377 : f32 to vector<16xf32>
      %broadcast_in_dim3A_379 = arith.constant 0.000000e+00 : f32
      %broadcast_in_dim3A_380 = vector.broadcast %broadcast_in_dim3A_379 : f32 to vector<16xf32>
      %broadcast_in_dim3A_381 = arith.constant 0.000000e+00 : f32
      %broadcast_in_dim3A_382 = vector.broadcast %broadcast_in_dim3A_381 : f32 to vector<16xf32>
      %broadcast_in_dim3A_383 = arith.constant 0.000000e+00 : f32
      %broadcast_in_dim3A_384 = vector.broadcast %broadcast_in_dim3A_383 : f32 to vector<16xf32>
      %scan3A_385 = arith.constant 0 : i32
      %scan3A_386 = arith.constant 20 : i32
      %scan3A_387 = arith.addi %scan3A_385, %scan3A_386 : i32
      %scan3A_388 = arith.constant 1 : i32
      %scan3A_389:4 = scf.for %scan3A_697 = %scan3A_385 to %scan3A_387 step %scan3A_388 iter_args(%scan3A_698 = %broadcast_in_dim3A_378, %scan3A_699 = %broadcast_in_dim3A_380, %scan3A_700 = %broadcast_in_dim3A_382, %scan3A_701 = %broadcast_in_dim3A_384) -> (vector<16xf32>, vector<16xf32>, vector<16xf32>, vector<16xf32>)  : i32 {
        %mul3A_702 = arith.constant 10 : i32
        %mul3A_703 = arith.muli %scan3A_697, %mul3A_702 : i32
        %add3A_704 = arith.constant 0 : i32
        %add3A_705 = arith.addi %mul3A_703, %add3A_704 : i32
        %get3A = arith.constant 0 : i32
        %get3A_706 = arith.index_cast %get3A : i32 to index
        %get3A_707 = arith.index_cast %add3A_705 : i32 to index
        %get3A_708 = arith.constant 0 : index
        %get3A_709 = tpu.vector_load %arg8[%get3A_706, %get3A_707, %get3A_708] {strides = array<i32>} : memref<4x200x64xf32, #tpu.memory_space<vmem>>, vector<1x1x16xf32>,
        %get3A_710 = vector.shape_cast %get3A_709 : vector<1x1x16xf32> to vector<16xf32>
        %add3A_711 = arith.addf %scan3A_698, %get3A_710 : vector<16xf32>
        %get3A_712 = arith.constant 0 : i32
        %get3A_713 = arith.index_cast %get3A_712 : i32 to index
        %get3A_714 = arith.index_cast %add3A_705 : i32 to index
        %get3A_715 = arith.constant 16 : index
        %get3A_716 = tpu.vector_load %arg8[%get3A_713, %get3A_714, %get3A_715] {strides = array<i32>} : memref<4x200x64xf32, #tpu.memory_space<vmem>>, vector<1x1x16xf32>,
        %get3A_717 = vector.shape_cast %get3A_716 : vector<1x1x16xf32> to vector<16xf32>
        %add3A_718 = arith.addf %scan3A_699, %get3A_717 : vector<16xf32>
        %get3A_719 = arith.constant 0 : i32
        %get3A_720 = arith.index_cast %get3A_719 : i32 to index
        %get3A_721 = arith.index_cast %add3A_705 : i32 to index
        %get3A_722 = arith.constant 32 : index
        %get3A_723 = tpu.vector_load %arg8[%get3A_720, %get3A_721, %get3A_722] {strides = array<i32>} : memref<4x200x64xf32, #tpu.memory_space<vmem>>, vector<1x1x16xf32>,
        %get3A_724 = vector.shape_cast %get3A_723 : vector<1x1x16xf32> to vector<16xf32>
        %add3A_725 = arith.addf %scan3A_700, %get3A_724 : vector<16xf32>
        %get3A_726 = arith.constant 0 : i32
        %get3A_727 = arith.index_cast %get3A_726 : i32 to index
        %get3A_728 = arith.index_cast %add3A_705 : i32 to index
        %get3A_729 = arith.constant 48 : index
        %get3A_730 = tpu.vector_load %arg8[%get3A_727, %get3A_728, %get3A_729] {strides = array<i32>} : memref<4x200x64xf32, #tpu.memory_space<vmem>>, vector<1x1x16xf32>,
        %get3A_731 = vector.shape_cast %get3A_730 : vector<1x1x16xf32> to vector<16xf32>
        %add3A_732 = arith.addf %scan3A_701, %get3A_731 : vector<16xf32>
        %mul3A_733 = arith.constant 10 : i32
        %mul3A_734 = arith.muli %scan3A_697, %mul3A_733 : i32
        %add3A_735 = arith.constant 1 : i32
        %add3A_736 = arith.addi %mul3A_734, %add3A_735 : i32
        %get3A_737 = arith.constant 0 : i32
        %get3A_738 = arith.index_cast %get3A_737 : i32 to index
        %get3A_739 = arith.index_cast %add3A_736 : i32 to index
        %get3A_740 = arith.constant 0 : index
        %get3A_741 = tpu.vector_load %arg8[%get3A_738, %get3A_739, %get3A_740] {strides = array<i32>} : memref<4x200x64xf32, #tpu.memory_space<vmem>>, vector<1x1x16xf32>,
        %get3A_742 = vector.shape_cast %get3A_741 : vector<1x1x16xf32> to vector<16xf32>
        %add3A_743 = arith.addf %add3A_711, %get3A_742 : vector<16xf32>
        %get3A_744 = arith.constant 0 : i32
        %get3A_745 = arith.index_cast %get3A_744 : i32 to index
        %get3A_746 = arith.index_cast %add3A_736 : i32 to index
        %get3A_747 = arith.constant 16 : index
        %get3A_748 = tpu.vector_load %arg8[%get3A_745, %get3A_746, %get3A_747] {strides = array<i32>} : memref<4x200x64xf32, #tpu.memory_space<vmem>>, vector<1x1x16xf32>,
        %get3A_749 = vector.shape_cast %get3A_748 : vector<1x1x16xf32> to vector<16xf32>
        %add3A_750 = arith.addf %add3A_718, %get3A_749 : vector<16xf32>
        %get3A_751 = arith.constant 0 : i32
        %get3A_752 = arith.index_cast %get3A_751 : i32 to index
        %get3A_753 = arith.index_cast %add3A_736 : i32 to index
        %get3A_754 = arith.constant 32 : index
        %get3A_755 = tpu.vector_load %arg8[%get3A_752, %get3A_753, %get3A_754] {strides = array<i32>} : memref<4x200x64xf32, #tpu.memory_space<vmem>>, vector<1x1x16xf32>,
        %get3A_756 = vector.shape_cast %get3A_755 : vector<1x1x16xf32> to vector<16xf32>
        %add3A_757 = arith.addf %add3A_725, %get3A_756 : vector<16xf32>
        %get3A_758 = arith.constant 0 : i32
        %get3A_759 = arith.index_cast %get3A_758 : i32 to index
        %get3A_760 = arith.index_cast %add3A_736 : i32 to index
        %get3A_761 = arith.constant 48 : index
        %get3A_762 = tpu.vector_load %arg8[%get3A_759, %get3A_760, %get3A_761] {strides = array<i32>} : memref<4x200x64xf32, #tpu.memory_space<vmem>>, vector<1x1x16xf32>,
        %get3A_763 = vector.shape_cast %get3A_762 : vector<1x1x16xf32> to vector<16xf32>
        %add3A_764 = arith.addf %add3A_732, %get3A_763 : vector<16xf32>
        %mul3A_765 = arith.constant 10 : i32
        %mul3A_766 = arith.muli %scan3A_697, %mul3A_765 : i32
        %add3A_767 = arith.constant 2 : i32
        %add3A_768 = arith.addi %mul3A_766, %add3A_767 : i32
        %get3A_769 = arith.constant 0 : i32
        %get3A_770 = arith.index_cast %get3A_769 : i32 to index
        %get3A_771 = arith.index_cast %add3A_768 : i32 to index
        %get3A_772 = arith.constant 0 : index
        %get3A_773 = tpu.vector_load %arg8[%get3A_770, %get3A_771, %get3A_772] {strides = array<i32>} : memref<4x200x64xf32, #tpu.memory_space<vmem>>, vector<1x1x16xf32>,
        %get3A_774 = vector.shape_cast %get3A_773 : vector<1x1x16xf32> to vector<16xf32>
        %add3A_775 = arith.addf %add3A_743, %get3A_774 : vector<16xf32>
        %get3A_776 = arith.constant 0 : i32
        %get3A_777 = arith.index_cast %get3A_776 : i32 to index
        %get3A_778 = arith.index_cast %add3A_768 : i32 to index
        %get3A_779 = arith.constant 16 : index
        %get3A_780 = tpu.vector_load %arg8[%get3A_777, %get3A_778, %get3A_779] {strides = array<i32>} : memref<4x200x64xf32, #tpu.memory_space<vmem>>, vector<1x1x16xf32>,
        %get3A_781 = vector.shape_cast %get3A_780 : vector<1x1x16xf32> to vector<16xf32>
        %add3A_782 = arith.addf %add3A_750, %get3A_781 : vector<16xf32>
        %get3A_783 = arith.constant 0 : i32
        %get3A_784 = arith.index_cast %get3A_783 : i32 to index
        %get3A_785 = arith.index_cast %add3A_768 : i32 to index
        %get3A_786 = arith.constant 32 : index
        %get3A_787 = tpu.vector_load %arg8[%get3A_784, %get3A_785, %get3A_786] {strides = array<i32>} : memref<4x200x64xf32, #tpu.memory_space<vmem>>, vector<1x1x16xf32>,
        %get3A_788 = vector.shape_cast %get3A_787 : vector<1x1x16xf32> to vector<16xf32>
        %add3A_789 = arith.addf %add3A_757, %get3A_788 : vector<16xf32>
        %get3A_790 = arith.constant 0 : i32
        %get3A_791 = arith.index_cast %get3A_790 : i32 to index
        %get3A_792 = arith.index_cast %add3A_768 : i32 to index
        %get3A_793 = arith.constant 48 : index
        %get3A_794 = tpu.vector_load %arg8[%get3A_791, %get3A_792, %get3A_793] {strides = array<i32>} : memref<4x200x64xf32, #tpu.memory_space<vmem>>, vector<1x1x16xf32>,
        %get3A_795 = vector.shape_cast %get3A_794 : vector<1x1x16xf32> to vector<16xf32>
        %add3A_796 = arith.addf %add3A_764, %get3A_795 : vector<16xf32>
        %mul3A_797 = arith.constant 10 : i32
        %mul3A_798 = arith.muli %scan3A_697, %mul3A_797 : i32
        %add3A_799 = arith.constant 3 : i32
        %add3A_800 = arith.addi %mul3A_798, %add3A_799 : i32
        %get3A_801 = arith.constant 0 : i32
        %get3A_802 = arith.index_cast %get3A_801 : i32 to index
        %get3A_803 = arith.index_cast %add3A_800 : i32 to index
        %get3A_804 = arith.constant 0 : index
        %get3A_805 = tpu.vector_load %arg8[%get3A_802, %get3A_803, %get3A_804] {strides = array<i32>} : memref<4x200x64xf32, #tpu.memory_space<vmem>>, vector<1x1x16xf32>,
        %get3A_806 = vector.shape_cast %get3A_805 : vector<1x1x16xf32> to vector<16xf32>
        %add3A_807 = arith.addf %add3A_775, %get3A_806 : vector<16xf32>
        %get3A_808 = arith.constant 0 : i32
        %get3A_809 = arith.index_cast %get3A_808 : i32 to index
        %get3A_810 = arith.index_cast %add3A_800 : i32 to index
        %get3A_811 = arith.constant 16 : index
        %get3A_812 = tpu.vector_load %arg8[%get3A_809, %get3A_810, %get3A_811] {strides = array<i32>} : memref<4x200x64xf32, #tpu.memory_space<vmem>>, vector<1x1x16xf32>,
        %get3A_813 = vector.shape_cast %get3A_812 : vector<1x1x16xf32> to vector<16xf32>
        %add3A_814 = arith.addf %add3A_782, %get3A_813 : vector<16xf32>
        %get3A_815 = arith.constant 0 : i32
        %get3A_816 = arith.index_cast %get3A_815 : i32 to index
        %get3A_817 = arith.index_cast %add3A_800 : i32 to index
        %get3A_818 = arith.constant 32 : index
        %get3A_819 = tpu.vector_load %arg8[%get3A_816, %get3A_817, %get3A_818] {strides = array<i32>} : memref<4x200x64xf32, #tpu.memory_space<vmem>>, vector<1x1x16xf32>,
        %get3A_820 = vector.shape_cast %get3A_819 : vector<1x1x16xf32> to vector<16xf32>
        %add3A_821 = arith.addf %add3A_789, %get3A_820 : vector<16xf32>
        %get3A_822 = arith.constant 0 : i32
        %get3A_823 = arith.index_cast %get3A_822 : i32 to index
        %get3A_824 = arith.index_cast %add3A_800 : i32 to index
        %get3A_825 = arith.constant 48 : index
        %get3A_826 = tpu.vector_load %arg8[%get3A_823, %get3A_824, %get3A_825] {strides = array<i32>} : memref<4x200x64xf32, #tpu.memory_space<vmem>>, vector<1x1x16xf32>,
        %get3A_827 = vector.shape_cast %get3A_826 : vector<1x1x16xf32> to vector<16xf32>
        %add3A_828 = arith.addf %add3A_796, %get3A_827 : vector<16xf32>
        %mul3A_829 = arith.constant 10 : i32
        %mul3A_830 = arith.muli %scan3A_697, %mul3A_829 : i32
        %add3A_831 = arith.constant 4 : i32
        %add3A_832 = arith.addi %mul3A_830, %add3A_831 : i32
        %get3A_833 = arith.constant 0 : i32
        %get3A_834 = arith.index_cast %get3A_833 : i32 to index
        %get3A_835 = arith.index_cast %add3A_832 : i32 to index
        %get3A_836 = arith.constant 0 : index
        %get3A_837 = tpu.vector_load %arg8[%get3A_834, %get3A_835, %get3A_836] {strides = array<i32>} : memref<4x200x64xf32, #tpu.memory_space<vmem>>, vector<1x1x16xf32>,
        %get3A_838 = vector.shape_cast %get3A_837 : vector<1x1x16xf32> to vector<16xf32>
        %add3A_839 = arith.addf %add3A_807, %get3A_838 : vector<16xf32>
        %get3A_840 = arith.constant 0 : i32
        %get3A_841 = arith.index_cast %get3A_840 : i32 to index
        %get3A_842 = arith.index_cast %add3A_832 : i32 to index
        %get3A_843 = arith.constant 16 : index
        %get3A_844 = tpu.vector_load %arg8[%get3A_841, %get3A_842, %get3A_843] {strides = array<i32>} : memref<4x200x64xf32, #tpu.memory_space<vmem>>, vector<1x1x16xf32>,
        %get3A_845 = vector.shape_cast %get3A_844 : vector<1x1x16xf32> to vector<16xf32>
        %add3A_846 = arith.addf %add3A_814, %get3A_845 : vector<16xf32>
        %get3A_847 = arith.constant 0 : i32
        %get3A_848 = arith.index_cast %get3A_847 : i32 to index
        %get3A_849 = arith.index_cast %add3A_832 : i32 to index
        %get3A_850 = arith.constant 32 : index
        %get3A_851 = tpu.vector_load %arg8[%get3A_848, %get3A_849, %get3A_850] {strides = array<i32>} : memref<4x200x64xf32, #tpu.memory_space<vmem>>, vector<1x1x16xf32>,
        %get3A_852 = vector.shape_cast %get3A_851 : vector<1x1x16xf32> to vector<16xf32>
        %add3A_853 = arith.addf %add3A_821, %get3A_852 : vector<16xf32>
        %get3A_854 = arith.constant 0 : i32
        %get3A_855 = arith.index_cast %get3A_854 : i32 to index
        %get3A_856 = arith.index_cast %add3A_832 : i32 to index
        %get3A_857 = arith.constant 48 : index
        %get3A_858 = tpu.vector_load %arg8[%get3A_855, %get3A_856, %get3A_857] {strides = array<i32>} : memref<4x200x64xf32, #tpu.memory_space<vmem>>, vector<1x1x16xf32>,
        %get3A_859 = vector.shape_cast %get3A_858 : vector<1x1x16xf32> to vector<16xf32>
        %add3A_860 = arith.addf %add3A_828, %get3A_859 : vector<16xf32>
        %mul3A_861 = arith.constant 10 : i32
        %mul3A_862 = arith.muli %scan3A_697, %mul3A_861 : i32
        %add3A_863 = arith.constant 5 : i32
        %add3A_864 = arith.addi %mul3A_862, %add3A_863 : i32
        %get3A_865 = arith.constant 0 : i32
        %get3A_866 = arith.index_cast %get3A_865 : i32 to index
        %get3A_867 = arith.index_cast %add3A_864 : i32 to index
        %get3A_868 = arith.constant 0 : index
        %get3A_869 = tpu.vector_load %arg8[%get3A_866, %get3A_867, %get3A_868] {strides = array<i32>} : memref<4x200x64xf32, #tpu.memory_space<vmem>>, vector<1x1x16xf32>,
        %get3A_870 = vector.shape_cast %get3A_869 : vector<1x1x16xf32> to vector<16xf32>
        %add3A_871 = arith.addf %add3A_839, %get3A_870 : vector<16xf32>
        %get3A_872 = arith.constant 0 : i32
        %get3A_873 = arith.index_cast %get3A_872 : i32 to index
        %get3A_874 = arith.index_cast %add3A_864 : i32 to index
        %get3A_875 = arith.constant 16 : index
        %get3A_876 = tpu.vector_load %arg8[%get3A_873, %get3A_874, %get3A_875] {strides = array<i32>} : memref<4x200x64xf32, #tpu.memory_space<vmem>>, vector<1x1x16xf32>,
        %get3A_877 = vector.shape_cast %get3A_876 : vector<1x1x16xf32> to vector<16xf32>
        %add3A_878 = arith.addf %add3A_846, %get3A_877 : vector<16xf32>
        %get3A_879 = arith.constant 0 : i32
        %get3A_880 = arith.index_cast %get3A_879 : i32 to index
        %get3A_881 = arith.index_cast %add3A_864 : i32 to index
        %get3A_882 = arith.constant 32 : index
        %get3A_883 = tpu.vector_load %arg8[%get3A_880, %get3A_881, %get3A_882] {strides = array<i32>} : memref<4x200x64xf32, #tpu.memory_space<vmem>>, vector<1x1x16xf32>,
        %get3A_884 = vector.shape_cast %get3A_883 : vector<1x1x16xf32> to vector<16xf32>
        %add3A_885 = arith.addf %add3A_853, %get3A_884 : vector<16xf32>
        %get3A_886 = arith.constant 0 : i32
        %get3A_887 = arith.index_cast %get3A_886 : i32 to index
        %get3A_888 = arith.index_cast %add3A_864 : i32 to index
        %get3A_889 = arith.constant 48 : index
        %get3A_890 = tpu.vector_load %arg8[%get3A_887, %get3A_888, %get3A_889] {strides = array<i32>} : memref<4x200x64xf32, #tpu.memory_space<vmem>>, vector<1x1x16xf32>,
        %get3A_891 = vector.shape_cast %get3A_890 : vector<1x1x16xf32> to vector<16xf32>
        %add3A_892 = arith.addf %add3A_860, %get3A_891 : vector<16xf32>
        %mul3A_893 = arith.constant 10 : i32
        %mul3A_894 = arith.muli %scan3A_697, %mul3A_893 : i32
        %add3A_895 = arith.constant 6 : i32
        %add3A_896 = arith.addi %mul3A_894, %add3A_895 : i32
        %get3A_897 = arith.constant 0 : i32
        %get3A_898 = arith.index_cast %get3A_897 : i32 to index
        %get3A_899 = arith.index_cast %add3A_896 : i32 to index
        %get3A_900 = arith.constant 0 : index
        %get3A_901 = tpu.vector_load %arg8[%get3A_898, %get3A_899, %get3A_900] {strides = array<i32>} : memref<4x200x64xf32, #tpu.memory_space<vmem>>, vector<1x1x16xf32>,
        %get3A_902 = vector.shape_cast %get3A_901 : vector<1x1x16xf32> to vector<16xf32>
        %add3A_903 = arith.addf %add3A_871, %get3A_902 : vector<16xf32>
        %get3A_904 = arith.constant 0 : i32
        %get3A_905 = arith.index_cast %get3A_904 : i32 to index
        %get3A_906 = arith.index_cast %add3A_896 : i32 to index
        %get3A_907 = arith.constant 16 : index
        %get3A_908 = tpu.vector_load %arg8[%get3A_905, %get3A_906, %get3A_907] {strides = array<i32>} : memref<4x200x64xf32, #tpu.memory_space<vmem>>, vector<1x1x16xf32>,
        %get3A_909 = vector.shape_cast %get3A_908 : vector<1x1x16xf32> to vector<16xf32>
        %add3A_910 = arith.addf %add3A_878, %get3A_909 : vector<16xf32>
        %get3A_911 = arith.constant 0 : i32
        %get3A_912 = arith.index_cast %get3A_911 : i32 to index
        %get3A_913 = arith.index_cast %add3A_896 : i32 to index
        %get3A_914 = arith.constant 32 : index
        %get3A_915 = tpu.vector_load %arg8[%get3A_912, %get3A_913, %get3A_914] {strides = array<i32>} : memref<4x200x64xf32, #tpu.memory_space<vmem>>, vector<1x1x16xf32>,
        %get3A_916 = vector.shape_cast %get3A_915 : vector<1x1x16xf32> to vector<16xf32>
        %add3A_917 = arith.addf %add3A_885, %get3A_916 : vector<16xf32>
        %get3A_918 = arith.constant 0 : i32
        %get3A_919 = arith.index_cast %get3A_918 : i32 to index
        %get3A_920 = arith.index_cast %add3A_896 : i32 to index
        %get3A_921 = arith.constant 48 : index
        %get3A_922 = tpu.vector_load %arg8[%get3A_919, %get3A_920, %get3A_921] {strides = array<i32>} : memref<4x200x64xf32, #tpu.memory_space<vmem>>, vector<1x1x16xf32>,
        %get3A_923 = vector.shape_cast %get3A_922 : vector<1x1x16xf32> to vector<16xf32>
        %add3A_924 = arith.addf %add3A_892, %get3A_923 : vector<16xf32>
        %mul3A_925 = arith.constant 10 : i32
        %mul3A_926 = arith.muli %scan3A_697, %mul3A_925 : i32
        %add3A_927 = arith.constant 7 : i32
        %add3A_928 = arith.addi %mul3A_926, %add3A_927 : i32
        %get3A_929 = arith.constant 0 : i32
        %get3A_930 = arith.index_cast %get3A_929 : i32 to index
        %get3A_931 = arith.index_cast %add3A_928 : i32 to index
        %get3A_932 = arith.constant 0 : index
        %get3A_933 = tpu.vector_load %arg8[%get3A_930, %get3A_931, %get3A_932] {strides = array<i32>} : memref<4x200x64xf32, #tpu.memory_space<vmem>>, vector<1x1x16xf32>,
        %get3A_934 = vector.shape_cast %get3A_933 : vector<1x1x16xf32> to vector<16xf32>
        %add3A_935 = arith.addf %add3A_903, %get3A_934 : vector<16xf32>
        %get3A_936 = arith.constant 0 : i32
        %get3A_937 = arith.index_cast %get3A_936 : i32 to index
        %get3A_938 = arith.index_cast %add3A_928 : i32 to index
        %get3A_939 = arith.constant 16 : index
        %get3A_940 = tpu.vector_load %arg8[%get3A_937, %get3A_938, %get3A_939] {strides = array<i32>} : memref<4x200x64xf32, #tpu.memory_space<vmem>>, vector<1x1x16xf32>,
        %get3A_941 = vector.shape_cast %get3A_940 : vector<1x1x16xf32> to vector<16xf32>
        %add3A_942 = arith.addf %add3A_910, %get3A_941 : vector<16xf32>
        %get3A_943 = arith.constant 0 : i32
        %get3A_944 = arith.index_cast %get3A_943 : i32 to index
        %get3A_945 = arith.index_cast %add3A_928 : i32 to index
        %get3A_946 = arith.constant 32 : index
        %get3A_947 = tpu.vector_load %arg8[%get3A_944, %get3A_945, %get3A_946] {strides = array<i32>} : memref<4x200x64xf32, #tpu.memory_space<vmem>>, vector<1x1x16xf32>,
        %get3A_948 = vector.shape_cast %get3A_947 : vector<1x1x16xf32> to vector<16xf32>
        %add3A_949 = arith.addf %add3A_917, %get3A_948 : vector<16xf32>
        %get3A_950 = arith.constant 0 : i32
        %get3A_951 = arith.index_cast %get3A_950 : i32 to index
        %get3A_952 = arith.index_cast %add3A_928 : i32 to index
        %get3A_953 = arith.constant 48 : index
        %get3A_954 = tpu.vector_load %arg8[%get3A_951, %get3A_952, %get3A_953] {strides = array<i32>} : memref<4x200x64xf32, #tpu.memory_space<vmem>>, vector<1x1x16xf32>,
        %get3A_955 = vector.shape_cast %get3A_954 : vector<1x1x16xf32> to vector<16xf32>
        %add3A_956 = arith.addf %add3A_924, %get3A_955 : vector<16xf32>
        %mul3A_957 = arith.constant 10 : i32
        %mul3A_958 = arith.muli %scan3A_697, %mul3A_957 : i32
        %add3A_959 = arith.constant 8 : i32
        %add3A_960 = arith.addi %mul3A_958, %add3A_959 : i32
        %get3A_961 = arith.constant 0 : i32
        %get3A_962 = arith.index_cast %get3A_961 : i32 to index
        %get3A_963 = arith.index_cast %add3A_960 : i32 to index
        %get3A_964 = arith.constant 0 : index
        %get3A_965 = tpu.vector_load %arg8[%get3A_962, %get3A_963, %get3A_964] {strides = array<i32>} : memref<4x200x64xf32, #tpu.memory_space<vmem>>, vector<1x1x16xf32>,
        %get3A_966 = vector.shape_cast %get3A_965 : vector<1x1x16xf32> to vector<16xf32>
        %add3A_967 = arith.addf %add3A_935, %get3A_966 : vector<16xf32>
        %get3A_968 = arith.constant 0 : i32
        %get3A_969 = arith.index_cast %get3A_968 : i32 to index
        %get3A_970 = arith.index_cast %add3A_960 : i32 to index
        %get3A_971 = arith.constant 16 : index
        %get3A_972 = tpu.vector_load %arg8[%get3A_969, %get3A_970, %get3A_971] {strides = array<i32>} : memref<4x200x64xf32, #tpu.memory_space<vmem>>, vector<1x1x16xf32>,
        %get3A_973 = vector.shape_cast %get3A_972 : vector<1x1x16xf32> to vector<16xf32>
        %add3A_974 = arith.addf %add3A_942, %get3A_973 : vector<16xf32>
        %get3A_975 = arith.constant 0 : i32
        %get3A_976 = arith.index_cast %get3A_975 : i32 to index
        %get3A_977 = arith.index_cast %add3A_960 : i32 to index
        %get3A_978 = arith.constant 32 : index
        %get3A_979 = tpu.vector_load %arg8[%get3A_976, %get3A_977, %get3A_978] {strides = array<i32>} : memref<4x200x64xf32, #tpu.memory_space<vmem>>, vector<1x1x16xf32>,
        %get3A_980 = vector.shape_cast %get3A_979 : vector<1x1x16xf32> to vector<16xf32>
        %add3A_981 = arith.addf %add3A_949, %get3A_980 : vector<16xf32>
        %get3A_982 = arith.constant 0 : i32
        %get3A_983 = arith.index_cast %get3A_982 : i32 to index
        %get3A_984 = arith.index_cast %add3A_960 : i32 to index
        %get3A_985 = arith.constant 48 : index
        %get3A_986 = tpu.vector_load %arg8[%get3A_983, %get3A_984, %get3A_985] {strides = array<i32>} : memref<4x200x64xf32, #tpu.memory_space<vmem>>, vector<1x1x16xf32>,
        %get3A_987 = vector.shape_cast %get3A_986 : vector<1x1x16xf32> to vector<16xf32>
        %add3A_988 = arith.addf %add3A_956, %get3A_987 : vector<16xf32>
        %mul3A_989 = arith.constant 10 : i32
        %mul3A_990 = arith.muli %scan3A_697, %mul3A_989 : i32
        %add3A_991 = arith.constant 9 : i32
        %add3A_992 = arith.addi %mul3A_990, %add3A_991 : i32
        %get3A_993 = arith.constant 0 : i32
        %get3A_994 = arith.index_cast %get3A_993 : i32 to index
        %get3A_995 = arith.index_cast %add3A_992 : i32 to index
        %get3A_996 = arith.constant 0 : index
        %get3A_997 = tpu.vector_load %arg8[%get3A_994, %get3A_995, %get3A_996] {strides = array<i32>} : memref<4x200x64xf32, #tpu.memory_space<vmem>>, vector<1x1x16xf32>,
        %get3A_998 = vector.shape_cast %get3A_997 : vector<1x1x16xf32> to vector<16xf32>
        %add3A_999 = arith.addf %add3A_967, %get3A_998 : vector<16xf32>
        %get3A_1000 = arith.constant 0 : i32
        %get3A_1001 = arith.index_cast %get3A_1000 : i32 to index
        %get3A_1002 = arith.index_cast %add3A_992 : i32 to index
        %get3A_1003 = arith.constant 16 : index
        %get3A_1004 = tpu.vector_load %arg8[%get3A_1001, %get3A_1002, %get3A_1003] {strides = array<i32>} : memref<4x200x64xf32, #tpu.memory_space<vmem>>, vector<1x1x16xf32>,
        %get3A_1005 = vector.shape_cast %get3A_1004 : vector<1x1x16xf32> to vector<16xf32>
        %add3A_1006 = arith.addf %add3A_974, %get3A_1005 : vector<16xf32>
        %get3A_1007 = arith.constant 0 : i32
        %get3A_1008 = arith.index_cast %get3A_1007 : i32 to index
        %get3A_1009 = arith.index_cast %add3A_992 : i32 to index
        %get3A_1010 = arith.constant 32 : index
        %get3A_1011 = tpu.vector_load %arg8[%get3A_1008, %get3A_1009, %get3A_1010] {strides = array<i32>} : memref<4x200x64xf32, #tpu.memory_space<vmem>>, vector<1x1x16xf32>,
        %get3A_1012 = vector.shape_cast %get3A_1011 : vector<1x1x16xf32> to vector<16xf32>
        %add3A_1013 = arith.addf %add3A_981, %get3A_1012 : vector<16xf32>
        %get3A_1014 = arith.constant 0 : i32
        %get3A_1015 = arith.index_cast %get3A_1014 : i32 to index
        %get3A_1016 = arith.index_cast %add3A_992 : i32 to index
        %get3A_1017 = arith.constant 48 : index
        %get3A_1018 = tpu.vector_load %arg8[%get3A_1015, %get3A_1016, %get3A_1017] {strides = array<i32>} : memref<4x200x64xf32, #tpu.memory_space<vmem>>, vector<1x1x16xf32>,
        %get3A_1019 = vector.shape_cast %get3A_1018 : vector<1x1x16xf32> to vector<16xf32>
        %add3A_1020 = arith.addf %add3A_988, %get3A_1019 : vector<16xf32>
        scf.yield %add3A_999, %add3A_1006, %add3A_1013, %add3A_1020 : vector<16xf32>, vector<16xf32>, vector<16xf32>, vector<16xf32>
      }
      %scan3A_390 = arith.constant 20 : i32
      %mul3A_391 = arith.constant 4 : i32
      %mul3A_392 = arith.muli %scan3A_352, %mul3A_391 : i32
      %add3A_393 = arith.constant 0 : i32
      %add3A_394 = arith.addi %mul3A_392, %add3A_393 : i32
      %swap3A_395 = arith.index_cast %add3A_394 : i32 to index
      %swap3A_396 = arith.constant 0 : index
      %swap3A_397 = tpu.vector_load %arg9[%swap3A_395, %swap3A_396] {strides = array<i32>} : memref<128x64xf32, #tpu.memory_space<vmem>>, vector<1x16xf32>,
      %swap3A_398 = vector.shape_cast %swap3A_397 : vector<1x16xf32> to vector<16xf32>
      %swap3A_399 = vector.shape_cast %scan3A_389#0 : vector<16xf32> to vector<1x16xf32>
      tpu.vector_store %arg9[%swap3A_395, %swap3A_396], %swap3A_399 {strides = array<i32>} : memref<128x64xf32, #tpu.memory_space<vmem>>, vector<1x16xf32>,
      %swap3A_400 = arith.index_cast %add3A_394 : i32 to index
      %swap3A_401 = arith.constant 16 : index
      %swap3A_402 = tpu.vector_load %arg9[%swap3A_400, %swap3A_401] {strides = array<i32>} : memref<128x64xf32, #tpu.memory_space<vmem>>, vector<1x16xf32>,
      %swap3A_403 = vector.shape_cast %swap3A_402 : vector<1x16xf32> to vector<16xf32>
      %swap3A_404 = vector.shape_cast %scan3A_389#1 : vector<16xf32> to vector<1x16xf32>
      tpu.vector_store %arg9[%swap3A_400, %swap3A_401], %swap3A_404 {strides = array<i32>} : memref<128x64xf32, #tpu.memory_space<vmem>>, vector<1x16xf32>,
      %swap3A_405 = arith.index_cast %add3A_394 : i32 to index
      %swap3A_406 = arith.constant 32 : index
      %swap3A_407 = tpu.vector_load %arg9[%swap3A_405, %swap3A_406] {strides = array<i32>} : memref<128x64xf32, #tpu.memory_space<vmem>>, vector<1x16xf32>,
      %swap3A_408 = vector.shape_cast %swap3A_407 : vector<1x16xf32> to vector<16xf32>
      %swap3A_409 = vector.shape_cast %scan3A_389#2 : vector<16xf32> to vector<1x16xf32>
      tpu.vector_store %arg9[%swap3A_405, %swap3A_406], %swap3A_409 {strides = array<i32>} : memref<128x64xf32, #tpu.memory_space<vmem>>, vector<1x16xf32>,
      %swap3A_410 = arith.index_cast %add3A_394 : i32 to index
      %swap3A_411 = arith.constant 48 : index
      %swap3A_412 = tpu.vector_load %arg9[%swap3A_410, %swap3A_411] {strides = array<i32>} : memref<128x64xf32, #tpu.memory_space<vmem>>, vector<1x16xf32>,
      %swap3A_413 = vector.shape_cast %swap3A_412 : vector<1x16xf32> to vector<16xf32>
      %swap3A_414 = vector.shape_cast %scan3A_389#3 : vector<16xf32> to vector<1x16xf32>
      tpu.vector_store %arg9[%swap3A_410, %swap3A_411], %swap3A_414 {strides = array<i32>} : memref<128x64xf32, #tpu.memory_space<vmem>>, vector<1x16xf32>,
      %add3A_415 = arith.constant 4 : i32
      %add3A_416 = arith.addi %add3A_394, %add3A_415 : i32
      %dma_start3A_417 = arith.constant 0 : i32
      %dma_start3A_418 = arith.constant 0 : i32
      %dma_start3A_419 = arith.constant 0 : i32
      %dma_start3A_420 = tpu.memref_slice %arg8[%dma_start3A_417, %dma_start3A_418, %dma_start3A_419] : memref<4x200x64xf32, #tpu.memory_space<vmem>> -> memref<1x128x64xf32, #tpu.memory_space<vmem>>
      %dma_start3A_421 = tpu.memref_squeeze %dma_start3A_420 : memref<1x128x64xf32, #tpu.memory_space<vmem>> -> memref<128x64xf32, #tpu.memory_space<vmem>>
      %dma_start3A_422 = arith.constant 0 : i32
      %dma_start3A_423 = tpu.memref_slice %arg6[%add3A_416, %dma_start3A_422] : memref<128x128xi32, #tpu.memory_space<vmem>> -> memref<1x128xi32, #tpu.memory_space<vmem>>
      %dma_start3A_424 = tpu.memref_squeeze %dma_start3A_423 : memref<1x128xi32, #tpu.memory_space<vmem>> -> memref<128xi32, #tpu.memory_space<vmem>>
      %dma_start3A_425 = arith.constant 0 : i32
      %dma_start3A_426 = arith.constant 0 : i32
      %dma_start3A_427 = tpu.memref_slice %arg4[%dma_start3A_425, %dma_start3A_426] : memref<1000000x64xf32, #tpu.memory_space<hbm>> -> memref<1000000x64xf32, #tpu.memory_space<hbm>>
      tpu.enqueue_indirect_dma source(%dma_start3A_427 : memref<1000000x64xf32, #tpu.memory_space<hbm>>) target(%dma_start3A_421 : memref<128x64xf32, #tpu.memory_space<vmem>>) offsets(%dma_start3A_424 : memref<128xi32, #tpu.memory_space<vmem>>) semaphore(%arg10 : memref<!tpu.dma_semaphore, #tpu.memory_space<semaphore_mem>>)
      %dma_start3A_428 = arith.constant 0 : i32
      %dma_start3A_429 = arith.constant 128 : i32
      %dma_start3A_430 = arith.constant 0 : i32
      %dma_start3A_431 = tpu.memref_slice %arg8[%dma_start3A_428, %dma_start3A_429, %dma_start3A_430] : memref<4x200x64xf32, #tpu.memory_space<vmem>> -> memref<1x72x64xf32, #tpu.memory_space<vmem>>
      %dma_start3A_432 = tpu.memref_squeeze %dma_start3A_431 : memref<1x72x64xf32, #tpu.memory_space<vmem>> -> memref<72x64xf32, #tpu.memory_space<vmem>>
      %dma_start3A_433 = arith.constant 56 : i32
      %dma_start3A_434 = tpu.memref_slice %arg7[%add3A_416, %dma_start3A_433] : memref<128x128xi32, #tpu.memory_space<vmem>> -> memref<1x72xi32, #tpu.memory_space<vmem>>
      %dma_start3A_435 = tpu.memref_squeeze %dma_start3A_434 : memref<1x72xi32, #tpu.memory_space<vmem>> -> memref<72xi32, #tpu.memory_space<vmem>>
      %dma_start3A_436 = arith.constant 0 : i32
      %dma_start3A_437 = arith.constant 0 : i32
      %dma_start3A_438 = tpu.memref_slice %arg4[%dma_start3A_436, %dma_start3A_437] : memref<1000000x64xf32, #tpu.memory_space<hbm>> -> memref<1000000x64xf32, #tpu.memory_space<hbm>>
      tpu.enqueue_indirect_dma source(%dma_start3A_438 : memref<1000000x64xf32, #tpu.memory_space<hbm>>) target(%dma_start3A_432 : memref<72x64xf32, #tpu.memory_space<vmem>>) offsets(%dma_start3A_435 : memref<72xi32, #tpu.memory_space<vmem>>) semaphore(%arg10 : memref<!tpu.dma_semaphore, #tpu.memory_space<semaphore_mem>>)
      %dma_wait3A_439 = arith.constant 0 : i32
      %dma_wait3A_440 = arith.constant 1 : i32
      %dma_wait3A_441 = arith.constant 0 : i32
      %dma_wait3A_442 = arith.constant 0 : i32
      %dma_wait3A_443 = tpu.memref_slice %arg8[%dma_wait3A_440, %dma_wait3A_441, %dma_wait3A_442] : memref<4x200x64xf32, #tpu.memory_space<vmem>> -> memref<1x128x64xf32, #tpu.memory_space<vmem>>
      %dma_wait3A_444 = tpu.memref_squeeze %dma_wait3A_443 : memref<1x128x64xf32, #tpu.memory_space<vmem>> -> memref<128x64xf32, #tpu.memory_space<vmem>>
      %dma_wait3A_445 = arith.constant 0 : i32
      %dma_wait3A_446 = tpu.memref_slice %arg6[%dma_wait3A_439, %dma_wait3A_445] : memref<128x128xi32, #tpu.memory_space<vmem>> -> memref<1x128xi32, #tpu.memory_space<vmem>>
      %dma_wait3A_447 = tpu.memref_squeeze %dma_wait3A_446 : memref<1x128xi32, #tpu.memory_space<vmem>> -> memref<128xi32, #tpu.memory_space<vmem>>
      %dma_wait3A_448 = arith.constant 0 : i32
      %dma_wait3A_449 = arith.constant 0 : i32
      %dma_wait3A_450 = tpu.memref_slice %arg4[%dma_wait3A_448, %dma_wait3A_449] : memref<1000000x64xf32, #tpu.memory_space<hbm>> -> memref<1000000x64xf32, #tpu.memory_space<hbm>>
      tpu.wait_indirect_dma semaphore(%arg11 : memref<!tpu.dma_semaphore, #tpu.memory_space<semaphore_mem>>) src(%dma_wait3A_450 : memref<1000000x64xf32, #tpu.memory_space<hbm>>) dst(%dma_wait3A_444 : memref<128x64xf32, #tpu.memory_space<vmem>>)
      %dma_wait3A_451 = arith.constant 0 : i32
      %dma_wait3A_452 = arith.constant 1 : i32
      %dma_wait3A_453 = arith.constant 128 : i32
      %dma_wait3A_454 = arith.constant 0 : i32
      %dma_wait3A_455 = tpu.memref_slice %arg8[%dma_wait3A_452, %dma_wait3A_453, %dma_wait3A_454] : memref<4x200x64xf32, #tpu.memory_space<vmem>> -> memref<1x72x64xf32, #tpu.memory_space<vmem>>
      %dma_wait3A_456 = tpu.memref_squeeze %dma_wait3A_455 : memref<1x72x64xf32, #tpu.memory_space<vmem>> -> memref<72x64xf32, #tpu.memory_space<vmem>>
      %dma_wait3A_457 = arith.constant 56 : i32
      %dma_wait3A_458 = tpu.memref_slice %arg7[%dma_wait3A_451, %dma_wait3A_457] : memref<128x128xi32, #tpu.memory_space<vmem>> -> memref<1x72xi32, #tpu.memory_space<vmem>>
      %dma_wait3A_459 = tpu.memref_squeeze %dma_wait3A_458 : memref<1x72xi32, #tpu.memory_space<vmem>> -> memref<72xi32, #tpu.memory_space<vmem>>
      %dma_wait3A_460 = arith.constant 0 : i32
      %dma_wait3A_461 = arith.constant 0 : i32
      %dma_wait3A_462 = tpu.memref_slice %arg4[%dma_wait3A_460, %dma_wait3A_461] : memref<1000000x64xf32, #tpu.memory_space<hbm>> -> memref<1000000x64xf32, #tpu.memory_space<hbm>>
      tpu.wait_indirect_dma semaphore(%arg11 : memref<!tpu.dma_semaphore, #tpu.memory_space<semaphore_mem>>) src(%dma_wait3A_462 : memref<1000000x64xf32, #tpu.memory_space<hbm>>) dst(%dma_wait3A_456 : memref<72x64xf32, #tpu.memory_space<vmem>>)
      %broadcast_in_dim3A_463 = arith.constant 0.000000e+00 : f32
      %broadcast_in_dim3A_464 = vector.broadcast %broadcast_in_dim3A_463 : f32 to vector<16xf32>
      %broadcast_in_dim3A_465 = arith.constant 0.000000e+00 : f32
      %broadcast_in_dim3A_466 = vector.broadcast %broadcast_in_dim3A_465 : f32 to vector<16xf32>
      %broadcast_in_dim3A_467 = arith.constant 0.000000e+00 : f32
      %broadcast_in_dim3A_468 = vector.broadcast %broadcast_in_dim3A_467 : f32 to vector<16xf32>
      %broadcast_in_dim3A_469 = arith.constant 0.000000e+00 : f32
      %broadcast_in_dim3A_470 = vector.broadcast %broadcast_in_dim3A_469 : f32 to vector<16xf32>
      %scan3A_471 = arith.constant 0 : i32
      %scan3A_472 = arith.constant 20 : i32
      %scan3A_473 = arith.addi %scan3A_471, %scan3A_472 : i32
      %scan3A_474 = arith.constant 1 : i32
      %scan3A_475:4 = scf.for %scan3A_697 = %scan3A_471 to %scan3A_473 step %scan3A_474 iter_args(%scan3A_698 = %broadcast_in_dim3A_464, %scan3A_699 = %broadcast_in_dim3A_466, %scan3A_700 = %broadcast_in_dim3A_468, %scan3A_701 = %broadcast_in_dim3A_470) -> (vector<16xf32>, vector<16xf32>, vector<16xf32>, vector<16xf32>)  : i32 {
        %mul3A_702 = arith.constant 10 : i32
        %mul3A_703 = arith.muli %scan3A_697, %mul3A_702 : i32
        %add3A_704 = arith.constant 0 : i32
        %add3A_705 = arith.addi %mul3A_703, %add3A_704 : i32
        %get3A = arith.constant 1 : i32
        %get3A_706 = arith.index_cast %get3A : i32 to index
        %get3A_707 = arith.index_cast %add3A_705 : i32 to index
        %get3A_708 = arith.constant 0 : index
        %get3A_709 = tpu.vector_load %arg8[%get3A_706, %get3A_707, %get3A_708] {strides = array<i32>} : memref<4x200x64xf32, #tpu.memory_space<vmem>>, vector<1x1x16xf32>,
        %get3A_710 = vector.shape_cast %get3A_709 : vector<1x1x16xf32> to vector<16xf32>
        %add3A_711 = arith.addf %scan3A_698, %get3A_710 : vector<16xf32>
        %get3A_712 = arith.constant 1 : i32
        %get3A_713 = arith.index_cast %get3A_712 : i32 to index
        %get3A_714 = arith.index_cast %add3A_705 : i32 to index
        %get3A_715 = arith.constant 16 : index
        %get3A_716 = tpu.vector_load %arg8[%get3A_713, %get3A_714, %get3A_715] {strides = array<i32>} : memref<4x200x64xf32, #tpu.memory_space<vmem>>, vector<1x1x16xf32>,
        %get3A_717 = vector.shape_cast %get3A_716 : vector<1x1x16xf32> to vector<16xf32>
        %add3A_718 = arith.addf %scan3A_699, %get3A_717 : vector<16xf32>
        %get3A_719 = arith.constant 1 : i32
        %get3A_720 = arith.index_cast %get3A_719 : i32 to index
        %get3A_721 = arith.index_cast %add3A_705 : i32 to index
        %get3A_722 = arith.constant 32 : index
        %get3A_723 = tpu.vector_load %arg8[%get3A_720, %get3A_721, %get3A_722] {strides = array<i32>} : memref<4x200x64xf32, #tpu.memory_space<vmem>>, vector<1x1x16xf32>,
        %get3A_724 = vector.shape_cast %get3A_723 : vector<1x1x16xf32> to vector<16xf32>
        %add3A_725 = arith.addf %scan3A_700, %get3A_724 : vector<16xf32>
        %get3A_726 = arith.constant 1 : i32
        %get3A_727 = arith.index_cast %get3A_726 : i32 to index
        %get3A_728 = arith.index_cast %add3A_705 : i32 to index
        %get3A_729 = arith.constant 48 : index
        %get3A_730 = tpu.vector_load %arg8[%get3A_727, %get3A_728, %get3A_729] {strides = array<i32>} : memref<4x200x64xf32, #tpu.memory_space<vmem>>, vector<1x1x16xf32>,
        %get3A_731 = vector.shape_cast %get3A_730 : vector<1x1x16xf32> to vector<16xf32>
        %add3A_732 = arith.addf %scan3A_701, %get3A_731 : vector<16xf32>
        %mul3A_733 = arith.constant 10 : i32
        %mul3A_734 = arith.muli %scan3A_697, %mul3A_733 : i32
        %add3A_735 = arith.constant 1 : i32
        %add3A_736 = arith.addi %mul3A_734, %add3A_735 : i32
        %get3A_737 = arith.constant 1 : i32
        %get3A_738 = arith.index_cast %get3A_737 : i32 to index
        %get3A_739 = arith.index_cast %add3A_736 : i32 to index
        %get3A_740 = arith.constant 0 : index
        %get3A_741 = tpu.vector_load %arg8[%get3A_738, %get3A_739, %get3A_740] {strides = array<i32>} : memref<4x200x64xf32, #tpu.memory_space<vmem>>, vector<1x1x16xf32>,
        %get3A_742 = vector.shape_cast %get3A_741 : vector<1x1x16xf32> to vector<16xf32>
        %add3A_743 = arith.addf %add3A_711, %get3A_742 : vector<16xf32>
        %get3A_744 = arith.constant 1 : i32
        %get3A_745 = arith.index_cast %get3A_744 : i32 to index
        %get3A_746 = arith.index_cast %add3A_736 : i32 to index
        %get3A_747 = arith.constant 16 : index
        %get3A_748 = tpu.vector_load %arg8[%get3A_745, %get3A_746, %get3A_747] {strides = array<i32>} : memref<4x200x64xf32, #tpu.memory_space<vmem>>, vector<1x1x16xf32>,
        %get3A_749 = vector.shape_cast %get3A_748 : vector<1x1x16xf32> to vector<16xf32>
        %add3A_750 = arith.addf %add3A_718, %get3A_749 : vector<16xf32>
        %get3A_751 = arith.constant 1 : i32
        %get3A_752 = arith.index_cast %get3A_751 : i32 to index
        %get3A_753 = arith.index_cast %add3A_736 : i32 to index
        %get3A_754 = arith.constant 32 : index
        %get3A_755 = tpu.vector_load %arg8[%get3A_752, %get3A_753, %get3A_754] {strides = array<i32>} : memref<4x200x64xf32, #tpu.memory_space<vmem>>, vector<1x1x16xf32>,
        %get3A_756 = vector.shape_cast %get3A_755 : vector<1x1x16xf32> to vector<16xf32>
        %add3A_757 = arith.addf %add3A_725, %get3A_756 : vector<16xf32>
        %get3A_758 = arith.constant 1 : i32
        %get3A_759 = arith.index_cast %get3A_758 : i32 to index
        %get3A_760 = arith.index_cast %add3A_736 : i32 to index
        %get3A_761 = arith.constant 48 : index
        %get3A_762 = tpu.vector_load %arg8[%get3A_759, %get3A_760, %get3A_761] {strides = array<i32>} : memref<4x200x64xf32, #tpu.memory_space<vmem>>, vector<1x1x16xf32>,
        %get3A_763 = vector.shape_cast %get3A_762 : vector<1x1x16xf32> to vector<16xf32>
        %add3A_764 = arith.addf %add3A_732, %get3A_763 : vector<16xf32>
        %mul3A_765 = arith.constant 10 : i32
        %mul3A_766 = arith.muli %scan3A_697, %mul3A_765 : i32
        %add3A_767 = arith.constant 2 : i32
        %add3A_768 = arith.addi %mul3A_766, %add3A_767 : i32
        %get3A_769 = arith.constant 1 : i32
        %get3A_770 = arith.index_cast %get3A_769 : i32 to index
        %get3A_771 = arith.index_cast %add3A_768 : i32 to index
        %get3A_772 = arith.constant 0 : index
        %get3A_773 = tpu.vector_load %arg8[%get3A_770, %get3A_771, %get3A_772] {strides = array<i32>} : memref<4x200x64xf32, #tpu.memory_space<vmem>>, vector<1x1x16xf32>,
        %get3A_774 = vector.shape_cast %get3A_773 : vector<1x1x16xf32> to vector<16xf32>
        %add3A_775 = arith.addf %add3A_743, %get3A_774 : vector<16xf32>
        %get3A_776 = arith.constant 1 : i32
        %get3A_777 = arith.index_cast %get3A_776 : i32 to index
        %get3A_778 = arith.index_cast %add3A_768 : i32 to index
        %get3A_779 = arith.constant 16 : index
        %get3A_780 = tpu.vector_load %arg8[%get3A_777, %get3A_778, %get3A_779] {strides = array<i32>} : memref<4x200x64xf32, #tpu.memory_space<vmem>>, vector<1x1x16xf32>,
        %get3A_781 = vector.shape_cast %get3A_780 : vector<1x1x16xf32> to vector<16xf32>
        %add3A_782 = arith.addf %add3A_750, %get3A_781 : vector<16xf32>
        %get3A_783 = arith.constant 1 : i32
        %get3A_784 = arith.index_cast %get3A_783 : i32 to index
        %get3A_785 = arith.index_cast %add3A_768 : i32 to index
        %get3A_786 = arith.constant 32 : index
        %get3A_787 = tpu.vector_load %arg8[%get3A_784, %get3A_785, %get3A_786] {strides = array<i32>} : memref<4x200x64xf32, #tpu.memory_space<vmem>>, vector<1x1x16xf32>,
        %get3A_788 = vector.shape_cast %get3A_787 : vector<1x1x16xf32> to vector<16xf32>
        %add3A_789 = arith.addf %add3A_757, %get3A_788 : vector<16xf32>
        %get3A_790 = arith.constant 1 : i32
        %get3A_791 = arith.index_cast %get3A_790 : i32 to index
        %get3A_792 = arith.index_cast %add3A_768 : i32 to index
        %get3A_793 = arith.constant 48 : index
        %get3A_794 = tpu.vector_load %arg8[%get3A_791, %get3A_792, %get3A_793] {strides = array<i32>} : memref<4x200x64xf32, #tpu.memory_space<vmem>>, vector<1x1x16xf32>,
        %get3A_795 = vector.shape_cast %get3A_794 : vector<1x1x16xf32> to vector<16xf32>
        %add3A_796 = arith.addf %add3A_764, %get3A_795 : vector<16xf32>
        %mul3A_797 = arith.constant 10 : i32
        %mul3A_798 = arith.muli %scan3A_697, %mul3A_797 : i32
        %add3A_799 = arith.constant 3 : i32
        %add3A_800 = arith.addi %mul3A_798, %add3A_799 : i32
        %get3A_801 = arith.constant 1 : i32
        %get3A_802 = arith.index_cast %get3A_801 : i32 to index
        %get3A_803 = arith.index_cast %add3A_800 : i32 to index
        %get3A_804 = arith.constant 0 : index
        %get3A_805 = tpu.vector_load %arg8[%get3A_802, %get3A_803, %get3A_804] {strides = array<i32>} : memref<4x200x64xf32, #tpu.memory_space<vmem>>, vector<1x1x16xf32>,
        %get3A_806 = vector.shape_cast %get3A_805 : vector<1x1x16xf32> to vector<16xf32>
        %add3A_807 = arith.addf %add3A_775, %get3A_806 : vector<16xf32>
        %get3A_808 = arith.constant 1 : i32
        %get3A_809 = arith.index_cast %get3A_808 : i32 to index
        %get3A_810 = arith.index_cast %add3A_800 : i32 to index
        %get3A_811 = arith.constant 16 : index
        %get3A_812 = tpu.vector_load %arg8[%get3A_809, %get3A_810, %get3A_811] {strides = array<i32>} : memref<4x200x64xf32, #tpu.memory_space<vmem>>, vector<1x1x16xf32>,
        %get3A_813 = vector.shape_cast %get3A_812 : vector<1x1x16xf32> to vector<16xf32>
        %add3A_814 = arith.addf %add3A_782, %get3A_813 : vector<16xf32>
        %get3A_815 = arith.constant 1 : i32
        %get3A_816 = arith.index_cast %get3A_815 : i32 to index
        %get3A_817 = arith.index_cast %add3A_800 : i32 to index
        %get3A_818 = arith.constant 32 : index
        %get3A_819 = tpu.vector_load %arg8[%get3A_816, %get3A_817, %get3A_818] {strides = array<i32>} : memref<4x200x64xf32, #tpu.memory_space<vmem>>, vector<1x1x16xf32>,
        %get3A_820 = vector.shape_cast %get3A_819 : vector<1x1x16xf32> to vector<16xf32>
        %add3A_821 = arith.addf %add3A_789, %get3A_820 : vector<16xf32>
        %get3A_822 = arith.constant 1 : i32
        %get3A_823 = arith.index_cast %get3A_822 : i32 to index
        %get3A_824 = arith.index_cast %add3A_800 : i32 to index
        %get3A_825 = arith.constant 48 : index
        %get3A_826 = tpu.vector_load %arg8[%get3A_823, %get3A_824, %get3A_825] {strides = array<i32>} : memref<4x200x64xf32, #tpu.memory_space<vmem>>, vector<1x1x16xf32>,
        %get3A_827 = vector.shape_cast %get3A_826 : vector<1x1x16xf32> to vector<16xf32>
        %add3A_828 = arith.addf %add3A_796, %get3A_827 : vector<16xf32>
        %mul3A_829 = arith.constant 10 : i32
        %mul3A_830 = arith.muli %scan3A_697, %mul3A_829 : i32
        %add3A_831 = arith.constant 4 : i32
        %add3A_832 = arith.addi %mul3A_830, %add3A_831 : i32
        %get3A_833 = arith.constant 1 : i32
        %get3A_834 = arith.index_cast %get3A_833 : i32 to index
        %get3A_835 = arith.index_cast %add3A_832 : i32 to index
        %get3A_836 = arith.constant 0 : index
        %get3A_837 = tpu.vector_load %arg8[%get3A_834, %get3A_835, %get3A_836] {strides = array<i32>} : memref<4x200x64xf32, #tpu.memory_space<vmem>>, vector<1x1x16xf32>,
        %get3A_838 = vector.shape_cast %get3A_837 : vector<1x1x16xf32> to vector<16xf32>
        %add3A_839 = arith.addf %add3A_807, %get3A_838 : vector<16xf32>
        %get3A_840 = arith.constant 1 : i32
        %get3A_841 = arith.index_cast %get3A_840 : i32 to index
        %get3A_842 = arith.index_cast %add3A_832 : i32 to index
        %get3A_843 = arith.constant 16 : index
        %get3A_844 = tpu.vector_load %arg8[%get3A_841, %get3A_842, %get3A_843] {strides = array<i32>} : memref<4x200x64xf32, #tpu.memory_space<vmem>>, vector<1x1x16xf32>,
        %get3A_845 = vector.shape_cast %get3A_844 : vector<1x1x16xf32> to vector<16xf32>
        %add3A_846 = arith.addf %add3A_814, %get3A_845 : vector<16xf32>
        %get3A_847 = arith.constant 1 : i32
        %get3A_848 = arith.index_cast %get3A_847 : i32 to index
        %get3A_849 = arith.index_cast %add3A_832 : i32 to index
        %get3A_850 = arith.constant 32 : index
        %get3A_851 = tpu.vector_load %arg8[%get3A_848, %get3A_849, %get3A_850] {strides = array<i32>} : memref<4x200x64xf32, #tpu.memory_space<vmem>>, vector<1x1x16xf32>,
        %get3A_852 = vector.shape_cast %get3A_851 : vector<1x1x16xf32> to vector<16xf32>
        %add3A_853 = arith.addf %add3A_821, %get3A_852 : vector<16xf32>
        %get3A_854 = arith.constant 1 : i32
        %get3A_855 = arith.index_cast %get3A_854 : i32 to index
        %get3A_856 = arith.index_cast %add3A_832 : i32 to index
        %get3A_857 = arith.constant 48 : index
        %get3A_858 = tpu.vector_load %arg8[%get3A_855, %get3A_856, %get3A_857] {strides = array<i32>} : memref<4x200x64xf32, #tpu.memory_space<vmem>>, vector<1x1x16xf32>,
        %get3A_859 = vector.shape_cast %get3A_858 : vector<1x1x16xf32> to vector<16xf32>
        %add3A_860 = arith.addf %add3A_828, %get3A_859 : vector<16xf32>
        %mul3A_861 = arith.constant 10 : i32
        %mul3A_862 = arith.muli %scan3A_697, %mul3A_861 : i32
        %add3A_863 = arith.constant 5 : i32
        %add3A_864 = arith.addi %mul3A_862, %add3A_863 : i32
        %get3A_865 = arith.constant 1 : i32
        %get3A_866 = arith.index_cast %get3A_865 : i32 to index
        %get3A_867 = arith.index_cast %add3A_864 : i32 to index
        %get3A_868 = arith.constant 0 : index
        %get3A_869 = tpu.vector_load %arg8[%get3A_866, %get3A_867, %get3A_868] {strides = array<i32>} : memref<4x200x64xf32, #tpu.memory_space<vmem>>, vector<1x1x16xf32>,
        %get3A_870 = vector.shape_cast %get3A_869 : vector<1x1x16xf32> to vector<16xf32>
        %add3A_871 = arith.addf %add3A_839, %get3A_870 : vector<16xf32>
        %get3A_872 = arith.constant 1 : i32
        %get3A_873 = arith.index_cast %get3A_872 : i32 to index
        %get3A_874 = arith.index_cast %add3A_864 : i32 to index
        %get3A_875 = arith.constant 16 : index
        %get3A_876 = tpu.vector_load %arg8[%get3A_873, %get3A_874, %get3A_875] {strides = array<i32>} : memref<4x200x64xf32, #tpu.memory_space<vmem>>, vector<1x1x16xf32>,
        %get3A_877 = vector.shape_cast %get3A_876 : vector<1x1x16xf32> to vector<16xf32>
        %add3A_878 = arith.addf %add3A_846, %get3A_877 : vector<16xf32>
        %get3A_879 = arith.constant 1 : i32
        %get3A_880 = arith.index_cast %get3A_879 : i32 to index
        %get3A_881 = arith.index_cast %add3A_864 : i32 to index
        %get3A_882 = arith.constant 32 : index
        %get3A_883 = tpu.vector_load %arg8[%get3A_880, %get3A_881, %get3A_882] {strides = array<i32>} : memref<4x200x64xf32, #tpu.memory_space<vmem>>, vector<1x1x16xf32>,
        %get3A_884 = vector.shape_cast %get3A_883 : vector<1x1x16xf32> to vector<16xf32>
        %add3A_885 = arith.addf %add3A_853, %get3A_884 : vector<16xf32>
        %get3A_886 = arith.constant 1 : i32
        %get3A_887 = arith.index_cast %get3A_886 : i32 to index
        %get3A_888 = arith.index_cast %add3A_864 : i32 to index
        %get3A_889 = arith.constant 48 : index
        %get3A_890 = tpu.vector_load %arg8[%get3A_887, %get3A_888, %get3A_889] {strides = array<i32>} : memref<4x200x64xf32, #tpu.memory_space<vmem>>, vector<1x1x16xf32>,
        %get3A_891 = vector.shape_cast %get3A_890 : vector<1x1x16xf32> to vector<16xf32>
        %add3A_892 = arith.addf %add3A_860, %get3A_891 : vector<16xf32>
        %mul3A_893 = arith.constant 10 : i32
        %mul3A_894 = arith.muli %scan3A_697, %mul3A_893 : i32
        %add3A_895 = arith.constant 6 : i32
        %add3A_896 = arith.addi %mul3A_894, %add3A_895 : i32
        %get3A_897 = arith.constant 1 : i32
        %get3A_898 = arith.index_cast %get3A_897 : i32 to index
        %get3A_899 = arith.index_cast %add3A_896 : i32 to index
        %get3A_900 = arith.constant 0 : index
        %get3A_901 = tpu.vector_load %arg8[%get3A_898, %get3A_899, %get3A_900] {strides = array<i32>} : memref<4x200x64xf32, #tpu.memory_space<vmem>>, vector<1x1x16xf32>,
        %get3A_902 = vector.shape_cast %get3A_901 : vector<1x1x16xf32> to vector<16xf32>
        %add3A_903 = arith.addf %add3A_871, %get3A_902 : vector<16xf32>
        %get3A_904 = arith.constant 1 : i32
        %get3A_905 = arith.index_cast %get3A_904 : i32 to index
        %get3A_906 = arith.index_cast %add3A_896 : i32 to index
        %get3A_907 = arith.constant 16 : index
        %get3A_908 = tpu.vector_load %arg8[%get3A_905, %get3A_906, %get3A_907] {strides = array<i32>} : memref<4x200x64xf32, #tpu.memory_space<vmem>>, vector<1x1x16xf32>,
        %get3A_909 = vector.shape_cast %get3A_908 : vector<1x1x16xf32> to vector<16xf32>
        %add3A_910 = arith.addf %add3A_878, %get3A_909 : vector<16xf32>
        %get3A_911 = arith.constant 1 : i32
        %get3A_912 = arith.index_cast %get3A_911 : i32 to index
        %get3A_913 = arith.index_cast %add3A_896 : i32 to index
        %get3A_914 = arith.constant 32 : index
        %get3A_915 = tpu.vector_load %arg8[%get3A_912, %get3A_913, %get3A_914] {strides = array<i32>} : memref<4x200x64xf32, #tpu.memory_space<vmem>>, vector<1x1x16xf32>,
        %get3A_916 = vector.shape_cast %get3A_915 : vector<1x1x16xf32> to vector<16xf32>
        %add3A_917 = arith.addf %add3A_885, %get3A_916 : vector<16xf32>
        %get3A_918 = arith.constant 1 : i32
        %get3A_919 = arith.index_cast %get3A_918 : i32 to index
        %get3A_920 = arith.index_cast %add3A_896 : i32 to index
        %get3A_921 = arith.constant 48 : index
        %get3A_922 = tpu.vector_load %arg8[%get3A_919, %get3A_920, %get3A_921] {strides = array<i32>} : memref<4x200x64xf32, #tpu.memory_space<vmem>>, vector<1x1x16xf32>,
        %get3A_923 = vector.shape_cast %get3A_922 : vector<1x1x16xf32> to vector<16xf32>
        %add3A_924 = arith.addf %add3A_892, %get3A_923 : vector<16xf32>
        %mul3A_925 = arith.constant 10 : i32
        %mul3A_926 = arith.muli %scan3A_697, %mul3A_925 : i32
        %add3A_927 = arith.constant 7 : i32
        %add3A_928 = arith.addi %mul3A_926, %add3A_927 : i32
        %get3A_929 = arith.constant 1 : i32
        %get3A_930 = arith.index_cast %get3A_929 : i32 to index
        %get3A_931 = arith.index_cast %add3A_928 : i32 to index
        %get3A_932 = arith.constant 0 : index
        %get3A_933 = tpu.vector_load %arg8[%get3A_930, %get3A_931, %get3A_932] {strides = array<i32>} : memref<4x200x64xf32, #tpu.memory_space<vmem>>, vector<1x1x16xf32>,
        %get3A_934 = vector.shape_cast %get3A_933 : vector<1x1x16xf32> to vector<16xf32>
        %add3A_935 = arith.addf %add3A_903, %get3A_934 : vector<16xf32>
        %get3A_936 = arith.constant 1 : i32
        %get3A_937 = arith.index_cast %get3A_936 : i32 to index
        %get3A_938 = arith.index_cast %add3A_928 : i32 to index
        %get3A_939 = arith.constant 16 : index
        %get3A_940 = tpu.vector_load %arg8[%get3A_937, %get3A_938, %get3A_939] {strides = array<i32>} : memref<4x200x64xf32, #tpu.memory_space<vmem>>, vector<1x1x16xf32>,
        %get3A_941 = vector.shape_cast %get3A_940 : vector<1x1x16xf32> to vector<16xf32>
        %add3A_942 = arith.addf %add3A_910, %get3A_941 : vector<16xf32>
        %get3A_943 = arith.constant 1 : i32
        %get3A_944 = arith.index_cast %get3A_943 : i32 to index
        %get3A_945 = arith.index_cast %add3A_928 : i32 to index
        %get3A_946 = arith.constant 32 : index
        %get3A_947 = tpu.vector_load %arg8[%get3A_944, %get3A_945, %get3A_946] {strides = array<i32>} : memref<4x200x64xf32, #tpu.memory_space<vmem>>, vector<1x1x16xf32>,
        %get3A_948 = vector.shape_cast %get3A_947 : vector<1x1x16xf32> to vector<16xf32>
        %add3A_949 = arith.addf %add3A_917, %get3A_948 : vector<16xf32>
        %get3A_950 = arith.constant 1 : i32
        %get3A_951 = arith.index_cast %get3A_950 : i32 to index
        %get3A_952 = arith.index_cast %add3A_928 : i32 to index
        %get3A_953 = arith.constant 48 : index
        %get3A_954 = tpu.vector_load %arg8[%get3A_951, %get3A_952, %get3A_953] {strides = array<i32>} : memref<4x200x64xf32, #tpu.memory_space<vmem>>, vector<1x1x16xf32>,
        %get3A_955 = vector.shape_cast %get3A_954 : vector<1x1x16xf32> to vector<16xf32>
        %add3A_956 = arith.addf %add3A_924, %get3A_955 : vector<16xf32>
        %mul3A_957 = arith.constant 10 : i32
        %mul3A_958 = arith.muli %scan3A_697, %mul3A_957 : i32
        %add3A_959 = arith.constant 8 : i32
        %add3A_960 = arith.addi %mul3A_958, %add3A_959 : i32
        %get3A_961 = arith.constant 1 : i32
        %get3A_962 = arith.index_cast %get3A_961 : i32 to index
        %get3A_963 = arith.index_cast %add3A_960 : i32 to index
        %get3A_964 = arith.constant 0 : index
        %get3A_965 = tpu.vector_load %arg8[%get3A_962, %get3A_963, %get3A_964] {strides = array<i32>} : memref<4x200x64xf32, #tpu.memory_space<vmem>>, vector<1x1x16xf32>,
        %get3A_966 = vector.shape_cast %get3A_965 : vector<1x1x16xf32> to vector<16xf32>
        %add3A_967 = arith.addf %add3A_935, %get3A_966 : vector<16xf32>
        %get3A_968 = arith.constant 1 : i32
        %get3A_969 = arith.index_cast %get3A_968 : i32 to index
        %get3A_970 = arith.index_cast %add3A_960 : i32 to index
        %get3A_971 = arith.constant 16 : index
        %get3A_972 = tpu.vector_load %arg8[%get3A_969, %get3A_970, %get3A_971] {strides = array<i32>} : memref<4x200x64xf32, #tpu.memory_space<vmem>>, vector<1x1x16xf32>,
        %get3A_973 = vector.shape_cast %get3A_972 : vector<1x1x16xf32> to vector<16xf32>
        %add3A_974 = arith.addf %add3A_942, %get3A_973 : vector<16xf32>
        %get3A_975 = arith.constant 1 : i32
        %get3A_976 = arith.index_cast %get3A_975 : i32 to index
        %get3A_977 = arith.index_cast %add3A_960 : i32 to index
        %get3A_978 = arith.constant 32 : index
        %get3A_979 = tpu.vector_load %arg8[%get3A_976, %get3A_977, %get3A_978] {strides = array<i32>} : memref<4x200x64xf32, #tpu.memory_space<vmem>>, vector<1x1x16xf32>,
        %get3A_980 = vector.shape_cast %get3A_979 : vector<1x1x16xf32> to vector<16xf32>
        %add3A_981 = arith.addf %add3A_949, %get3A_980 : vector<16xf32>
        %get3A_982 = arith.constant 1 : i32
        %get3A_983 = arith.index_cast %get3A_982 : i32 to index
        %get3A_984 = arith.index_cast %add3A_960 : i32 to index
        %get3A_985 = arith.constant 48 : index
        %get3A_986 = tpu.vector_load %arg8[%get3A_983, %get3A_984, %get3A_985] {strides = array<i32>} : memref<4x200x64xf32, #tpu.memory_space<vmem>>, vector<1x1x16xf32>,
        %get3A_987 = vector.shape_cast %get3A_986 : vector<1x1x16xf32> to vector<16xf32>
        %add3A_988 = arith.addf %add3A_956, %get3A_987 : vector<16xf32>
        %mul3A_989 = arith.constant 10 : i32
        %mul3A_990 = arith.muli %scan3A_697, %mul3A_989 : i32
        %add3A_991 = arith.constant 9 : i32
        %add3A_992 = arith.addi %mul3A_990, %add3A_991 : i32
        %get3A_993 = arith.constant 1 : i32
        %get3A_994 = arith.index_cast %get3A_993 : i32 to index
        %get3A_995 = arith.index_cast %add3A_992 : i32 to index
        %get3A_996 = arith.constant 0 : index
        %get3A_997 = tpu.vector_load %arg8[%get3A_994, %get3A_995, %get3A_996] {strides = array<i32>} : memref<4x200x64xf32, #tpu.memory_space<vmem>>, vector<1x1x16xf32>,
        %get3A_998 = vector.shape_cast %get3A_997 : vector<1x1x16xf32> to vector<16xf32>
        %add3A_999 = arith.addf %add3A_967, %get3A_998 : vector<16xf32>
        %get3A_1000 = arith.constant 1 : i32
        %get3A_1001 = arith.index_cast %get3A_1000 : i32 to index
        %get3A_1002 = arith.index_cast %add3A_992 : i32 to index
        %get3A_1003 = arith.constant 16 : index
        %get3A_1004 = tpu.vector_load %arg8[%get3A_1001, %get3A_1002, %get3A_1003] {strides = array<i32>} : memref<4x200x64xf32, #tpu.memory_space<vmem>>, vector<1x1x16xf32>,
        %get3A_1005 = vector.shape_cast %get3A_1004 : vector<1x1x16xf32> to vector<16xf32>
        %add3A_1006 = arith.addf %add3A_974, %get3A_1005 : vector<16xf32>
        %get3A_1007 = arith.constant 1 : i32
        %get3A_1008 = arith.index_cast %get3A_1007 : i32 to index
        %get3A_1009 = arith.index_cast %add3A_992 : i32 to index
        %get3A_1010 = arith.constant 32 : index
        %get3A_1011 = tpu.vector_load %arg8[%get3A_1008, %get3A_1009, %get3A_1010] {strides = array<i32>} : memref<4x200x64xf32, #tpu.memory_space<vmem>>, vector<1x1x16xf32>,
        %get3A_1012 = vector.shape_cast %get3A_1011 : vector<1x1x16xf32> to vector<16xf32>
        %add3A_1013 = arith.addf %add3A_981, %get3A_1012 : vector<16xf32>
        %get3A_1014 = arith.constant 1 : i32
        %get3A_1015 = arith.index_cast %get3A_1014 : i32 to index
        %get3A_1016 = arith.index_cast %add3A_992 : i32 to index
        %get3A_1017 = arith.constant 48 : index
        %get3A_1018 = tpu.vector_load %arg8[%get3A_1015, %get3A_1016, %get3A_1017] {strides = array<i32>} : memref<4x200x64xf32, #tpu.memory_space<vmem>>, vector<1x1x16xf32>,
        %get3A_1019 = vector.shape_cast %get3A_1018 : vector<1x1x16xf32> to vector<16xf32>
        %add3A_1020 = arith.addf %add3A_988, %get3A_1019 : vector<16xf32>
        scf.yield %add3A_999, %add3A_1006, %add3A_1013, %add3A_1020 : vector<16xf32>, vector<16xf32>, vector<16xf32>, vector<16xf32>
      }
      %scan3A_476 = arith.constant 20 : i32
      %mul3A_477 = arith.constant 4 : i32
      %mul3A_478 = arith.muli %scan3A_352, %mul3A_477 : i32
      %add3A_479 = arith.constant 1 : i32
      %add3A_480 = arith.addi %mul3A_478, %add3A_479 : i32
      %swap3A_481 = arith.index_cast %add3A_480 : i32 to index
      %swap3A_482 = arith.constant 0 : index
      %swap3A_483 = tpu.vector_load %arg9[%swap3A_481, %swap3A_482] {strides = array<i32>} : memref<128x64xf32, #tpu.memory_space<vmem>>, vector<1x16xf32>,
      %swap3A_484 = vector.shape_cast %swap3A_483 : vector<1x16xf32> to vector<16xf32>
      %swap3A_485 = vector.shape_cast %scan3A_475#0 : vector<16xf32> to vector<1x16xf32>
      tpu.vector_store %arg9[%swap3A_481, %swap3A_482], %swap3A_485 {strides = array<i32>} : memref<128x64xf32, #tpu.memory_space<vmem>>, vector<1x16xf32>,
      %swap3A_486 = arith.index_cast %add3A_480 : i32 to index
      %swap3A_487 = arith.constant 16 : index
      %swap3A_488 = tpu.vector_load %arg9[%swap3A_486, %swap3A_487] {strides = array<i32>} : memref<128x64xf32, #tpu.memory_space<vmem>>, vector<1x16xf32>,
      %swap3A_489 = vector.shape_cast %swap3A_488 : vector<1x16xf32> to vector<16xf32>
      %swap3A_490 = vector.shape_cast %scan3A_475#1 : vector<16xf32> to vector<1x16xf32>
      tpu.vector_store %arg9[%swap3A_486, %swap3A_487], %swap3A_490 {strides = array<i32>} : memref<128x64xf32, #tpu.memory_space<vmem>>, vector<1x16xf32>,
      %swap3A_491 = arith.index_cast %add3A_480 : i32 to index
      %swap3A_492 = arith.constant 32 : index
      %swap3A_493 = tpu.vector_load %arg9[%swap3A_491, %swap3A_492] {strides = array<i32>} : memref<128x64xf32, #tpu.memory_space<vmem>>, vector<1x16xf32>,
      %swap3A_494 = vector.shape_cast %swap3A_493 : vector<1x16xf32> to vector<16xf32>
      %swap3A_495 = vector.shape_cast %scan3A_475#2 : vector<16xf32> to vector<1x16xf32>
      tpu.vector_store %arg9[%swap3A_491, %swap3A_492], %swap3A_495 {strides = array<i32>} : memref<128x64xf32, #tpu.memory_space<vmem>>, vector<1x16xf32>,
      %swap3A_496 = arith.index_cast %add3A_480 : i32 to index
      %swap3A_497 = arith.constant 48 : index
      %swap3A_498 = tpu.vector_load %arg9[%swap3A_496, %swap3A_497] {strides = array<i32>} : memref<128x64xf32, #tpu.memory_space<vmem>>, vector<1x16xf32>,
      %swap3A_499 = vector.shape_cast %swap3A_498 : vector<1x16xf32> to vector<16xf32>
      %swap3A_500 = vector.shape_cast %scan3A_475#3 : vector<16xf32> to vector<1x16xf32>
      tpu.vector_store %arg9[%swap3A_496, %swap3A_497], %swap3A_500 {strides = array<i32>} : memref<128x64xf32, #tpu.memory_space<vmem>>, vector<1x16xf32>,
      %add3A_501 = arith.constant 4 : i32
      %add3A_502 = arith.addi %add3A_480, %add3A_501 : i32
      %dma_start3A_503 = arith.constant 1 : i32
      %dma_start3A_504 = arith.constant 0 : i32
      %dma_start3A_505 = arith.constant 0 : i32
      %dma_start3A_506 = tpu.memref_slice %arg8[%dma_start3A_503, %dma_start3A_504, %dma_start3A_505] : memref<4x200x64xf32, #tpu.memory_space<vmem>> -> memref<1x128x64xf32, #tpu.memory_space<vmem>>
      %dma_start3A_507 = tpu.memref_squeeze %dma_start3A_506 : memref<1x128x64xf32, #tpu.memory_space<vmem>> -> memref<128x64xf32, #tpu.memory_space<vmem>>
      %dma_start3A_508 = arith.constant 0 : i32
      %dma_start3A_509 = tpu.memref_slice %arg6[%add3A_502, %dma_start3A_508] : memref<128x128xi32, #tpu.memory_space<vmem>> -> memref<1x128xi32, #tpu.memory_space<vmem>>
      %dma_start3A_510 = tpu.memref_squeeze %dma_start3A_509 : memref<1x128xi32, #tpu.memory_space<vmem>> -> memref<128xi32, #tpu.memory_space<vmem>>
      %dma_start3A_511 = arith.constant 0 : i32
      %dma_start3A_512 = arith.constant 0 : i32
      %dma_start3A_513 = tpu.memref_slice %arg4[%dma_start3A_511, %dma_start3A_512] : memref<1000000x64xf32, #tpu.memory_space<hbm>> -> memref<1000000x64xf32, #tpu.memory_space<hbm>>
      tpu.enqueue_indirect_dma source(%dma_start3A_513 : memref<1000000x64xf32, #tpu.memory_space<hbm>>) target(%dma_start3A_507 : memref<128x64xf32, #tpu.memory_space<vmem>>) offsets(%dma_start3A_510 : memref<128xi32, #tpu.memory_space<vmem>>) semaphore(%arg11 : memref<!tpu.dma_semaphore, #tpu.memory_space<semaphore_mem>>)
      %dma_start3A_514 = arith.constant 1 : i32
      %dma_start3A_515 = arith.constant 128 : i32
      %dma_start3A_516 = arith.constant 0 : i32
      %dma_start3A_517 = tpu.memref_slice %arg8[%dma_start3A_514, %dma_start3A_515, %dma_start3A_516] : memref<4x200x64xf32, #tpu.memory_space<vmem>> -> memref<1x72x64xf32, #tpu.memory_space<vmem>>
      %dma_start3A_518 = tpu.memref_squeeze %dma_start3A_517 : memref<1x72x64xf32, #tpu.memory_space<vmem>> -> memref<72x64xf32, #tpu.memory_space<vmem>>
      %dma_start3A_519 = arith.constant 56 : i32
      %dma_start3A_520 = tpu.memref_slice %arg7[%add3A_502, %dma_start3A_519] : memref<128x128xi32, #tpu.memory_space<vmem>> -> memref<1x72xi32, #tpu.memory_space<vmem>>
      %dma_start3A_521 = tpu.memref_squeeze %dma_start3A_520 : memref<1x72xi32, #tpu.memory_space<vmem>> -> memref<72xi32, #tpu.memory_space<vmem>>
      %dma_start3A_522 = arith.constant 0 : i32
      %dma_start3A_523 = arith.constant 0 : i32
      %dma_start3A_524 = tpu.memref_slice %arg4[%dma_start3A_522, %dma_start3A_523] : memref<1000000x64xf32, #tpu.memory_space<hbm>> -> memref<1000000x64xf32, #tpu.memory_space<hbm>>
      tpu.enqueue_indirect_dma source(%dma_start3A_524 : memref<1000000x64xf32, #tpu.memory_space<hbm>>) target(%dma_start3A_518 : memref<72x64xf32, #tpu.memory_space<vmem>>) offsets(%dma_start3A_521 : memref<72xi32, #tpu.memory_space<vmem>>) semaphore(%arg11 : memref<!tpu.dma_semaphore, #tpu.memory_space<semaphore_mem>>)
      %dma_wait3A_525 = arith.constant 0 : i32
      %dma_wait3A_526 = arith.constant 2 : i32
      %dma_wait3A_527 = arith.constant 0 : i32
      %dma_wait3A_528 = arith.constant 0 : i32
      %dma_wait3A_529 = tpu.memref_slice %arg8[%dma_wait3A_526, %dma_wait3A_527, %dma_wait3A_528] : memref<4x200x64xf32, #tpu.memory_space<vmem>> -> memref<1x128x64xf32, #tpu.memory_space<vmem>>
      %dma_wait3A_530 = tpu.memref_squeeze %dma_wait3A_529 : memref<1x128x64xf32, #tpu.memory_space<vmem>> -> memref<128x64xf32, #tpu.memory_space<vmem>>
      %dma_wait3A_531 = arith.constant 0 : i32
      %dma_wait3A_532 = tpu.memref_slice %arg6[%dma_wait3A_525, %dma_wait3A_531] : memref<128x128xi32, #tpu.memory_space<vmem>> -> memref<1x128xi32, #tpu.memory_space<vmem>>
      %dma_wait3A_533 = tpu.memref_squeeze %dma_wait3A_532 : memref<1x128xi32, #tpu.memory_space<vmem>> -> memref<128xi32, #tpu.memory_space<vmem>>
      %dma_wait3A_534 = arith.constant 0 : i32
      %dma_wait3A_535 = arith.constant 0 : i32
      %dma_wait3A_536 = tpu.memref_slice %arg4[%dma_wait3A_534, %dma_wait3A_535] : memref<1000000x64xf32, #tpu.memory_space<hbm>> -> memref<1000000x64xf32, #tpu.memory_space<hbm>>
      tpu.wait_indirect_dma semaphore(%arg12 : memref<!tpu.dma_semaphore, #tpu.memory_space<semaphore_mem>>) src(%dma_wait3A_536 : memref<1000000x64xf32, #tpu.memory_space<hbm>>) dst(%dma_wait3A_530 : memref<128x64xf32, #tpu.memory_space<vmem>>)
      %dma_wait3A_537 = arith.constant 0 : i32
      %dma_wait3A_538 = arith.constant 2 : i32
      %dma_wait3A_539 = arith.constant 128 : i32
      %dma_wait3A_540 = arith.constant 0 : i32
      %dma_wait3A_541 = tpu.memref_slice %arg8[%dma_wait3A_538, %dma_wait3A_539, %dma_wait3A_540] : memref<4x200x64xf32, #tpu.memory_space<vmem>> -> memref<1x72x64xf32, #tpu.memory_space<vmem>>
      %dma_wait3A_542 = tpu.memref_squeeze %dma_wait3A_541 : memref<1x72x64xf32, #tpu.memory_space<vmem>> -> memref<72x64xf32, #tpu.memory_space<vmem>>
      %dma_wait3A_543 = arith.constant 56 : i32
      %dma_wait3A_544 = tpu.memref_slice %arg7[%dma_wait3A_537, %dma_wait3A_543] : memref<128x128xi32, #tpu.memory_space<vmem>> -> memref<1x72xi32, #tpu.memory_space<vmem>>
      %dma_wait3A_545 = tpu.memref_squeeze %dma_wait3A_544 : memref<1x72xi32, #tpu.memory_space<vmem>> -> memref<72xi32, #tpu.memory_space<vmem>>
      %dma_wait3A_546 = arith.constant 0 : i32
      %dma_wait3A_547 = arith.constant 0 : i32
      %dma_wait3A_548 = tpu.memref_slice %arg4[%dma_wait3A_546, %dma_wait3A_547] : memref<1000000x64xf32, #tpu.memory_space<hbm>> -> memref<1000000x64xf32, #tpu.memory_space<hbm>>
      tpu.wait_indirect_dma semaphore(%arg12 : memref<!tpu.dma_semaphore, #tpu.memory_space<semaphore_mem>>) src(%dma_wait3A_548 : memref<1000000x64xf32, #tpu.memory_space<hbm>>) dst(%dma_wait3A_542 : memref<72x64xf32, #tpu.memory_space<vmem>>)
      %broadcast_in_dim3A_549 = arith.constant 0.000000e+00 : f32
      %broadcast_in_dim3A_550 = vector.broadcast %broadcast_in_dim3A_549 : f32 to vector<16xf32>
      %broadcast_in_dim3A_551 = arith.constant 0.000000e+00 : f32
      %broadcast_in_dim3A_552 = vector.broadcast %broadcast_in_dim3A_551 : f32 to vector<16xf32>
      %broadcast_in_dim3A_553 = arith.constant 0.000000e+00 : f32
      %broadcast_in_dim3A_554 = vector.broadcast %broadcast_in_dim3A_553 : f32 to vector<16xf32>
      %broadcast_in_dim3A_555 = arith.constant 0.000000e+00 : f32
      %broadcast_in_dim3A_556 = vector.broadcast %broadcast_in_dim3A_555 : f32 to vector<16xf32>
      %scan3A_557 = arith.constant 0 : i32
      %scan3A_558 = arith.constant 20 : i32
      %scan3A_559 = arith.addi %scan3A_557, %scan3A_558 : i32
      %scan3A_560 = arith.constant 1 : i32
      %scan3A_561:4 = scf.for %scan3A_697 = %scan3A_557 to %scan3A_559 step %scan3A_560 iter_args(%scan3A_698 = %broadcast_in_dim3A_550, %scan3A_699 = %broadcast_in_dim3A_552, %scan3A_700 = %broadcast_in_dim3A_554, %scan3A_701 = %broadcast_in_dim3A_556) -> (vector<16xf32>, vector<16xf32>, vector<16xf32>, vector<16xf32>)  : i32 {
        %mul3A_702 = arith.constant 10 : i32
        %mul3A_703 = arith.muli %scan3A_697, %mul3A_702 : i32
        %add3A_704 = arith.constant 0 : i32
        %add3A_705 = arith.addi %mul3A_703, %add3A_704 : i32
        %get3A = arith.constant 2 : i32
        %get3A_706 = arith.index_cast %get3A : i32 to index
        %get3A_707 = arith.index_cast %add3A_705 : i32 to index
        %get3A_708 = arith.constant 0 : index
        %get3A_709 = tpu.vector_load %arg8[%get3A_706, %get3A_707, %get3A_708] {strides = array<i32>} : memref<4x200x64xf32, #tpu.memory_space<vmem>>, vector<1x1x16xf32>,
        %get3A_710 = vector.shape_cast %get3A_709 : vector<1x1x16xf32> to vector<16xf32>
        %add3A_711 = arith.addf %scan3A_698, %get3A_710 : vector<16xf32>
        %get3A_712 = arith.constant 2 : i32
        %get3A_713 = arith.index_cast %get3A_712 : i32 to index
        %get3A_714 = arith.index_cast %add3A_705 : i32 to index
        %get3A_715 = arith.constant 16 : index
        %get3A_716 = tpu.vector_load %arg8[%get3A_713, %get3A_714, %get3A_715] {strides = array<i32>} : memref<4x200x64xf32, #tpu.memory_space<vmem>>, vector<1x1x16xf32>,
        %get3A_717 = vector.shape_cast %get3A_716 : vector<1x1x16xf32> to vector<16xf32>
        %add3A_718 = arith.addf %scan3A_699, %get3A_717 : vector<16xf32>
        %get3A_719 = arith.constant 2 : i32
        %get3A_720 = arith.index_cast %get3A_719 : i32 to index
        %get3A_721 = arith.index_cast %add3A_705 : i32 to index
        %get3A_722 = arith.constant 32 : index
        %get3A_723 = tpu.vector_load %arg8[%get3A_720, %get3A_721, %get3A_722] {strides = array<i32>} : memref<4x200x64xf32, #tpu.memory_space<vmem>>, vector<1x1x16xf32>,
        %get3A_724 = vector.shape_cast %get3A_723 : vector<1x1x16xf32> to vector<16xf32>
        %add3A_725 = arith.addf %scan3A_700, %get3A_724 : vector<16xf32>
        %get3A_726 = arith.constant 2 : i32
        %get3A_727 = arith.index_cast %get3A_726 : i32 to index
        %get3A_728 = arith.index_cast %add3A_705 : i32 to index
        %get3A_729 = arith.constant 48 : index
        %get3A_730 = tpu.vector_load %arg8[%get3A_727, %get3A_728, %get3A_729] {strides = array<i32>} : memref<4x200x64xf32, #tpu.memory_space<vmem>>, vector<1x1x16xf32>,
        %get3A_731 = vector.shape_cast %get3A_730 : vector<1x1x16xf32> to vector<16xf32>
        %add3A_732 = arith.addf %scan3A_701, %get3A_731 : vector<16xf32>
        %mul3A_733 = arith.constant 10 : i32
        %mul3A_734 = arith.muli %scan3A_697, %mul3A_733 : i32
        %add3A_735 = arith.constant 1 : i32
        %add3A_736 = arith.addi %mul3A_734, %add3A_735 : i32
        %get3A_737 = arith.constant 2 : i32
        %get3A_738 = arith.index_cast %get3A_737 : i32 to index
        %get3A_739 = arith.index_cast %add3A_736 : i32 to index
        %get3A_740 = arith.constant 0 : index
        %get3A_741 = tpu.vector_load %arg8[%get3A_738, %get3A_739, %get3A_740] {strides = array<i32>} : memref<4x200x64xf32, #tpu.memory_space<vmem>>, vector<1x1x16xf32>,
        %get3A_742 = vector.shape_cast %get3A_741 : vector<1x1x16xf32> to vector<16xf32>
        %add3A_743 = arith.addf %add3A_711, %get3A_742 : vector<16xf32>
        %get3A_744 = arith.constant 2 : i32
        %get3A_745 = arith.index_cast %get3A_744 : i32 to index
        %get3A_746 = arith.index_cast %add3A_736 : i32 to index
        %get3A_747 = arith.constant 16 : index
        %get3A_748 = tpu.vector_load %arg8[%get3A_745, %get3A_746, %get3A_747] {strides = array<i32>} : memref<4x200x64xf32, #tpu.memory_space<vmem>>, vector<1x1x16xf32>,
        %get3A_749 = vector.shape_cast %get3A_748 : vector<1x1x16xf32> to vector<16xf32>
        %add3A_750 = arith.addf %add3A_718, %get3A_749 : vector<16xf32>
        %get3A_751 = arith.constant 2 : i32
        %get3A_752 = arith.index_cast %get3A_751 : i32 to index
        %get3A_753 = arith.index_cast %add3A_736 : i32 to index
        %get3A_754 = arith.constant 32 : index
        %get3A_755 = tpu.vector_load %arg8[%get3A_752, %get3A_753, %get3A_754] {strides = array<i32>} : memref<4x200x64xf32, #tpu.memory_space<vmem>>, vector<1x1x16xf32>,
        %get3A_756 = vector.shape_cast %get3A_755 : vector<1x1x16xf32> to vector<16xf32>
        %add3A_757 = arith.addf %add3A_725, %get3A_756 : vector<16xf32>
        %get3A_758 = arith.constant 2 : i32
        %get3A_759 = arith.index_cast %get3A_758 : i32 to index
        %get3A_760 = arith.index_cast %add3A_736 : i32 to index
        %get3A_761 = arith.constant 48 : index
        %get3A_762 = tpu.vector_load %arg8[%get3A_759, %get3A_760, %get3A_761] {strides = array<i32>} : memref<4x200x64xf32, #tpu.memory_space<vmem>>, vector<1x1x16xf32>,
        %get3A_763 = vector.shape_cast %get3A_762 : vector<1x1x16xf32> to vector<16xf32>
        %add3A_764 = arith.addf %add3A_732, %get3A_763 : vector<16xf32>
        %mul3A_765 = arith.constant 10 : i32
        %mul3A_766 = arith.muli %scan3A_697, %mul3A_765 : i32
        %add3A_767 = arith.constant 2 : i32
        %add3A_768 = arith.addi %mul3A_766, %add3A_767 : i32
        %get3A_769 = arith.constant 2 : i32
        %get3A_770 = arith.index_cast %get3A_769 : i32 to index
        %get3A_771 = arith.index_cast %add3A_768 : i32 to index
        %get3A_772 = arith.constant 0 : index
        %get3A_773 = tpu.vector_load %arg8[%get3A_770, %get3A_771, %get3A_772] {strides = array<i32>} : memref<4x200x64xf32, #tpu.memory_space<vmem>>, vector<1x1x16xf32>,
        %get3A_774 = vector.shape_cast %get3A_773 : vector<1x1x16xf32> to vector<16xf32>
        %add3A_775 = arith.addf %add3A_743, %get3A_774 : vector<16xf32>
        %get3A_776 = arith.constant 2 : i32
        %get3A_777 = arith.index_cast %get3A_776 : i32 to index
        %get3A_778 = arith.index_cast %add3A_768 : i32 to index
        %get3A_779 = arith.constant 16 : index
        %get3A_780 = tpu.vector_load %arg8[%get3A_777, %get3A_778, %get3A_779] {strides = array<i32>} : memref<4x200x64xf32, #tpu.memory_space<vmem>>, vector<1x1x16xf32>,
        %get3A_781 = vector.shape_cast %get3A_780 : vector<1x1x16xf32> to vector<16xf32>
        %add3A_782 = arith.addf %add3A_750, %get3A_781 : vector<16xf32>
        %get3A_783 = arith.constant 2 : i32
        %get3A_784 = arith.index_cast %get3A_783 : i32 to index
        %get3A_785 = arith.index_cast %add3A_768 : i32 to index
        %get3A_786 = arith.constant 32 : index
        %get3A_787 = tpu.vector_load %arg8[%get3A_784, %get3A_785, %get3A_786] {strides = array<i32>} : memref<4x200x64xf32, #tpu.memory_space<vmem>>, vector<1x1x16xf32>,
        %get3A_788 = vector.shape_cast %get3A_787 : vector<1x1x16xf32> to vector<16xf32>
        %add3A_789 = arith.addf %add3A_757, %get3A_788 : vector<16xf32>
        %get3A_790 = arith.constant 2 : i32
        %get3A_791 = arith.index_cast %get3A_790 : i32 to index
        %get3A_792 = arith.index_cast %add3A_768 : i32 to index
        %get3A_793 = arith.constant 48 : index
        %get3A_794 = tpu.vector_load %arg8[%get3A_791, %get3A_792, %get3A_793] {strides = array<i32>} : memref<4x200x64xf32, #tpu.memory_space<vmem>>, vector<1x1x16xf32>,
        %get3A_795 = vector.shape_cast %get3A_794 : vector<1x1x16xf32> to vector<16xf32>
        %add3A_796 = arith.addf %add3A_764, %get3A_795 : vector<16xf32>
        %mul3A_797 = arith.constant 10 : i32
        %mul3A_798 = arith.muli %scan3A_697, %mul3A_797 : i32
        %add3A_799 = arith.constant 3 : i32
        %add3A_800 = arith.addi %mul3A_798, %add3A_799 : i32
        %get3A_801 = arith.constant 2 : i32
        %get3A_802 = arith.index_cast %get3A_801 : i32 to index
        %get3A_803 = arith.index_cast %add3A_800 : i32 to index
        %get3A_804 = arith.constant 0 : index
        %get3A_805 = tpu.vector_load %arg8[%get3A_802, %get3A_803, %get3A_804] {strides = array<i32>} : memref<4x200x64xf32, #tpu.memory_space<vmem>>, vector<1x1x16xf32>,
        %get3A_806 = vector.shape_cast %get3A_805 : vector<1x1x16xf32> to vector<16xf32>
        %add3A_807 = arith.addf %add3A_775, %get3A_806 : vector<16xf32>
        %get3A_808 = arith.constant 2 : i32
        %get3A_809 = arith.index_cast %get3A_808 : i32 to index
        %get3A_810 = arith.index_cast %add3A_800 : i32 to index
        %get3A_811 = arith.constant 16 : index
        %get3A_812 = tpu.vector_load %arg8[%get3A_809, %get3A_810, %get3A_811] {strides = array<i32>} : memref<4x200x64xf32, #tpu.memory_space<vmem>>, vector<1x1x16xf32>,
        %get3A_813 = vector.shape_cast %get3A_812 : vector<1x1x16xf32> to vector<16xf32>
        %add3A_814 = arith.addf %add3A_782, %get3A_813 : vector<16xf32>
        %get3A_815 = arith.constant 2 : i32
        %get3A_816 = arith.index_cast %get3A_815 : i32 to index
        %get3A_817 = arith.index_cast %add3A_800 : i32 to index
        %get3A_818 = arith.constant 32 : index
        %get3A_819 = tpu.vector_load %arg8[%get3A_816, %get3A_817, %get3A_818] {strides = array<i32>} : memref<4x200x64xf32, #tpu.memory_space<vmem>>, vector<1x1x16xf32>,
        %get3A_820 = vector.shape_cast %get3A_819 : vector<1x1x16xf32> to vector<16xf32>
        %add3A_821 = arith.addf %add3A_789, %get3A_820 : vector<16xf32>
        %get3A_822 = arith.constant 2 : i32
        %get3A_823 = arith.index_cast %get3A_822 : i32 to index
        %get3A_824 = arith.index_cast %add3A_800 : i32 to index
        %get3A_825 = arith.constant 48 : index
        %get3A_826 = tpu.vector_load %arg8[%get3A_823, %get3A_824, %get3A_825] {strides = array<i32>} : memref<4x200x64xf32, #tpu.memory_space<vmem>>, vector<1x1x16xf32>,
        %get3A_827 = vector.shape_cast %get3A_826 : vector<1x1x16xf32> to vector<16xf32>
        %add3A_828 = arith.addf %add3A_796, %get3A_827 : vector<16xf32>
        %mul3A_829 = arith.constant 10 : i32
        %mul3A_830 = arith.muli %scan3A_697, %mul3A_829 : i32
        %add3A_831 = arith.constant 4 : i32
        %add3A_832 = arith.addi %mul3A_830, %add3A_831 : i32
        %get3A_833 = arith.constant 2 : i32
        %get3A_834 = arith.index_cast %get3A_833 : i32 to index
        %get3A_835 = arith.index_cast %add3A_832 : i32 to index
        %get3A_836 = arith.constant 0 : index
        %get3A_837 = tpu.vector_load %arg8[%get3A_834, %get3A_835, %get3A_836] {strides = array<i32>} : memref<4x200x64xf32, #tpu.memory_space<vmem>>, vector<1x1x16xf32>,
        %get3A_838 = vector.shape_cast %get3A_837 : vector<1x1x16xf32> to vector<16xf32>
        %add3A_839 = arith.addf %add3A_807, %get3A_838 : vector<16xf32>
        %get3A_840 = arith.constant 2 : i32
        %get3A_841 = arith.index_cast %get3A_840 : i32 to index
        %get3A_842 = arith.index_cast %add3A_832 : i32 to index
        %get3A_843 = arith.constant 16 : index
        %get3A_844 = tpu.vector_load %arg8[%get3A_841, %get3A_842, %get3A_843] {strides = array<i32>} : memref<4x200x64xf32, #tpu.memory_space<vmem>>, vector<1x1x16xf32>,
        %get3A_845 = vector.shape_cast %get3A_844 : vector<1x1x16xf32> to vector<16xf32>
        %add3A_846 = arith.addf %add3A_814, %get3A_845 : vector<16xf32>
        %get3A_847 = arith.constant 2 : i32
        %get3A_848 = arith.index_cast %get3A_847 : i32 to index
        %get3A_849 = arith.index_cast %add3A_832 : i32 to index
        %get3A_850 = arith.constant 32 : index
        %get3A_851 = tpu.vector_load %arg8[%get3A_848, %get3A_849, %get3A_850] {strides = array<i32>} : memref<4x200x64xf32, #tpu.memory_space<vmem>>, vector<1x1x16xf32>,
        %get3A_852 = vector.shape_cast %get3A_851 : vector<1x1x16xf32> to vector<16xf32>
        %add3A_853 = arith.addf %add3A_821, %get3A_852 : vector<16xf32>
        %get3A_854 = arith.constant 2 : i32
        %get3A_855 = arith.index_cast %get3A_854 : i32 to index
        %get3A_856 = arith.index_cast %add3A_832 : i32 to index
        %get3A_857 = arith.constant 48 : index
        %get3A_858 = tpu.vector_load %arg8[%get3A_855, %get3A_856, %get3A_857] {strides = array<i32>} : memref<4x200x64xf32, #tpu.memory_space<vmem>>, vector<1x1x16xf32>,
        %get3A_859 = vector.shape_cast %get3A_858 : vector<1x1x16xf32> to vector<16xf32>
        %add3A_860 = arith.addf %add3A_828, %get3A_859 : vector<16xf32>
        %mul3A_861 = arith.constant 10 : i32
        %mul3A_862 = arith.muli %scan3A_697, %mul3A_861 : i32
        %add3A_863 = arith.constant 5 : i32
        %add3A_864 = arith.addi %mul3A_862, %add3A_863 : i32
        %get3A_865 = arith.constant 2 : i32
        %get3A_866 = arith.index_cast %get3A_865 : i32 to index
        %get3A_867 = arith.index_cast %add3A_864 : i32 to index
        %get3A_868 = arith.constant 0 : index
        %get3A_869 = tpu.vector_load %arg8[%get3A_866, %get3A_867, %get3A_868] {strides = array<i32>} : memref<4x200x64xf32, #tpu.memory_space<vmem>>, vector<1x1x16xf32>,
        %get3A_870 = vector.shape_cast %get3A_869 : vector<1x1x16xf32> to vector<16xf32>
        %add3A_871 = arith.addf %add3A_839, %get3A_870 : vector<16xf32>
        %get3A_872 = arith.constant 2 : i32
        %get3A_873 = arith.index_cast %get3A_872 : i32 to index
        %get3A_874 = arith.index_cast %add3A_864 : i32 to index
        %get3A_875 = arith.constant 16 : index
        %get3A_876 = tpu.vector_load %arg8[%get3A_873, %get3A_874, %get3A_875] {strides = array<i32>} : memref<4x200x64xf32, #tpu.memory_space<vmem>>, vector<1x1x16xf32>,
        %get3A_877 = vector.shape_cast %get3A_876 : vector<1x1x16xf32> to vector<16xf32>
        %add3A_878 = arith.addf %add3A_846, %get3A_877 : vector<16xf32>
        %get3A_879 = arith.constant 2 : i32
        %get3A_880 = arith.index_cast %get3A_879 : i32 to index
        %get3A_881 = arith.index_cast %add3A_864 : i32 to index
        %get3A_882 = arith.constant 32 : index
        %get3A_883 = tpu.vector_load %arg8[%get3A_880, %get3A_881, %get3A_882] {strides = array<i32>} : memref<4x200x64xf32, #tpu.memory_space<vmem>>, vector<1x1x16xf32>,
        %get3A_884 = vector.shape_cast %get3A_883 : vector<1x1x16xf32> to vector<16xf32>
        %add3A_885 = arith.addf %add3A_853, %get3A_884 : vector<16xf32>
        %get3A_886 = arith.constant 2 : i32
        %get3A_887 = arith.index_cast %get3A_886 : i32 to index
        %get3A_888 = arith.index_cast %add3A_864 : i32 to index
        %get3A_889 = arith.constant 48 : index
        %get3A_890 = tpu.vector_load %arg8[%get3A_887, %get3A_888, %get3A_889] {strides = array<i32>} : memref<4x200x64xf32, #tpu.memory_space<vmem>>, vector<1x1x16xf32>,
        %get3A_891 = vector.shape_cast %get3A_890 : vector<1x1x16xf32> to vector<16xf32>
        %add3A_892 = arith.addf %add3A_860, %get3A_891 : vector<16xf32>
        %mul3A_893 = arith.constant 10 : i32
        %mul3A_894 = arith.muli %scan3A_697, %mul3A_893 : i32
        %add3A_895 = arith.constant 6 : i32
        %add3A_896 = arith.addi %mul3A_894, %add3A_895 : i32
        %get3A_897 = arith.constant 2 : i32
        %get3A_898 = arith.index_cast %get3A_897 : i32 to index
        %get3A_899 = arith.index_cast %add3A_896 : i32 to index
        %get3A_900 = arith.constant 0 : index
        %get3A_901 = tpu.vector_load %arg8[%get3A_898, %get3A_899, %get3A_900] {strides = array<i32>} : memref<4x200x64xf32, #tpu.memory_space<vmem>>, vector<1x1x16xf32>,
        %get3A_902 = vector.shape_cast %get3A_901 : vector<1x1x16xf32> to vector<16xf32>
        %add3A_903 = arith.addf %add3A_871, %get3A_902 : vector<16xf32>
        %get3A_904 = arith.constant 2 : i32
        %get3A_905 = arith.index_cast %get3A_904 : i32 to index
        %get3A_906 = arith.index_cast %add3A_896 : i32 to index
        %get3A_907 = arith.constant 16 : index
        %get3A_908 = tpu.vector_load %arg8[%get3A_905, %get3A_906, %get3A_907] {strides = array<i32>} : memref<4x200x64xf32, #tpu.memory_space<vmem>>, vector<1x1x16xf32>,
        %get3A_909 = vector.shape_cast %get3A_908 : vector<1x1x16xf32> to vector<16xf32>
        %add3A_910 = arith.addf %add3A_878, %get3A_909 : vector<16xf32>
        %get3A_911 = arith.constant 2 : i32
        %get3A_912 = arith.index_cast %get3A_911 : i32 to index
        %get3A_913 = arith.index_cast %add3A_896 : i32 to index
        %get3A_914 = arith.constant 32 : index
        %get3A_915 = tpu.vector_load %arg8[%get3A_912, %get3A_913, %get3A_914] {strides = array<i32>} : memref<4x200x64xf32, #tpu.memory_space<vmem>>, vector<1x1x16xf32>,
        %get3A_916 = vector.shape_cast %get3A_915 : vector<1x1x16xf32> to vector<16xf32>
        %add3A_917 = arith.addf %add3A_885, %get3A_916 : vector<16xf32>
        %get3A_918 = arith.constant 2 : i32
        %get3A_919 = arith.index_cast %get3A_918 : i32 to index
        %get3A_920 = arith.index_cast %add3A_896 : i32 to index
        %get3A_921 = arith.constant 48 : index
        %get3A_922 = tpu.vector_load %arg8[%get3A_919, %get3A_920, %get3A_921] {strides = array<i32>} : memref<4x200x64xf32, #tpu.memory_space<vmem>>, vector<1x1x16xf32>,
        %get3A_923 = vector.shape_cast %get3A_922 : vector<1x1x16xf32> to vector<16xf32>
        %add3A_924 = arith.addf %add3A_892, %get3A_923 : vector<16xf32>
        %mul3A_925 = arith.constant 10 : i32
        %mul3A_926 = arith.muli %scan3A_697, %mul3A_925 : i32
        %add3A_927 = arith.constant 7 : i32
        %add3A_928 = arith.addi %mul3A_926, %add3A_927 : i32
        %get3A_929 = arith.constant 2 : i32
        %get3A_930 = arith.index_cast %get3A_929 : i32 to index
        %get3A_931 = arith.index_cast %add3A_928 : i32 to index
        %get3A_932 = arith.constant 0 : index
        %get3A_933 = tpu.vector_load %arg8[%get3A_930, %get3A_931, %get3A_932] {strides = array<i32>} : memref<4x200x64xf32, #tpu.memory_space<vmem>>, vector<1x1x16xf32>,
        %get3A_934 = vector.shape_cast %get3A_933 : vector<1x1x16xf32> to vector<16xf32>
        %add3A_935 = arith.addf %add3A_903, %get3A_934 : vector<16xf32>
        %get3A_936 = arith.constant 2 : i32
        %get3A_937 = arith.index_cast %get3A_936 : i32 to index
        %get3A_938 = arith.index_cast %add3A_928 : i32 to index
        %get3A_939 = arith.constant 16 : index
        %get3A_940 = tpu.vector_load %arg8[%get3A_937, %get3A_938, %get3A_939] {strides = array<i32>} : memref<4x200x64xf32, #tpu.memory_space<vmem>>, vector<1x1x16xf32>,
        %get3A_941 = vector.shape_cast %get3A_940 : vector<1x1x16xf32> to vector<16xf32>
        %add3A_942 = arith.addf %add3A_910, %get3A_941 : vector<16xf32>
        %get3A_943 = arith.constant 2 : i32
        %get3A_944 = arith.index_cast %get3A_943 : i32 to index
        %get3A_945 = arith.index_cast %add3A_928 : i32 to index
        %get3A_946 = arith.constant 32 : index
        %get3A_947 = tpu.vector_load %arg8[%get3A_944, %get3A_945, %get3A_946] {strides = array<i32>} : memref<4x200x64xf32, #tpu.memory_space<vmem>>, vector<1x1x16xf32>,
        %get3A_948 = vector.shape_cast %get3A_947 : vector<1x1x16xf32> to vector<16xf32>
        %add3A_949 = arith.addf %add3A_917, %get3A_948 : vector<16xf32>
        %get3A_950 = arith.constant 2 : i32
        %get3A_951 = arith.index_cast %get3A_950 : i32 to index
        %get3A_952 = arith.index_cast %add3A_928 : i32 to index
        %get3A_953 = arith.constant 48 : index
        %get3A_954 = tpu.vector_load %arg8[%get3A_951, %get3A_952, %get3A_953] {strides = array<i32>} : memref<4x200x64xf32, #tpu.memory_space<vmem>>, vector<1x1x16xf32>,
        %get3A_955 = vector.shape_cast %get3A_954 : vector<1x1x16xf32> to vector<16xf32>
        %add3A_956 = arith.addf %add3A_924, %get3A_955 : vector<16xf32>
        %mul3A_957 = arith.constant 10 : i32
        %mul3A_958 = arith.muli %scan3A_697, %mul3A_957 : i32
        %add3A_959 = arith.constant 8 : i32
        %add3A_960 = arith.addi %mul3A_958, %add3A_959 : i32
        %get3A_961 = arith.constant 2 : i32
        %get3A_962 = arith.index_cast %get3A_961 : i32 to index
        %get3A_963 = arith.index_cast %add3A_960 : i32 to index
        %get3A_964 = arith.constant 0 : index
        %get3A_965 = tpu.vector_load %arg8[%get3A_962, %get3A_963, %get3A_964] {strides = array<i32>} : memref<4x200x64xf32, #tpu.memory_space<vmem>>, vector<1x1x16xf32>,
        %get3A_966 = vector.shape_cast %get3A_965 : vector<1x1x16xf32> to vector<16xf32>
        %add3A_967 = arith.addf %add3A_935, %get3A_966 : vector<16xf32>
        %get3A_968 = arith.constant 2 : i32
        %get3A_969 = arith.index_cast %get3A_968 : i32 to index
        %get3A_970 = arith.index_cast %add3A_960 : i32 to index
        %get3A_971 = arith.constant 16 : index
        %get3A_972 = tpu.vector_load %arg8[%get3A_969, %get3A_970, %get3A_971] {strides = array<i32>} : memref<4x200x64xf32, #tpu.memory_space<vmem>>, vector<1x1x16xf32>,
        %get3A_973 = vector.shape_cast %get3A_972 : vector<1x1x16xf32> to vector<16xf32>
        %add3A_974 = arith.addf %add3A_942, %get3A_973 : vector<16xf32>
        %get3A_975 = arith.constant 2 : i32
        %get3A_976 = arith.index_cast %get3A_975 : i32 to index
        %get3A_977 = arith.index_cast %add3A_960 : i32 to index
        %get3A_978 = arith.constant 32 : index
        %get3A_979 = tpu.vector_load %arg8[%get3A_976, %get3A_977, %get3A_978] {strides = array<i32>} : memref<4x200x64xf32, #tpu.memory_space<vmem>>, vector<1x1x16xf32>,
        %get3A_980 = vector.shape_cast %get3A_979 : vector<1x1x16xf32> to vector<16xf32>
        %add3A_981 = arith.addf %add3A_949, %get3A_980 : vector<16xf32>
        %get3A_982 = arith.constant 2 : i32
        %get3A_983 = arith.index_cast %get3A_982 : i32 to index
        %get3A_984 = arith.index_cast %add3A_960 : i32 to index
        %get3A_985 = arith.constant 48 : index
        %get3A_986 = tpu.vector_load %arg8[%get3A_983, %get3A_984, %get3A_985] {strides = array<i32>} : memref<4x200x64xf32, #tpu.memory_space<vmem>>, vector<1x1x16xf32>,
        %get3A_987 = vector.shape_cast %get3A_986 : vector<1x1x16xf32> to vector<16xf32>
        %add3A_988 = arith.addf %add3A_956, %get3A_987 : vector<16xf32>
        %mul3A_989 = arith.constant 10 : i32
        %mul3A_990 = arith.muli %scan3A_697, %mul3A_989 : i32
        %add3A_991 = arith.constant 9 : i32
        %add3A_992 = arith.addi %mul3A_990, %add3A_991 : i32
        %get3A_993 = arith.constant 2 : i32
        %get3A_994 = arith.index_cast %get3A_993 : i32 to index
        %get3A_995 = arith.index_cast %add3A_992 : i32 to index
        %get3A_996 = arith.constant 0 : index
        %get3A_997 = tpu.vector_load %arg8[%get3A_994, %get3A_995, %get3A_996] {strides = array<i32>} : memref<4x200x64xf32, #tpu.memory_space<vmem>>, vector<1x1x16xf32>,
        %get3A_998 = vector.shape_cast %get3A_997 : vector<1x1x16xf32> to vector<16xf32>
        %add3A_999 = arith.addf %add3A_967, %get3A_998 : vector<16xf32>
        %get3A_1000 = arith.constant 2 : i32
        %get3A_1001 = arith.index_cast %get3A_1000 : i32 to index
        %get3A_1002 = arith.index_cast %add3A_992 : i32 to index
        %get3A_1003 = arith.constant 16 : index
        %get3A_1004 = tpu.vector_load %arg8[%get3A_1001, %get3A_1002, %get3A_1003] {strides = array<i32>} : memref<4x200x64xf32, #tpu.memory_space<vmem>>, vector<1x1x16xf32>,
        %get3A_1005 = vector.shape_cast %get3A_1004 : vector<1x1x16xf32> to vector<16xf32>
        %add3A_1006 = arith.addf %add3A_974, %get3A_1005 : vector<16xf32>
        %get3A_1007 = arith.constant 2 : i32
        %get3A_1008 = arith.index_cast %get3A_1007 : i32 to index
        %get3A_1009 = arith.index_cast %add3A_992 : i32 to index
        %get3A_1010 = arith.constant 32 : index
        %get3A_1011 = tpu.vector_load %arg8[%get3A_1008, %get3A_1009, %get3A_1010] {strides = array<i32>} : memref<4x200x64xf32, #tpu.memory_space<vmem>>, vector<1x1x16xf32>,
        %get3A_1012 = vector.shape_cast %get3A_1011 : vector<1x1x16xf32> to vector<16xf32>
        %add3A_1013 = arith.addf %add3A_981, %get3A_1012 : vector<16xf32>
        %get3A_1014 = arith.constant 2 : i32
        %get3A_1015 = arith.index_cast %get3A_1014 : i32 to index
        %get3A_1016 = arith.index_cast %add3A_992 : i32 to index
        %get3A_1017 = arith.constant 48 : index
        %get3A_1018 = tpu.vector_load %arg8[%get3A_1015, %get3A_1016, %get3A_1017] {strides = array<i32>} : memref<4x200x64xf32, #tpu.memory_space<vmem>>, vector<1x1x16xf32>,
        %get3A_1019 = vector.shape_cast %get3A_1018 : vector<1x1x16xf32> to vector<16xf32>
        %add3A_1020 = arith.addf %add3A_988, %get3A_1019 : vector<16xf32>
        scf.yield %add3A_999, %add3A_1006, %add3A_1013, %add3A_1020 : vector<16xf32>, vector<16xf32>, vector<16xf32>, vector<16xf32>
      }
      %scan3A_562 = arith.constant 20 : i32
      %mul3A_563 = arith.constant 4 : i32
      %mul3A_564 = arith.muli %scan3A_352, %mul3A_563 : i32
      %add3A_565 = arith.constant 2 : i32
      %add3A_566 = arith.addi %mul3A_564, %add3A_565 : i32
      %swap3A_567 = arith.index_cast %add3A_566 : i32 to index
      %swap3A_568 = arith.constant 0 : index
      %swap3A_569 = tpu.vector_load %arg9[%swap3A_567, %swap3A_568] {strides = array<i32>} : memref<128x64xf32, #tpu.memory_space<vmem>>, vector<1x16xf32>,
      %swap3A_570 = vector.shape_cast %swap3A_569 : vector<1x16xf32> to vector<16xf32>
      %swap3A_571 = vector.shape_cast %scan3A_561#0 : vector<16xf32> to vector<1x16xf32>
      tpu.vector_store %arg9[%swap3A_567, %swap3A_568], %swap3A_571 {strides = array<i32>} : memref<128x64xf32, #tpu.memory_space<vmem>>, vector<1x16xf32>,
      %swap3A_572 = arith.index_cast %add3A_566 : i32 to index
      %swap3A_573 = arith.constant 16 : index
      %swap3A_574 = tpu.vector_load %arg9[%swap3A_572, %swap3A_573] {strides = array<i32>} : memref<128x64xf32, #tpu.memory_space<vmem>>, vector<1x16xf32>,
      %swap3A_575 = vector.shape_cast %swap3A_574 : vector<1x16xf32> to vector<16xf32>
      %swap3A_576 = vector.shape_cast %scan3A_561#1 : vector<16xf32> to vector<1x16xf32>
      tpu.vector_store %arg9[%swap3A_572, %swap3A_573], %swap3A_576 {strides = array<i32>} : memref<128x64xf32, #tpu.memory_space<vmem>>, vector<1x16xf32>,
      %swap3A_577 = arith.index_cast %add3A_566 : i32 to index
      %swap3A_578 = arith.constant 32 : index
      %swap3A_579 = tpu.vector_load %arg9[%swap3A_577, %swap3A_578] {strides = array<i32>} : memref<128x64xf32, #tpu.memory_space<vmem>>, vector<1x16xf32>,
      %swap3A_580 = vector.shape_cast %swap3A_579 : vector<1x16xf32> to vector<16xf32>
      %swap3A_581 = vector.shape_cast %scan3A_561#2 : vector<16xf32> to vector<1x16xf32>
      tpu.vector_store %arg9[%swap3A_577, %swap3A_578], %swap3A_581 {strides = array<i32>} : memref<128x64xf32, #tpu.memory_space<vmem>>, vector<1x16xf32>,
      %swap3A_582 = arith.index_cast %add3A_566 : i32 to index
      %swap3A_583 = arith.constant 48 : index
      %swap3A_584 = tpu.vector_load %arg9[%swap3A_582, %swap3A_583] {strides = array<i32>} : memref<128x64xf32, #tpu.memory_space<vmem>>, vector<1x16xf32>,
      %swap3A_585 = vector.shape_cast %swap3A_584 : vector<1x16xf32> to vector<16xf32>
      %swap3A_586 = vector.shape_cast %scan3A_561#3 : vector<16xf32> to vector<1x16xf32>
      tpu.vector_store %arg9[%swap3A_582, %swap3A_583], %swap3A_586 {strides = array<i32>} : memref<128x64xf32, #tpu.memory_space<vmem>>, vector<1x16xf32>,
      %add3A_587 = arith.constant 4 : i32
      %add3A_588 = arith.addi %add3A_566, %add3A_587 : i32
      %dma_start3A_589 = arith.constant 2 : i32
      %dma_start3A_590 = arith.constant 0 : i32
      %dma_start3A_591 = arith.constant 0 : i32
      %dma_start3A_592 = tpu.memref_slice %arg8[%dma_start3A_589, %dma_start3A_590, %dma_start3A_591] : memref<4x200x64xf32, #tpu.memory_space<vmem>> -> memref<1x128x64xf32, #tpu.memory_space<vmem>>
      %dma_start3A_593 = tpu.memref_squeeze %dma_start3A_592 : memref<1x128x64xf32, #tpu.memory_space<vmem>> -> memref<128x64xf32, #tpu.memory_space<vmem>>
      %dma_start3A_594 = arith.constant 0 : i32
      %dma_start3A_595 = tpu.memref_slice %arg6[%add3A_588, %dma_start3A_594] : memref<128x128xi32, #tpu.memory_space<vmem>> -> memref<1x128xi32, #tpu.memory_space<vmem>>
      %dma_start3A_596 = tpu.memref_squeeze %dma_start3A_595 : memref<1x128xi32, #tpu.memory_space<vmem>> -> memref<128xi32, #tpu.memory_space<vmem>>
      %dma_start3A_597 = arith.constant 0 : i32
      %dma_start3A_598 = arith.constant 0 : i32
      %dma_start3A_599 = tpu.memref_slice %arg4[%dma_start3A_597, %dma_start3A_598] : memref<1000000x64xf32, #tpu.memory_space<hbm>> -> memref<1000000x64xf32, #tpu.memory_space<hbm>>
      tpu.enqueue_indirect_dma source(%dma_start3A_599 : memref<1000000x64xf32, #tpu.memory_space<hbm>>) target(%dma_start3A_593 : memref<128x64xf32, #tpu.memory_space<vmem>>) offsets(%dma_start3A_596 : memref<128xi32, #tpu.memory_space<vmem>>) semaphore(%arg12 : memref<!tpu.dma_semaphore, #tpu.memory_space<semaphore_mem>>)
      %dma_start3A_600 = arith.constant 2 : i32
      %dma_start3A_601 = arith.constant 128 : i32
      %dma_start3A_602 = arith.constant 0 : i32
      %dma_start3A_603 = tpu.memref_slice %arg8[%dma_start3A_600, %dma_start3A_601, %dma_start3A_602] : memref<4x200x64xf32, #tpu.memory_space<vmem>> -> memref<1x72x64xf32, #tpu.memory_space<vmem>>
      %dma_start3A_604 = tpu.memref_squeeze %dma_start3A_603 : memref<1x72x64xf32, #tpu.memory_space<vmem>> -> memref<72x64xf32, #tpu.memory_space<vmem>>
      %dma_start3A_605 = arith.constant 56 : i32
      %dma_start3A_606 = tpu.memref_slice %arg7[%add3A_588, %dma_start3A_605] : memref<128x128xi32, #tpu.memory_space<vmem>> -> memref<1x72xi32, #tpu.memory_space<vmem>>
      %dma_start3A_607 = tpu.memref_squeeze %dma_start3A_606 : memref<1x72xi32, #tpu.memory_space<vmem>> -> memref<72xi32, #tpu.memory_space<vmem>>
      %dma_start3A_608 = arith.constant 0 : i32
      %dma_start3A_609 = arith.constant 0 : i32
      %dma_start3A_610 = tpu.memref_slice %arg4[%dma_start3A_608, %dma_start3A_609] : memref<1000000x64xf32, #tpu.memory_space<hbm>> -> memref<1000000x64xf32, #tpu.memory_space<hbm>>
      tpu.enqueue_indirect_dma source(%dma_start3A_610 : memref<1000000x64xf32, #tpu.memory_space<hbm>>) target(%dma_start3A_604 : memref<72x64xf32, #tpu.memory_space<vmem>>) offsets(%dma_start3A_607 : memref<72xi32, #tpu.memory_space<vmem>>) semaphore(%arg12 : memref<!tpu.dma_semaphore, #tpu.memory_space<semaphore_mem>>)
      %dma_wait3A_611 = arith.constant 0 : i32
      %dma_wait3A_612 = arith.constant 3 : i32
      %dma_wait3A_613 = arith.constant 0 : i32
      %dma_wait3A_614 = arith.constant 0 : i32
      %dma_wait3A_615 = tpu.memref_slice %arg8[%dma_wait3A_612, %dma_wait3A_613, %dma_wait3A_614] : memref<4x200x64xf32, #tpu.memory_space<vmem>> -> memref<1x128x64xf32, #tpu.memory_space<vmem>>
      %dma_wait3A_616 = tpu.memref_squeeze %dma_wait3A_615 : memref<1x128x64xf32, #tpu.memory_space<vmem>> -> memref<128x64xf32, #tpu.memory_space<vmem>>
      %dma_wait3A_617 = arith.constant 0 : i32
      %dma_wait3A_618 = tpu.memref_slice %arg6[%dma_wait3A_611, %dma_wait3A_617] : memref<128x128xi32, #tpu.memory_space<vmem>> -> memref<1x128xi32, #tpu.memory_space<vmem>>
      %dma_wait3A_619 = tpu.memref_squeeze %dma_wait3A_618 : memref<1x128xi32, #tpu.memory_space<vmem>> -> memref<128xi32, #tpu.memory_space<vmem>>
      %dma_wait3A_620 = arith.constant 0 : i32
      %dma_wait3A_621 = arith.constant 0 : i32
      %dma_wait3A_622 = tpu.memref_slice %arg4[%dma_wait3A_620, %dma_wait3A_621] : memref<1000000x64xf32, #tpu.memory_space<hbm>> -> memref<1000000x64xf32, #tpu.memory_space<hbm>>
      tpu.wait_indirect_dma semaphore(%arg13 : memref<!tpu.dma_semaphore, #tpu.memory_space<semaphore_mem>>) src(%dma_wait3A_622 : memref<1000000x64xf32, #tpu.memory_space<hbm>>) dst(%dma_wait3A_616 : memref<128x64xf32, #tpu.memory_space<vmem>>)
      %dma_wait3A_623 = arith.constant 0 : i32
      %dma_wait3A_624 = arith.constant 3 : i32
      %dma_wait3A_625 = arith.constant 128 : i32
      %dma_wait3A_626 = arith.constant 0 : i32
      %dma_wait3A_627 = tpu.memref_slice %arg8[%dma_wait3A_624, %dma_wait3A_625, %dma_wait3A_626] : memref<4x200x64xf32, #tpu.memory_space<vmem>> -> memref<1x72x64xf32, #tpu.memory_space<vmem>>
      %dma_wait3A_628 = tpu.memref_squeeze %dma_wait3A_627 : memref<1x72x64xf32, #tpu.memory_space<vmem>> -> memref<72x64xf32, #tpu.memory_space<vmem>>
      %dma_wait3A_629 = arith.constant 56 : i32
      %dma_wait3A_630 = tpu.memref_slice %arg7[%dma_wait3A_623, %dma_wait3A_629] : memref<128x128xi32, #tpu.memory_space<vmem>> -> memref<1x72xi32, #tpu.memory_space<vmem>>
      %dma_wait3A_631 = tpu.memref_squeeze %dma_wait3A_630 : memref<1x72xi32, #tpu.memory_space<vmem>> -> memref<72xi32, #tpu.memory_space<vmem>>
      %dma_wait3A_632 = arith.constant 0 : i32
      %dma_wait3A_633 = arith.constant 0 : i32
      %dma_wait3A_634 = tpu.memref_slice %arg4[%dma_wait3A_632, %dma_wait3A_633] : memref<1000000x64xf32, #tpu.memory_space<hbm>> -> memref<1000000x64xf32, #tpu.memory_space<hbm>>
      tpu.wait_indirect_dma semaphore(%arg13 : memref<!tpu.dma_semaphore, #tpu.memory_space<semaphore_mem>>) src(%dma_wait3A_634 : memref<1000000x64xf32, #tpu.memory_space<hbm>>) dst(%dma_wait3A_628 : memref<72x64xf32, #tpu.memory_space<vmem>>)
      %broadcast_in_dim3A_635 = arith.constant 0.000000e+00 : f32
      %broadcast_in_dim3A_636 = vector.broadcast %broadcast_in_dim3A_635 : f32 to vector<16xf32>
      %broadcast_in_dim3A_637 = arith.constant 0.000000e+00 : f32
      %broadcast_in_dim3A_638 = vector.broadcast %broadcast_in_dim3A_637 : f32 to vector<16xf32>
      %broadcast_in_dim3A_639 = arith.constant 0.000000e+00 : f32
      %broadcast_in_dim3A_640 = vector.broadcast %broadcast_in_dim3A_639 : f32 to vector<16xf32>
      %broadcast_in_dim3A_641 = arith.constant 0.000000e+00 : f32
      %broadcast_in_dim3A_642 = vector.broadcast %broadcast_in_dim3A_641 : f32 to vector<16xf32>
      %scan3A_643 = arith.constant 0 : i32
      %scan3A_644 = arith.constant 20 : i32
      %scan3A_645 = arith.addi %scan3A_643, %scan3A_644 : i32
      %scan3A_646 = arith.constant 1 : i32
      %scan3A_647:4 = scf.for %scan3A_697 = %scan3A_643 to %scan3A_645 step %scan3A_646 iter_args(%scan3A_698 = %broadcast_in_dim3A_636, %scan3A_699 = %broadcast_in_dim3A_638, %scan3A_700 = %broadcast_in_dim3A_640, %scan3A_701 = %broadcast_in_dim3A_642) -> (vector<16xf32>, vector<16xf32>, vector<16xf32>, vector<16xf32>)  : i32 {
        %mul3A_702 = arith.constant 10 : i32
        %mul3A_703 = arith.muli %scan3A_697, %mul3A_702 : i32
        %add3A_704 = arith.constant 0 : i32
        %add3A_705 = arith.addi %mul3A_703, %add3A_704 : i32
        %get3A = arith.constant 3 : i32
        %get3A_706 = arith.index_cast %get3A : i32 to index
        %get3A_707 = arith.index_cast %add3A_705 : i32 to index
        %get3A_708 = arith.constant 0 : index
        %get3A_709 = tpu.vector_load %arg8[%get3A_706, %get3A_707, %get3A_708] {strides = array<i32>} : memref<4x200x64xf32, #tpu.memory_space<vmem>>, vector<1x1x16xf32>,
        %get3A_710 = vector.shape_cast %get3A_709 : vector<1x1x16xf32> to vector<16xf32>
        %add3A_711 = arith.addf %scan3A_698, %get3A_710 : vector<16xf32>
        %get3A_712 = arith.constant 3 : i32
        %get3A_713 = arith.index_cast %get3A_712 : i32 to index
        %get3A_714 = arith.index_cast %add3A_705 : i32 to index
        %get3A_715 = arith.constant 16 : index
        %get3A_716 = tpu.vector_load %arg8[%get3A_713, %get3A_714, %get3A_715] {strides = array<i32>} : memref<4x200x64xf32, #tpu.memory_space<vmem>>, vector<1x1x16xf32>,
        %get3A_717 = vector.shape_cast %get3A_716 : vector<1x1x16xf32> to vector<16xf32>
        %add3A_718 = arith.addf %scan3A_699, %get3A_717 : vector<16xf32>
        %get3A_719 = arith.constant 3 : i32
        %get3A_720 = arith.index_cast %get3A_719 : i32 to index
        %get3A_721 = arith.index_cast %add3A_705 : i32 to index
        %get3A_722 = arith.constant 32 : index
        %get3A_723 = tpu.vector_load %arg8[%get3A_720, %get3A_721, %get3A_722] {strides = array<i32>} : memref<4x200x64xf32, #tpu.memory_space<vmem>>, vector<1x1x16xf32>,
        %get3A_724 = vector.shape_cast %get3A_723 : vector<1x1x16xf32> to vector<16xf32>
        %add3A_725 = arith.addf %scan3A_700, %get3A_724 : vector<16xf32>
        %get3A_726 = arith.constant 3 : i32
        %get3A_727 = arith.index_cast %get3A_726 : i32 to index
        %get3A_728 = arith.index_cast %add3A_705 : i32 to index
        %get3A_729 = arith.constant 48 : index
        %get3A_730 = tpu.vector_load %arg8[%get3A_727, %get3A_728, %get3A_729] {strides = array<i32>} : memref<4x200x64xf32, #tpu.memory_space<vmem>>, vector<1x1x16xf32>,
        %get3A_731 = vector.shape_cast %get3A_730 : vector<1x1x16xf32> to vector<16xf32>
        %add3A_732 = arith.addf %scan3A_701, %get3A_731 : vector<16xf32>
        %mul3A_733 = arith.constant 10 : i32
        %mul3A_734 = arith.muli %scan3A_697, %mul3A_733 : i32
        %add3A_735 = arith.constant 1 : i32
        %add3A_736 = arith.addi %mul3A_734, %add3A_735 : i32
        %get3A_737 = arith.constant 3 : i32
        %get3A_738 = arith.index_cast %get3A_737 : i32 to index
        %get3A_739 = arith.index_cast %add3A_736 : i32 to index
        %get3A_740 = arith.constant 0 : index
        %get3A_741 = tpu.vector_load %arg8[%get3A_738, %get3A_739, %get3A_740] {strides = array<i32>} : memref<4x200x64xf32, #tpu.memory_space<vmem>>, vector<1x1x16xf32>,
        %get3A_742 = vector.shape_cast %get3A_741 : vector<1x1x16xf32> to vector<16xf32>
        %add3A_743 = arith.addf %add3A_711, %get3A_742 : vector<16xf32>
        %get3A_744 = arith.constant 3 : i32
        %get3A_745 = arith.index_cast %get3A_744 : i32 to index
        %get3A_746 = arith.index_cast %add3A_736 : i32 to index
        %get3A_747 = arith.constant 16 : index
        %get3A_748 = tpu.vector_load %arg8[%get3A_745, %get3A_746, %get3A_747] {strides = array<i32>} : memref<4x200x64xf32, #tpu.memory_space<vmem>>, vector<1x1x16xf32>,
        %get3A_749 = vector.shape_cast %get3A_748 : vector<1x1x16xf32> to vector<16xf32>
        %add3A_750 = arith.addf %add3A_718, %get3A_749 : vector<16xf32>
        %get3A_751 = arith.constant 3 : i32
        %get3A_752 = arith.index_cast %get3A_751 : i32 to index
        %get3A_753 = arith.index_cast %add3A_736 : i32 to index
        %get3A_754 = arith.constant 32 : index
        %get3A_755 = tpu.vector_load %arg8[%get3A_752, %get3A_753, %get3A_754] {strides = array<i32>} : memref<4x200x64xf32, #tpu.memory_space<vmem>>, vector<1x1x16xf32>,
        %get3A_756 = vector.shape_cast %get3A_755 : vector<1x1x16xf32> to vector<16xf32>
        %add3A_757 = arith.addf %add3A_725, %get3A_756 : vector<16xf32>
        %get3A_758 = arith.constant 3 : i32
        %get3A_759 = arith.index_cast %get3A_758 : i32 to index
        %get3A_760 = arith.index_cast %add3A_736 : i32 to index
        %get3A_761 = arith.constant 48 : index
        %get3A_762 = tpu.vector_load %arg8[%get3A_759, %get3A_760, %get3A_761] {strides = array<i32>} : memref<4x200x64xf32, #tpu.memory_space<vmem>>, vector<1x1x16xf32>,
        %get3A_763 = vector.shape_cast %get3A_762 : vector<1x1x16xf32> to vector<16xf32>
        %add3A_764 = arith.addf %add3A_732, %get3A_763 : vector<16xf32>
        %mul3A_765 = arith.constant 10 : i32
        %mul3A_766 = arith.muli %scan3A_697, %mul3A_765 : i32
        %add3A_767 = arith.constant 2 : i32
        %add3A_768 = arith.addi %mul3A_766, %add3A_767 : i32
        %get3A_769 = arith.constant 3 : i32
        %get3A_770 = arith.index_cast %get3A_769 : i32 to index
        %get3A_771 = arith.index_cast %add3A_768 : i32 to index
        %get3A_772 = arith.constant 0 : index
        %get3A_773 = tpu.vector_load %arg8[%get3A_770, %get3A_771, %get3A_772] {strides = array<i32>} : memref<4x200x64xf32, #tpu.memory_space<vmem>>, vector<1x1x16xf32>,
        %get3A_774 = vector.shape_cast %get3A_773 : vector<1x1x16xf32> to vector<16xf32>
        %add3A_775 = arith.addf %add3A_743, %get3A_774 : vector<16xf32>
        %get3A_776 = arith.constant 3 : i32
        %get3A_777 = arith.index_cast %get3A_776 : i32 to index
        %get3A_778 = arith.index_cast %add3A_768 : i32 to index
        %get3A_779 = arith.constant 16 : index
        %get3A_780 = tpu.vector_load %arg8[%get3A_777, %get3A_778, %get3A_779] {strides = array<i32>} : memref<4x200x64xf32, #tpu.memory_space<vmem>>, vector<1x1x16xf32>,
        %get3A_781 = vector.shape_cast %get3A_780 : vector<1x1x16xf32> to vector<16xf32>
        %add3A_782 = arith.addf %add3A_750, %get3A_781 : vector<16xf32>
        %get3A_783 = arith.constant 3 : i32
        %get3A_784 = arith.index_cast %get3A_783 : i32 to index
        %get3A_785 = arith.index_cast %add3A_768 : i32 to index
        %get3A_786 = arith.constant 32 : index
        %get3A_787 = tpu.vector_load %arg8[%get3A_784, %get3A_785, %get3A_786] {strides = array<i32>} : memref<4x200x64xf32, #tpu.memory_space<vmem>>, vector<1x1x16xf32>,
        %get3A_788 = vector.shape_cast %get3A_787 : vector<1x1x16xf32> to vector<16xf32>
        %add3A_789 = arith.addf %add3A_757, %get3A_788 : vector<16xf32>
        %get3A_790 = arith.constant 3 : i32
        %get3A_791 = arith.index_cast %get3A_790 : i32 to index
        %get3A_792 = arith.index_cast %add3A_768 : i32 to index
        %get3A_793 = arith.constant 48 : index
        %get3A_794 = tpu.vector_load %arg8[%get3A_791, %get3A_792, %get3A_793] {strides = array<i32>} : memref<4x200x64xf32, #tpu.memory_space<vmem>>, vector<1x1x16xf32>,
        %get3A_795 = vector.shape_cast %get3A_794 : vector<1x1x16xf32> to vector<16xf32>
        %add3A_796 = arith.addf %add3A_764, %get3A_795 : vector<16xf32>
        %mul3A_797 = arith.constant 10 : i32
        %mul3A_798 = arith.muli %scan3A_697, %mul3A_797 : i32
        %add3A_799 = arith.constant 3 : i32
        %add3A_800 = arith.addi %mul3A_798, %add3A_799 : i32
        %get3A_801 = arith.constant 3 : i32
        %get3A_802 = arith.index_cast %get3A_801 : i32 to index
        %get3A_803 = arith.index_cast %add3A_800 : i32 to index
        %get3A_804 = arith.constant 0 : index
        %get3A_805 = tpu.vector_load %arg8[%get3A_802, %get3A_803, %get3A_804] {strides = array<i32>} : memref<4x200x64xf32, #tpu.memory_space<vmem>>, vector<1x1x16xf32>,
        %get3A_806 = vector.shape_cast %get3A_805 : vector<1x1x16xf32> to vector<16xf32>
        %add3A_807 = arith.addf %add3A_775, %get3A_806 : vector<16xf32>
        %get3A_808 = arith.constant 3 : i32
        %get3A_809 = arith.index_cast %get3A_808 : i32 to index
        %get3A_810 = arith.index_cast %add3A_800 : i32 to index
        %get3A_811 = arith.constant 16 : index
        %get3A_812 = tpu.vector_load %arg8[%get3A_809, %get3A_810, %get3A_811] {strides = array<i32>} : memref<4x200x64xf32, #tpu.memory_space<vmem>>, vector<1x1x16xf32>,
        %get3A_813 = vector.shape_cast %get3A_812 : vector<1x1x16xf32> to vector<16xf32>
        %add3A_814 = arith.addf %add3A_782, %get3A_813 : vector<16xf32>
        %get3A_815 = arith.constant 3 : i32
        %get3A_816 = arith.index_cast %get3A_815 : i32 to index
        %get3A_817 = arith.index_cast %add3A_800 : i32 to index
        %get3A_818 = arith.constant 32 : index
        %get3A_819 = tpu.vector_load %arg8[%get3A_816, %get3A_817, %get3A_818] {strides = array<i32>} : memref<4x200x64xf32, #tpu.memory_space<vmem>>, vector<1x1x16xf32>,
        %get3A_820 = vector.shape_cast %get3A_819 : vector<1x1x16xf32> to vector<16xf32>
        %add3A_821 = arith.addf %add3A_789, %get3A_820 : vector<16xf32>
        %get3A_822 = arith.constant 3 : i32
        %get3A_823 = arith.index_cast %get3A_822 : i32 to index
        %get3A_824 = arith.index_cast %add3A_800 : i32 to index
        %get3A_825 = arith.constant 48 : index
        %get3A_826 = tpu.vector_load %arg8[%get3A_823, %get3A_824, %get3A_825] {strides = array<i32>} : memref<4x200x64xf32, #tpu.memory_space<vmem>>, vector<1x1x16xf32>,
        %get3A_827 = vector.shape_cast %get3A_826 : vector<1x1x16xf32> to vector<16xf32>
        %add3A_828 = arith.addf %add3A_796, %get3A_827 : vector<16xf32>
        %mul3A_829 = arith.constant 10 : i32
        %mul3A_830 = arith.muli %scan3A_697, %mul3A_829 : i32
        %add3A_831 = arith.constant 4 : i32
        %add3A_832 = arith.addi %mul3A_830, %add3A_831 : i32
        %get3A_833 = arith.constant 3 : i32
        %get3A_834 = arith.index_cast %get3A_833 : i32 to index
        %get3A_835 = arith.index_cast %add3A_832 : i32 to index
        %get3A_836 = arith.constant 0 : index
        %get3A_837 = tpu.vector_load %arg8[%get3A_834, %get3A_835, %get3A_836] {strides = array<i32>} : memref<4x200x64xf32, #tpu.memory_space<vmem>>, vector<1x1x16xf32>,
        %get3A_838 = vector.shape_cast %get3A_837 : vector<1x1x16xf32> to vector<16xf32>
        %add3A_839 = arith.addf %add3A_807, %get3A_838 : vector<16xf32>
        %get3A_840 = arith.constant 3 : i32
        %get3A_841 = arith.index_cast %get3A_840 : i32 to index
        %get3A_842 = arith.index_cast %add3A_832 : i32 to index
        %get3A_843 = arith.constant 16 : index
        %get3A_844 = tpu.vector_load %arg8[%get3A_841, %get3A_842, %get3A_843] {strides = array<i32>} : memref<4x200x64xf32, #tpu.memory_space<vmem>>, vector<1x1x16xf32>,
        %get3A_845 = vector.shape_cast %get3A_844 : vector<1x1x16xf32> to vector<16xf32>
        %add3A_846 = arith.addf %add3A_814, %get3A_845 : vector<16xf32>
        %get3A_847 = arith.constant 3 : i32
        %get3A_848 = arith.index_cast %get3A_847 : i32 to index
        %get3A_849 = arith.index_cast %add3A_832 : i32 to index
        %get3A_850 = arith.constant 32 : index
        %get3A_851 = tpu.vector_load %arg8[%get3A_848, %get3A_849, %get3A_850] {strides = array<i32>} : memref<4x200x64xf32, #tpu.memory_space<vmem>>, vector<1x1x16xf32>,
        %get3A_852 = vector.shape_cast %get3A_851 : vector<1x1x16xf32> to vector<16xf32>
        %add3A_853 = arith.addf %add3A_821, %get3A_852 : vector<16xf32>
        %get3A_854 = arith.constant 3 : i32
        %get3A_855 = arith.index_cast %get3A_854 : i32 to index
        %get3A_856 = arith.index_cast %add3A_832 : i32 to index
        %get3A_857 = arith.constant 48 : index
        %get3A_858 = tpu.vector_load %arg8[%get3A_855, %get3A_856, %get3A_857] {strides = array<i32>} : memref<4x200x64xf32, #tpu.memory_space<vmem>>, vector<1x1x16xf32>,
        %get3A_859 = vector.shape_cast %get3A_858 : vector<1x1x16xf32> to vector<16xf32>
        %add3A_860 = arith.addf %add3A_828, %get3A_859 : vector<16xf32>
        %mul3A_861 = arith.constant 10 : i32
        %mul3A_862 = arith.muli %scan3A_697, %mul3A_861 : i32
        %add3A_863 = arith.constant 5 : i32
        %add3A_864 = arith.addi %mul3A_862, %add3A_863 : i32
        %get3A_865 = arith.constant 3 : i32
        %get3A_866 = arith.index_cast %get3A_865 : i32 to index
        %get3A_867 = arith.index_cast %add3A_864 : i32 to index
        %get3A_868 = arith.constant 0 : index
        %get3A_869 = tpu.vector_load %arg8[%get3A_866, %get3A_867, %get3A_868] {strides = array<i32>} : memref<4x200x64xf32, #tpu.memory_space<vmem>>, vector<1x1x16xf32>,
        %get3A_870 = vector.shape_cast %get3A_869 : vector<1x1x16xf32> to vector<16xf32>
        %add3A_871 = arith.addf %add3A_839, %get3A_870 : vector<16xf32>
        %get3A_872 = arith.constant 3 : i32
        %get3A_873 = arith.index_cast %get3A_872 : i32 to index
        %get3A_874 = arith.index_cast %add3A_864 : i32 to index
        %get3A_875 = arith.constant 16 : index
        %get3A_876 = tpu.vector_load %arg8[%get3A_873, %get3A_874, %get3A_875] {strides = array<i32>} : memref<4x200x64xf32, #tpu.memory_space<vmem>>, vector<1x1x16xf32>,
        %get3A_877 = vector.shape_cast %get3A_876 : vector<1x1x16xf32> to vector<16xf32>
        %add3A_878 = arith.addf %add3A_846, %get3A_877 : vector<16xf32>
        %get3A_879 = arith.constant 3 : i32
        %get3A_880 = arith.index_cast %get3A_879 : i32 to index
        %get3A_881 = arith.index_cast %add3A_864 : i32 to index
        %get3A_882 = arith.constant 32 : index
        %get3A_883 = tpu.vector_load %arg8[%get3A_880, %get3A_881, %get3A_882] {strides = array<i32>} : memref<4x200x64xf32, #tpu.memory_space<vmem>>, vector<1x1x16xf32>,
        %get3A_884 = vector.shape_cast %get3A_883 : vector<1x1x16xf32> to vector<16xf32>
        %add3A_885 = arith.addf %add3A_853, %get3A_884 : vector<16xf32>
        %get3A_886 = arith.constant 3 : i32
        %get3A_887 = arith.index_cast %get3A_886 : i32 to index
        %get3A_888 = arith.index_cast %add3A_864 : i32 to index
        %get3A_889 = arith.constant 48 : index
        %get3A_890 = tpu.vector_load %arg8[%get3A_887, %get3A_888, %get3A_889] {strides = array<i32>} : memref<4x200x64xf32, #tpu.memory_space<vmem>>, vector<1x1x16xf32>,
        %get3A_891 = vector.shape_cast %get3A_890 : vector<1x1x16xf32> to vector<16xf32>
        %add3A_892 = arith.addf %add3A_860, %get3A_891 : vector<16xf32>
        %mul3A_893 = arith.constant 10 : i32
        %mul3A_894 = arith.muli %scan3A_697, %mul3A_893 : i32
        %add3A_895 = arith.constant 6 : i32
        %add3A_896 = arith.addi %mul3A_894, %add3A_895 : i32
        %get3A_897 = arith.constant 3 : i32
        %get3A_898 = arith.index_cast %get3A_897 : i32 to index
        %get3A_899 = arith.index_cast %add3A_896 : i32 to index
        %get3A_900 = arith.constant 0 : index
        %get3A_901 = tpu.vector_load %arg8[%get3A_898, %get3A_899, %get3A_900] {strides = array<i32>} : memref<4x200x64xf32, #tpu.memory_space<vmem>>, vector<1x1x16xf32>,
        %get3A_902 = vector.shape_cast %get3A_901 : vector<1x1x16xf32> to vector<16xf32>
        %add3A_903 = arith.addf %add3A_871, %get3A_902 : vector<16xf32>
        %get3A_904 = arith.constant 3 : i32
        %get3A_905 = arith.index_cast %get3A_904 : i32 to index
        %get3A_906 = arith.index_cast %add3A_896 : i32 to index
        %get3A_907 = arith.constant 16 : index
        %get3A_908 = tpu.vector_load %arg8[%get3A_905, %get3A_906, %get3A_907] {strides = array<i32>} : memref<4x200x64xf32, #tpu.memory_space<vmem>>, vector<1x1x16xf32>,
        %get3A_909 = vector.shape_cast %get3A_908 : vector<1x1x16xf32> to vector<16xf32>
        %add3A_910 = arith.addf %add3A_878, %get3A_909 : vector<16xf32>
        %get3A_911 = arith.constant 3 : i32
        %get3A_912 = arith.index_cast %get3A_911 : i32 to index
        %get3A_913 = arith.index_cast %add3A_896 : i32 to index
        %get3A_914 = arith.constant 32 : index
        %get3A_915 = tpu.vector_load %arg8[%get3A_912, %get3A_913, %get3A_914] {strides = array<i32>} : memref<4x200x64xf32, #tpu.memory_space<vmem>>, vector<1x1x16xf32>,
        %get3A_916 = vector.shape_cast %get3A_915 : vector<1x1x16xf32> to vector<16xf32>
        %add3A_917 = arith.addf %add3A_885, %get3A_916 : vector<16xf32>
        %get3A_918 = arith.constant 3 : i32
        %get3A_919 = arith.index_cast %get3A_918 : i32 to index
        %get3A_920 = arith.index_cast %add3A_896 : i32 to index
        %get3A_921 = arith.constant 48 : index
        %get3A_922 = tpu.vector_load %arg8[%get3A_919, %get3A_920, %get3A_921] {strides = array<i32>} : memref<4x200x64xf32, #tpu.memory_space<vmem>>, vector<1x1x16xf32>,
        %get3A_923 = vector.shape_cast %get3A_922 : vector<1x1x16xf32> to vector<16xf32>
        %add3A_924 = arith.addf %add3A_892, %get3A_923 : vector<16xf32>
        %mul3A_925 = arith.constant 10 : i32
        %mul3A_926 = arith.muli %scan3A_697, %mul3A_925 : i32
        %add3A_927 = arith.constant 7 : i32
        %add3A_928 = arith.addi %mul3A_926, %add3A_927 : i32
        %get3A_929 = arith.constant 3 : i32
        %get3A_930 = arith.index_cast %get3A_929 : i32 to index
        %get3A_931 = arith.index_cast %add3A_928 : i32 to index
        %get3A_932 = arith.constant 0 : index
        %get3A_933 = tpu.vector_load %arg8[%get3A_930, %get3A_931, %get3A_932] {strides = array<i32>} : memref<4x200x64xf32, #tpu.memory_space<vmem>>, vector<1x1x16xf32>,
        %get3A_934 = vector.shape_cast %get3A_933 : vector<1x1x16xf32> to vector<16xf32>
        %add3A_935 = arith.addf %add3A_903, %get3A_934 : vector<16xf32>
        %get3A_936 = arith.constant 3 : i32
        %get3A_937 = arith.index_cast %get3A_936 : i32 to index
        %get3A_938 = arith.index_cast %add3A_928 : i32 to index
        %get3A_939 = arith.constant 16 : index
        %get3A_940 = tpu.vector_load %arg8[%get3A_937, %get3A_938, %get3A_939] {strides = array<i32>} : memref<4x200x64xf32, #tpu.memory_space<vmem>>, vector<1x1x16xf32>,
        %get3A_941 = vector.shape_cast %get3A_940 : vector<1x1x16xf32> to vector<16xf32>
        %add3A_942 = arith.addf %add3A_910, %get3A_941 : vector<16xf32>
        %get3A_943 = arith.constant 3 : i32
        %get3A_944 = arith.index_cast %get3A_943 : i32 to index
        %get3A_945 = arith.index_cast %add3A_928 : i32 to index
        %get3A_946 = arith.constant 32 : index
        %get3A_947 = tpu.vector_load %arg8[%get3A_944, %get3A_945, %get3A_946] {strides = array<i32>} : memref<4x200x64xf32, #tpu.memory_space<vmem>>, vector<1x1x16xf32>,
        %get3A_948 = vector.shape_cast %get3A_947 : vector<1x1x16xf32> to vector<16xf32>
        %add3A_949 = arith.addf %add3A_917, %get3A_948 : vector<16xf32>
        %get3A_950 = arith.constant 3 : i32
        %get3A_951 = arith.index_cast %get3A_950 : i32 to index
        %get3A_952 = arith.index_cast %add3A_928 : i32 to index
        %get3A_953 = arith.constant 48 : index
        %get3A_954 = tpu.vector_load %arg8[%get3A_951, %get3A_952, %get3A_953] {strides = array<i32>} : memref<4x200x64xf32, #tpu.memory_space<vmem>>, vector<1x1x16xf32>,
        %get3A_955 = vector.shape_cast %get3A_954 : vector<1x1x16xf32> to vector<16xf32>
        %add3A_956 = arith.addf %add3A_924, %get3A_955 : vector<16xf32>
        %mul3A_957 = arith.constant 10 : i32
        %mul3A_958 = arith.muli %scan3A_697, %mul3A_957 : i32
        %add3A_959 = arith.constant 8 : i32
        %add3A_960 = arith.addi %mul3A_958, %add3A_959 : i32
        %get3A_961 = arith.constant 3 : i32
        %get3A_962 = arith.index_cast %get3A_961 : i32 to index
        %get3A_963 = arith.index_cast %add3A_960 : i32 to index
        %get3A_964 = arith.constant 0 : index
        %get3A_965 = tpu.vector_load %arg8[%get3A_962, %get3A_963, %get3A_964] {strides = array<i32>} : memref<4x200x64xf32, #tpu.memory_space<vmem>>, vector<1x1x16xf32>,
        %get3A_966 = vector.shape_cast %get3A_965 : vector<1x1x16xf32> to vector<16xf32>
        %add3A_967 = arith.addf %add3A_935, %get3A_966 : vector<16xf32>
        %get3A_968 = arith.constant 3 : i32
        %get3A_969 = arith.index_cast %get3A_968 : i32 to index
        %get3A_970 = arith.index_cast %add3A_960 : i32 to index
        %get3A_971 = arith.constant 16 : index
        %get3A_972 = tpu.vector_load %arg8[%get3A_969, %get3A_970, %get3A_971] {strides = array<i32>} : memref<4x200x64xf32, #tpu.memory_space<vmem>>, vector<1x1x16xf32>,
        %get3A_973 = vector.shape_cast %get3A_972 : vector<1x1x16xf32> to vector<16xf32>
        %add3A_974 = arith.addf %add3A_942, %get3A_973 : vector<16xf32>
        %get3A_975 = arith.constant 3 : i32
        %get3A_976 = arith.index_cast %get3A_975 : i32 to index
        %get3A_977 = arith.index_cast %add3A_960 : i32 to index
        %get3A_978 = arith.constant 32 : index
        %get3A_979 = tpu.vector_load %arg8[%get3A_976, %get3A_977, %get3A_978] {strides = array<i32>} : memref<4x200x64xf32, #tpu.memory_space<vmem>>, vector<1x1x16xf32>,
        %get3A_980 = vector.shape_cast %get3A_979 : vector<1x1x16xf32> to vector<16xf32>
        %add3A_981 = arith.addf %add3A_949, %get3A_980 : vector<16xf32>
        %get3A_982 = arith.constant 3 : i32
        %get3A_983 = arith.index_cast %get3A_982 : i32 to index
        %get3A_984 = arith.index_cast %add3A_960 : i32 to index
        %get3A_985 = arith.constant 48 : index
        %get3A_986 = tpu.vector_load %arg8[%get3A_983, %get3A_984, %get3A_985] {strides = array<i32>} : memref<4x200x64xf32, #tpu.memory_space<vmem>>, vector<1x1x16xf32>,
        %get3A_987 = vector.shape_cast %get3A_986 : vector<1x1x16xf32> to vector<16xf32>
        %add3A_988 = arith.addf %add3A_956, %get3A_987 : vector<16xf32>
        %mul3A_989 = arith.constant 10 : i32
        %mul3A_990 = arith.muli %scan3A_697, %mul3A_989 : i32
        %add3A_991 = arith.constant 9 : i32
        %add3A_992 = arith.addi %mul3A_990, %add3A_991 : i32
        %get3A_993 = arith.constant 3 : i32
        %get3A_994 = arith.index_cast %get3A_993 : i32 to index
        %get3A_995 = arith.index_cast %add3A_992 : i32 to index
        %get3A_996 = arith.constant 0 : index
        %get3A_997 = tpu.vector_load %arg8[%get3A_994, %get3A_995, %get3A_996] {strides = array<i32>} : memref<4x200x64xf32, #tpu.memory_space<vmem>>, vector<1x1x16xf32>,
        %get3A_998 = vector.shape_cast %get3A_997 : vector<1x1x16xf32> to vector<16xf32>
        %add3A_999 = arith.addf %add3A_967, %get3A_998 : vector<16xf32>
        %get3A_1000 = arith.constant 3 : i32
        %get3A_1001 = arith.index_cast %get3A_1000 : i32 to index
        %get3A_1002 = arith.index_cast %add3A_992 : i32 to index
        %get3A_1003 = arith.constant 16 : index
        %get3A_1004 = tpu.vector_load %arg8[%get3A_1001, %get3A_1002, %get3A_1003] {strides = array<i32>} : memref<4x200x64xf32, #tpu.memory_space<vmem>>, vector<1x1x16xf32>,
        %get3A_1005 = vector.shape_cast %get3A_1004 : vector<1x1x16xf32> to vector<16xf32>
        %add3A_1006 = arith.addf %add3A_974, %get3A_1005 : vector<16xf32>
        %get3A_1007 = arith.constant 3 : i32
        %get3A_1008 = arith.index_cast %get3A_1007 : i32 to index
        %get3A_1009 = arith.index_cast %add3A_992 : i32 to index
        %get3A_1010 = arith.constant 32 : index
        %get3A_1011 = tpu.vector_load %arg8[%get3A_1008, %get3A_1009, %get3A_1010] {strides = array<i32>} : memref<4x200x64xf32, #tpu.memory_space<vmem>>, vector<1x1x16xf32>,
        %get3A_1012 = vector.shape_cast %get3A_1011 : vector<1x1x16xf32> to vector<16xf32>
        %add3A_1013 = arith.addf %add3A_981, %get3A_1012 : vector<16xf32>
        %get3A_1014 = arith.constant 3 : i32
        %get3A_1015 = arith.index_cast %get3A_1014 : i32 to index
        %get3A_1016 = arith.index_cast %add3A_992 : i32 to index
        %get3A_1017 = arith.constant 48 : index
        %get3A_1018 = tpu.vector_load %arg8[%get3A_1015, %get3A_1016, %get3A_1017] {strides = array<i32>} : memref<4x200x64xf32, #tpu.memory_space<vmem>>, vector<1x1x16xf32>,
        %get3A_1019 = vector.shape_cast %get3A_1018 : vector<1x1x16xf32> to vector<16xf32>
        %add3A_1020 = arith.addf %add3A_988, %get3A_1019 : vector<16xf32>
        scf.yield %add3A_999, %add3A_1006, %add3A_1013, %add3A_1020 : vector<16xf32>, vector<16xf32>, vector<16xf32>, vector<16xf32>
      }
      %scan3A_648 = arith.constant 20 : i32
      %mul3A_649 = arith.constant 4 : i32
      %mul3A_650 = arith.muli %scan3A_352, %mul3A_649 : i32
      %add3A_651 = arith.constant 3 : i32
      %add3A_652 = arith.addi %mul3A_650, %add3A_651 : i32
      %swap3A_653 = arith.index_cast %add3A_652 : i32 to index
      %swap3A_654 = arith.constant 0 : index
      %swap3A_655 = tpu.vector_load %arg9[%swap3A_653, %swap3A_654] {strides = array<i32>} : memref<128x64xf32, #tpu.memory_space<vmem>>, vector<1x16xf32>,
      %swap3A_656 = vector.shape_cast %swap3A_655 : vector<1x16xf32> to vector<16xf32>
      %swap3A_657 = vector.shape_cast %scan3A_647#0 : vector<16xf32> to vector<1x16xf32>
      tpu.vector_store %arg9[%swap3A_653, %swap3A_654], %swap3A_657 {strides = array<i32>} : memref<128x64xf32, #tpu.memory_space<vmem>>, vector<1x16xf32>,
      %swap3A_658 = arith.index_cast %add3A_652 : i32 to index
      %swap3A_659 = arith.constant 16 : index
      %swap3A_660 = tpu.vector_load %arg9[%swap3A_658, %swap3A_659] {strides = array<i32>} : memref<128x64xf32, #tpu.memory_space<vmem>>, vector<1x16xf32>,
      %swap3A_661 = vector.shape_cast %swap3A_660 : vector<1x16xf32> to vector<16xf32>
      %swap3A_662 = vector.shape_cast %scan3A_647#1 : vector<16xf32> to vector<1x16xf32>
      tpu.vector_store %arg9[%swap3A_658, %swap3A_659], %swap3A_662 {strides = array<i32>} : memref<128x64xf32, #tpu.memory_space<vmem>>, vector<1x16xf32>,
      %swap3A_663 = arith.index_cast %add3A_652 : i32 to index
      %swap3A_664 = arith.constant 32 : index
      %swap3A_665 = tpu.vector_load %arg9[%swap3A_663, %swap3A_664] {strides = array<i32>} : memref<128x64xf32, #tpu.memory_space<vmem>>, vector<1x16xf32>,
      %swap3A_666 = vector.shape_cast %swap3A_665 : vector<1x16xf32> to vector<16xf32>
      %swap3A_667 = vector.shape_cast %scan3A_647#2 : vector<16xf32> to vector<1x16xf32>
      tpu.vector_store %arg9[%swap3A_663, %swap3A_664], %swap3A_667 {strides = array<i32>} : memref<128x64xf32, #tpu.memory_space<vmem>>, vector<1x16xf32>,
      %swap3A_668 = arith.index_cast %add3A_652 : i32 to index
      %swap3A_669 = arith.constant 48 : index
      %swap3A_670 = tpu.vector_load %arg9[%swap3A_668, %swap3A_669] {strides = array<i32>} : memref<128x64xf32, #tpu.memory_space<vmem>>, vector<1x16xf32>,
      %swap3A_671 = vector.shape_cast %swap3A_670 : vector<1x16xf32> to vector<16xf32>
      %swap3A_672 = vector.shape_cast %scan3A_647#3 : vector<16xf32> to vector<1x16xf32>
      tpu.vector_store %arg9[%swap3A_668, %swap3A_669], %swap3A_672 {strides = array<i32>} : memref<128x64xf32, #tpu.memory_space<vmem>>, vector<1x16xf32>,
      %add3A_673 = arith.constant 4 : i32
      %add3A_674 = arith.addi %add3A_652, %add3A_673 : i32
      %dma_start3A_675 = arith.constant 3 : i32
      %dma_start3A_676 = arith.constant 0 : i32
      %dma_start3A_677 = arith.constant 0 : i32
      %dma_start3A_678 = tpu.memref_slice %arg8[%dma_start3A_675, %dma_start3A_676, %dma_start3A_677] : memref<4x200x64xf32, #tpu.memory_space<vmem>> -> memref<1x128x64xf32, #tpu.memory_space<vmem>>
      %dma_start3A_679 = tpu.memref_squeeze %dma_start3A_678 : memref<1x128x64xf32, #tpu.memory_space<vmem>> -> memref<128x64xf32, #tpu.memory_space<vmem>>
      %dma_start3A_680 = arith.constant 0 : i32
      %dma_start3A_681 = tpu.memref_slice %arg6[%add3A_674, %dma_start3A_680] : memref<128x128xi32, #tpu.memory_space<vmem>> -> memref<1x128xi32, #tpu.memory_space<vmem>>
      %dma_start3A_682 = tpu.memref_squeeze %dma_start3A_681 : memref<1x128xi32, #tpu.memory_space<vmem>> -> memref<128xi32, #tpu.memory_space<vmem>>
      %dma_start3A_683 = arith.constant 0 : i32
      %dma_start3A_684 = arith.constant 0 : i32
      %dma_start3A_685 = tpu.memref_slice %arg4[%dma_start3A_683, %dma_start3A_684] : memref<1000000x64xf32, #tpu.memory_space<hbm>> -> memref<1000000x64xf32, #tpu.memory_space<hbm>>
      tpu.enqueue_indirect_dma source(%dma_start3A_685 : memref<1000000x64xf32, #tpu.memory_space<hbm>>) target(%dma_start3A_679 : memref<128x64xf32, #tpu.memory_space<vmem>>) offsets(%dma_start3A_682 : memref<128xi32, #tpu.memory_space<vmem>>) semaphore(%arg13 : memref<!tpu.dma_semaphore, #tpu.memory_space<semaphore_mem>>)
      %dma_start3A_686 = arith.constant 3 : i32
      %dma_start3A_687 = arith.constant 128 : i32
      %dma_start3A_688 = arith.constant 0 : i32
      %dma_start3A_689 = tpu.memref_slice %arg8[%dma_start3A_686, %dma_start3A_687, %dma_start3A_688] : memref<4x200x64xf32, #tpu.memory_space<vmem>> -> memref<1x72x64xf32, #tpu.memory_space<vmem>>
      %dma_start3A_690 = tpu.memref_squeeze %dma_start3A_689 : memref<1x72x64xf32, #tpu.memory_space<vmem>> -> memref<72x64xf32, #tpu.memory_space<vmem>>
      %dma_start3A_691 = arith.constant 56 : i32
      %dma_start3A_692 = tpu.memref_slice %arg7[%add3A_674, %dma_start3A_691] : memref<128x128xi32, #tpu.memory_space<vmem>> -> memref<1x72xi32, #tpu.memory_space<vmem>>
      %dma_start3A_693 = tpu.memref_squeeze %dma_start3A_692 : memref<1x72xi32, #tpu.memory_space<vmem>> -> memref<72xi32, #tpu.memory_space<vmem>>
      %dma_start3A_694 = arith.constant 0 : i32
      %dma_start3A_695 = arith.constant 0 : i32
      %dma_start3A_696 = tpu.memref_slice %arg4[%dma_start3A_694, %dma_start3A_695] : memref<1000000x64xf32, #tpu.memory_space<hbm>> -> memref<1000000x64xf32, #tpu.memory_space<hbm>>
      tpu.enqueue_indirect_dma source(%dma_start3A_696 : memref<1000000x64xf32, #tpu.memory_space<hbm>>) target(%dma_start3A_690 : memref<72x64xf32, #tpu.memory_space<vmem>>) offsets(%dma_start3A_693 : memref<72xi32, #tpu.memory_space<vmem>>) semaphore(%arg13 : memref<!tpu.dma_semaphore, #tpu.memory_space<semaphore_mem>>)
    }
    %scan3A_104 = arith.constant 31 : i32
    %dma_wait3A = arith.constant 0 : i32
    %dma_wait3A_105 = arith.constant 0 : i32
    %dma_wait3A_106 = arith.constant 0 : i32
    %dma_wait3A_107 = arith.constant 0 : i32
    %dma_wait3A_108 = tpu.memref_slice %arg8[%dma_wait3A_105, %dma_wait3A_106, %dma_wait3A_107] : memref<4x200x64xf32, #tpu.memory_space<vmem>> -> memref<1x128x64xf32, #tpu.memory_space<vmem>>
    %dma_wait3A_109 = tpu.memref_squeeze %dma_wait3A_108 : memref<1x128x64xf32, #tpu.memory_space<vmem>> -> memref<128x64xf32, #tpu.memory_space<vmem>>
    %dma_wait3A_110 = arith.constant 0 : i32
    %dma_wait3A_111 = tpu.memref_slice %arg6[%dma_wait3A, %dma_wait3A_110] : memref<128x128xi32, #tpu.memory_space<vmem>> -> memref<1x128xi32, #tpu.memory_space<vmem>>
    %dma_wait3A_112 = tpu.memref_squeeze %dma_wait3A_111 : memref<1x128xi32, #tpu.memory_space<vmem>> -> memref<128xi32, #tpu.memory_space<vmem>>
    %dma_wait3A_113 = arith.constant 0 : i32
    %dma_wait3A_114 = arith.constant 0 : i32
    %dma_wait3A_115 = tpu.memref_slice %arg4[%dma_wait3A_113, %dma_wait3A_114] : memref<1000000x64xf32, #tpu.memory_space<hbm>> -> memref<1000000x64xf32, #tpu.memory_space<hbm>>
    tpu.wait_indirect_dma semaphore(%arg10 : memref<!tpu.dma_semaphore, #tpu.memory_space<semaphore_mem>>) src(%dma_wait3A_115 : memref<1000000x64xf32, #tpu.memory_space<hbm>>) dst(%dma_wait3A_109 : memref<128x64xf32, #tpu.memory_space<vmem>>)
    %dma_wait3A_116 = arith.constant 0 : i32
    %dma_wait3A_117 = arith.constant 0 : i32
    %dma_wait3A_118 = arith.constant 128 : i32
    %dma_wait3A_119 = arith.constant 0 : i32
    %dma_wait3A_120 = tpu.memref_slice %arg8[%dma_wait3A_117, %dma_wait3A_118, %dma_wait3A_119] : memref<4x200x64xf32, #tpu.memory_space<vmem>> -> memref<1x72x64xf32, #tpu.memory_space<vmem>>
    %dma_wait3A_121 = tpu.memref_squeeze %dma_wait3A_120 : memref<1x72x64xf32, #tpu.memory_space<vmem>> -> memref<72x64xf32, #tpu.memory_space<vmem>>
    %dma_wait3A_122 = arith.constant 56 : i32
    %dma_wait3A_123 = tpu.memref_slice %arg7[%dma_wait3A_116, %dma_wait3A_122] : memref<128x128xi32, #tpu.memory_space<vmem>> -> memref<1x72xi32, #tpu.memory_space<vmem>>
    %dma_wait3A_124 = tpu.memref_squeeze %dma_wait3A_123 : memref<1x72xi32, #tpu.memory_space<vmem>> -> memref<72xi32, #tpu.memory_space<vmem>>
    %dma_wait3A_125 = arith.constant 0 : i32
    %dma_wait3A_126 = arith.constant 0 : i32
    %dma_wait3A_127 = tpu.memref_slice %arg4[%dma_wait3A_125, %dma_wait3A_126] : memref<1000000x64xf32, #tpu.memory_space<hbm>> -> memref<1000000x64xf32, #tpu.memory_space<hbm>>
    tpu.wait_indirect_dma semaphore(%arg10 : memref<!tpu.dma_semaphore, #tpu.memory_space<semaphore_mem>>) src(%dma_wait3A_127 : memref<1000000x64xf32, #tpu.memory_space<hbm>>) dst(%dma_wait3A_121 : memref<72x64xf32, #tpu.memory_space<vmem>>)
    %broadcast_in_dim3A = arith.constant 0.000000e+00 : f32
    %broadcast_in_dim3A_128 = vector.broadcast %broadcast_in_dim3A : f32 to vector<16xf32>
    %broadcast_in_dim3A_129 = arith.constant 0.000000e+00 : f32
    %broadcast_in_dim3A_130 = vector.broadcast %broadcast_in_dim3A_129 : f32 to vector<16xf32>
    %broadcast_in_dim3A_131 = arith.constant 0.000000e+00 : f32
    %broadcast_in_dim3A_132 = vector.broadcast %broadcast_in_dim3A_131 : f32 to vector<16xf32>
    %broadcast_in_dim3A_133 = arith.constant 0.000000e+00 : f32
    %broadcast_in_dim3A_134 = vector.broadcast %broadcast_in_dim3A_133 : f32 to vector<16xf32>
    %scan3A_135 = arith.constant 0 : i32
    %scan3A_136 = arith.constant 20 : i32
    %scan3A_137 = arith.addi %scan3A_135, %scan3A_136 : i32
    %scan3A_138 = arith.constant 1 : i32
    %scan3A_139:4 = scf.for %scan3A_352 = %scan3A_135 to %scan3A_137 step %scan3A_138 iter_args(%scan3A_353 = %broadcast_in_dim3A_128, %scan3A_354 = %broadcast_in_dim3A_130, %scan3A_355 = %broadcast_in_dim3A_132, %scan3A_356 = %broadcast_in_dim3A_134) -> (vector<16xf32>, vector<16xf32>, vector<16xf32>, vector<16xf32>)  : i32 {
      %mul3A_357 = arith.constant 10 : i32
      %mul3A_358 = arith.muli %scan3A_352, %mul3A_357 : i32
      %add3A_359 = arith.constant 0 : i32
      %add3A_360 = arith.addi %mul3A_358, %add3A_359 : i32
      %get3A = arith.constant 0 : i32
      %get3A_361 = arith.index_cast %get3A : i32 to index
      %get3A_362 = arith.index_cast %add3A_360 : i32 to index
      %get3A_363 = arith.constant 0 : index
      %get3A_364 = tpu.vector_load %arg8[%get3A_361, %get3A_362, %get3A_363] {strides = array<i32>} : memref<4x200x64xf32, #tpu.memory_space<vmem>>, vector<1x1x16xf32>,
      %get3A_365 = vector.shape_cast %get3A_364 : vector<1x1x16xf32> to vector<16xf32>
      %add3A_366 = arith.addf %scan3A_353, %get3A_365 : vector<16xf32>
      %get3A_367 = arith.constant 0 : i32
      %get3A_368 = arith.index_cast %get3A_367 : i32 to index
      %get3A_369 = arith.index_cast %add3A_360 : i32 to index
      %get3A_370 = arith.constant 16 : index
      %get3A_371 = tpu.vector_load %arg8[%get3A_368, %get3A_369, %get3A_370] {strides = array<i32>} : memref<4x200x64xf32, #tpu.memory_space<vmem>>, vector<1x1x16xf32>,
      %get3A_372 = vector.shape_cast %get3A_371 : vector<1x1x16xf32> to vector<16xf32>
      %add3A_373 = arith.addf %scan3A_354, %get3A_372 : vector<16xf32>
      %get3A_374 = arith.constant 0 : i32
      %get3A_375 = arith.index_cast %get3A_374 : i32 to index
      %get3A_376 = arith.index_cast %add3A_360 : i32 to index
      %get3A_377 = arith.constant 32 : index
      %get3A_378 = tpu.vector_load %arg8[%get3A_375, %get3A_376, %get3A_377] {strides = array<i32>} : memref<4x200x64xf32, #tpu.memory_space<vmem>>, vector<1x1x16xf32>,
      %get3A_379 = vector.shape_cast %get3A_378 : vector<1x1x16xf32> to vector<16xf32>
      %add3A_380 = arith.addf %scan3A_355, %get3A_379 : vector<16xf32>
      %get3A_381 = arith.constant 0 : i32
      %get3A_382 = arith.index_cast %get3A_381 : i32 to index
      %get3A_383 = arith.index_cast %add3A_360 : i32 to index
      %get3A_384 = arith.constant 48 : index
      %get3A_385 = tpu.vector_load %arg8[%get3A_382, %get3A_383, %get3A_384] {strides = array<i32>} : memref<4x200x64xf32, #tpu.memory_space<vmem>>, vector<1x1x16xf32>,
      %get3A_386 = vector.shape_cast %get3A_385 : vector<1x1x16xf32> to vector<16xf32>
      %add3A_387 = arith.addf %scan3A_356, %get3A_386 : vector<16xf32>
      %mul3A_388 = arith.constant 10 : i32
      %mul3A_389 = arith.muli %scan3A_352, %mul3A_388 : i32
      %add3A_390 = arith.constant 1 : i32
      %add3A_391 = arith.addi %mul3A_389, %add3A_390 : i32
      %get3A_392 = arith.constant 0 : i32
      %get3A_393 = arith.index_cast %get3A_392 : i32 to index
      %get3A_394 = arith.index_cast %add3A_391 : i32 to index
      %get3A_395 = arith.constant 0 : index
      %get3A_396 = tpu.vector_load %arg8[%get3A_393, %get3A_394, %get3A_395] {strides = array<i32>} : memref<4x200x64xf32, #tpu.memory_space<vmem>>, vector<1x1x16xf32>,
      %get3A_397 = vector.shape_cast %get3A_396 : vector<1x1x16xf32> to vector<16xf32>
      %add3A_398 = arith.addf %add3A_366, %get3A_397 : vector<16xf32>
      %get3A_399 = arith.constant 0 : i32
      %get3A_400 = arith.index_cast %get3A_399 : i32 to index
      %get3A_401 = arith.index_cast %add3A_391 : i32 to index
      %get3A_402 = arith.constant 16 : index
      %get3A_403 = tpu.vector_load %arg8[%get3A_400, %get3A_401, %get3A_402] {strides = array<i32>} : memref<4x200x64xf32, #tpu.memory_space<vmem>>, vector<1x1x16xf32>,
      %get3A_404 = vector.shape_cast %get3A_403 : vector<1x1x16xf32> to vector<16xf32>
      %add3A_405 = arith.addf %add3A_373, %get3A_404 : vector<16xf32>
      %get3A_406 = arith.constant 0 : i32
      %get3A_407 = arith.index_cast %get3A_406 : i32 to index
      %get3A_408 = arith.index_cast %add3A_391 : i32 to index
      %get3A_409 = arith.constant 32 : index
      %get3A_410 = tpu.vector_load %arg8[%get3A_407, %get3A_408, %get3A_409] {strides = array<i32>} : memref<4x200x64xf32, #tpu.memory_space<vmem>>, vector<1x1x16xf32>,
      %get3A_411 = vector.shape_cast %get3A_410 : vector<1x1x16xf32> to vector<16xf32>
      %add3A_412 = arith.addf %add3A_380, %get3A_411 : vector<16xf32>
      %get3A_413 = arith.constant 0 : i32
      %get3A_414 = arith.index_cast %get3A_413 : i32 to index
      %get3A_415 = arith.index_cast %add3A_391 : i32 to index
      %get3A_416 = arith.constant 48 : index
      %get3A_417 = tpu.vector_load %arg8[%get3A_414, %get3A_415, %get3A_416] {strides = array<i32>} : memref<4x200x64xf32, #tpu.memory_space<vmem>>, vector<1x1x16xf32>,
      %get3A_418 = vector.shape_cast %get3A_417 : vector<1x1x16xf32> to vector<16xf32>
      %add3A_419 = arith.addf %add3A_387, %get3A_418 : vector<16xf32>
      %mul3A_420 = arith.constant 10 : i32
      %mul3A_421 = arith.muli %scan3A_352, %mul3A_420 : i32
      %add3A_422 = arith.constant 2 : i32
      %add3A_423 = arith.addi %mul3A_421, %add3A_422 : i32
      %get3A_424 = arith.constant 0 : i32
      %get3A_425 = arith.index_cast %get3A_424 : i32 to index
      %get3A_426 = arith.index_cast %add3A_423 : i32 to index
      %get3A_427 = arith.constant 0 : index
      %get3A_428 = tpu.vector_load %arg8[%get3A_425, %get3A_426, %get3A_427] {strides = array<i32>} : memref<4x200x64xf32, #tpu.memory_space<vmem>>, vector<1x1x16xf32>,
      %get3A_429 = vector.shape_cast %get3A_428 : vector<1x1x16xf32> to vector<16xf32>
      %add3A_430 = arith.addf %add3A_398, %get3A_429 : vector<16xf32>
      %get3A_431 = arith.constant 0 : i32
      %get3A_432 = arith.index_cast %get3A_431 : i32 to index
      %get3A_433 = arith.index_cast %add3A_423 : i32 to index
      %get3A_434 = arith.constant 16 : index
      %get3A_435 = tpu.vector_load %arg8[%get3A_432, %get3A_433, %get3A_434] {strides = array<i32>} : memref<4x200x64xf32, #tpu.memory_space<vmem>>, vector<1x1x16xf32>,
      %get3A_436 = vector.shape_cast %get3A_435 : vector<1x1x16xf32> to vector<16xf32>
      %add3A_437 = arith.addf %add3A_405, %get3A_436 : vector<16xf32>
      %get3A_438 = arith.constant 0 : i32
      %get3A_439 = arith.index_cast %get3A_438 : i32 to index
      %get3A_440 = arith.index_cast %add3A_423 : i32 to index
      %get3A_441 = arith.constant 32 : index
      %get3A_442 = tpu.vector_load %arg8[%get3A_439, %get3A_440, %get3A_441] {strides = array<i32>} : memref<4x200x64xf32, #tpu.memory_space<vmem>>, vector<1x1x16xf32>,
      %get3A_443 = vector.shape_cast %get3A_442 : vector<1x1x16xf32> to vector<16xf32>
      %add3A_444 = arith.addf %add3A_412, %get3A_443 : vector<16xf32>
      %get3A_445 = arith.constant 0 : i32
      %get3A_446 = arith.index_cast %get3A_445 : i32 to index
      %get3A_447 = arith.index_cast %add3A_423 : i32 to index
      %get3A_448 = arith.constant 48 : index
      %get3A_449 = tpu.vector_load %arg8[%get3A_446, %get3A_447, %get3A_448] {strides = array<i32>} : memref<4x200x64xf32, #tpu.memory_space<vmem>>, vector<1x1x16xf32>,
      %get3A_450 = vector.shape_cast %get3A_449 : vector<1x1x16xf32> to vector<16xf32>
      %add3A_451 = arith.addf %add3A_419, %get3A_450 : vector<16xf32>
      %mul3A_452 = arith.constant 10 : i32
      %mul3A_453 = arith.muli %scan3A_352, %mul3A_452 : i32
      %add3A_454 = arith.constant 3 : i32
      %add3A_455 = arith.addi %mul3A_453, %add3A_454 : i32
      %get3A_456 = arith.constant 0 : i32
      %get3A_457 = arith.index_cast %get3A_456 : i32 to index
      %get3A_458 = arith.index_cast %add3A_455 : i32 to index
      %get3A_459 = arith.constant 0 : index
      %get3A_460 = tpu.vector_load %arg8[%get3A_457, %get3A_458, %get3A_459] {strides = array<i32>} : memref<4x200x64xf32, #tpu.memory_space<vmem>>, vector<1x1x16xf32>,
      %get3A_461 = vector.shape_cast %get3A_460 : vector<1x1x16xf32> to vector<16xf32>
      %add3A_462 = arith.addf %add3A_430, %get3A_461 : vector<16xf32>
      %get3A_463 = arith.constant 0 : i32
      %get3A_464 = arith.index_cast %get3A_463 : i32 to index
      %get3A_465 = arith.index_cast %add3A_455 : i32 to index
      %get3A_466 = arith.constant 16 : index
      %get3A_467 = tpu.vector_load %arg8[%get3A_464, %get3A_465, %get3A_466] {strides = array<i32>} : memref<4x200x64xf32, #tpu.memory_space<vmem>>, vector<1x1x16xf32>,
      %get3A_468 = vector.shape_cast %get3A_467 : vector<1x1x16xf32> to vector<16xf32>
      %add3A_469 = arith.addf %add3A_437, %get3A_468 : vector<16xf32>
      %get3A_470 = arith.constant 0 : i32
      %get3A_471 = arith.index_cast %get3A_470 : i32 to index
      %get3A_472 = arith.index_cast %add3A_455 : i32 to index
      %get3A_473 = arith.constant 32 : index
      %get3A_474 = tpu.vector_load %arg8[%get3A_471, %get3A_472, %get3A_473] {strides = array<i32>} : memref<4x200x64xf32, #tpu.memory_space<vmem>>, vector<1x1x16xf32>,
      %get3A_475 = vector.shape_cast %get3A_474 : vector<1x1x16xf32> to vector<16xf32>
      %add3A_476 = arith.addf %add3A_444, %get3A_475 : vector<16xf32>
      %get3A_477 = arith.constant 0 : i32
      %get3A_478 = arith.index_cast %get3A_477 : i32 to index
      %get3A_479 = arith.index_cast %add3A_455 : i32 to index
      %get3A_480 = arith.constant 48 : index
      %get3A_481 = tpu.vector_load %arg8[%get3A_478, %get3A_479, %get3A_480] {strides = array<i32>} : memref<4x200x64xf32, #tpu.memory_space<vmem>>, vector<1x1x16xf32>,
      %get3A_482 = vector.shape_cast %get3A_481 : vector<1x1x16xf32> to vector<16xf32>
      %add3A_483 = arith.addf %add3A_451, %get3A_482 : vector<16xf32>
      %mul3A_484 = arith.constant 10 : i32
      %mul3A_485 = arith.muli %scan3A_352, %mul3A_484 : i32
      %add3A_486 = arith.constant 4 : i32
      %add3A_487 = arith.addi %mul3A_485, %add3A_486 : i32
      %get3A_488 = arith.constant 0 : i32
      %get3A_489 = arith.index_cast %get3A_488 : i32 to index
      %get3A_490 = arith.index_cast %add3A_487 : i32 to index
      %get3A_491 = arith.constant 0 : index
      %get3A_492 = tpu.vector_load %arg8[%get3A_489, %get3A_490, %get3A_491] {strides = array<i32>} : memref<4x200x64xf32, #tpu.memory_space<vmem>>, vector<1x1x16xf32>,
      %get3A_493 = vector.shape_cast %get3A_492 : vector<1x1x16xf32> to vector<16xf32>
      %add3A_494 = arith.addf %add3A_462, %get3A_493 : vector<16xf32>
      %get3A_495 = arith.constant 0 : i32
      %get3A_496 = arith.index_cast %get3A_495 : i32 to index
      %get3A_497 = arith.index_cast %add3A_487 : i32 to index
      %get3A_498 = arith.constant 16 : index
      %get3A_499 = tpu.vector_load %arg8[%get3A_496, %get3A_497, %get3A_498] {strides = array<i32>} : memref<4x200x64xf32, #tpu.memory_space<vmem>>, vector<1x1x16xf32>,
      %get3A_500 = vector.shape_cast %get3A_499 : vector<1x1x16xf32> to vector<16xf32>
      %add3A_501 = arith.addf %add3A_469, %get3A_500 : vector<16xf32>
      %get3A_502 = arith.constant 0 : i32
      %get3A_503 = arith.index_cast %get3A_502 : i32 to index
      %get3A_504 = arith.index_cast %add3A_487 : i32 to index
      %get3A_505 = arith.constant 32 : index
      %get3A_506 = tpu.vector_load %arg8[%get3A_503, %get3A_504, %get3A_505] {strides = array<i32>} : memref<4x200x64xf32, #tpu.memory_space<vmem>>, vector<1x1x16xf32>,
      %get3A_507 = vector.shape_cast %get3A_506 : vector<1x1x16xf32> to vector<16xf32>
      %add3A_508 = arith.addf %add3A_476, %get3A_507 : vector<16xf32>
      %get3A_509 = arith.constant 0 : i32
      %get3A_510 = arith.index_cast %get3A_509 : i32 to index
      %get3A_511 = arith.index_cast %add3A_487 : i32 to index
      %get3A_512 = arith.constant 48 : index
      %get3A_513 = tpu.vector_load %arg8[%get3A_510, %get3A_511, %get3A_512] {strides = array<i32>} : memref<4x200x64xf32, #tpu.memory_space<vmem>>, vector<1x1x16xf32>,
      %get3A_514 = vector.shape_cast %get3A_513 : vector<1x1x16xf32> to vector<16xf32>
      %add3A_515 = arith.addf %add3A_483, %get3A_514 : vector<16xf32>
      %mul3A_516 = arith.constant 10 : i32
      %mul3A_517 = arith.muli %scan3A_352, %mul3A_516 : i32
      %add3A_518 = arith.constant 5 : i32
      %add3A_519 = arith.addi %mul3A_517, %add3A_518 : i32
      %get3A_520 = arith.constant 0 : i32
      %get3A_521 = arith.index_cast %get3A_520 : i32 to index
      %get3A_522 = arith.index_cast %add3A_519 : i32 to index
      %get3A_523 = arith.constant 0 : index
      %get3A_524 = tpu.vector_load %arg8[%get3A_521, %get3A_522, %get3A_523] {strides = array<i32>} : memref<4x200x64xf32, #tpu.memory_space<vmem>>, vector<1x1x16xf32>,
      %get3A_525 = vector.shape_cast %get3A_524 : vector<1x1x16xf32> to vector<16xf32>
      %add3A_526 = arith.addf %add3A_494, %get3A_525 : vector<16xf32>
      %get3A_527 = arith.constant 0 : i32
      %get3A_528 = arith.index_cast %get3A_527 : i32 to index
      %get3A_529 = arith.index_cast %add3A_519 : i32 to index
      %get3A_530 = arith.constant 16 : index
      %get3A_531 = tpu.vector_load %arg8[%get3A_528, %get3A_529, %get3A_530] {strides = array<i32>} : memref<4x200x64xf32, #tpu.memory_space<vmem>>, vector<1x1x16xf32>,
      %get3A_532 = vector.shape_cast %get3A_531 : vector<1x1x16xf32> to vector<16xf32>
      %add3A_533 = arith.addf %add3A_501, %get3A_532 : vector<16xf32>
      %get3A_534 = arith.constant 0 : i32
      %get3A_535 = arith.index_cast %get3A_534 : i32 to index
      %get3A_536 = arith.index_cast %add3A_519 : i32 to index
      %get3A_537 = arith.constant 32 : index
      %get3A_538 = tpu.vector_load %arg8[%get3A_535, %get3A_536, %get3A_537] {strides = array<i32>} : memref<4x200x64xf32, #tpu.memory_space<vmem>>, vector<1x1x16xf32>,
      %get3A_539 = vector.shape_cast %get3A_538 : vector<1x1x16xf32> to vector<16xf32>
      %add3A_540 = arith.addf %add3A_508, %get3A_539 : vector<16xf32>
      %get3A_541 = arith.constant 0 : i32
      %get3A_542 = arith.index_cast %get3A_541 : i32 to index
      %get3A_543 = arith.index_cast %add3A_519 : i32 to index
      %get3A_544 = arith.constant 48 : index
      %get3A_545 = tpu.vector_load %arg8[%get3A_542, %get3A_543, %get3A_544] {strides = array<i32>} : memref<4x200x64xf32, #tpu.memory_space<vmem>>, vector<1x1x16xf32>,
      %get3A_546 = vector.shape_cast %get3A_545 : vector<1x1x16xf32> to vector<16xf32>
      %add3A_547 = arith.addf %add3A_515, %get3A_546 : vector<16xf32>
      %mul3A_548 = arith.constant 10 : i32
      %mul3A_549 = arith.muli %scan3A_352, %mul3A_548 : i32
      %add3A_550 = arith.constant 6 : i32
      %add3A_551 = arith.addi %mul3A_549, %add3A_550 : i32
      %get3A_552 = arith.constant 0 : i32
      %get3A_553 = arith.index_cast %get3A_552 : i32 to index
      %get3A_554 = arith.index_cast %add3A_551 : i32 to index
      %get3A_555 = arith.constant 0 : index
      %get3A_556 = tpu.vector_load %arg8[%get3A_553, %get3A_554, %get3A_555] {strides = array<i32>} : memref<4x200x64xf32, #tpu.memory_space<vmem>>, vector<1x1x16xf32>,
      %get3A_557 = vector.shape_cast %get3A_556 : vector<1x1x16xf32> to vector<16xf32>
      %add3A_558 = arith.addf %add3A_526, %get3A_557 : vector<16xf32>
      %get3A_559 = arith.constant 0 : i32
      %get3A_560 = arith.index_cast %get3A_559 : i32 to index
      %get3A_561 = arith.index_cast %add3A_551 : i32 to index
      %get3A_562 = arith.constant 16 : index
      %get3A_563 = tpu.vector_load %arg8[%get3A_560, %get3A_561, %get3A_562] {strides = array<i32>} : memref<4x200x64xf32, #tpu.memory_space<vmem>>, vector<1x1x16xf32>,
      %get3A_564 = vector.shape_cast %get3A_563 : vector<1x1x16xf32> to vector<16xf32>
      %add3A_565 = arith.addf %add3A_533, %get3A_564 : vector<16xf32>
      %get3A_566 = arith.constant 0 : i32
      %get3A_567 = arith.index_cast %get3A_566 : i32 to index
      %get3A_568 = arith.index_cast %add3A_551 : i32 to index
      %get3A_569 = arith.constant 32 : index
      %get3A_570 = tpu.vector_load %arg8[%get3A_567, %get3A_568, %get3A_569] {strides = array<i32>} : memref<4x200x64xf32, #tpu.memory_space<vmem>>, vector<1x1x16xf32>,
      %get3A_571 = vector.shape_cast %get3A_570 : vector<1x1x16xf32> to vector<16xf32>
      %add3A_572 = arith.addf %add3A_540, %get3A_571 : vector<16xf32>
      %get3A_573 = arith.constant 0 : i32
      %get3A_574 = arith.index_cast %get3A_573 : i32 to index
      %get3A_575 = arith.index_cast %add3A_551 : i32 to index
      %get3A_576 = arith.constant 48 : index
      %get3A_577 = tpu.vector_load %arg8[%get3A_574, %get3A_575, %get3A_576] {strides = array<i32>} : memref<4x200x64xf32, #tpu.memory_space<vmem>>, vector<1x1x16xf32>,
      %get3A_578 = vector.shape_cast %get3A_577 : vector<1x1x16xf32> to vector<16xf32>
      %add3A_579 = arith.addf %add3A_547, %get3A_578 : vector<16xf32>
      %mul3A_580 = arith.constant 10 : i32
      %mul3A_581 = arith.muli %scan3A_352, %mul3A_580 : i32
      %add3A_582 = arith.constant 7 : i32
      %add3A_583 = arith.addi %mul3A_581, %add3A_582 : i32
      %get3A_584 = arith.constant 0 : i32
      %get3A_585 = arith.index_cast %get3A_584 : i32 to index
      %get3A_586 = arith.index_cast %add3A_583 : i32 to index
      %get3A_587 = arith.constant 0 : index
      %get3A_588 = tpu.vector_load %arg8[%get3A_585, %get3A_586, %get3A_587] {strides = array<i32>} : memref<4x200x64xf32, #tpu.memory_space<vmem>>, vector<1x1x16xf32>,
      %get3A_589 = vector.shape_cast %get3A_588 : vector<1x1x16xf32> to vector<16xf32>
      %add3A_590 = arith.addf %add3A_558, %get3A_589 : vector<16xf32>
      %get3A_591 = arith.constant 0 : i32
      %get3A_592 = arith.index_cast %get3A_591 : i32 to index
      %get3A_593 = arith.index_cast %add3A_583 : i32 to index
      %get3A_594 = arith.constant 16 : index
      %get3A_595 = tpu.vector_load %arg8[%get3A_592, %get3A_593, %get3A_594] {strides = array<i32>} : memref<4x200x64xf32, #tpu.memory_space<vmem>>, vector<1x1x16xf32>,
      %get3A_596 = vector.shape_cast %get3A_595 : vector<1x1x16xf32> to vector<16xf32>
      %add3A_597 = arith.addf %add3A_565, %get3A_596 : vector<16xf32>
      %get3A_598 = arith.constant 0 : i32
      %get3A_599 = arith.index_cast %get3A_598 : i32 to index
      %get3A_600 = arith.index_cast %add3A_583 : i32 to index
      %get3A_601 = arith.constant 32 : index
      %get3A_602 = tpu.vector_load %arg8[%get3A_599, %get3A_600, %get3A_601] {strides = array<i32>} : memref<4x200x64xf32, #tpu.memory_space<vmem>>, vector<1x1x16xf32>,
      %get3A_603 = vector.shape_cast %get3A_602 : vector<1x1x16xf32> to vector<16xf32>
      %add3A_604 = arith.addf %add3A_572, %get3A_603 : vector<16xf32>
      %get3A_605 = arith.constant 0 : i32
      %get3A_606 = arith.index_cast %get3A_605 : i32 to index
      %get3A_607 = arith.index_cast %add3A_583 : i32 to index
      %get3A_608 = arith.constant 48 : index
      %get3A_609 = tpu.vector_load %arg8[%get3A_606, %get3A_607, %get3A_608] {strides = array<i32>} : memref<4x200x64xf32, #tpu.memory_space<vmem>>, vector<1x1x16xf32>,
      %get3A_610 = vector.shape_cast %get3A_609 : vector<1x1x16xf32> to vector<16xf32>
      %add3A_611 = arith.addf %add3A_579, %get3A_610 : vector<16xf32>
      %mul3A_612 = arith.constant 10 : i32
      %mul3A_613 = arith.muli %scan3A_352, %mul3A_612 : i32
      %add3A_614 = arith.constant 8 : i32
      %add3A_615 = arith.addi %mul3A_613, %add3A_614 : i32
      %get3A_616 = arith.constant 0 : i32
      %get3A_617 = arith.index_cast %get3A_616 : i32 to index
      %get3A_618 = arith.index_cast %add3A_615 : i32 to index
      %get3A_619 = arith.constant 0 : index
      %get3A_620 = tpu.vector_load %arg8[%get3A_617, %get3A_618, %get3A_619] {strides = array<i32>} : memref<4x200x64xf32, #tpu.memory_space<vmem>>, vector<1x1x16xf32>,
      %get3A_621 = vector.shape_cast %get3A_620 : vector<1x1x16xf32> to vector<16xf32>
      %add3A_622 = arith.addf %add3A_590, %get3A_621 : vector<16xf32>
      %get3A_623 = arith.constant 0 : i32
      %get3A_624 = arith.index_cast %get3A_623 : i32 to index
      %get3A_625 = arith.index_cast %add3A_615 : i32 to index
      %get3A_626 = arith.constant 16 : index
      %get3A_627 = tpu.vector_load %arg8[%get3A_624, %get3A_625, %get3A_626] {strides = array<i32>} : memref<4x200x64xf32, #tpu.memory_space<vmem>>, vector<1x1x16xf32>,
      %get3A_628 = vector.shape_cast %get3A_627 : vector<1x1x16xf32> to vector<16xf32>
      %add3A_629 = arith.addf %add3A_597, %get3A_628 : vector<16xf32>
      %get3A_630 = arith.constant 0 : i32
      %get3A_631 = arith.index_cast %get3A_630 : i32 to index
      %get3A_632 = arith.index_cast %add3A_615 : i32 to index
      %get3A_633 = arith.constant 32 : index
      %get3A_634 = tpu.vector_load %arg8[%get3A_631, %get3A_632, %get3A_633] {strides = array<i32>} : memref<4x200x64xf32, #tpu.memory_space<vmem>>, vector<1x1x16xf32>,
      %get3A_635 = vector.shape_cast %get3A_634 : vector<1x1x16xf32> to vector<16xf32>
      %add3A_636 = arith.addf %add3A_604, %get3A_635 : vector<16xf32>
      %get3A_637 = arith.constant 0 : i32
      %get3A_638 = arith.index_cast %get3A_637 : i32 to index
      %get3A_639 = arith.index_cast %add3A_615 : i32 to index
      %get3A_640 = arith.constant 48 : index
      %get3A_641 = tpu.vector_load %arg8[%get3A_638, %get3A_639, %get3A_640] {strides = array<i32>} : memref<4x200x64xf32, #tpu.memory_space<vmem>>, vector<1x1x16xf32>,
      %get3A_642 = vector.shape_cast %get3A_641 : vector<1x1x16xf32> to vector<16xf32>
      %add3A_643 = arith.addf %add3A_611, %get3A_642 : vector<16xf32>
      %mul3A_644 = arith.constant 10 : i32
      %mul3A_645 = arith.muli %scan3A_352, %mul3A_644 : i32
      %add3A_646 = arith.constant 9 : i32
      %add3A_647 = arith.addi %mul3A_645, %add3A_646 : i32
      %get3A_648 = arith.constant 0 : i32
      %get3A_649 = arith.index_cast %get3A_648 : i32 to index
      %get3A_650 = arith.index_cast %add3A_647 : i32 to index
      %get3A_651 = arith.constant 0 : index
      %get3A_652 = tpu.vector_load %arg8[%get3A_649, %get3A_650, %get3A_651] {strides = array<i32>} : memref<4x200x64xf32, #tpu.memory_space<vmem>>, vector<1x1x16xf32>,
      %get3A_653 = vector.shape_cast %get3A_652 : vector<1x1x16xf32> to vector<16xf32>
      %add3A_654 = arith.addf %add3A_622, %get3A_653 : vector<16xf32>
      %get3A_655 = arith.constant 0 : i32
      %get3A_656 = arith.index_cast %get3A_655 : i32 to index
      %get3A_657 = arith.index_cast %add3A_647 : i32 to index
      %get3A_658 = arith.constant 16 : index
      %get3A_659 = tpu.vector_load %arg8[%get3A_656, %get3A_657, %get3A_658] {strides = array<i32>} : memref<4x200x64xf32, #tpu.memory_space<vmem>>, vector<1x1x16xf32>,
      %get3A_660 = vector.shape_cast %get3A_659 : vector<1x1x16xf32> to vector<16xf32>
      %add3A_661 = arith.addf %add3A_629, %get3A_660 : vector<16xf32>
      %get3A_662 = arith.constant 0 : i32
      %get3A_663 = arith.index_cast %get3A_662 : i32 to index
      %get3A_664 = arith.index_cast %add3A_647 : i32 to index
      %get3A_665 = arith.constant 32 : index
      %get3A_666 = tpu.vector_load %arg8[%get3A_663, %get3A_664, %get3A_665] {strides = array<i32>} : memref<4x200x64xf32, #tpu.memory_space<vmem>>, vector<1x1x16xf32>,
      %get3A_667 = vector.shape_cast %get3A_666 : vector<1x1x16xf32> to vector<16xf32>
      %add3A_668 = arith.addf %add3A_636, %get3A_667 : vector<16xf32>
      %get3A_669 = arith.constant 0 : i32
      %get3A_670 = arith.index_cast %get3A_669 : i32 to index
      %get3A_671 = arith.index_cast %add3A_647 : i32 to index
      %get3A_672 = arith.constant 48 : index
      %get3A_673 = tpu.vector_load %arg8[%get3A_670, %get3A_671, %get3A_672] {strides = array<i32>} : memref<4x200x64xf32, #tpu.memory_space<vmem>>, vector<1x1x16xf32>,
      %get3A_674 = vector.shape_cast %get3A_673 : vector<1x1x16xf32> to vector<16xf32>
      %add3A_675 = arith.addf %add3A_643, %get3A_674 : vector<16xf32>
      scf.yield %add3A_654, %add3A_661, %add3A_668, %add3A_675 : vector<16xf32>, vector<16xf32>, vector<16xf32>, vector<16xf32>
    }
    %scan3A_140 = arith.constant 20 : i32
    %swap3A = arith.constant 124 : i32
    %swap3A_141 = arith.index_cast %swap3A : i32 to index
    %swap3A_142 = arith.constant 0 : index
    %swap3A_143 = tpu.vector_load %arg9[%swap3A_141, %swap3A_142] {strides = array<i32>} : memref<128x64xf32, #tpu.memory_space<vmem>>, vector<1x16xf32>,
    %swap3A_144 = vector.shape_cast %swap3A_143 : vector<1x16xf32> to vector<16xf32>
    %swap3A_145 = vector.shape_cast %scan3A_139#0 : vector<16xf32> to vector<1x16xf32>
    tpu.vector_store %arg9[%swap3A_141, %swap3A_142], %swap3A_145 {strides = array<i32>} : memref<128x64xf32, #tpu.memory_space<vmem>>, vector<1x16xf32>,
    %swap3A_146 = arith.constant 124 : i32
    %swap3A_147 = arith.index_cast %swap3A_146 : i32 to index
    %swap3A_148 = arith.constant 16 : index
    %swap3A_149 = tpu.vector_load %arg9[%swap3A_147, %swap3A_148] {strides = array<i32>} : memref<128x64xf32, #tpu.memory_space<vmem>>, vector<1x16xf32>,
    %swap3A_150 = vector.shape_cast %swap3A_149 : vector<1x16xf32> to vector<16xf32>
    %swap3A_151 = vector.shape_cast %scan3A_139#1 : vector<16xf32> to vector<1x16xf32>
    tpu.vector_store %arg9[%swap3A_147, %swap3A_148], %swap3A_151 {strides = array<i32>} : memref<128x64xf32, #tpu.memory_space<vmem>>, vector<1x16xf32>,
    %swap3A_152 = arith.constant 124 : i32
    %swap3A_153 = arith.index_cast %swap3A_152 : i32 to index
    %swap3A_154 = arith.constant 32 : index
    %swap3A_155 = tpu.vector_load %arg9[%swap3A_153, %swap3A_154] {strides = array<i32>} : memref<128x64xf32, #tpu.memory_space<vmem>>, vector<1x16xf32>,
    %swap3A_156 = vector.shape_cast %swap3A_155 : vector<1x16xf32> to vector<16xf32>
    %swap3A_157 = vector.shape_cast %scan3A_139#2 : vector<16xf32> to vector<1x16xf32>
    tpu.vector_store %arg9[%swap3A_153, %swap3A_154], %swap3A_157 {strides = array<i32>} : memref<128x64xf32, #tpu.memory_space<vmem>>, vector<1x16xf32>,
    %swap3A_158 = arith.constant 124 : i32
    %swap3A_159 = arith.index_cast %swap3A_158 : i32 to index
    %swap3A_160 = arith.constant 48 : index
    %swap3A_161 = tpu.vector_load %arg9[%swap3A_159, %swap3A_160] {strides = array<i32>} : memref<128x64xf32, #tpu.memory_space<vmem>>, vector<1x16xf32>,
    %swap3A_162 = vector.shape_cast %swap3A_161 : vector<1x16xf32> to vector<16xf32>
    %swap3A_163 = vector.shape_cast %scan3A_139#3 : vector<16xf32> to vector<1x16xf32>
    tpu.vector_store %arg9[%swap3A_159, %swap3A_160], %swap3A_163 {strides = array<i32>} : memref<128x64xf32, #tpu.memory_space<vmem>>, vector<1x16xf32>,
    %dma_wait3A_164 = arith.constant 0 : i32
    %dma_wait3A_165 = arith.constant 1 : i32
    %dma_wait3A_166 = arith.constant 0 : i32
    %dma_wait3A_167 = arith.constant 0 : i32
    %dma_wait3A_168 = tpu.memref_slice %arg8[%dma_wait3A_165, %dma_wait3A_166, %dma_wait3A_167] : memref<4x200x64xf32, #tpu.memory_space<vmem>> -> memref<1x128x64xf32, #tpu.memory_space<vmem>>
    %dma_wait3A_169 = tpu.memref_squeeze %dma_wait3A_168 : memref<1x128x64xf32, #tpu.memory_space<vmem>> -> memref<128x64xf32, #tpu.memory_space<vmem>>
    %dma_wait3A_170 = arith.constant 0 : i32
    %dma_wait3A_171 = tpu.memref_slice %arg6[%dma_wait3A_164, %dma_wait3A_170] : memref<128x128xi32, #tpu.memory_space<vmem>> -> memref<1x128xi32, #tpu.memory_space<vmem>>
    %dma_wait3A_172 = tpu.memref_squeeze %dma_wait3A_171 : memref<1x128xi32, #tpu.memory_space<vmem>> -> memref<128xi32, #tpu.memory_space<vmem>>
    %dma_wait3A_173 = arith.constant 0 : i32
    %dma_wait3A_174 = arith.constant 0 : i32
    %dma_wait3A_175 = tpu.memref_slice %arg4[%dma_wait3A_173, %dma_wait3A_174] : memref<1000000x64xf32, #tpu.memory_space<hbm>> -> memref<1000000x64xf32, #tpu.memory_space<hbm>>
    tpu.wait_indirect_dma semaphore(%arg11 : memref<!tpu.dma_semaphore, #tpu.memory_space<semaphore_mem>>) src(%dma_wait3A_175 : memref<1000000x64xf32, #tpu.memory_space<hbm>>) dst(%dma_wait3A_169 : memref<128x64xf32, #tpu.memory_space<vmem>>)
    %dma_wait3A_176 = arith.constant 0 : i32
    %dma_wait3A_177 = arith.constant 1 : i32
    %dma_wait3A_178 = arith.constant 128 : i32
    %dma_wait3A_179 = arith.constant 0 : i32
    %dma_wait3A_180 = tpu.memref_slice %arg8[%dma_wait3A_177, %dma_wait3A_178, %dma_wait3A_179] : memref<4x200x64xf32, #tpu.memory_space<vmem>> -> memref<1x72x64xf32, #tpu.memory_space<vmem>>
    %dma_wait3A_181 = tpu.memref_squeeze %dma_wait3A_180 : memref<1x72x64xf32, #tpu.memory_space<vmem>> -> memref<72x64xf32, #tpu.memory_space<vmem>>
    %dma_wait3A_182 = arith.constant 56 : i32
    %dma_wait3A_183 = tpu.memref_slice %arg7[%dma_wait3A_176, %dma_wait3A_182] : memref<128x128xi32, #tpu.memory_space<vmem>> -> memref<1x72xi32, #tpu.memory_space<vmem>>
    %dma_wait3A_184 = tpu.memref_squeeze %dma_wait3A_183 : memref<1x72xi32, #tpu.memory_space<vmem>> -> memref<72xi32, #tpu.memory_space<vmem>>
    %dma_wait3A_185 = arith.constant 0 : i32
    %dma_wait3A_186 = arith.constant 0 : i32
    %dma_wait3A_187 = tpu.memref_slice %arg4[%dma_wait3A_185, %dma_wait3A_186] : memref<1000000x64xf32, #tpu.memory_space<hbm>> -> memref<1000000x64xf32, #tpu.memory_space<hbm>>
    tpu.wait_indirect_dma semaphore(%arg11 : memref<!tpu.dma_semaphore, #tpu.memory_space<semaphore_mem>>) src(%dma_wait3A_187 : memref<1000000x64xf32, #tpu.memory_space<hbm>>) dst(%dma_wait3A_181 : memref<72x64xf32, #tpu.memory_space<vmem>>)
    %broadcast_in_dim3A_188 = arith.constant 0.000000e+00 : f32
    %broadcast_in_dim3A_189 = vector.broadcast %broadcast_in_dim3A_188 : f32 to vector<16xf32>
    %broadcast_in_dim3A_190 = arith.constant 0.000000e+00 : f32
    %broadcast_in_dim3A_191 = vector.broadcast %broadcast_in_dim3A_190 : f32 to vector<16xf32>
    %broadcast_in_dim3A_192 = arith.constant 0.000000e+00 : f32
    %broadcast_in_dim3A_193 = vector.broadcast %broadcast_in_dim3A_192 : f32 to vector<16xf32>
    %broadcast_in_dim3A_194 = arith.constant 0.000000e+00 : f32
    %broadcast_in_dim3A_195 = vector.broadcast %broadcast_in_dim3A_194 : f32 to vector<16xf32>
    %scan3A_196 = arith.constant 0 : i32
    %scan3A_197 = arith.constant 20 : i32
    %scan3A_198 = arith.addi %scan3A_196, %scan3A_197 : i32
    %scan3A_199 = arith.constant 1 : i32
    %scan3A_200:4 = scf.for %scan3A_352 = %scan3A_196 to %scan3A_198 step %scan3A_199 iter_args(%scan3A_353 = %broadcast_in_dim3A_189, %scan3A_354 = %broadcast_in_dim3A_191, %scan3A_355 = %broadcast_in_dim3A_193, %scan3A_356 = %broadcast_in_dim3A_195) -> (vector<16xf32>, vector<16xf32>, vector<16xf32>, vector<16xf32>)  : i32 {
      %mul3A_357 = arith.constant 10 : i32
      %mul3A_358 = arith.muli %scan3A_352, %mul3A_357 : i32
      %add3A_359 = arith.constant 0 : i32
      %add3A_360 = arith.addi %mul3A_358, %add3A_359 : i32
      %get3A = arith.constant 1 : i32
      %get3A_361 = arith.index_cast %get3A : i32 to index
      %get3A_362 = arith.index_cast %add3A_360 : i32 to index
      %get3A_363 = arith.constant 0 : index
      %get3A_364 = tpu.vector_load %arg8[%get3A_361, %get3A_362, %get3A_363] {strides = array<i32>} : memref<4x200x64xf32, #tpu.memory_space<vmem>>, vector<1x1x16xf32>,
      %get3A_365 = vector.shape_cast %get3A_364 : vector<1x1x16xf32> to vector<16xf32>
      %add3A_366 = arith.addf %scan3A_353, %get3A_365 : vector<16xf32>
      %get3A_367 = arith.constant 1 : i32
      %get3A_368 = arith.index_cast %get3A_367 : i32 to index
      %get3A_369 = arith.index_cast %add3A_360 : i32 to index
      %get3A_370 = arith.constant 16 : index
      %get3A_371 = tpu.vector_load %arg8[%get3A_368, %get3A_369, %get3A_370] {strides = array<i32>} : memref<4x200x64xf32, #tpu.memory_space<vmem>>, vector<1x1x16xf32>,
      %get3A_372 = vector.shape_cast %get3A_371 : vector<1x1x16xf32> to vector<16xf32>
      %add3A_373 = arith.addf %scan3A_354, %get3A_372 : vector<16xf32>
      %get3A_374 = arith.constant 1 : i32
      %get3A_375 = arith.index_cast %get3A_374 : i32 to index
      %get3A_376 = arith.index_cast %add3A_360 : i32 to index
      %get3A_377 = arith.constant 32 : index
      %get3A_378 = tpu.vector_load %arg8[%get3A_375, %get3A_376, %get3A_377] {strides = array<i32>} : memref<4x200x64xf32, #tpu.memory_space<vmem>>, vector<1x1x16xf32>,
      %get3A_379 = vector.shape_cast %get3A_378 : vector<1x1x16xf32> to vector<16xf32>
      %add3A_380 = arith.addf %scan3A_355, %get3A_379 : vector<16xf32>
      %get3A_381 = arith.constant 1 : i32
      %get3A_382 = arith.index_cast %get3A_381 : i32 to index
      %get3A_383 = arith.index_cast %add3A_360 : i32 to index
      %get3A_384 = arith.constant 48 : index
      %get3A_385 = tpu.vector_load %arg8[%get3A_382, %get3A_383, %get3A_384] {strides = array<i32>} : memref<4x200x64xf32, #tpu.memory_space<vmem>>, vector<1x1x16xf32>,
      %get3A_386 = vector.shape_cast %get3A_385 : vector<1x1x16xf32> to vector<16xf32>
      %add3A_387 = arith.addf %scan3A_356, %get3A_386 : vector<16xf32>
      %mul3A_388 = arith.constant 10 : i32
      %mul3A_389 = arith.muli %scan3A_352, %mul3A_388 : i32
      %add3A_390 = arith.constant 1 : i32
      %add3A_391 = arith.addi %mul3A_389, %add3A_390 : i32
      %get3A_392 = arith.constant 1 : i32
      %get3A_393 = arith.index_cast %get3A_392 : i32 to index
      %get3A_394 = arith.index_cast %add3A_391 : i32 to index
      %get3A_395 = arith.constant 0 : index
      %get3A_396 = tpu.vector_load %arg8[%get3A_393, %get3A_394, %get3A_395] {strides = array<i32>} : memref<4x200x64xf32, #tpu.memory_space<vmem>>, vector<1x1x16xf32>,
      %get3A_397 = vector.shape_cast %get3A_396 : vector<1x1x16xf32> to vector<16xf32>
      %add3A_398 = arith.addf %add3A_366, %get3A_397 : vector<16xf32>
      %get3A_399 = arith.constant 1 : i32
      %get3A_400 = arith.index_cast %get3A_399 : i32 to index
      %get3A_401 = arith.index_cast %add3A_391 : i32 to index
      %get3A_402 = arith.constant 16 : index
      %get3A_403 = tpu.vector_load %arg8[%get3A_400, %get3A_401, %get3A_402] {strides = array<i32>} : memref<4x200x64xf32, #tpu.memory_space<vmem>>, vector<1x1x16xf32>,
      %get3A_404 = vector.shape_cast %get3A_403 : vector<1x1x16xf32> to vector<16xf32>
      %add3A_405 = arith.addf %add3A_373, %get3A_404 : vector<16xf32>
      %get3A_406 = arith.constant 1 : i32
      %get3A_407 = arith.index_cast %get3A_406 : i32 to index
      %get3A_408 = arith.index_cast %add3A_391 : i32 to index
      %get3A_409 = arith.constant 32 : index
      %get3A_410 = tpu.vector_load %arg8[%get3A_407, %get3A_408, %get3A_409] {strides = array<i32>} : memref<4x200x64xf32, #tpu.memory_space<vmem>>, vector<1x1x16xf32>,
      %get3A_411 = vector.shape_cast %get3A_410 : vector<1x1x16xf32> to vector<16xf32>
      %add3A_412 = arith.addf %add3A_380, %get3A_411 : vector<16xf32>
      %get3A_413 = arith.constant 1 : i32
      %get3A_414 = arith.index_cast %get3A_413 : i32 to index
      %get3A_415 = arith.index_cast %add3A_391 : i32 to index
      %get3A_416 = arith.constant 48 : index
      %get3A_417 = tpu.vector_load %arg8[%get3A_414, %get3A_415, %get3A_416] {strides = array<i32>} : memref<4x200x64xf32, #tpu.memory_space<vmem>>, vector<1x1x16xf32>,
      %get3A_418 = vector.shape_cast %get3A_417 : vector<1x1x16xf32> to vector<16xf32>
      %add3A_419 = arith.addf %add3A_387, %get3A_418 : vector<16xf32>
      %mul3A_420 = arith.constant 10 : i32
      %mul3A_421 = arith.muli %scan3A_352, %mul3A_420 : i32
      %add3A_422 = arith.constant 2 : i32
      %add3A_423 = arith.addi %mul3A_421, %add3A_422 : i32
      %get3A_424 = arith.constant 1 : i32
      %get3A_425 = arith.index_cast %get3A_424 : i32 to index
      %get3A_426 = arith.index_cast %add3A_423 : i32 to index
      %get3A_427 = arith.constant 0 : index
      %get3A_428 = tpu.vector_load %arg8[%get3A_425, %get3A_426, %get3A_427] {strides = array<i32>} : memref<4x200x64xf32, #tpu.memory_space<vmem>>, vector<1x1x16xf32>,
      %get3A_429 = vector.shape_cast %get3A_428 : vector<1x1x16xf32> to vector<16xf32>
      %add3A_430 = arith.addf %add3A_398, %get3A_429 : vector<16xf32>
      %get3A_431 = arith.constant 1 : i32
      %get3A_432 = arith.index_cast %get3A_431 : i32 to index
      %get3A_433 = arith.index_cast %add3A_423 : i32 to index
      %get3A_434 = arith.constant 16 : index
      %get3A_435 = tpu.vector_load %arg8[%get3A_432, %get3A_433, %get3A_434] {strides = array<i32>} : memref<4x200x64xf32, #tpu.memory_space<vmem>>, vector<1x1x16xf32>,
      %get3A_436 = vector.shape_cast %get3A_435 : vector<1x1x16xf32> to vector<16xf32>
      %add3A_437 = arith.addf %add3A_405, %get3A_436 : vector<16xf32>
      %get3A_438 = arith.constant 1 : i32
      %get3A_439 = arith.index_cast %get3A_438 : i32 to index
      %get3A_440 = arith.index_cast %add3A_423 : i32 to index
      %get3A_441 = arith.constant 32 : index
      %get3A_442 = tpu.vector_load %arg8[%get3A_439, %get3A_440, %get3A_441] {strides = array<i32>} : memref<4x200x64xf32, #tpu.memory_space<vmem>>, vector<1x1x16xf32>,
      %get3A_443 = vector.shape_cast %get3A_442 : vector<1x1x16xf32> to vector<16xf32>
      %add3A_444 = arith.addf %add3A_412, %get3A_443 : vector<16xf32>
      %get3A_445 = arith.constant 1 : i32
      %get3A_446 = arith.index_cast %get3A_445 : i32 to index
      %get3A_447 = arith.index_cast %add3A_423 : i32 to index
      %get3A_448 = arith.constant 48 : index
      %get3A_449 = tpu.vector_load %arg8[%get3A_446, %get3A_447, %get3A_448] {strides = array<i32>} : memref<4x200x64xf32, #tpu.memory_space<vmem>>, vector<1x1x16xf32>,
      %get3A_450 = vector.shape_cast %get3A_449 : vector<1x1x16xf32> to vector<16xf32>
      %add3A_451 = arith.addf %add3A_419, %get3A_450 : vector<16xf32>
      %mul3A_452 = arith.constant 10 : i32
      %mul3A_453 = arith.muli %scan3A_352, %mul3A_452 : i32
      %add3A_454 = arith.constant 3 : i32
      %add3A_455 = arith.addi %mul3A_453, %add3A_454 : i32
      %get3A_456 = arith.constant 1 : i32
      %get3A_457 = arith.index_cast %get3A_456 : i32 to index
      %get3A_458 = arith.index_cast %add3A_455 : i32 to index
      %get3A_459 = arith.constant 0 : index
      %get3A_460 = tpu.vector_load %arg8[%get3A_457, %get3A_458, %get3A_459] {strides = array<i32>} : memref<4x200x64xf32, #tpu.memory_space<vmem>>, vector<1x1x16xf32>,
      %get3A_461 = vector.shape_cast %get3A_460 : vector<1x1x16xf32> to vector<16xf32>
      %add3A_462 = arith.addf %add3A_430, %get3A_461 : vector<16xf32>
      %get3A_463 = arith.constant 1 : i32
      %get3A_464 = arith.index_cast %get3A_463 : i32 to index
      %get3A_465 = arith.index_cast %add3A_455 : i32 to index
      %get3A_466 = arith.constant 16 : index
      %get3A_467 = tpu.vector_load %arg8[%get3A_464, %get3A_465, %get3A_466] {strides = array<i32>} : memref<4x200x64xf32, #tpu.memory_space<vmem>>, vector<1x1x16xf32>,
      %get3A_468 = vector.shape_cast %get3A_467 : vector<1x1x16xf32> to vector<16xf32>
      %add3A_469 = arith.addf %add3A_437, %get3A_468 : vector<16xf32>
      %get3A_470 = arith.constant 1 : i32
      %get3A_471 = arith.index_cast %get3A_470 : i32 to index
      %get3A_472 = arith.index_cast %add3A_455 : i32 to index
      %get3A_473 = arith.constant 32 : index
      %get3A_474 = tpu.vector_load %arg8[%get3A_471, %get3A_472, %get3A_473] {strides = array<i32>} : memref<4x200x64xf32, #tpu.memory_space<vmem>>, vector<1x1x16xf32>,
      %get3A_475 = vector.shape_cast %get3A_474 : vector<1x1x16xf32> to vector<16xf32>
      %add3A_476 = arith.addf %add3A_444, %get3A_475 : vector<16xf32>
      %get3A_477 = arith.constant 1 : i32
      %get3A_478 = arith.index_cast %get3A_477 : i32 to index
      %get3A_479 = arith.index_cast %add3A_455 : i32 to index
      %get3A_480 = arith.constant 48 : index
      %get3A_481 = tpu.vector_load %arg8[%get3A_478, %get3A_479, %get3A_480] {strides = array<i32>} : memref<4x200x64xf32, #tpu.memory_space<vmem>>, vector<1x1x16xf32>,
      %get3A_482 = vector.shape_cast %get3A_481 : vector<1x1x16xf32> to vector<16xf32>
      %add3A_483 = arith.addf %add3A_451, %get3A_482 : vector<16xf32>
      %mul3A_484 = arith.constant 10 : i32
      %mul3A_485 = arith.muli %scan3A_352, %mul3A_484 : i32
      %add3A_486 = arith.constant 4 : i32
      %add3A_487 = arith.addi %mul3A_485, %add3A_486 : i32
      %get3A_488 = arith.constant 1 : i32
      %get3A_489 = arith.index_cast %get3A_488 : i32 to index
      %get3A_490 = arith.index_cast %add3A_487 : i32 to index
      %get3A_491 = arith.constant 0 : index
      %get3A_492 = tpu.vector_load %arg8[%get3A_489, %get3A_490, %get3A_491] {strides = array<i32>} : memref<4x200x64xf32, #tpu.memory_space<vmem>>, vector<1x1x16xf32>,
      %get3A_493 = vector.shape_cast %get3A_492 : vector<1x1x16xf32> to vector<16xf32>
      %add3A_494 = arith.addf %add3A_462, %get3A_493 : vector<16xf32>
      %get3A_495 = arith.constant 1 : i32
      %get3A_496 = arith.index_cast %get3A_495 : i32 to index
      %get3A_497 = arith.index_cast %add3A_487 : i32 to index
      %get3A_498 = arith.constant 16 : index
      %get3A_499 = tpu.vector_load %arg8[%get3A_496, %get3A_497, %get3A_498] {strides = array<i32>} : memref<4x200x64xf32, #tpu.memory_space<vmem>>, vector<1x1x16xf32>,
      %get3A_500 = vector.shape_cast %get3A_499 : vector<1x1x16xf32> to vector<16xf32>
      %add3A_501 = arith.addf %add3A_469, %get3A_500 : vector<16xf32>
      %get3A_502 = arith.constant 1 : i32
      %get3A_503 = arith.index_cast %get3A_502 : i32 to index
      %get3A_504 = arith.index_cast %add3A_487 : i32 to index
      %get3A_505 = arith.constant 32 : index
      %get3A_506 = tpu.vector_load %arg8[%get3A_503, %get3A_504, %get3A_505] {strides = array<i32>} : memref<4x200x64xf32, #tpu.memory_space<vmem>>, vector<1x1x16xf32>,
      %get3A_507 = vector.shape_cast %get3A_506 : vector<1x1x16xf32> to vector<16xf32>
      %add3A_508 = arith.addf %add3A_476, %get3A_507 : vector<16xf32>
      %get3A_509 = arith.constant 1 : i32
      %get3A_510 = arith.index_cast %get3A_509 : i32 to index
      %get3A_511 = arith.index_cast %add3A_487 : i32 to index
      %get3A_512 = arith.constant 48 : index
      %get3A_513 = tpu.vector_load %arg8[%get3A_510, %get3A_511, %get3A_512] {strides = array<i32>} : memref<4x200x64xf32, #tpu.memory_space<vmem>>, vector<1x1x16xf32>,
      %get3A_514 = vector.shape_cast %get3A_513 : vector<1x1x16xf32> to vector<16xf32>
      %add3A_515 = arith.addf %add3A_483, %get3A_514 : vector<16xf32>
      %mul3A_516 = arith.constant 10 : i32
      %mul3A_517 = arith.muli %scan3A_352, %mul3A_516 : i32
      %add3A_518 = arith.constant 5 : i32
      %add3A_519 = arith.addi %mul3A_517, %add3A_518 : i32
      %get3A_520 = arith.constant 1 : i32
      %get3A_521 = arith.index_cast %get3A_520 : i32 to index
      %get3A_522 = arith.index_cast %add3A_519 : i32 to index
      %get3A_523 = arith.constant 0 : index
      %get3A_524 = tpu.vector_load %arg8[%get3A_521, %get3A_522, %get3A_523] {strides = array<i32>} : memref<4x200x64xf32, #tpu.memory_space<vmem>>, vector<1x1x16xf32>,
      %get3A_525 = vector.shape_cast %get3A_524 : vector<1x1x16xf32> to vector<16xf32>
      %add3A_526 = arith.addf %add3A_494, %get3A_525 : vector<16xf32>
      %get3A_527 = arith.constant 1 : i32
      %get3A_528 = arith.index_cast %get3A_527 : i32 to index
      %get3A_529 = arith.index_cast %add3A_519 : i32 to index
      %get3A_530 = arith.constant 16 : index
      %get3A_531 = tpu.vector_load %arg8[%get3A_528, %get3A_529, %get3A_530] {strides = array<i32>} : memref<4x200x64xf32, #tpu.memory_space<vmem>>, vector<1x1x16xf32>,
      %get3A_532 = vector.shape_cast %get3A_531 : vector<1x1x16xf32> to vector<16xf32>
      %add3A_533 = arith.addf %add3A_501, %get3A_532 : vector<16xf32>
      %get3A_534 = arith.constant 1 : i32
      %get3A_535 = arith.index_cast %get3A_534 : i32 to index
      %get3A_536 = arith.index_cast %add3A_519 : i32 to index
      %get3A_537 = arith.constant 32 : index
      %get3A_538 = tpu.vector_load %arg8[%get3A_535, %get3A_536, %get3A_537] {strides = array<i32>} : memref<4x200x64xf32, #tpu.memory_space<vmem>>, vector<1x1x16xf32>,
      %get3A_539 = vector.shape_cast %get3A_538 : vector<1x1x16xf32> to vector<16xf32>
      %add3A_540 = arith.addf %add3A_508, %get3A_539 : vector<16xf32>
      %get3A_541 = arith.constant 1 : i32
      %get3A_542 = arith.index_cast %get3A_541 : i32 to index
      %get3A_543 = arith.index_cast %add3A_519 : i32 to index
      %get3A_544 = arith.constant 48 : index
      %get3A_545 = tpu.vector_load %arg8[%get3A_542, %get3A_543, %get3A_544] {strides = array<i32>} : memref<4x200x64xf32, #tpu.memory_space<vmem>>, vector<1x1x16xf32>,
      %get3A_546 = vector.shape_cast %get3A_545 : vector<1x1x16xf32> to vector<16xf32>
      %add3A_547 = arith.addf %add3A_515, %get3A_546 : vector<16xf32>
      %mul3A_548 = arith.constant 10 : i32
      %mul3A_549 = arith.muli %scan3A_352, %mul3A_548 : i32
      %add3A_550 = arith.constant 6 : i32
      %add3A_551 = arith.addi %mul3A_549, %add3A_550 : i32
      %get3A_552 = arith.constant 1 : i32
      %get3A_553 = arith.index_cast %get3A_552 : i32 to index
      %get3A_554 = arith.index_cast %add3A_551 : i32 to index
      %get3A_555 = arith.constant 0 : index
      %get3A_556 = tpu.vector_load %arg8[%get3A_553, %get3A_554, %get3A_555] {strides = array<i32>} : memref<4x200x64xf32, #tpu.memory_space<vmem>>, vector<1x1x16xf32>,
      %get3A_557 = vector.shape_cast %get3A_556 : vector<1x1x16xf32> to vector<16xf32>
      %add3A_558 = arith.addf %add3A_526, %get3A_557 : vector<16xf32>
      %get3A_559 = arith.constant 1 : i32
      %get3A_560 = arith.index_cast %get3A_559 : i32 to index
      %get3A_561 = arith.index_cast %add3A_551 : i32 to index
      %get3A_562 = arith.constant 16 : index
      %get3A_563 = tpu.vector_load %arg8[%get3A_560, %get3A_561, %get3A_562] {strides = array<i32>} : memref<4x200x64xf32, #tpu.memory_space<vmem>>, vector<1x1x16xf32>,
      %get3A_564 = vector.shape_cast %get3A_563 : vector<1x1x16xf32> to vector<16xf32>
      %add3A_565 = arith.addf %add3A_533, %get3A_564 : vector<16xf32>
      %get3A_566 = arith.constant 1 : i32
      %get3A_567 = arith.index_cast %get3A_566 : i32 to index
      %get3A_568 = arith.index_cast %add3A_551 : i32 to index
      %get3A_569 = arith.constant 32 : index
      %get3A_570 = tpu.vector_load %arg8[%get3A_567, %get3A_568, %get3A_569] {strides = array<i32>} : memref<4x200x64xf32, #tpu.memory_space<vmem>>, vector<1x1x16xf32>,
      %get3A_571 = vector.shape_cast %get3A_570 : vector<1x1x16xf32> to vector<16xf32>
      %add3A_572 = arith.addf %add3A_540, %get3A_571 : vector<16xf32>
      %get3A_573 = arith.constant 1 : i32
      %get3A_574 = arith.index_cast %get3A_573 : i32 to index
      %get3A_575 = arith.index_cast %add3A_551 : i32 to index
      %get3A_576 = arith.constant 48 : index
      %get3A_577 = tpu.vector_load %arg8[%get3A_574, %get3A_575, %get3A_576] {strides = array<i32>} : memref<4x200x64xf32, #tpu.memory_space<vmem>>, vector<1x1x16xf32>,
      %get3A_578 = vector.shape_cast %get3A_577 : vector<1x1x16xf32> to vector<16xf32>
      %add3A_579 = arith.addf %add3A_547, %get3A_578 : vector<16xf32>
      %mul3A_580 = arith.constant 10 : i32
      %mul3A_581 = arith.muli %scan3A_352, %mul3A_580 : i32
      %add3A_582 = arith.constant 7 : i32
      %add3A_583 = arith.addi %mul3A_581, %add3A_582 : i32
      %get3A_584 = arith.constant 1 : i32
      %get3A_585 = arith.index_cast %get3A_584 : i32 to index
      %get3A_586 = arith.index_cast %add3A_583 : i32 to index
      %get3A_587 = arith.constant 0 : index
      %get3A_588 = tpu.vector_load %arg8[%get3A_585, %get3A_586, %get3A_587] {strides = array<i32>} : memref<4x200x64xf32, #tpu.memory_space<vmem>>, vector<1x1x16xf32>,
      %get3A_589 = vector.shape_cast %get3A_588 : vector<1x1x16xf32> to vector<16xf32>
      %add3A_590 = arith.addf %add3A_558, %get3A_589 : vector<16xf32>
      %get3A_591 = arith.constant 1 : i32
      %get3A_592 = arith.index_cast %get3A_591 : i32 to index
      %get3A_593 = arith.index_cast %add3A_583 : i32 to index
      %get3A_594 = arith.constant 16 : index
      %get3A_595 = tpu.vector_load %arg8[%get3A_592, %get3A_593, %get3A_594] {strides = array<i32>} : memref<4x200x64xf32, #tpu.memory_space<vmem>>, vector<1x1x16xf32>,
      %get3A_596 = vector.shape_cast %get3A_595 : vector<1x1x16xf32> to vector<16xf32>
      %add3A_597 = arith.addf %add3A_565, %get3A_596 : vector<16xf32>
      %get3A_598 = arith.constant 1 : i32
      %get3A_599 = arith.index_cast %get3A_598 : i32 to index
      %get3A_600 = arith.index_cast %add3A_583 : i32 to index
      %get3A_601 = arith.constant 32 : index
      %get3A_602 = tpu.vector_load %arg8[%get3A_599, %get3A_600, %get3A_601] {strides = array<i32>} : memref<4x200x64xf32, #tpu.memory_space<vmem>>, vector<1x1x16xf32>,
      %get3A_603 = vector.shape_cast %get3A_602 : vector<1x1x16xf32> to vector<16xf32>
      %add3A_604 = arith.addf %add3A_572, %get3A_603 : vector<16xf32>
      %get3A_605 = arith.constant 1 : i32
      %get3A_606 = arith.index_cast %get3A_605 : i32 to index
      %get3A_607 = arith.index_cast %add3A_583 : i32 to index
      %get3A_608 = arith.constant 48 : index
      %get3A_609 = tpu.vector_load %arg8[%get3A_606, %get3A_607, %get3A_608] {strides = array<i32>} : memref<4x200x64xf32, #tpu.memory_space<vmem>>, vector<1x1x16xf32>,
      %get3A_610 = vector.shape_cast %get3A_609 : vector<1x1x16xf32> to vector<16xf32>
      %add3A_611 = arith.addf %add3A_579, %get3A_610 : vector<16xf32>
      %mul3A_612 = arith.constant 10 : i32
      %mul3A_613 = arith.muli %scan3A_352, %mul3A_612 : i32
      %add3A_614 = arith.constant 8 : i32
      %add3A_615 = arith.addi %mul3A_613, %add3A_614 : i32
      %get3A_616 = arith.constant 1 : i32
      %get3A_617 = arith.index_cast %get3A_616 : i32 to index
      %get3A_618 = arith.index_cast %add3A_615 : i32 to index
      %get3A_619 = arith.constant 0 : index
      %get3A_620 = tpu.vector_load %arg8[%get3A_617, %get3A_618, %get3A_619] {strides = array<i32>} : memref<4x200x64xf32, #tpu.memory_space<vmem>>, vector<1x1x16xf32>,
      %get3A_621 = vector.shape_cast %get3A_620 : vector<1x1x16xf32> to vector<16xf32>
      %add3A_622 = arith.addf %add3A_590, %get3A_621 : vector<16xf32>
      %get3A_623 = arith.constant 1 : i32
      %get3A_624 = arith.index_cast %get3A_623 : i32 to index
      %get3A_625 = arith.index_cast %add3A_615 : i32 to index
      %get3A_626 = arith.constant 16 : index
      %get3A_627 = tpu.vector_load %arg8[%get3A_624, %get3A_625, %get3A_626] {strides = array<i32>} : memref<4x200x64xf32, #tpu.memory_space<vmem>>, vector<1x1x16xf32>,
      %get3A_628 = vector.shape_cast %get3A_627 : vector<1x1x16xf32> to vector<16xf32>
      %add3A_629 = arith.addf %add3A_597, %get3A_628 : vector<16xf32>
      %get3A_630 = arith.constant 1 : i32
      %get3A_631 = arith.index_cast %get3A_630 : i32 to index
      %get3A_632 = arith.index_cast %add3A_615 : i32 to index
      %get3A_633 = arith.constant 32 : index
      %get3A_634 = tpu.vector_load %arg8[%get3A_631, %get3A_632, %get3A_633] {strides = array<i32>} : memref<4x200x64xf32, #tpu.memory_space<vmem>>, vector<1x1x16xf32>,
      %get3A_635 = vector.shape_cast %get3A_634 : vector<1x1x16xf32> to vector<16xf32>
      %add3A_636 = arith.addf %add3A_604, %get3A_635 : vector<16xf32>
      %get3A_637 = arith.constant 1 : i32
      %get3A_638 = arith.index_cast %get3A_637 : i32 to index
      %get3A_639 = arith.index_cast %add3A_615 : i32 to index
      %get3A_640 = arith.constant 48 : index
      %get3A_641 = tpu.vector_load %arg8[%get3A_638, %get3A_639, %get3A_640] {strides = array<i32>} : memref<4x200x64xf32, #tpu.memory_space<vmem>>, vector<1x1x16xf32>,
      %get3A_642 = vector.shape_cast %get3A_641 : vector<1x1x16xf32> to vector<16xf32>
      %add3A_643 = arith.addf %add3A_611, %get3A_642 : vector<16xf32>
      %mul3A_644 = arith.constant 10 : i32
      %mul3A_645 = arith.muli %scan3A_352, %mul3A_644 : i32
      %add3A_646 = arith.constant 9 : i32
      %add3A_647 = arith.addi %mul3A_645, %add3A_646 : i32
      %get3A_648 = arith.constant 1 : i32
      %get3A_649 = arith.index_cast %get3A_648 : i32 to index
      %get3A_650 = arith.index_cast %add3A_647 : i32 to index
      %get3A_651 = arith.constant 0 : index
      %get3A_652 = tpu.vector_load %arg8[%get3A_649, %get3A_650, %get3A_651] {strides = array<i32>} : memref<4x200x64xf32, #tpu.memory_space<vmem>>, vector<1x1x16xf32>,
      %get3A_653 = vector.shape_cast %get3A_652 : vector<1x1x16xf32> to vector<16xf32>
      %add3A_654 = arith.addf %add3A_622, %get3A_653 : vector<16xf32>
      %get3A_655 = arith.constant 1 : i32
      %get3A_656 = arith.index_cast %get3A_655 : i32 to index
      %get3A_657 = arith.index_cast %add3A_647 : i32 to index
      %get3A_658 = arith.constant 16 : index
      %get3A_659 = tpu.vector_load %arg8[%get3A_656, %get3A_657, %get3A_658] {strides = array<i32>} : memref<4x200x64xf32, #tpu.memory_space<vmem>>, vector<1x1x16xf32>,
      %get3A_660 = vector.shape_cast %get3A_659 : vector<1x1x16xf32> to vector<16xf32>
      %add3A_661 = arith.addf %add3A_629, %get3A_660 : vector<16xf32>
      %get3A_662 = arith.constant 1 : i32
      %get3A_663 = arith.index_cast %get3A_662 : i32 to index
      %get3A_664 = arith.index_cast %add3A_647 : i32 to index
      %get3A_665 = arith.constant 32 : index
      %get3A_666 = tpu.vector_load %arg8[%get3A_663, %get3A_664, %get3A_665] {strides = array<i32>} : memref<4x200x64xf32, #tpu.memory_space<vmem>>, vector<1x1x16xf32>,
      %get3A_667 = vector.shape_cast %get3A_666 : vector<1x1x16xf32> to vector<16xf32>
      %add3A_668 = arith.addf %add3A_636, %get3A_667 : vector<16xf32>
      %get3A_669 = arith.constant 1 : i32
      %get3A_670 = arith.index_cast %get3A_669 : i32 to index
      %get3A_671 = arith.index_cast %add3A_647 : i32 to index
      %get3A_672 = arith.constant 48 : index
      %get3A_673 = tpu.vector_load %arg8[%get3A_670, %get3A_671, %get3A_672] {strides = array<i32>} : memref<4x200x64xf32, #tpu.memory_space<vmem>>, vector<1x1x16xf32>,
      %get3A_674 = vector.shape_cast %get3A_673 : vector<1x1x16xf32> to vector<16xf32>
      %add3A_675 = arith.addf %add3A_643, %get3A_674 : vector<16xf32>
      scf.yield %add3A_654, %add3A_661, %add3A_668, %add3A_675 : vector<16xf32>, vector<16xf32>, vector<16xf32>, vector<16xf32>
    }
    %scan3A_201 = arith.constant 20 : i32
    %swap3A_202 = arith.constant 125 : i32
    %swap3A_203 = arith.index_cast %swap3A_202 : i32 to index
    %swap3A_204 = arith.constant 0 : index
    %swap3A_205 = tpu.vector_load %arg9[%swap3A_203, %swap3A_204] {strides = array<i32>} : memref<128x64xf32, #tpu.memory_space<vmem>>, vector<1x16xf32>,
    %swap3A_206 = vector.shape_cast %swap3A_205 : vector<1x16xf32> to vector<16xf32>
    %swap3A_207 = vector.shape_cast %scan3A_200#0 : vector<16xf32> to vector<1x16xf32>
    tpu.vector_store %arg9[%swap3A_203, %swap3A_204], %swap3A_207 {strides = array<i32>} : memref<128x64xf32, #tpu.memory_space<vmem>>, vector<1x16xf32>,
    %swap3A_208 = arith.constant 125 : i32
    %swap3A_209 = arith.index_cast %swap3A_208 : i32 to index
    %swap3A_210 = arith.constant 16 : index
    %swap3A_211 = tpu.vector_load %arg9[%swap3A_209, %swap3A_210] {strides = array<i32>} : memref<128x64xf32, #tpu.memory_space<vmem>>, vector<1x16xf32>,
    %swap3A_212 = vector.shape_cast %swap3A_211 : vector<1x16xf32> to vector<16xf32>
    %swap3A_213 = vector.shape_cast %scan3A_200#1 : vector<16xf32> to vector<1x16xf32>
    tpu.vector_store %arg9[%swap3A_209, %swap3A_210], %swap3A_213 {strides = array<i32>} : memref<128x64xf32, #tpu.memory_space<vmem>>, vector<1x16xf32>,
    %swap3A_214 = arith.constant 125 : i32
    %swap3A_215 = arith.index_cast %swap3A_214 : i32 to index
    %swap3A_216 = arith.constant 32 : index
    %swap3A_217 = tpu.vector_load %arg9[%swap3A_215, %swap3A_216] {strides = array<i32>} : memref<128x64xf32, #tpu.memory_space<vmem>>, vector<1x16xf32>,
    %swap3A_218 = vector.shape_cast %swap3A_217 : vector<1x16xf32> to vector<16xf32>
    %swap3A_219 = vector.shape_cast %scan3A_200#2 : vector<16xf32> to vector<1x16xf32>
    tpu.vector_store %arg9[%swap3A_215, %swap3A_216], %swap3A_219 {strides = array<i32>} : memref<128x64xf32, #tpu.memory_space<vmem>>, vector<1x16xf32>,
    %swap3A_220 = arith.constant 125 : i32
    %swap3A_221 = arith.index_cast %swap3A_220 : i32 to index
    %swap3A_222 = arith.constant 48 : index
    %swap3A_223 = tpu.vector_load %arg9[%swap3A_221, %swap3A_222] {strides = array<i32>} : memref<128x64xf32, #tpu.memory_space<vmem>>, vector<1x16xf32>,
    %swap3A_224 = vector.shape_cast %swap3A_223 : vector<1x16xf32> to vector<16xf32>
    %swap3A_225 = vector.shape_cast %scan3A_200#3 : vector<16xf32> to vector<1x16xf32>
    tpu.vector_store %arg9[%swap3A_221, %swap3A_222], %swap3A_225 {strides = array<i32>} : memref<128x64xf32, #tpu.memory_space<vmem>>, vector<1x16xf32>,
    %dma_wait3A_226 = arith.constant 0 : i32
    %dma_wait3A_227 = arith.constant 2 : i32
    %dma_wait3A_228 = arith.constant 0 : i32
    %dma_wait3A_229 = arith.constant 0 : i32
    %dma_wait3A_230 = tpu.memref_slice %arg8[%dma_wait3A_227, %dma_wait3A_228, %dma_wait3A_229] : memref<4x200x64xf32, #tpu.memory_space<vmem>> -> memref<1x128x64xf32, #tpu.memory_space<vmem>>
    %dma_wait3A_231 = tpu.memref_squeeze %dma_wait3A_230 : memref<1x128x64xf32, #tpu.memory_space<vmem>> -> memref<128x64xf32, #tpu.memory_space<vmem>>
    %dma_wait3A_232 = arith.constant 0 : i32
    %dma_wait3A_233 = tpu.memref_slice %arg6[%dma_wait3A_226, %dma_wait3A_232] : memref<128x128xi32, #tpu.memory_space<vmem>> -> memref<1x128xi32, #tpu.memory_space<vmem>>
    %dma_wait3A_234 = tpu.memref_squeeze %dma_wait3A_233 : memref<1x128xi32, #tpu.memory_space<vmem>> -> memref<128xi32, #tpu.memory_space<vmem>>
    %dma_wait3A_235 = arith.constant 0 : i32
    %dma_wait3A_236 = arith.constant 0 : i32
    %dma_wait3A_237 = tpu.memref_slice %arg4[%dma_wait3A_235, %dma_wait3A_236] : memref<1000000x64xf32, #tpu.memory_space<hbm>> -> memref<1000000x64xf32, #tpu.memory_space<hbm>>
    tpu.wait_indirect_dma semaphore(%arg12 : memref<!tpu.dma_semaphore, #tpu.memory_space<semaphore_mem>>) src(%dma_wait3A_237 : memref<1000000x64xf32, #tpu.memory_space<hbm>>) dst(%dma_wait3A_231 : memref<128x64xf32, #tpu.memory_space<vmem>>)
    %dma_wait3A_238 = arith.constant 0 : i32
    %dma_wait3A_239 = arith.constant 2 : i32
    %dma_wait3A_240 = arith.constant 128 : i32
    %dma_wait3A_241 = arith.constant 0 : i32
    %dma_wait3A_242 = tpu.memref_slice %arg8[%dma_wait3A_239, %dma_wait3A_240, %dma_wait3A_241] : memref<4x200x64xf32, #tpu.memory_space<vmem>> -> memref<1x72x64xf32, #tpu.memory_space<vmem>>
    %dma_wait3A_243 = tpu.memref_squeeze %dma_wait3A_242 : memref<1x72x64xf32, #tpu.memory_space<vmem>> -> memref<72x64xf32, #tpu.memory_space<vmem>>
    %dma_wait3A_244 = arith.constant 56 : i32
    %dma_wait3A_245 = tpu.memref_slice %arg7[%dma_wait3A_238, %dma_wait3A_244] : memref<128x128xi32, #tpu.memory_space<vmem>> -> memref<1x72xi32, #tpu.memory_space<vmem>>
    %dma_wait3A_246 = tpu.memref_squeeze %dma_wait3A_245 : memref<1x72xi32, #tpu.memory_space<vmem>> -> memref<72xi32, #tpu.memory_space<vmem>>
    %dma_wait3A_247 = arith.constant 0 : i32
    %dma_wait3A_248 = arith.constant 0 : i32
    %dma_wait3A_249 = tpu.memref_slice %arg4[%dma_wait3A_247, %dma_wait3A_248] : memref<1000000x64xf32, #tpu.memory_space<hbm>> -> memref<1000000x64xf32, #tpu.memory_space<hbm>>
    tpu.wait_indirect_dma semaphore(%arg12 : memref<!tpu.dma_semaphore, #tpu.memory_space<semaphore_mem>>) src(%dma_wait3A_249 : memref<1000000x64xf32, #tpu.memory_space<hbm>>) dst(%dma_wait3A_243 : memref<72x64xf32, #tpu.memory_space<vmem>>)
    %broadcast_in_dim3A_250 = arith.constant 0.000000e+00 : f32
    %broadcast_in_dim3A_251 = vector.broadcast %broadcast_in_dim3A_250 : f32 to vector<16xf32>
    %broadcast_in_dim3A_252 = arith.constant 0.000000e+00 : f32
    %broadcast_in_dim3A_253 = vector.broadcast %broadcast_in_dim3A_252 : f32 to vector<16xf32>
    %broadcast_in_dim3A_254 = arith.constant 0.000000e+00 : f32
    %broadcast_in_dim3A_255 = vector.broadcast %broadcast_in_dim3A_254 : f32 to vector<16xf32>
    %broadcast_in_dim3A_256 = arith.constant 0.000000e+00 : f32
    %broadcast_in_dim3A_257 = vector.broadcast %broadcast_in_dim3A_256 : f32 to vector<16xf32>
    %scan3A_258 = arith.constant 0 : i32
    %scan3A_259 = arith.constant 20 : i32
    %scan3A_260 = arith.addi %scan3A_258, %scan3A_259 : i32
    %scan3A_261 = arith.constant 1 : i32
    %scan3A_262:4 = scf.for %scan3A_352 = %scan3A_258 to %scan3A_260 step %scan3A_261 iter_args(%scan3A_353 = %broadcast_in_dim3A_251, %scan3A_354 = %broadcast_in_dim3A_253, %scan3A_355 = %broadcast_in_dim3A_255, %scan3A_356 = %broadcast_in_dim3A_257) -> (vector<16xf32>, vector<16xf32>, vector<16xf32>, vector<16xf32>)  : i32 {
      %mul3A_357 = arith.constant 10 : i32
      %mul3A_358 = arith.muli %scan3A_352, %mul3A_357 : i32
      %add3A_359 = arith.constant 0 : i32
      %add3A_360 = arith.addi %mul3A_358, %add3A_359 : i32
      %get3A = arith.constant 2 : i32
      %get3A_361 = arith.index_cast %get3A : i32 to index
      %get3A_362 = arith.index_cast %add3A_360 : i32 to index
      %get3A_363 = arith.constant 0 : index
      %get3A_364 = tpu.vector_load %arg8[%get3A_361, %get3A_362, %get3A_363] {strides = array<i32>} : memref<4x200x64xf32, #tpu.memory_space<vmem>>, vector<1x1x16xf32>,
      %get3A_365 = vector.shape_cast %get3A_364 : vector<1x1x16xf32> to vector<16xf32>
      %add3A_366 = arith.addf %scan3A_353, %get3A_365 : vector<16xf32>
      %get3A_367 = arith.constant 2 : i32
      %get3A_368 = arith.index_cast %get3A_367 : i32 to index
      %get3A_369 = arith.index_cast %add3A_360 : i32 to index
      %get3A_370 = arith.constant 16 : index
      %get3A_371 = tpu.vector_load %arg8[%get3A_368, %get3A_369, %get3A_370] {strides = array<i32>} : memref<4x200x64xf32, #tpu.memory_space<vmem>>, vector<1x1x16xf32>,
      %get3A_372 = vector.shape_cast %get3A_371 : vector<1x1x16xf32> to vector<16xf32>
      %add3A_373 = arith.addf %scan3A_354, %get3A_372 : vector<16xf32>
      %get3A_374 = arith.constant 2 : i32
      %get3A_375 = arith.index_cast %get3A_374 : i32 to index
      %get3A_376 = arith.index_cast %add3A_360 : i32 to index
      %get3A_377 = arith.constant 32 : index
      %get3A_378 = tpu.vector_load %arg8[%get3A_375, %get3A_376, %get3A_377] {strides = array<i32>} : memref<4x200x64xf32, #tpu.memory_space<vmem>>, vector<1x1x16xf32>,
      %get3A_379 = vector.shape_cast %get3A_378 : vector<1x1x16xf32> to vector<16xf32>
      %add3A_380 = arith.addf %scan3A_355, %get3A_379 : vector<16xf32>
      %get3A_381 = arith.constant 2 : i32
      %get3A_382 = arith.index_cast %get3A_381 : i32 to index
      %get3A_383 = arith.index_cast %add3A_360 : i32 to index
      %get3A_384 = arith.constant 48 : index
      %get3A_385 = tpu.vector_load %arg8[%get3A_382, %get3A_383, %get3A_384] {strides = array<i32>} : memref<4x200x64xf32, #tpu.memory_space<vmem>>, vector<1x1x16xf32>,
      %get3A_386 = vector.shape_cast %get3A_385 : vector<1x1x16xf32> to vector<16xf32>
      %add3A_387 = arith.addf %scan3A_356, %get3A_386 : vector<16xf32>
      %mul3A_388 = arith.constant 10 : i32
      %mul3A_389 = arith.muli %scan3A_352, %mul3A_388 : i32
      %add3A_390 = arith.constant 1 : i32
      %add3A_391 = arith.addi %mul3A_389, %add3A_390 : i32
      %get3A_392 = arith.constant 2 : i32
      %get3A_393 = arith.index_cast %get3A_392 : i32 to index
      %get3A_394 = arith.index_cast %add3A_391 : i32 to index
      %get3A_395 = arith.constant 0 : index
      %get3A_396 = tpu.vector_load %arg8[%get3A_393, %get3A_394, %get3A_395] {strides = array<i32>} : memref<4x200x64xf32, #tpu.memory_space<vmem>>, vector<1x1x16xf32>,
      %get3A_397 = vector.shape_cast %get3A_396 : vector<1x1x16xf32> to vector<16xf32>
      %add3A_398 = arith.addf %add3A_366, %get3A_397 : vector<16xf32>
      %get3A_399 = arith.constant 2 : i32
      %get3A_400 = arith.index_cast %get3A_399 : i32 to index
      %get3A_401 = arith.index_cast %add3A_391 : i32 to index
      %get3A_402 = arith.constant 16 : index
      %get3A_403 = tpu.vector_load %arg8[%get3A_400, %get3A_401, %get3A_402] {strides = array<i32>} : memref<4x200x64xf32, #tpu.memory_space<vmem>>, vector<1x1x16xf32>,
      %get3A_404 = vector.shape_cast %get3A_403 : vector<1x1x16xf32> to vector<16xf32>
      %add3A_405 = arith.addf %add3A_373, %get3A_404 : vector<16xf32>
      %get3A_406 = arith.constant 2 : i32
      %get3A_407 = arith.index_cast %get3A_406 : i32 to index
      %get3A_408 = arith.index_cast %add3A_391 : i32 to index
      %get3A_409 = arith.constant 32 : index
      %get3A_410 = tpu.vector_load %arg8[%get3A_407, %get3A_408, %get3A_409] {strides = array<i32>} : memref<4x200x64xf32, #tpu.memory_space<vmem>>, vector<1x1x16xf32>,
      %get3A_411 = vector.shape_cast %get3A_410 : vector<1x1x16xf32> to vector<16xf32>
      %add3A_412 = arith.addf %add3A_380, %get3A_411 : vector<16xf32>
      %get3A_413 = arith.constant 2 : i32
      %get3A_414 = arith.index_cast %get3A_413 : i32 to index
      %get3A_415 = arith.index_cast %add3A_391 : i32 to index
      %get3A_416 = arith.constant 48 : index
      %get3A_417 = tpu.vector_load %arg8[%get3A_414, %get3A_415, %get3A_416] {strides = array<i32>} : memref<4x200x64xf32, #tpu.memory_space<vmem>>, vector<1x1x16xf32>,
      %get3A_418 = vector.shape_cast %get3A_417 : vector<1x1x16xf32> to vector<16xf32>
      %add3A_419 = arith.addf %add3A_387, %get3A_418 : vector<16xf32>
      %mul3A_420 = arith.constant 10 : i32
      %mul3A_421 = arith.muli %scan3A_352, %mul3A_420 : i32
      %add3A_422 = arith.constant 2 : i32
      %add3A_423 = arith.addi %mul3A_421, %add3A_422 : i32
      %get3A_424 = arith.constant 2 : i32
      %get3A_425 = arith.index_cast %get3A_424 : i32 to index
      %get3A_426 = arith.index_cast %add3A_423 : i32 to index
      %get3A_427 = arith.constant 0 : index
      %get3A_428 = tpu.vector_load %arg8[%get3A_425, %get3A_426, %get3A_427] {strides = array<i32>} : memref<4x200x64xf32, #tpu.memory_space<vmem>>, vector<1x1x16xf32>,
      %get3A_429 = vector.shape_cast %get3A_428 : vector<1x1x16xf32> to vector<16xf32>
      %add3A_430 = arith.addf %add3A_398, %get3A_429 : vector<16xf32>
      %get3A_431 = arith.constant 2 : i32
      %get3A_432 = arith.index_cast %get3A_431 : i32 to index
      %get3A_433 = arith.index_cast %add3A_423 : i32 to index
      %get3A_434 = arith.constant 16 : index
      %get3A_435 = tpu.vector_load %arg8[%get3A_432, %get3A_433, %get3A_434] {strides = array<i32>} : memref<4x200x64xf32, #tpu.memory_space<vmem>>, vector<1x1x16xf32>,
      %get3A_436 = vector.shape_cast %get3A_435 : vector<1x1x16xf32> to vector<16xf32>
      %add3A_437 = arith.addf %add3A_405, %get3A_436 : vector<16xf32>
      %get3A_438 = arith.constant 2 : i32
      %get3A_439 = arith.index_cast %get3A_438 : i32 to index
      %get3A_440 = arith.index_cast %add3A_423 : i32 to index
      %get3A_441 = arith.constant 32 : index
      %get3A_442 = tpu.vector_load %arg8[%get3A_439, %get3A_440, %get3A_441] {strides = array<i32>} : memref<4x200x64xf32, #tpu.memory_space<vmem>>, vector<1x1x16xf32>,
      %get3A_443 = vector.shape_cast %get3A_442 : vector<1x1x16xf32> to vector<16xf32>
      %add3A_444 = arith.addf %add3A_412, %get3A_443 : vector<16xf32>
      %get3A_445 = arith.constant 2 : i32
      %get3A_446 = arith.index_cast %get3A_445 : i32 to index
      %get3A_447 = arith.index_cast %add3A_423 : i32 to index
      %get3A_448 = arith.constant 48 : index
      %get3A_449 = tpu.vector_load %arg8[%get3A_446, %get3A_447, %get3A_448] {strides = array<i32>} : memref<4x200x64xf32, #tpu.memory_space<vmem>>, vector<1x1x16xf32>,
      %get3A_450 = vector.shape_cast %get3A_449 : vector<1x1x16xf32> to vector<16xf32>
      %add3A_451 = arith.addf %add3A_419, %get3A_450 : vector<16xf32>
      %mul3A_452 = arith.constant 10 : i32
      %mul3A_453 = arith.muli %scan3A_352, %mul3A_452 : i32
      %add3A_454 = arith.constant 3 : i32
      %add3A_455 = arith.addi %mul3A_453, %add3A_454 : i32
      %get3A_456 = arith.constant 2 : i32
      %get3A_457 = arith.index_cast %get3A_456 : i32 to index
      %get3A_458 = arith.index_cast %add3A_455 : i32 to index
      %get3A_459 = arith.constant 0 : index
      %get3A_460 = tpu.vector_load %arg8[%get3A_457, %get3A_458, %get3A_459] {strides = array<i32>} : memref<4x200x64xf32, #tpu.memory_space<vmem>>, vector<1x1x16xf32>,
      %get3A_461 = vector.shape_cast %get3A_460 : vector<1x1x16xf32> to vector<16xf32>
      %add3A_462 = arith.addf %add3A_430, %get3A_461 : vector<16xf32>
      %get3A_463 = arith.constant 2 : i32
      %get3A_464 = arith.index_cast %get3A_463 : i32 to index
      %get3A_465 = arith.index_cast %add3A_455 : i32 to index
      %get3A_466 = arith.constant 16 : index
      %get3A_467 = tpu.vector_load %arg8[%get3A_464, %get3A_465, %get3A_466] {strides = array<i32>} : memref<4x200x64xf32, #tpu.memory_space<vmem>>, vector<1x1x16xf32>,
      %get3A_468 = vector.shape_cast %get3A_467 : vector<1x1x16xf32> to vector<16xf32>
      %add3A_469 = arith.addf %add3A_437, %get3A_468 : vector<16xf32>
      %get3A_470 = arith.constant 2 : i32
      %get3A_471 = arith.index_cast %get3A_470 : i32 to index
      %get3A_472 = arith.index_cast %add3A_455 : i32 to index
      %get3A_473 = arith.constant 32 : index
      %get3A_474 = tpu.vector_load %arg8[%get3A_471, %get3A_472, %get3A_473] {strides = array<i32>} : memref<4x200x64xf32, #tpu.memory_space<vmem>>, vector<1x1x16xf32>,
      %get3A_475 = vector.shape_cast %get3A_474 : vector<1x1x16xf32> to vector<16xf32>
      %add3A_476 = arith.addf %add3A_444, %get3A_475 : vector<16xf32>
      %get3A_477 = arith.constant 2 : i32
      %get3A_478 = arith.index_cast %get3A_477 : i32 to index
      %get3A_479 = arith.index_cast %add3A_455 : i32 to index
      %get3A_480 = arith.constant 48 : index
      %get3A_481 = tpu.vector_load %arg8[%get3A_478, %get3A_479, %get3A_480] {strides = array<i32>} : memref<4x200x64xf32, #tpu.memory_space<vmem>>, vector<1x1x16xf32>,
      %get3A_482 = vector.shape_cast %get3A_481 : vector<1x1x16xf32> to vector<16xf32>
      %add3A_483 = arith.addf %add3A_451, %get3A_482 : vector<16xf32>
      %mul3A_484 = arith.constant 10 : i32
      %mul3A_485 = arith.muli %scan3A_352, %mul3A_484 : i32
      %add3A_486 = arith.constant 4 : i32
      %add3A_487 = arith.addi %mul3A_485, %add3A_486 : i32
      %get3A_488 = arith.constant 2 : i32
      %get3A_489 = arith.index_cast %get3A_488 : i32 to index
      %get3A_490 = arith.index_cast %add3A_487 : i32 to index
      %get3A_491 = arith.constant 0 : index
      %get3A_492 = tpu.vector_load %arg8[%get3A_489, %get3A_490, %get3A_491] {strides = array<i32>} : memref<4x200x64xf32, #tpu.memory_space<vmem>>, vector<1x1x16xf32>,
      %get3A_493 = vector.shape_cast %get3A_492 : vector<1x1x16xf32> to vector<16xf32>
      %add3A_494 = arith.addf %add3A_462, %get3A_493 : vector<16xf32>
      %get3A_495 = arith.constant 2 : i32
      %get3A_496 = arith.index_cast %get3A_495 : i32 to index
      %get3A_497 = arith.index_cast %add3A_487 : i32 to index
      %get3A_498 = arith.constant 16 : index
      %get3A_499 = tpu.vector_load %arg8[%get3A_496, %get3A_497, %get3A_498] {strides = array<i32>} : memref<4x200x64xf32, #tpu.memory_space<vmem>>, vector<1x1x16xf32>,
      %get3A_500 = vector.shape_cast %get3A_499 : vector<1x1x16xf32> to vector<16xf32>
      %add3A_501 = arith.addf %add3A_469, %get3A_500 : vector<16xf32>
      %get3A_502 = arith.constant 2 : i32
      %get3A_503 = arith.index_cast %get3A_502 : i32 to index
      %get3A_504 = arith.index_cast %add3A_487 : i32 to index
      %get3A_505 = arith.constant 32 : index
      %get3A_506 = tpu.vector_load %arg8[%get3A_503, %get3A_504, %get3A_505] {strides = array<i32>} : memref<4x200x64xf32, #tpu.memory_space<vmem>>, vector<1x1x16xf32>,
      %get3A_507 = vector.shape_cast %get3A_506 : vector<1x1x16xf32> to vector<16xf32>
      %add3A_508 = arith.addf %add3A_476, %get3A_507 : vector<16xf32>
      %get3A_509 = arith.constant 2 : i32
      %get3A_510 = arith.index_cast %get3A_509 : i32 to index
      %get3A_511 = arith.index_cast %add3A_487 : i32 to index
      %get3A_512 = arith.constant 48 : index
      %get3A_513 = tpu.vector_load %arg8[%get3A_510, %get3A_511, %get3A_512] {strides = array<i32>} : memref<4x200x64xf32, #tpu.memory_space<vmem>>, vector<1x1x16xf32>,
      %get3A_514 = vector.shape_cast %get3A_513 : vector<1x1x16xf32> to vector<16xf32>
      %add3A_515 = arith.addf %add3A_483, %get3A_514 : vector<16xf32>
      %mul3A_516 = arith.constant 10 : i32
      %mul3A_517 = arith.muli %scan3A_352, %mul3A_516 : i32
      %add3A_518 = arith.constant 5 : i32
      %add3A_519 = arith.addi %mul3A_517, %add3A_518 : i32
      %get3A_520 = arith.constant 2 : i32
      %get3A_521 = arith.index_cast %get3A_520 : i32 to index
      %get3A_522 = arith.index_cast %add3A_519 : i32 to index
      %get3A_523 = arith.constant 0 : index
      %get3A_524 = tpu.vector_load %arg8[%get3A_521, %get3A_522, %get3A_523] {strides = array<i32>} : memref<4x200x64xf32, #tpu.memory_space<vmem>>, vector<1x1x16xf32>,
      %get3A_525 = vector.shape_cast %get3A_524 : vector<1x1x16xf32> to vector<16xf32>
      %add3A_526 = arith.addf %add3A_494, %get3A_525 : vector<16xf32>
      %get3A_527 = arith.constant 2 : i32
      %get3A_528 = arith.index_cast %get3A_527 : i32 to index
      %get3A_529 = arith.index_cast %add3A_519 : i32 to index
      %get3A_530 = arith.constant 16 : index
      %get3A_531 = tpu.vector_load %arg8[%get3A_528, %get3A_529, %get3A_530] {strides = array<i32>} : memref<4x200x64xf32, #tpu.memory_space<vmem>>, vector<1x1x16xf32>,
      %get3A_532 = vector.shape_cast %get3A_531 : vector<1x1x16xf32> to vector<16xf32>
      %add3A_533 = arith.addf %add3A_501, %get3A_532 : vector<16xf32>
      %get3A_534 = arith.constant 2 : i32
      %get3A_535 = arith.index_cast %get3A_534 : i32 to index
      %get3A_536 = arith.index_cast %add3A_519 : i32 to index
      %get3A_537 = arith.constant 32 : index
      %get3A_538 = tpu.vector_load %arg8[%get3A_535, %get3A_536, %get3A_537] {strides = array<i32>} : memref<4x200x64xf32, #tpu.memory_space<vmem>>, vector<1x1x16xf32>,
      %get3A_539 = vector.shape_cast %get3A_538 : vector<1x1x16xf32> to vector<16xf32>
      %add3A_540 = arith.addf %add3A_508, %get3A_539 : vector<16xf32>
      %get3A_541 = arith.constant 2 : i32
      %get3A_542 = arith.index_cast %get3A_541 : i32 to index
      %get3A_543 = arith.index_cast %add3A_519 : i32 to index
      %get3A_544 = arith.constant 48 : index
      %get3A_545 = tpu.vector_load %arg8[%get3A_542, %get3A_543, %get3A_544] {strides = array<i32>} : memref<4x200x64xf32, #tpu.memory_space<vmem>>, vector<1x1x16xf32>,
      %get3A_546 = vector.shape_cast %get3A_545 : vector<1x1x16xf32> to vector<16xf32>
      %add3A_547 = arith.addf %add3A_515, %get3A_546 : vector<16xf32>
      %mul3A_548 = arith.constant 10 : i32
      %mul3A_549 = arith.muli %scan3A_352, %mul3A_548 : i32
      %add3A_550 = arith.constant 6 : i32
      %add3A_551 = arith.addi %mul3A_549, %add3A_550 : i32
      %get3A_552 = arith.constant 2 : i32
      %get3A_553 = arith.index_cast %get3A_552 : i32 to index
      %get3A_554 = arith.index_cast %add3A_551 : i32 to index
      %get3A_555 = arith.constant 0 : index
      %get3A_556 = tpu.vector_load %arg8[%get3A_553, %get3A_554, %get3A_555] {strides = array<i32>} : memref<4x200x64xf32, #tpu.memory_space<vmem>>, vector<1x1x16xf32>,
      %get3A_557 = vector.shape_cast %get3A_556 : vector<1x1x16xf32> to vector<16xf32>
      %add3A_558 = arith.addf %add3A_526, %get3A_557 : vector<16xf32>
      %get3A_559 = arith.constant 2 : i32
      %get3A_560 = arith.index_cast %get3A_559 : i32 to index
      %get3A_561 = arith.index_cast %add3A_551 : i32 to index
      %get3A_562 = arith.constant 16 : index
      %get3A_563 = tpu.vector_load %arg8[%get3A_560, %get3A_561, %get3A_562] {strides = array<i32>} : memref<4x200x64xf32, #tpu.memory_space<vmem>>, vector<1x1x16xf32>,
      %get3A_564 = vector.shape_cast %get3A_563 : vector<1x1x16xf32> to vector<16xf32>
      %add3A_565 = arith.addf %add3A_533, %get3A_564 : vector<16xf32>
      %get3A_566 = arith.constant 2 : i32
      %get3A_567 = arith.index_cast %get3A_566 : i32 to index
      %get3A_568 = arith.index_cast %add3A_551 : i32 to index
      %get3A_569 = arith.constant 32 : index
      %get3A_570 = tpu.vector_load %arg8[%get3A_567, %get3A_568, %get3A_569] {strides = array<i32>} : memref<4x200x64xf32, #tpu.memory_space<vmem>>, vector<1x1x16xf32>,
      %get3A_571 = vector.shape_cast %get3A_570 : vector<1x1x16xf32> to vector<16xf32>
      %add3A_572 = arith.addf %add3A_540, %get3A_571 : vector<16xf32>
      %get3A_573 = arith.constant 2 : i32
      %get3A_574 = arith.index_cast %get3A_573 : i32 to index
      %get3A_575 = arith.index_cast %add3A_551 : i32 to index
      %get3A_576 = arith.constant 48 : index
      %get3A_577 = tpu.vector_load %arg8[%get3A_574, %get3A_575, %get3A_576] {strides = array<i32>} : memref<4x200x64xf32, #tpu.memory_space<vmem>>, vector<1x1x16xf32>,
      %get3A_578 = vector.shape_cast %get3A_577 : vector<1x1x16xf32> to vector<16xf32>
      %add3A_579 = arith.addf %add3A_547, %get3A_578 : vector<16xf32>
      %mul3A_580 = arith.constant 10 : i32
      %mul3A_581 = arith.muli %scan3A_352, %mul3A_580 : i32
      %add3A_582 = arith.constant 7 : i32
      %add3A_583 = arith.addi %mul3A_581, %add3A_582 : i32
      %get3A_584 = arith.constant 2 : i32
      %get3A_585 = arith.index_cast %get3A_584 : i32 to index
      %get3A_586 = arith.index_cast %add3A_583 : i32 to index
      %get3A_587 = arith.constant 0 : index
      %get3A_588 = tpu.vector_load %arg8[%get3A_585, %get3A_586, %get3A_587] {strides = array<i32>} : memref<4x200x64xf32, #tpu.memory_space<vmem>>, vector<1x1x16xf32>,
      %get3A_589 = vector.shape_cast %get3A_588 : vector<1x1x16xf32> to vector<16xf32>
      %add3A_590 = arith.addf %add3A_558, %get3A_589 : vector<16xf32>
      %get3A_591 = arith.constant 2 : i32
      %get3A_592 = arith.index_cast %get3A_591 : i32 to index
      %get3A_593 = arith.index_cast %add3A_583 : i32 to index
      %get3A_594 = arith.constant 16 : index
      %get3A_595 = tpu.vector_load %arg8[%get3A_592, %get3A_593, %get3A_594] {strides = array<i32>} : memref<4x200x64xf32, #tpu.memory_space<vmem>>, vector<1x1x16xf32>,
      %get3A_596 = vector.shape_cast %get3A_595 : vector<1x1x16xf32> to vector<16xf32>
      %add3A_597 = arith.addf %add3A_565, %get3A_596 : vector<16xf32>
      %get3A_598 = arith.constant 2 : i32
      %get3A_599 = arith.index_cast %get3A_598 : i32 to index
      %get3A_600 = arith.index_cast %add3A_583 : i32 to index
      %get3A_601 = arith.constant 32 : index
      %get3A_602 = tpu.vector_load %arg8[%get3A_599, %get3A_600, %get3A_601] {strides = array<i32>} : memref<4x200x64xf32, #tpu.memory_space<vmem>>, vector<1x1x16xf32>,
      %get3A_603 = vector.shape_cast %get3A_602 : vector<1x1x16xf32> to vector<16xf32>
      %add3A_604 = arith.addf %add3A_572, %get3A_603 : vector<16xf32>
      %get3A_605 = arith.constant 2 : i32
      %get3A_606 = arith.index_cast %get3A_605 : i32 to index
      %get3A_607 = arith.index_cast %add3A_583 : i32 to index
      %get3A_608 = arith.constant 48 : index
      %get3A_609 = tpu.vector_load %arg8[%get3A_606, %get3A_607, %get3A_608] {strides = array<i32>} : memref<4x200x64xf32, #tpu.memory_space<vmem>>, vector<1x1x16xf32>,
      %get3A_610 = vector.shape_cast %get3A_609 : vector<1x1x16xf32> to vector<16xf32>
      %add3A_611 = arith.addf %add3A_579, %get3A_610 : vector<16xf32>
      %mul3A_612 = arith.constant 10 : i32
      %mul3A_613 = arith.muli %scan3A_352, %mul3A_612 : i32
      %add3A_614 = arith.constant 8 : i32
      %add3A_615 = arith.addi %mul3A_613, %add3A_614 : i32
      %get3A_616 = arith.constant 2 : i32
      %get3A_617 = arith.index_cast %get3A_616 : i32 to index
      %get3A_618 = arith.index_cast %add3A_615 : i32 to index
      %get3A_619 = arith.constant 0 : index
      %get3A_620 = tpu.vector_load %arg8[%get3A_617, %get3A_618, %get3A_619] {strides = array<i32>} : memref<4x200x64xf32, #tpu.memory_space<vmem>>, vector<1x1x16xf32>,
      %get3A_621 = vector.shape_cast %get3A_620 : vector<1x1x16xf32> to vector<16xf32>
      %add3A_622 = arith.addf %add3A_590, %get3A_621 : vector<16xf32>
      %get3A_623 = arith.constant 2 : i32
      %get3A_624 = arith.index_cast %get3A_623 : i32 to index
      %get3A_625 = arith.index_cast %add3A_615 : i32 to index
      %get3A_626 = arith.constant 16 : index
      %get3A_627 = tpu.vector_load %arg8[%get3A_624, %get3A_625, %get3A_626] {strides = array<i32>} : memref<4x200x64xf32, #tpu.memory_space<vmem>>, vector<1x1x16xf32>,
      %get3A_628 = vector.shape_cast %get3A_627 : vector<1x1x16xf32> to vector<16xf32>
      %add3A_629 = arith.addf %add3A_597, %get3A_628 : vector<16xf32>
      %get3A_630 = arith.constant 2 : i32
      %get3A_631 = arith.index_cast %get3A_630 : i32 to index
      %get3A_632 = arith.index_cast %add3A_615 : i32 to index
      %get3A_633 = arith.constant 32 : index
      %get3A_634 = tpu.vector_load %arg8[%get3A_631, %get3A_632, %get3A_633] {strides = array<i32>} : memref<4x200x64xf32, #tpu.memory_space<vmem>>, vector<1x1x16xf32>,
      %get3A_635 = vector.shape_cast %get3A_634 : vector<1x1x16xf32> to vector<16xf32>
      %add3A_636 = arith.addf %add3A_604, %get3A_635 : vector<16xf32>
      %get3A_637 = arith.constant 2 : i32
      %get3A_638 = arith.index_cast %get3A_637 : i32 to index
      %get3A_639 = arith.index_cast %add3A_615 : i32 to index
      %get3A_640 = arith.constant 48 : index
      %get3A_641 = tpu.vector_load %arg8[%get3A_638, %get3A_639, %get3A_640] {strides = array<i32>} : memref<4x200x64xf32, #tpu.memory_space<vmem>>, vector<1x1x16xf32>,
      %get3A_642 = vector.shape_cast %get3A_641 : vector<1x1x16xf32> to vector<16xf32>
      %add3A_643 = arith.addf %add3A_611, %get3A_642 : vector<16xf32>
      %mul3A_644 = arith.constant 10 : i32
      %mul3A_645 = arith.muli %scan3A_352, %mul3A_644 : i32
      %add3A_646 = arith.constant 9 : i32
      %add3A_647 = arith.addi %mul3A_645, %add3A_646 : i32
      %get3A_648 = arith.constant 2 : i32
      %get3A_649 = arith.index_cast %get3A_648 : i32 to index
      %get3A_650 = arith.index_cast %add3A_647 : i32 to index
      %get3A_651 = arith.constant 0 : index
      %get3A_652 = tpu.vector_load %arg8[%get3A_649, %get3A_650, %get3A_651] {strides = array<i32>} : memref<4x200x64xf32, #tpu.memory_space<vmem>>, vector<1x1x16xf32>,
      %get3A_653 = vector.shape_cast %get3A_652 : vector<1x1x16xf32> to vector<16xf32>
      %add3A_654 = arith.addf %add3A_622, %get3A_653 : vector<16xf32>
      %get3A_655 = arith.constant 2 : i32
      %get3A_656 = arith.index_cast %get3A_655 : i32 to index
      %get3A_657 = arith.index_cast %add3A_647 : i32 to index
      %get3A_658 = arith.constant 16 : index
      %get3A_659 = tpu.vector_load %arg8[%get3A_656, %get3A_657, %get3A_658] {strides = array<i32>} : memref<4x200x64xf32, #tpu.memory_space<vmem>>, vector<1x1x16xf32>,
      %get3A_660 = vector.shape_cast %get3A_659 : vector<1x1x16xf32> to vector<16xf32>
      %add3A_661 = arith.addf %add3A_629, %get3A_660 : vector<16xf32>
      %get3A_662 = arith.constant 2 : i32
      %get3A_663 = arith.index_cast %get3A_662 : i32 to index
      %get3A_664 = arith.index_cast %add3A_647 : i32 to index
      %get3A_665 = arith.constant 32 : index
      %get3A_666 = tpu.vector_load %arg8[%get3A_663, %get3A_664, %get3A_665] {strides = array<i32>} : memref<4x200x64xf32, #tpu.memory_space<vmem>>, vector<1x1x16xf32>,
      %get3A_667 = vector.shape_cast %get3A_666 : vector<1x1x16xf32> to vector<16xf32>
      %add3A_668 = arith.addf %add3A_636, %get3A_667 : vector<16xf32>
      %get3A_669 = arith.constant 2 : i32
      %get3A_670 = arith.index_cast %get3A_669 : i32 to index
      %get3A_671 = arith.index_cast %add3A_647 : i32 to index
      %get3A_672 = arith.constant 48 : index
      %get3A_673 = tpu.vector_load %arg8[%get3A_670, %get3A_671, %get3A_672] {strides = array<i32>} : memref<4x200x64xf32, #tpu.memory_space<vmem>>, vector<1x1x16xf32>,
      %get3A_674 = vector.shape_cast %get3A_673 : vector<1x1x16xf32> to vector<16xf32>
      %add3A_675 = arith.addf %add3A_643, %get3A_674 : vector<16xf32>
      scf.yield %add3A_654, %add3A_661, %add3A_668, %add3A_675 : vector<16xf32>, vector<16xf32>, vector<16xf32>, vector<16xf32>
    }
    %scan3A_263 = arith.constant 20 : i32
    %swap3A_264 = arith.constant 126 : i32
    %swap3A_265 = arith.index_cast %swap3A_264 : i32 to index
    %swap3A_266 = arith.constant 0 : index
    %swap3A_267 = tpu.vector_load %arg9[%swap3A_265, %swap3A_266] {strides = array<i32>} : memref<128x64xf32, #tpu.memory_space<vmem>>, vector<1x16xf32>,
    %swap3A_268 = vector.shape_cast %swap3A_267 : vector<1x16xf32> to vector<16xf32>
    %swap3A_269 = vector.shape_cast %scan3A_262#0 : vector<16xf32> to vector<1x16xf32>
    tpu.vector_store %arg9[%swap3A_265, %swap3A_266], %swap3A_269 {strides = array<i32>} : memref<128x64xf32, #tpu.memory_space<vmem>>, vector<1x16xf32>,
    %swap3A_270 = arith.constant 126 : i32
    %swap3A_271 = arith.index_cast %swap3A_270 : i32 to index
    %swap3A_272 = arith.constant 16 : index
    %swap3A_273 = tpu.vector_load %arg9[%swap3A_271, %swap3A_272] {strides = array<i32>} : memref<128x64xf32, #tpu.memory_space<vmem>>, vector<1x16xf32>,
    %swap3A_274 = vector.shape_cast %swap3A_273 : vector<1x16xf32> to vector<16xf32>
    %swap3A_275 = vector.shape_cast %scan3A_262#1 : vector<16xf32> to vector<1x16xf32>
    tpu.vector_store %arg9[%swap3A_271, %swap3A_272], %swap3A_275 {strides = array<i32>} : memref<128x64xf32, #tpu.memory_space<vmem>>, vector<1x16xf32>,
    %swap3A_276 = arith.constant 126 : i32
    %swap3A_277 = arith.index_cast %swap3A_276 : i32 to index
    %swap3A_278 = arith.constant 32 : index
    %swap3A_279 = tpu.vector_load %arg9[%swap3A_277, %swap3A_278] {strides = array<i32>} : memref<128x64xf32, #tpu.memory_space<vmem>>, vector<1x16xf32>,
    %swap3A_280 = vector.shape_cast %swap3A_279 : vector<1x16xf32> to vector<16xf32>
    %swap3A_281 = vector.shape_cast %scan3A_262#2 : vector<16xf32> to vector<1x16xf32>
    tpu.vector_store %arg9[%swap3A_277, %swap3A_278], %swap3A_281 {strides = array<i32>} : memref<128x64xf32, #tpu.memory_space<vmem>>, vector<1x16xf32>,
    %swap3A_282 = arith.constant 126 : i32
    %swap3A_283 = arith.index_cast %swap3A_282 : i32 to index
    %swap3A_284 = arith.constant 48 : index
    %swap3A_285 = tpu.vector_load %arg9[%swap3A_283, %swap3A_284] {strides = array<i32>} : memref<128x64xf32, #tpu.memory_space<vmem>>, vector<1x16xf32>,
    %swap3A_286 = vector.shape_cast %swap3A_285 : vector<1x16xf32> to vector<16xf32>
    %swap3A_287 = vector.shape_cast %scan3A_262#3 : vector<16xf32> to vector<1x16xf32>
    tpu.vector_store %arg9[%swap3A_283, %swap3A_284], %swap3A_287 {strides = array<i32>} : memref<128x64xf32, #tpu.memory_space<vmem>>, vector<1x16xf32>,
    %dma_wait3A_288 = arith.constant 0 : i32
    %dma_wait3A_289 = arith.constant 3 : i32
    %dma_wait3A_290 = arith.constant 0 : i32
    %dma_wait3A_291 = arith.constant 0 : i32
    %dma_wait3A_292 = tpu.memref_slice %arg8[%dma_wait3A_289, %dma_wait3A_290, %dma_wait3A_291] : memref<4x200x64xf32, #tpu.memory_space<vmem>> -> memref<1x128x64xf32, #tpu.memory_space<vmem>>
    %dma_wait3A_293 = tpu.memref_squeeze %dma_wait3A_292 : memref<1x128x64xf32, #tpu.memory_space<vmem>> -> memref<128x64xf32, #tpu.memory_space<vmem>>
    %dma_wait3A_294 = arith.constant 0 : i32
    %dma_wait3A_295 = tpu.memref_slice %arg6[%dma_wait3A_288, %dma_wait3A_294] : memref<128x128xi32, #tpu.memory_space<vmem>> -> memref<1x128xi32, #tpu.memory_space<vmem>>
    %dma_wait3A_296 = tpu.memref_squeeze %dma_wait3A_295 : memref<1x128xi32, #tpu.memory_space<vmem>> -> memref<128xi32, #tpu.memory_space<vmem>>
    %dma_wait3A_297 = arith.constant 0 : i32
    %dma_wait3A_298 = arith.constant 0 : i32
    %dma_wait3A_299 = tpu.memref_slice %arg4[%dma_wait3A_297, %dma_wait3A_298] : memref<1000000x64xf32, #tpu.memory_space<hbm>> -> memref<1000000x64xf32, #tpu.memory_space<hbm>>
    tpu.wait_indirect_dma semaphore(%arg13 : memref<!tpu.dma_semaphore, #tpu.memory_space<semaphore_mem>>) src(%dma_wait3A_299 : memref<1000000x64xf32, #tpu.memory_space<hbm>>) dst(%dma_wait3A_293 : memref<128x64xf32, #tpu.memory_space<vmem>>)
    %dma_wait3A_300 = arith.constant 0 : i32
    %dma_wait3A_301 = arith.constant 3 : i32
    %dma_wait3A_302 = arith.constant 128 : i32
    %dma_wait3A_303 = arith.constant 0 : i32
    %dma_wait3A_304 = tpu.memref_slice %arg8[%dma_wait3A_301, %dma_wait3A_302, %dma_wait3A_303] : memref<4x200x64xf32, #tpu.memory_space<vmem>> -> memref<1x72x64xf32, #tpu.memory_space<vmem>>
    %dma_wait3A_305 = tpu.memref_squeeze %dma_wait3A_304 : memref<1x72x64xf32, #tpu.memory_space<vmem>> -> memref<72x64xf32, #tpu.memory_space<vmem>>
    %dma_wait3A_306 = arith.constant 56 : i32
    %dma_wait3A_307 = tpu.memref_slice %arg7[%dma_wait3A_300, %dma_wait3A_306] : memref<128x128xi32, #tpu.memory_space<vmem>> -> memref<1x72xi32, #tpu.memory_space<vmem>>
    %dma_wait3A_308 = tpu.memref_squeeze %dma_wait3A_307 : memref<1x72xi32, #tpu.memory_space<vmem>> -> memref<72xi32, #tpu.memory_space<vmem>>
    %dma_wait3A_309 = arith.constant 0 : i32
    %dma_wait3A_310 = arith.constant 0 : i32
    %dma_wait3A_311 = tpu.memref_slice %arg4[%dma_wait3A_309, %dma_wait3A_310] : memref<1000000x64xf32, #tpu.memory_space<hbm>> -> memref<1000000x64xf32, #tpu.memory_space<hbm>>
    tpu.wait_indirect_dma semaphore(%arg13 : memref<!tpu.dma_semaphore, #tpu.memory_space<semaphore_mem>>) src(%dma_wait3A_311 : memref<1000000x64xf32, #tpu.memory_space<hbm>>) dst(%dma_wait3A_305 : memref<72x64xf32, #tpu.memory_space<vmem>>)
    %broadcast_in_dim3A_312 = arith.constant 0.000000e+00 : f32
    %broadcast_in_dim3A_313 = vector.broadcast %broadcast_in_dim3A_312 : f32 to vector<16xf32>
    %broadcast_in_dim3A_314 = arith.constant 0.000000e+00 : f32
    %broadcast_in_dim3A_315 = vector.broadcast %broadcast_in_dim3A_314 : f32 to vector<16xf32>
    %broadcast_in_dim3A_316 = arith.constant 0.000000e+00 : f32
    %broadcast_in_dim3A_317 = vector.broadcast %broadcast_in_dim3A_316 : f32 to vector<16xf32>
    %broadcast_in_dim3A_318 = arith.constant 0.000000e+00 : f32
    %broadcast_in_dim3A_319 = vector.broadcast %broadcast_in_dim3A_318 : f32 to vector<16xf32>
    %scan3A_320 = arith.constant 0 : i32
    %scan3A_321 = arith.constant 20 : i32
    %scan3A_322 = arith.addi %scan3A_320, %scan3A_321 : i32
    %scan3A_323 = arith.constant 1 : i32
    %scan3A_324:4 = scf.for %scan3A_352 = %scan3A_320 to %scan3A_322 step %scan3A_323 iter_args(%scan3A_353 = %broadcast_in_dim3A_313, %scan3A_354 = %broadcast_in_dim3A_315, %scan3A_355 = %broadcast_in_dim3A_317, %scan3A_356 = %broadcast_in_dim3A_319) -> (vector<16xf32>, vector<16xf32>, vector<16xf32>, vector<16xf32>)  : i32 {
      %mul3A_357 = arith.constant 10 : i32
      %mul3A_358 = arith.muli %scan3A_352, %mul3A_357 : i32
      %add3A_359 = arith.constant 0 : i32
      %add3A_360 = arith.addi %mul3A_358, %add3A_359 : i32
      %get3A = arith.constant 3 : i32
      %get3A_361 = arith.index_cast %get3A : i32 to index
      %get3A_362 = arith.index_cast %add3A_360 : i32 to index
      %get3A_363 = arith.constant 0 : index
      %get3A_364 = tpu.vector_load %arg8[%get3A_361, %get3A_362, %get3A_363] {strides = array<i32>} : memref<4x200x64xf32, #tpu.memory_space<vmem>>, vector<1x1x16xf32>,
      %get3A_365 = vector.shape_cast %get3A_364 : vector<1x1x16xf32> to vector<16xf32>
      %add3A_366 = arith.addf %scan3A_353, %get3A_365 : vector<16xf32>
      %get3A_367 = arith.constant 3 : i32
      %get3A_368 = arith.index_cast %get3A_367 : i32 to index
      %get3A_369 = arith.index_cast %add3A_360 : i32 to index
      %get3A_370 = arith.constant 16 : index
      %get3A_371 = tpu.vector_load %arg8[%get3A_368, %get3A_369, %get3A_370] {strides = array<i32>} : memref<4x200x64xf32, #tpu.memory_space<vmem>>, vector<1x1x16xf32>,
      %get3A_372 = vector.shape_cast %get3A_371 : vector<1x1x16xf32> to vector<16xf32>
      %add3A_373 = arith.addf %scan3A_354, %get3A_372 : vector<16xf32>
      %get3A_374 = arith.constant 3 : i32
      %get3A_375 = arith.index_cast %get3A_374 : i32 to index
      %get3A_376 = arith.index_cast %add3A_360 : i32 to index
      %get3A_377 = arith.constant 32 : index
      %get3A_378 = tpu.vector_load %arg8[%get3A_375, %get3A_376, %get3A_377] {strides = array<i32>} : memref<4x200x64xf32, #tpu.memory_space<vmem>>, vector<1x1x16xf32>,
      %get3A_379 = vector.shape_cast %get3A_378 : vector<1x1x16xf32> to vector<16xf32>
      %add3A_380 = arith.addf %scan3A_355, %get3A_379 : vector<16xf32>
      %get3A_381 = arith.constant 3 : i32
      %get3A_382 = arith.index_cast %get3A_381 : i32 to index
      %get3A_383 = arith.index_cast %add3A_360 : i32 to index
      %get3A_384 = arith.constant 48 : index
      %get3A_385 = tpu.vector_load %arg8[%get3A_382, %get3A_383, %get3A_384] {strides = array<i32>} : memref<4x200x64xf32, #tpu.memory_space<vmem>>, vector<1x1x16xf32>,
      %get3A_386 = vector.shape_cast %get3A_385 : vector<1x1x16xf32> to vector<16xf32>
      %add3A_387 = arith.addf %scan3A_356, %get3A_386 : vector<16xf32>
      %mul3A_388 = arith.constant 10 : i32
      %mul3A_389 = arith.muli %scan3A_352, %mul3A_388 : i32
      %add3A_390 = arith.constant 1 : i32
      %add3A_391 = arith.addi %mul3A_389, %add3A_390 : i32
      %get3A_392 = arith.constant 3 : i32
      %get3A_393 = arith.index_cast %get3A_392 : i32 to index
      %get3A_394 = arith.index_cast %add3A_391 : i32 to index
      %get3A_395 = arith.constant 0 : index
      %get3A_396 = tpu.vector_load %arg8[%get3A_393, %get3A_394, %get3A_395] {strides = array<i32>} : memref<4x200x64xf32, #tpu.memory_space<vmem>>, vector<1x1x16xf32>,
      %get3A_397 = vector.shape_cast %get3A_396 : vector<1x1x16xf32> to vector<16xf32>
      %add3A_398 = arith.addf %add3A_366, %get3A_397 : vector<16xf32>
      %get3A_399 = arith.constant 3 : i32
      %get3A_400 = arith.index_cast %get3A_399 : i32 to index
      %get3A_401 = arith.index_cast %add3A_391 : i32 to index
      %get3A_402 = arith.constant 16 : index
      %get3A_403 = tpu.vector_load %arg8[%get3A_400, %get3A_401, %get3A_402] {strides = array<i32>} : memref<4x200x64xf32, #tpu.memory_space<vmem>>, vector<1x1x16xf32>,
      %get3A_404 = vector.shape_cast %get3A_403 : vector<1x1x16xf32> to vector<16xf32>
      %add3A_405 = arith.addf %add3A_373, %get3A_404 : vector<16xf32>
      %get3A_406 = arith.constant 3 : i32
      %get3A_407 = arith.index_cast %get3A_406 : i32 to index
      %get3A_408 = arith.index_cast %add3A_391 : i32 to index
      %get3A_409 = arith.constant 32 : index
      %get3A_410 = tpu.vector_load %arg8[%get3A_407, %get3A_408, %get3A_409] {strides = array<i32>} : memref<4x200x64xf32, #tpu.memory_space<vmem>>, vector<1x1x16xf32>,
      %get3A_411 = vector.shape_cast %get3A_410 : vector<1x1x16xf32> to vector<16xf32>
      %add3A_412 = arith.addf %add3A_380, %get3A_411 : vector<16xf32>
      %get3A_413 = arith.constant 3 : i32
      %get3A_414 = arith.index_cast %get3A_413 : i32 to index
      %get3A_415 = arith.index_cast %add3A_391 : i32 to index
      %get3A_416 = arith.constant 48 : index
      %get3A_417 = tpu.vector_load %arg8[%get3A_414, %get3A_415, %get3A_416] {strides = array<i32>} : memref<4x200x64xf32, #tpu.memory_space<vmem>>, vector<1x1x16xf32>,
      %get3A_418 = vector.shape_cast %get3A_417 : vector<1x1x16xf32> to vector<16xf32>
      %add3A_419 = arith.addf %add3A_387, %get3A_418 : vector<16xf32>
      %mul3A_420 = arith.constant 10 : i32
      %mul3A_421 = arith.muli %scan3A_352, %mul3A_420 : i32
      %add3A_422 = arith.constant 2 : i32
      %add3A_423 = arith.addi %mul3A_421, %add3A_422 : i32
      %get3A_424 = arith.constant 3 : i32
      %get3A_425 = arith.index_cast %get3A_424 : i32 to index
      %get3A_426 = arith.index_cast %add3A_423 : i32 to index
      %get3A_427 = arith.constant 0 : index
      %get3A_428 = tpu.vector_load %arg8[%get3A_425, %get3A_426, %get3A_427] {strides = array<i32>} : memref<4x200x64xf32, #tpu.memory_space<vmem>>, vector<1x1x16xf32>,
      %get3A_429 = vector.shape_cast %get3A_428 : vector<1x1x16xf32> to vector<16xf32>
      %add3A_430 = arith.addf %add3A_398, %get3A_429 : vector<16xf32>
      %get3A_431 = arith.constant 3 : i32
      %get3A_432 = arith.index_cast %get3A_431 : i32 to index
      %get3A_433 = arith.index_cast %add3A_423 : i32 to index
      %get3A_434 = arith.constant 16 : index
      %get3A_435 = tpu.vector_load %arg8[%get3A_432, %get3A_433, %get3A_434] {strides = array<i32>} : memref<4x200x64xf32, #tpu.memory_space<vmem>>, vector<1x1x16xf32>,
      %get3A_436 = vector.shape_cast %get3A_435 : vector<1x1x16xf32> to vector<16xf32>
      %add3A_437 = arith.addf %add3A_405, %get3A_436 : vector<16xf32>
      %get3A_438 = arith.constant 3 : i32
      %get3A_439 = arith.index_cast %get3A_438 : i32 to index
      %get3A_440 = arith.index_cast %add3A_423 : i32 to index
      %get3A_441 = arith.constant 32 : index
      %get3A_442 = tpu.vector_load %arg8[%get3A_439, %get3A_440, %get3A_441] {strides = array<i32>} : memref<4x200x64xf32, #tpu.memory_space<vmem>>, vector<1x1x16xf32>,
      %get3A_443 = vector.shape_cast %get3A_442 : vector<1x1x16xf32> to vector<16xf32>
      %add3A_444 = arith.addf %add3A_412, %get3A_443 : vector<16xf32>
      %get3A_445 = arith.constant 3 : i32
      %get3A_446 = arith.index_cast %get3A_445 : i32 to index
      %get3A_447 = arith.index_cast %add3A_423 : i32 to index
      %get3A_448 = arith.constant 48 : index
      %get3A_449 = tpu.vector_load %arg8[%get3A_446, %get3A_447, %get3A_448] {strides = array<i32>} : memref<4x200x64xf32, #tpu.memory_space<vmem>>, vector<1x1x16xf32>,
      %get3A_450 = vector.shape_cast %get3A_449 : vector<1x1x16xf32> to vector<16xf32>
      %add3A_451 = arith.addf %add3A_419, %get3A_450 : vector<16xf32>
      %mul3A_452 = arith.constant 10 : i32
      %mul3A_453 = arith.muli %scan3A_352, %mul3A_452 : i32
      %add3A_454 = arith.constant 3 : i32
      %add3A_455 = arith.addi %mul3A_453, %add3A_454 : i32
      %get3A_456 = arith.constant 3 : i32
      %get3A_457 = arith.index_cast %get3A_456 : i32 to index
      %get3A_458 = arith.index_cast %add3A_455 : i32 to index
      %get3A_459 = arith.constant 0 : index
      %get3A_460 = tpu.vector_load %arg8[%get3A_457, %get3A_458, %get3A_459] {strides = array<i32>} : memref<4x200x64xf32, #tpu.memory_space<vmem>>, vector<1x1x16xf32>,
      %get3A_461 = vector.shape_cast %get3A_460 : vector<1x1x16xf32> to vector<16xf32>
      %add3A_462 = arith.addf %add3A_430, %get3A_461 : vector<16xf32>
      %get3A_463 = arith.constant 3 : i32
      %get3A_464 = arith.index_cast %get3A_463 : i32 to index
      %get3A_465 = arith.index_cast %add3A_455 : i32 to index
      %get3A_466 = arith.constant 16 : index
      %get3A_467 = tpu.vector_load %arg8[%get3A_464, %get3A_465, %get3A_466] {strides = array<i32>} : memref<4x200x64xf32, #tpu.memory_space<vmem>>, vector<1x1x16xf32>,
      %get3A_468 = vector.shape_cast %get3A_467 : vector<1x1x16xf32> to vector<16xf32>
      %add3A_469 = arith.addf %add3A_437, %get3A_468 : vector<16xf32>
      %get3A_470 = arith.constant 3 : i32
      %get3A_471 = arith.index_cast %get3A_470 : i32 to index
      %get3A_472 = arith.index_cast %add3A_455 : i32 to index
      %get3A_473 = arith.constant 32 : index
      %get3A_474 = tpu.vector_load %arg8[%get3A_471, %get3A_472, %get3A_473] {strides = array<i32>} : memref<4x200x64xf32, #tpu.memory_space<vmem>>, vector<1x1x16xf32>,
      %get3A_475 = vector.shape_cast %get3A_474 : vector<1x1x16xf32> to vector<16xf32>
      %add3A_476 = arith.addf %add3A_444, %get3A_475 : vector<16xf32>
      %get3A_477 = arith.constant 3 : i32
      %get3A_478 = arith.index_cast %get3A_477 : i32 to index
      %get3A_479 = arith.index_cast %add3A_455 : i32 to index
      %get3A_480 = arith.constant 48 : index
      %get3A_481 = tpu.vector_load %arg8[%get3A_478, %get3A_479, %get3A_480] {strides = array<i32>} : memref<4x200x64xf32, #tpu.memory_space<vmem>>, vector<1x1x16xf32>,
      %get3A_482 = vector.shape_cast %get3A_481 : vector<1x1x16xf32> to vector<16xf32>
      %add3A_483 = arith.addf %add3A_451, %get3A_482 : vector<16xf32>
      %mul3A_484 = arith.constant 10 : i32
      %mul3A_485 = arith.muli %scan3A_352, %mul3A_484 : i32
      %add3A_486 = arith.constant 4 : i32
      %add3A_487 = arith.addi %mul3A_485, %add3A_486 : i32
      %get3A_488 = arith.constant 3 : i32
      %get3A_489 = arith.index_cast %get3A_488 : i32 to index
      %get3A_490 = arith.index_cast %add3A_487 : i32 to index
      %get3A_491 = arith.constant 0 : index
      %get3A_492 = tpu.vector_load %arg8[%get3A_489, %get3A_490, %get3A_491] {strides = array<i32>} : memref<4x200x64xf32, #tpu.memory_space<vmem>>, vector<1x1x16xf32>,
      %get3A_493 = vector.shape_cast %get3A_492 : vector<1x1x16xf32> to vector<16xf32>
      %add3A_494 = arith.addf %add3A_462, %get3A_493 : vector<16xf32>
      %get3A_495 = arith.constant 3 : i32
      %get3A_496 = arith.index_cast %get3A_495 : i32 to index
      %get3A_497 = arith.index_cast %add3A_487 : i32 to index
      %get3A_498 = arith.constant 16 : index
      %get3A_499 = tpu.vector_load %arg8[%get3A_496, %get3A_497, %get3A_498] {strides = array<i32>} : memref<4x200x64xf32, #tpu.memory_space<vmem>>, vector<1x1x16xf32>,
      %get3A_500 = vector.shape_cast %get3A_499 : vector<1x1x16xf32> to vector<16xf32>
      %add3A_501 = arith.addf %add3A_469, %get3A_500 : vector<16xf32>
      %get3A_502 = arith.constant 3 : i32
      %get3A_503 = arith.index_cast %get3A_502 : i32 to index
      %get3A_504 = arith.index_cast %add3A_487 : i32 to index
      %get3A_505 = arith.constant 32 : index
      %get3A_506 = tpu.vector_load %arg8[%get3A_503, %get3A_504, %get3A_505] {strides = array<i32>} : memref<4x200x64xf32, #tpu.memory_space<vmem>>, vector<1x1x16xf32>,
      %get3A_507 = vector.shape_cast %get3A_506 : vector<1x1x16xf32> to vector<16xf32>
      %add3A_508 = arith.addf %add3A_476, %get3A_507 : vector<16xf32>
      %get3A_509 = arith.constant 3 : i32
      %get3A_510 = arith.index_cast %get3A_509 : i32 to index
      %get3A_511 = arith.index_cast %add3A_487 : i32 to index
      %get3A_512 = arith.constant 48 : index
      %get3A_513 = tpu.vector_load %arg8[%get3A_510, %get3A_511, %get3A_512] {strides = array<i32>} : memref<4x200x64xf32, #tpu.memory_space<vmem>>, vector<1x1x16xf32>,
      %get3A_514 = vector.shape_cast %get3A_513 : vector<1x1x16xf32> to vector<16xf32>
      %add3A_515 = arith.addf %add3A_483, %get3A_514 : vector<16xf32>
      %mul3A_516 = arith.constant 10 : i32
      %mul3A_517 = arith.muli %scan3A_352, %mul3A_516 : i32
      %add3A_518 = arith.constant 5 : i32
      %add3A_519 = arith.addi %mul3A_517, %add3A_518 : i32
      %get3A_520 = arith.constant 3 : i32
      %get3A_521 = arith.index_cast %get3A_520 : i32 to index
      %get3A_522 = arith.index_cast %add3A_519 : i32 to index
      %get3A_523 = arith.constant 0 : index
      %get3A_524 = tpu.vector_load %arg8[%get3A_521, %get3A_522, %get3A_523] {strides = array<i32>} : memref<4x200x64xf32, #tpu.memory_space<vmem>>, vector<1x1x16xf32>,
      %get3A_525 = vector.shape_cast %get3A_524 : vector<1x1x16xf32> to vector<16xf32>
      %add3A_526 = arith.addf %add3A_494, %get3A_525 : vector<16xf32>
      %get3A_527 = arith.constant 3 : i32
      %get3A_528 = arith.index_cast %get3A_527 : i32 to index
      %get3A_529 = arith.index_cast %add3A_519 : i32 to index
      %get3A_530 = arith.constant 16 : index
      %get3A_531 = tpu.vector_load %arg8[%get3A_528, %get3A_529, %get3A_530] {strides = array<i32>} : memref<4x200x64xf32, #tpu.memory_space<vmem>>, vector<1x1x16xf32>,
      %get3A_532 = vector.shape_cast %get3A_531 : vector<1x1x16xf32> to vector<16xf32>
      %add3A_533 = arith.addf %add3A_501, %get3A_532 : vector<16xf32>
      %get3A_534 = arith.constant 3 : i32
      %get3A_535 = arith.index_cast %get3A_534 : i32 to index
      %get3A_536 = arith.index_cast %add3A_519 : i32 to index
      %get3A_537 = arith.constant 32 : index
      %get3A_538 = tpu.vector_load %arg8[%get3A_535, %get3A_536, %get3A_537] {strides = array<i32>} : memref<4x200x64xf32, #tpu.memory_space<vmem>>, vector<1x1x16xf32>,
      %get3A_539 = vector.shape_cast %get3A_538 : vector<1x1x16xf32> to vector<16xf32>
      %add3A_540 = arith.addf %add3A_508, %get3A_539 : vector<16xf32>
      %get3A_541 = arith.constant 3 : i32
      %get3A_542 = arith.index_cast %get3A_541 : i32 to index
      %get3A_543 = arith.index_cast %add3A_519 : i32 to index
      %get3A_544 = arith.constant 48 : index
      %get3A_545 = tpu.vector_load %arg8[%get3A_542, %get3A_543, %get3A_544] {strides = array<i32>} : memref<4x200x64xf32, #tpu.memory_space<vmem>>, vector<1x1x16xf32>,
      %get3A_546 = vector.shape_cast %get3A_545 : vector<1x1x16xf32> to vector<16xf32>
      %add3A_547 = arith.addf %add3A_515, %get3A_546 : vector<16xf32>
      %mul3A_548 = arith.constant 10 : i32
      %mul3A_549 = arith.muli %scan3A_352, %mul3A_548 : i32
      %add3A_550 = arith.constant 6 : i32
      %add3A_551 = arith.addi %mul3A_549, %add3A_550 : i32
      %get3A_552 = arith.constant 3 : i32
      %get3A_553 = arith.index_cast %get3A_552 : i32 to index
      %get3A_554 = arith.index_cast %add3A_551 : i32 to index
      %get3A_555 = arith.constant 0 : index
      %get3A_556 = tpu.vector_load %arg8[%get3A_553, %get3A_554, %get3A_555] {strides = array<i32>} : memref<4x200x64xf32, #tpu.memory_space<vmem>>, vector<1x1x16xf32>,
      %get3A_557 = vector.shape_cast %get3A_556 : vector<1x1x16xf32> to vector<16xf32>
      %add3A_558 = arith.addf %add3A_526, %get3A_557 : vector<16xf32>
      %get3A_559 = arith.constant 3 : i32
      %get3A_560 = arith.index_cast %get3A_559 : i32 to index
      %get3A_561 = arith.index_cast %add3A_551 : i32 to index
      %get3A_562 = arith.constant 16 : index
      %get3A_563 = tpu.vector_load %arg8[%get3A_560, %get3A_561, %get3A_562] {strides = array<i32>} : memref<4x200x64xf32, #tpu.memory_space<vmem>>, vector<1x1x16xf32>,
      %get3A_564 = vector.shape_cast %get3A_563 : vector<1x1x16xf32> to vector<16xf32>
      %add3A_565 = arith.addf %add3A_533, %get3A_564 : vector<16xf32>
      %get3A_566 = arith.constant 3 : i32
      %get3A_567 = arith.index_cast %get3A_566 : i32 to index
      %get3A_568 = arith.index_cast %add3A_551 : i32 to index
      %get3A_569 = arith.constant 32 : index
      %get3A_570 = tpu.vector_load %arg8[%get3A_567, %get3A_568, %get3A_569] {strides = array<i32>} : memref<4x200x64xf32, #tpu.memory_space<vmem>>, vector<1x1x16xf32>,
      %get3A_571 = vector.shape_cast %get3A_570 : vector<1x1x16xf32> to vector<16xf32>
      %add3A_572 = arith.addf %add3A_540, %get3A_571 : vector<16xf32>
      %get3A_573 = arith.constant 3 : i32
      %get3A_574 = arith.index_cast %get3A_573 : i32 to index
      %get3A_575 = arith.index_cast %add3A_551 : i32 to index
      %get3A_576 = arith.constant 48 : index
      %get3A_577 = tpu.vector_load %arg8[%get3A_574, %get3A_575, %get3A_576] {strides = array<i32>} : memref<4x200x64xf32, #tpu.memory_space<vmem>>, vector<1x1x16xf32>,
      %get3A_578 = vector.shape_cast %get3A_577 : vector<1x1x16xf32> to vector<16xf32>
      %add3A_579 = arith.addf %add3A_547, %get3A_578 : vector<16xf32>
      %mul3A_580 = arith.constant 10 : i32
      %mul3A_581 = arith.muli %scan3A_352, %mul3A_580 : i32
      %add3A_582 = arith.constant 7 : i32
      %add3A_583 = arith.addi %mul3A_581, %add3A_582 : i32
      %get3A_584 = arith.constant 3 : i32
      %get3A_585 = arith.index_cast %get3A_584 : i32 to index
      %get3A_586 = arith.index_cast %add3A_583 : i32 to index
      %get3A_587 = arith.constant 0 : index
      %get3A_588 = tpu.vector_load %arg8[%get3A_585, %get3A_586, %get3A_587] {strides = array<i32>} : memref<4x200x64xf32, #tpu.memory_space<vmem>>, vector<1x1x16xf32>,
      %get3A_589 = vector.shape_cast %get3A_588 : vector<1x1x16xf32> to vector<16xf32>
      %add3A_590 = arith.addf %add3A_558, %get3A_589 : vector<16xf32>
      %get3A_591 = arith.constant 3 : i32
      %get3A_592 = arith.index_cast %get3A_591 : i32 to index
      %get3A_593 = arith.index_cast %add3A_583 : i32 to index
      %get3A_594 = arith.constant 16 : index
      %get3A_595 = tpu.vector_load %arg8[%get3A_592, %get3A_593, %get3A_594] {strides = array<i32>} : memref<4x200x64xf32, #tpu.memory_space<vmem>>, vector<1x1x16xf32>,
      %get3A_596 = vector.shape_cast %get3A_595 : vector<1x1x16xf32> to vector<16xf32>
      %add3A_597 = arith.addf %add3A_565, %get3A_596 : vector<16xf32>
      %get3A_598 = arith.constant 3 : i32
      %get3A_599 = arith.index_cast %get3A_598 : i32 to index
      %get3A_600 = arith.index_cast %add3A_583 : i32 to index
      %get3A_601 = arith.constant 32 : index
      %get3A_602 = tpu.vector_load %arg8[%get3A_599, %get3A_600, %get3A_601] {strides = array<i32>} : memref<4x200x64xf32, #tpu.memory_space<vmem>>, vector<1x1x16xf32>,
      %get3A_603 = vector.shape_cast %get3A_602 : vector<1x1x16xf32> to vector<16xf32>
      %add3A_604 = arith.addf %add3A_572, %get3A_603 : vector<16xf32>
      %get3A_605 = arith.constant 3 : i32
      %get3A_606 = arith.index_cast %get3A_605 : i32 to index
      %get3A_607 = arith.index_cast %add3A_583 : i32 to index
      %get3A_608 = arith.constant 48 : index
      %get3A_609 = tpu.vector_load %arg8[%get3A_606, %get3A_607, %get3A_608] {strides = array<i32>} : memref<4x200x64xf32, #tpu.memory_space<vmem>>, vector<1x1x16xf32>,
      %get3A_610 = vector.shape_cast %get3A_609 : vector<1x1x16xf32> to vector<16xf32>
      %add3A_611 = arith.addf %add3A_579, %get3A_610 : vector<16xf32>
      %mul3A_612 = arith.constant 10 : i32
      %mul3A_613 = arith.muli %scan3A_352, %mul3A_612 : i32
      %add3A_614 = arith.constant 8 : i32
      %add3A_615 = arith.addi %mul3A_613, %add3A_614 : i32
      %get3A_616 = arith.constant 3 : i32
      %get3A_617 = arith.index_cast %get3A_616 : i32 to index
      %get3A_618 = arith.index_cast %add3A_615 : i32 to index
      %get3A_619 = arith.constant 0 : index
      %get3A_620 = tpu.vector_load %arg8[%get3A_617, %get3A_618, %get3A_619] {strides = array<i32>} : memref<4x200x64xf32, #tpu.memory_space<vmem>>, vector<1x1x16xf32>,
      %get3A_621 = vector.shape_cast %get3A_620 : vector<1x1x16xf32> to vector<16xf32>
      %add3A_622 = arith.addf %add3A_590, %get3A_621 : vector<16xf32>
      %get3A_623 = arith.constant 3 : i32
      %get3A_624 = arith.index_cast %get3A_623 : i32 to index
      %get3A_625 = arith.index_cast %add3A_615 : i32 to index
      %get3A_626 = arith.constant 16 : index
      %get3A_627 = tpu.vector_load %arg8[%get3A_624, %get3A_625, %get3A_626] {strides = array<i32>} : memref<4x200x64xf32, #tpu.memory_space<vmem>>, vector<1x1x16xf32>,
      %get3A_628 = vector.shape_cast %get3A_627 : vector<1x1x16xf32> to vector<16xf32>
      %add3A_629 = arith.addf %add3A_597, %get3A_628 : vector<16xf32>
      %get3A_630 = arith.constant 3 : i32
      %get3A_631 = arith.index_cast %get3A_630 : i32 to index
      %get3A_632 = arith.index_cast %add3A_615 : i32 to index
      %get3A_633 = arith.constant 32 : index
      %get3A_634 = tpu.vector_load %arg8[%get3A_631, %get3A_632, %get3A_633] {strides = array<i32>} : memref<4x200x64xf32, #tpu.memory_space<vmem>>, vector<1x1x16xf32>,
      %get3A_635 = vector.shape_cast %get3A_634 : vector<1x1x16xf32> to vector<16xf32>
      %add3A_636 = arith.addf %add3A_604, %get3A_635 : vector<16xf32>
      %get3A_637 = arith.constant 3 : i32
      %get3A_638 = arith.index_cast %get3A_637 : i32 to index
      %get3A_639 = arith.index_cast %add3A_615 : i32 to index
      %get3A_640 = arith.constant 48 : index
      %get3A_641 = tpu.vector_load %arg8[%get3A_638, %get3A_639, %get3A_640] {strides = array<i32>} : memref<4x200x64xf32, #tpu.memory_space<vmem>>, vector<1x1x16xf32>,
      %get3A_642 = vector.shape_cast %get3A_641 : vector<1x1x16xf32> to vector<16xf32>
      %add3A_643 = arith.addf %add3A_611, %get3A_642 : vector<16xf32>
      %mul3A_644 = arith.constant 10 : i32
      %mul3A_645 = arith.muli %scan3A_352, %mul3A_644 : i32
      %add3A_646 = arith.constant 9 : i32
      %add3A_647 = arith.addi %mul3A_645, %add3A_646 : i32
      %get3A_648 = arith.constant 3 : i32
      %get3A_649 = arith.index_cast %get3A_648 : i32 to index
      %get3A_650 = arith.index_cast %add3A_647 : i32 to index
      %get3A_651 = arith.constant 0 : index
      %get3A_652 = tpu.vector_load %arg8[%get3A_649, %get3A_650, %get3A_651] {strides = array<i32>} : memref<4x200x64xf32, #tpu.memory_space<vmem>>, vector<1x1x16xf32>,
      %get3A_653 = vector.shape_cast %get3A_652 : vector<1x1x16xf32> to vector<16xf32>
      %add3A_654 = arith.addf %add3A_622, %get3A_653 : vector<16xf32>
      %get3A_655 = arith.constant 3 : i32
      %get3A_656 = arith.index_cast %get3A_655 : i32 to index
      %get3A_657 = arith.index_cast %add3A_647 : i32 to index
      %get3A_658 = arith.constant 16 : index
      %get3A_659 = tpu.vector_load %arg8[%get3A_656, %get3A_657, %get3A_658] {strides = array<i32>} : memref<4x200x64xf32, #tpu.memory_space<vmem>>, vector<1x1x16xf32>,
      %get3A_660 = vector.shape_cast %get3A_659 : vector<1x1x16xf32> to vector<16xf32>
      %add3A_661 = arith.addf %add3A_629, %get3A_660 : vector<16xf32>
      %get3A_662 = arith.constant 3 : i32
      %get3A_663 = arith.index_cast %get3A_662 : i32 to index
      %get3A_664 = arith.index_cast %add3A_647 : i32 to index
      %get3A_665 = arith.constant 32 : index
      %get3A_666 = tpu.vector_load %arg8[%get3A_663, %get3A_664, %get3A_665] {strides = array<i32>} : memref<4x200x64xf32, #tpu.memory_space<vmem>>, vector<1x1x16xf32>,
      %get3A_667 = vector.shape_cast %get3A_666 : vector<1x1x16xf32> to vector<16xf32>
      %add3A_668 = arith.addf %add3A_636, %get3A_667 : vector<16xf32>
      %get3A_669 = arith.constant 3 : i32
      %get3A_670 = arith.index_cast %get3A_669 : i32 to index
      %get3A_671 = arith.index_cast %add3A_647 : i32 to index
      %get3A_672 = arith.constant 48 : index
      %get3A_673 = tpu.vector_load %arg8[%get3A_670, %get3A_671, %get3A_672] {strides = array<i32>} : memref<4x200x64xf32, #tpu.memory_space<vmem>>, vector<1x1x16xf32>,
      %get3A_674 = vector.shape_cast %get3A_673 : vector<1x1x16xf32> to vector<16xf32>
      %add3A_675 = arith.addf %add3A_643, %get3A_674 : vector<16xf32>
      scf.yield %add3A_654, %add3A_661, %add3A_668, %add3A_675 : vector<16xf32>, vector<16xf32>, vector<16xf32>, vector<16xf32>
    }
    %scan3A_325 = arith.constant 20 : i32
    %swap3A_326 = arith.constant 127 : i32
    %swap3A_327 = arith.index_cast %swap3A_326 : i32 to index
    %swap3A_328 = arith.constant 0 : index
    %swap3A_329 = tpu.vector_load %arg9[%swap3A_327, %swap3A_328] {strides = array<i32>} : memref<128x64xf32, #tpu.memory_space<vmem>>, vector<1x16xf32>,
    %swap3A_330 = vector.shape_cast %swap3A_329 : vector<1x16xf32> to vector<16xf32>
    %swap3A_331 = vector.shape_cast %scan3A_324#0 : vector<16xf32> to vector<1x16xf32>
    tpu.vector_store %arg9[%swap3A_327, %swap3A_328], %swap3A_331 {strides = array<i32>} : memref<128x64xf32, #tpu.memory_space<vmem>>, vector<1x16xf32>,
    %swap3A_332 = arith.constant 127 : i32
    %swap3A_333 = arith.index_cast %swap3A_332 : i32 to index
    %swap3A_334 = arith.constant 16 : index
    %swap3A_335 = tpu.vector_load %arg9[%swap3A_333, %swap3A_334] {strides = array<i32>} : memref<128x64xf32, #tpu.memory_space<vmem>>, vector<1x16xf32>,
    %swap3A_336 = vector.shape_cast %swap3A_335 : vector<1x16xf32> to vector<16xf32>
    %swap3A_337 = vector.shape_cast %scan3A_324#1 : vector<16xf32> to vector<1x16xf32>
    tpu.vector_store %arg9[%swap3A_333, %swap3A_334], %swap3A_337 {strides = array<i32>} : memref<128x64xf32, #tpu.memory_space<vmem>>, vector<1x16xf32>,
    %swap3A_338 = arith.constant 127 : i32
    %swap3A_339 = arith.index_cast %swap3A_338 : i32 to index
    %swap3A_340 = arith.constant 32 : index
    %swap3A_341 = tpu.vector_load %arg9[%swap3A_339, %swap3A_340] {strides = array<i32>} : memref<128x64xf32, #tpu.memory_space<vmem>>, vector<1x16xf32>,
    %swap3A_342 = vector.shape_cast %swap3A_341 : vector<1x16xf32> to vector<16xf32>
    %swap3A_343 = vector.shape_cast %scan3A_324#2 : vector<16xf32> to vector<1x16xf32>
    tpu.vector_store %arg9[%swap3A_339, %swap3A_340], %swap3A_343 {strides = array<i32>} : memref<128x64xf32, #tpu.memory_space<vmem>>, vector<1x16xf32>,
    %swap3A_344 = arith.constant 127 : i32
    %swap3A_345 = arith.index_cast %swap3A_344 : i32 to index
    %swap3A_346 = arith.constant 48 : index
    %swap3A_347 = tpu.vector_load %arg9[%swap3A_345, %swap3A_346] {strides = array<i32>} : memref<128x64xf32, #tpu.memory_space<vmem>>, vector<1x16xf32>,
    %swap3A_348 = vector.shape_cast %swap3A_347 : vector<1x16xf32> to vector<16xf32>
    %swap3A_349 = vector.shape_cast %scan3A_324#3 : vector<16xf32> to vector<1x16xf32>
    tpu.vector_store %arg9[%swap3A_345, %swap3A_346], %swap3A_349 {strides = array<i32>} : memref<128x64xf32, #tpu.memory_space<vmem>>, vector<1x16xf32>,
    %mul3A_350 = arith.constant 128 : i32
    %mul3A_351 = arith.muli %add3A, %mul3A_350 : i32
    "tpu.region"() ({
      %run_scoped3A = tpu.sem_alloc : memref<!tpu.dma_semaphore, #tpu.memory_space<semaphore_mem>>
      %dma_start3A_352 = arith.constant 0 : i32
      %dma_start3A_353 = tpu.memref_slice %arg5[%mul3A_351, %dma_start3A_352] : memref<4096x64xf32, #tpu.memory_space<hbm>> -> memref<128x64xf32, #tpu.memory_space<hbm>>
      %dma_start3A_354 = arith.constant 0 : i32
      %dma_start3A_355 = tpu.memref_slice %arg5[%mul3A_351, %dma_start3A_354] : memref<4096x64xf32, #tpu.memory_space<hbm>> -> memref<128x64xf32, #tpu.memory_space<hbm>>
      tpu.enqueue_dma source(%arg9 : memref<128x64xf32, #tpu.memory_space<vmem>>) target(%dma_start3A_355 : memref<128x64xf32, #tpu.memory_space<hbm>>) target_semaphore(%run_scoped3A : memref<!tpu.dma_semaphore, #tpu.memory_space<semaphore_mem>>)
      %dma_wait3A_356 = arith.constant 0 : i32
      %dma_wait3A_357 = tpu.memref_slice %arg5[%mul3A_351, %dma_wait3A_356] : memref<4096x64xf32, #tpu.memory_space<hbm>> -> memref<128x64xf32, #tpu.memory_space<hbm>>
      %dma_wait3A_358 = arith.constant 0 : i32
      %dma_wait3A_359 = tpu.memref_slice %arg5[%mul3A_351, %dma_wait3A_358] : memref<4096x64xf32, #tpu.memory_space<hbm>> -> memref<128x64xf32, #tpu.memory_space<hbm>>
      tpu.wait_dma2 semaphore(%run_scoped3A : memref<!tpu.dma_semaphore, #tpu.memory_space<semaphore_mem>>) src(%arg9 : memref<128x64xf32, #tpu.memory_space<vmem>>) dst(%dma_wait3A_359 : memref<128x64xf32, #tpu.memory_space<hbm>>)
      tpu.yield
    }) : () -> ()
    return
  }
}

module attributes {stable_mosaic.version = 14 : i64} {
  func.func @_mlp_body(%arg0: memref<4096x64xf32, #tpu.memory_space<vmem>>, %arg1: memref<64x128xf32, #tpu.memory_space<vmem>>, %arg2: memref<1x128xf32, #tpu.memory_space<vmem>>, %arg3: memref<128x128xf32, #tpu.memory_space<vmem>>, %arg4: memref<1x128xf32, #tpu.memory_space<vmem>>, %arg5: memref<1x128xf32, #tpu.memory_space<vmem>>, %arg6: memref<1x1xf32, #tpu.memory_space<vmem>>, %arg7: memref<4096x1xf32, #tpu.memory_space<vmem>>) attributes {dimension_semantics = [], scalar_prefetch = 0 : i64, scratch_operands = 0 : i64, tpu.core_type = #tpu.core_type<tc>} {
    %get3A = arith.constant 0 : index
    %get3A_0 = arith.constant 0 : index
    %get3A_1 = vector.load %arg0[%get3A, %get3A_0] : memref<4096x64xf32, #tpu.memory_space<vmem>>, vector<4096x64xf32>
    %get3A_2 = arith.constant 0 : index
    %get3A_3 = arith.constant 0 : index
    %get3A_4 = vector.load %arg1[%get3A_2, %get3A_3] : memref<64x128xf32, #tpu.memory_space<vmem>>, vector<64x128xf32>
    %dot_general3A = arith.constant dense<0.000000e+00> : vector<4096x128xf32>
    %dot_general3A_5 = tpu.matmul %get3A_1, %get3A_4, %dot_general3A {dimension_numbers = #tpu.dot_dimension_numbers<[1], [0], [0], [1], [0, 0, 1, 1], [], []>, transpose_lhs_hint = false} : vector<4096x64xf32>, vector<64x128xf32>, vector<4096x128xf32> -> vector<4096x128xf32>
    %get3A_6 = arith.constant 0 : index
    %get3A_7 = arith.constant 0 : index
    %get3A_8 = vector.load %arg2[%get3A_6, %get3A_7] : memref<1x128xf32, #tpu.memory_space<vmem>>, vector<1x128xf32>
    %add3A = vector.broadcast %get3A_8 : vector<1x128xf32> to vector<4096x128xf32>
    %add3A_9 = arith.addf %dot_general3A_5, %add3A : vector<4096x128xf32>
    %tanh3A = math.tanh %add3A_9 : vector<4096x128xf32>
    %get3A_10 = arith.constant 0 : index
    %get3A_11 = arith.constant 0 : index
    %get3A_12 = vector.load %arg3[%get3A_10, %get3A_11] : memref<128x128xf32, #tpu.memory_space<vmem>>, vector<128x128xf32>
    %dot_general3A_13 = arith.constant dense<0.000000e+00> : vector<4096x128xf32>
    %dot_general3A_14 = tpu.matmul %tanh3A, %get3A_12, %dot_general3A_13 {dimension_numbers = #tpu.dot_dimension_numbers<[1], [0], [0], [1], [0, 0, 1, 1], [], []>, transpose_lhs_hint = false} : vector<4096x128xf32>, vector<128x128xf32>, vector<4096x128xf32> -> vector<4096x128xf32>
    %get3A_15 = arith.constant 0 : index
    %get3A_16 = arith.constant 0 : index
    %get3A_17 = vector.load %arg4[%get3A_15, %get3A_16] : memref<1x128xf32, #tpu.memory_space<vmem>>, vector<1x128xf32>
    %add3A_18 = vector.broadcast %get3A_17 : vector<1x128xf32> to vector<4096x128xf32>
    %add3A_19 = arith.addf %dot_general3A_14, %add3A_18 : vector<4096x128xf32>
    %tanh3A_20 = math.tanh %add3A_19 : vector<4096x128xf32>
    %get3A_21 = arith.constant 0 : index
    %get3A_22 = arith.constant 0 : index
    %get3A_23 = vector.load %arg5[%get3A_21, %get3A_22] : memref<1x128xf32, #tpu.memory_space<vmem>>, vector<1x128xf32>
    %mul3A = vector.broadcast %get3A_23 : vector<1x128xf32> to vector<4096x128xf32>
    %mul3A_24 = arith.mulf %tanh3A_20, %mul3A : vector<4096x128xf32>
    %reduce_sum3A = arith.constant dense<0.000000e+00> : vector<4096xf32>
    %reduce_sum3A_25 = vector.multi_reduction <add>, %mul3A_24, %reduce_sum3A [1] : vector<4096x128xf32> to vector<4096xf32>
    %broadcast_in_dim3A = vector.shape_cast %reduce_sum3A_25 : vector<4096xf32> to vector<4096x1xf32>
    %get3A_26 = arith.constant 0 : index
    %get3A_27 = arith.constant 0 : index
    %get3A_28 = vector.load %arg6[%get3A_26, %get3A_27] : memref<1x1xf32, #tpu.memory_space<vmem>>, vector<1x1xf32>
    %add3A_29 = vector.broadcast %get3A_28 : vector<1x1xf32> to vector<4096x1xf32>
    %add3A_30 = arith.addf %broadcast_in_dim3A, %add3A_29 : vector<4096x1xf32>
    %swap3A = arith.constant 0 : index
    %swap3A_31 = arith.constant 0 : index
    %swap3A_32 = vector.load %arg7[%swap3A, %swap3A_31] : memref<4096x1xf32, #tpu.memory_space<vmem>>, vector<4096x1xf32>
    tpu.vector_store %arg7[%swap3A, %swap3A_31], %add3A_30 {strides = array<i32>} : memref<4096x1xf32, #tpu.memory_space<vmem>>, vector<4096x1xf32>,
    return
  }
}

</mosaic_0001>

<sc_bundles>
// kernel: kernel.4.cloned.1.call-start
scs
__scs_entry_jumppad:
0x0: {  	(pc) =	sbr.rel $0x88, $3  }
0x1: {  	(tag) =	ssettag $0x0;
	lr =	simm.s32 $0x1  }
0x2: {  	[smem:$0x3F99] =	sst lr;
	_ =	strace $0xD0000000  }
0x3: {  	_ = 	snop  }
0x4: {  	_ = 	snop  }
0x5: {  	_ = 	snop  }
0x6: {  	_ = 	snop  }
0x7: {  	_ = 	snop  }
__scs_overlays_trampoline_lowered:
0x8: {  	[smem:$0x3FA8] =	sst s0  }
0x9: {  	[smem:$0x3FA9] =	sst s1  }
0xa: {  	[smem:$0x3FAA] =	sst s2  }
0xb: {  	[smem:$0x3FAB] =	sst s3  }
0xc: {  	[smem:$0x3FAC] =	sst s4  }
0xd: {  	[smem:$0x3FAD] =	sst s5  }
0xe: {  	[smem:$0x3FAE] =	sst s6  }
0xf: {  	[smem:$0x3FAF] =	sst s7  }
0x10: {  	[smem:$0x3FB0] =	sst s8  }
0x11: {  	[smem:$0x3FB1] =	sst s9;
	s0 =	simm.s32 @!p0 $0x0  }
0x12: {  	s1 =	sld [smem:$0x3F97];
	s0 =	simm.s32 @p0 $0x1  }
0x13: {  	[smem:$0x3FB2] =	sst s0;
	s0 =	simm.s32 @!p1 $0x0  }
0x14: {  	s2 =	sld [smem:$0x3F96];
	s0 =	simm.s32 @p1 $0x1  }
0x15: {  	[smem:$0x3FB3] =	sst s0;
	s0 =	simm.s32 @!p2 $0x0  }
0x16: {  	s3 =	sld [smem:$0x3FDB];
	s0 =	simm.s32 @p2 $0x1  }
0x17: {  	s4 =	simm.s32 $0x1BF5;
	[smem:$0x3FB5] =	sst s0  }
0x18: {  	s0 =	sld [smem:$0x3F98];
	_ =	swait.ge [sflag:s4], $0x0  }
0x19: {  	s7 =	sld [smem:$0x3F99]  }
0x1a: {  	s8 =	sadd.s32 $0xFFFFE003, lr  }
0x1b: {  	s9 =	sadd.s32 $0xFFFFFEF7, lr;
	s5 =	simm.s32 $0xFFFFFFFF;
	p2 =	slt.u32 s8, $0xFFFFF086  }
0x1c: {  	p1 =	slt.u32 s9, $0xF7A;
	s5 =	simm.s32 @!p2 $0x0  }
0x1d: {  	s5 =	simm.s32 @p1 $0x1;
	p0 =	seq.s32 s7, s2  }
0x1e: {  	s7 =	smul.u32 @!p0 $0xF7A, s2;
	p2 =	seq.s32 @!p0 s5, $0x0  }
0x1f: {  	s9 =	smul.u32 $0xF7A, s1;
	s8 =	simm.s32 @!p0 $0x1BF5;
	p2 =	por !p2, p0  }
0x20: {  	[sflag:s8] =	ssyncset.s32 @!p0 $0xFFFFF086;
	s6 =	sadd.s32 @!p0 s3, s7;
	s7 =	simm.s32 @!p0 $0x108  }
0x21: {  	s3 =	sadd.s32 s3, s9;
	s6 =	sadd.s32 @!p0 $0x88, s6;
	s7 =	simm.s32 @p2 $0x1082  }
0x22: {  	[simem:s7], [sflag:s8] =	dma.local @!p0 [hbm:s6], $0xF7A  }
0x23: {  	s9 =	sor.u32 $0xD0000000, s2;
	s6 =	simm.s32 $0x108;
	_ =	swait.ge @!p0 [sflag:s8], $0x0  }
0x24: {  	s3 =	sadd.s32 $0x88, s3;
	s6 =	simm.s32 @!p1 $0x1082;
	[sflag:s4] =	ssyncset.s32 $0xFFFFF086  }
0x25: {  	[simem:s6], [sflag:s4] =	dma.local [hbm:s3], $0xF7A  }
0x26: {  	[smem:$0x3F99] =	sst s1;
	(tag) =	ssettag s2;
	_ =	strace s9  }
0x27: {  	s1 =	sld [smem:$0x3FA9]  }
0x28: {  	s2 =	sld [smem:$0x3FAA]  }
0x29: {  	s4 =	sld [smem:$0x3FAC]  }
0x2a: {  	p0 =	seq.s32 s5, $0x0;
	s5 =	sld [smem:$0x3FAD]  }
0x2b: {  	s6 =	sld [smem:$0x3FAE]  }
0x2c: {  	s7 =	sld [smem:$0x3FAF]  }
0x2d: {  	s3 =	simm.s32 $0x108;
	s8 =	sld [smem:$0x3FB0]  }
0x2e: {  	s3 =	simm.s32 @!p0 $0x1082;
	s9 =	sld [smem:$0x3FB1]  }
0x2f: {  	lr =	sadd.s32 s0, s3;
	s0 =	sld [smem:$0x3FA8]  }
0x30: {  	s3 =	sld [smem:$0x3FAB]  }
0x31: {  	[smem:$0x3FB4] =	sst s10  }
0x32: {  	s10 =	sld [smem:$0x3FB2];
	_ =	sdelay $0x3  }
0x33: {  	p0 =	seq.s32 s10, $0x1;
	s10 =	sld [smem:$0x3FB4];
	_ =	sdelay $0x3  }
0x34: {  	[smem:$0x3FB4] =	sst s10  }
0x35: {  	s10 =	sld [smem:$0x3FB3];
	_ =	sdelay $0x3  }
0x36: {  	p1 =	seq.s32 s10, $0x1;
	s10 =	sld [smem:$0x3FB4];
	_ =	sdelay $0x3  }
0x37: {  	[smem:$0x3FB4] =	sst s10  }
0x38: {  	s10 =	sld [smem:$0x3FB5]  }
0x39: {  	_ = 	snop;
	(pc) =	sbr.ind lr, $3  }
0x3a: {  	_ = 	snop  }
0x3b: {  	_ = 	snop  }
0x3c: {  	p2 =	seq.s32 s10, $0x1;
	s10 =	sld [smem:$0x3FB4]  }
0x3d: {  	_ =	shalt  }
0x3e: {  	_ =	shalt  }
0x3f: {  	_ =	shalt  }
0x40: {  	_ =	shalt  }
0x41: {  	_ =	shalt  }
0x42: {  	_ =	shalt  }
0x43: {  	_ =	shalt  }
0x44: {  	_ =	shalt  }
0x45: {  	_ =	shalt  }
0x46: {  	_ =	shalt  }
0x47: {  	_ =	shalt  }
0x48: {  	_ =	shalt  }
0x49: {  	_ =	shalt  }
0x4a: {  	_ =	shalt  }
0x4b: {  	_ =	shalt  }
0x4c: {  	_ =	shalt  }
0x4d: {  	_ =	shalt  }
0x4e: {  	_ =	shalt  }
0x4f: {  	_ =	shalt  }
0x50: {  	_ =	shalt  }
0x51: {  	_ =	shalt  }
0x52: {  	_ =	shalt  }
0x53: {  	_ =	shalt  }
0x54: {  	_ =	shalt  }
0x55: {  	_ =	shalt  }
0x56: {  	_ =	shalt  }
0x57: {  	_ =	shalt  }
0x58: {  	_ =	shalt  }
0x59: {  	_ =	shalt  }
0x5a: {  	_ =	shalt  }
0x5b: {  	_ =	shalt  }
0x5c: {  	_ =	shalt  }
0x5d: {  	_ =	shalt  }
0x5e: {  	_ =	shalt  }
0x5f: {  	_ =	shalt  }
0x60: {  	_ =	shalt  }
0x61: {  	_ =	shalt  }
0x62: {  	_ =	shalt  }
0x63: {  	_ =	shalt  }
0x64: {  	_ =	shalt  }
0x65: {  	_ =	shalt  }
0x66: {  	_ =	shalt  }
0x67: {  	_ =	shalt  }
0x68: {  	_ =	shalt  }
0x69: {  	_ =	shalt  }
0x6a: {  	_ =	shalt  }
0x6b: {  	_ =	shalt  }
0x6c: {  	_ =	shalt  }
0x6d: {  	_ =	shalt  }
0x6e: {  	_ =	shalt  }
0x6f: {  	_ =	shalt  }
0x70: {  	_ =	shalt  }
0x71: {  	_ =	shalt  }
0x72: {  	_ =	shalt  }
0x73: {  	_ =	shalt  }
0x74: {  	_ =	shalt  }
0x75: {  	_ =	shalt  }
0x76: {  	_ =	shalt  }
0x77: {  	_ =	shalt  }
0x78: {  	_ =	shalt  }
0x79: {  	_ =	shalt  }
0x7a: {  	_ =	shalt  }
0x7b: {  	_ =	shalt  }
0x7c: {  	_ =	shalt  }
0x7d: {  	_ =	shalt  }
0x7e: {  	_ =	shalt  }
0x7f: {  	_ =	shalt  }
0x80: {  	_ =	shalt  }
0x81: {  	_ =	shalt  }
0x82: {  	_ =	shalt  }
0x83: {  	_ =	shalt  }
0x84: {  	_ =	shalt  }
0x85: {  	_ =	shalt  }
0x86: {  	_ =	shalt  }
0x87: {  	_ =	shalt  }
.Lfunc_end0:
.L_simem_size_0:
called_computation_lowered:
.L_overlay_start_0:
0x88: {  	s2 =	sld [smem:$0x3FD9]  }
0x89: {  	s3 =	sld [smem:$0x3FFE];
	_ =	sdelay $0x1  }
0x8a: {  	s1 =	srdreg.scid  }
0x8b: {  	s0 =	sand.u32 $0x1, s1  }
0x8c: {  	s16 =	sshll.u32 s0, $0xA;
	s2 =	sadd.s32 s3, s2  }
0x8d: {  	s2 =	sadd.s32 s2, s16  }
0x8e: {  	[smem:$0x3FC0] =	sst s2  }
0x8f: {  	_ = 	snop  }
0x90: {  	(tm) =	ssettm $0x1  }
0x91: {  	s17 =	sld [smem:$0x3FFB];
	_ =	sdelay $0x3  }
0x92: {  	_ =	strace s17  }
0x93: {  	s2 =	sld [smem:$0x3FFC];
	_ =	sdelay $0x3  }
0x94: {  	_ =	strace s2  }
0x95: {  	s2 =	sld [smem:$0x3FFD];
	_ =	sdelay $0x3  }
0x96: {  	_ =	strace s2  }
0x97: {  	_ =	strace $0x8FFFFFFF  }
0x98: {  	s18 =	sld [smem:$0x3FDB];
	_ =	sdelay $0x1  }
0x99: {  	s19 =	simm.s32 $_scs_section_size  }
0x9a: {  	s4 =	simm.s32 $_size__tile_overlayer_lowered;
	s5 =	simm.s32 $_tile_overlayer_lowered  }
0x9b: {  	s22 =	simm.s32 $0x1BFF;
	s21 =	sshll.u32 s5, $0x1;
	s2 =	sadd.s32 s19, s18  }
0x9c: {  	s6 =	simm.s32 $0x0;
	s20 =	sshll.u32 s4, $0x1;
	s4 =	sadd.s32 s21, s2  }
0x9d: {  	[timem:s6], [sflag:s22] =	dma.local [hbm:s4], s20  }
0x9e: {  	_ =	swait.ge [sflag:s22], s20  }
0x9f: {  	s3 =	ssub.s32 $0x0, s20;
	[sflag:s22] =	ssyncset.done $0x0  }
0xa0: {  	[sflag:s22] =	ssyncadd.s32 s3;
	_ =	sdelay $0x1  }
0xa1: {  	s23 =	simm.s32 $0x1B8B  }
0xa2: {  	_ =	swait.ge [sflag:s23], $0x1  }
0xa3: {  	[sflag:s23] =	ssyncset.done $0x0  }
0xa4: {  	s25 =	simm.s32 $0x1B8E;
	s24 =	sld [smem:$0x3FFE];
	[sflag:s23] =	ssyncadd.s32 $0xFFFFFFFF  }
0xa5: {  	s26 =	simm.s32 $execute0_lowered;
	[smem:$0x3FD2] =	sst s25  }
0xa6: {  	s4 =	sshll.u32 s26, $0x1;
	_ =	strace $0x80000046;
	[dreg:$0x1] =	wrdreg $0xFFFFFFFF  }
0xa7: {  	s28 =	simm.s32 $_size_execute0_lowered;
	s2 =	sadd.s32 s2, s4;
	[dreg:$0x0] =	wrdreg $0x0  }
0xa8: {  	s4 =	sshll.u32 s28, $0x1;
	[dreg:$0x2] =	wrdreg s2  }
0xa9: {  	[dreg:$0x3] =	wrdreg s4  }
0xaa: {  	[dreg:$0x4] =	wrdreg $0xC0  }
0xab: {  	_ =	task [dreg:s6], $0x5FFFF  }
0xac: {  	[dreg:$0x1] =	wrdreg $0xFFFFFFFF  }
0xad: {  	[dreg:$0x0] =	wrdreg $0x60  }
0xae: {  	[dreg:$0x2] =	wrdreg s24  }
0xaf: {  	[dreg:$0x3] =	wrdreg $0x9  }
0xb0: {  	_ =	task.clear_ibuf [dreg:s6], $0x4FFFF;
	_ =	strace $0x90000046  }
0xb1: {  	s29 =	simm.s32 $0x9;
	_ =	strace $0x80000048  }
0xb2: {  	_ =	swait.ge [sflag:s29], $0x1  }
0xb3: {  	[sflag:s29] =	ssyncadd.s32 $0xFFFFFFFF  }
0xb4: {  	_ =	strace $0x90000048  }
0xb5: {  	_ =	sfence  }
0xb6: {  	s30 =	sld [smem:$0x0];
	_ =	sdelay $0x2  }
0xb7: {  	s31 =	sshll.u32 s1, $0xD;
	s1 =	sshrl.u32 s1, $0x2  }
0xb8: {  	s3 =	sand.u32 $0x4000, s31;
	s1 =	sadd.s32 s1, s30  }
0xb9: {  	s0 =	sor.u32 s3, s0;
	s1 =	sshll.u32 s1, $0x11  }
0xba: {  	s0 =	sor.u32 s1, s0  }
0xbb: {  	s0 =	sadd.s32 $0x8F2B, s0  }
0xbc: {  	[sflag:s0] =	ssyncadd.remote.s32 $0x1  }
0xbd: {  	_ =	sfence.sel $0xFFFF  }
0xbe: {  	[dreg:$0x0] =	wrdreg $0xFFFFFFFF;
	(pc) =	sbr.abs _section_cstart, $3  }
0xbf: {  	[dreg:$0x1] =	wrdreg $0xFFFFFFFF  }
0xc0: {  	_ =	task.clear_ibuf [dreg:s6], $0x2FFFF;
	_ =	strace $0x9FFFFFFF  }
0xc1: {  	(tm) =	ssettm $0x7FFFFFFF  }
tec
execute0_lowered:
.L_overlay_start_1:
0x0: {  	(tag) =	ssettag $0x1  }
0x1: {  	s0 =	srdreg.scid  }
0x2: {  	s2 =	stileid.u32;
	s1 =	rddreg [dreg:$0x0]  }
0x3: {  	s8 =	simm.s32 $0x5;
	s10 =	simm.s32 $0x80;
	s11 =	simm.s32 $0x8000  }
0x4: {  	s12 =	simm.s32 $0x48;
	s14 =	simm.s32 $0xA000;
	s15 =	simm.s32 $0xB200  }
0x5: {  	s17 =	simm.s32 $0xD200;
	s19 =	simm.s32 $0xE400;
	s20 =	simm.s32 $0x4138  }
0x6: {  	s21 =	simm.s32 $0x10400;
	s22 =	simm.s32 $0x180;
	s23 =	simm.s32 $0x11600  }
0x7: {  	s24 =	simm.s32 $0x41B8;
	s25 =	simm.s32 $0x13600;
	s26 =	simm.s32 $0x1  }
0x8: {  	s28 =	simm.s32 $0x2;
	s29 =	simm.s32 $0x3;
	s30 =	simm.s32 $0x4  }
0x9: {  	s0 =	sand.u32 $0x1, s0;
	s3 =	sshll.u32 s2, $0x8;
	s2 =	simm.s32 $0x0  }
0xa: {  	s31 =	simm.s32 $0x14800;
	s4 =	sshll.u32 s0, $0x7;
	[smem:$0x7FF] =	sst s2  }
0xb: {  	s0 =	ssub.s32 $0x2, s0;
	s4 =	sor.u32 s4, s3;
	_ =	strace $0x80000047  }
0xc: {  	s6 =	sshrl.u32 s0, $0x1;
	s3 =	sshll.u32 s4, $0x4;
	s4 =	sshll.u32 s4, $0x3  }
0xd: {  	s0 =	ssub.s32 s0, s6;
	s5 =	sadd.s32 s3, s1;
	s3 =	sadd.s32 $0xF63400, s1  }
0xe: {  	s1 =	sadd.s32 s4, s1;
	s7 =	smax.u32 s0, $0x1;
	s4 =	sadd.s32 $0x11000, s5  }
0xf: {  	s5 =	sadd.s32 $0x1000, s5;
	s6 =	sadd.s32 $0x21000, s1;
	s1 =	simm.s32 $0x0  }
.LBB2_1:
0x10: {  	[tilespmem:s2], [sflag:$0x5] =	stream.linear.gather [hbm4b:s4+s2], $0x4000, $0x38;
	[tilespmem:$0x16800] =	vst v63  }
0x11: {  	_ =	swait.ge [sflag:s8], $0x4000  }
0x12: {  	[sflag:s8] =	ssyncset.done $0x0  }
0x13: {  	s0 =	simm.s32 $0x4000;
	[sflag:s8] =	ssyncadd.s32 $0xFFFFC000  }
0x14: {  	[tilespmem:s0], [sflag:$0x5] =	stream.linear.gather [hbm4b:s5+s2], $0x4000, $0x38;
	[tilespmem:$0x16800] =	vst v63  }
0x15: {  	_ =	swait.ge [sflag:s8], $0x4000  }
0x16: {  	[sflag:s8] =	ssyncset.done $0x0  }
0x17: {  	[sflag:s8] =	ssyncadd.s32 $0xFFFFC000  }
0x18: {  	[tilespmem:s11], [sflag:$0x1] =	stream.indirect.gather [hbm4b:s3+s10], $0x40, s2, s10, $0xb8;
	[tilespmem:$0x16800] =	vst v63  }
0x19: {  	s13 =	simm.s32 $0x4038  }
0x1a: {  	[tilespmem:s14], [sflag:$0x1] =	stream.indirect.gather [hbm4b:s3+s12], $0x40, s13, s12, $0xb8;
	[tilespmem:$0x16800] =	vst v63  }
0x1b: {  	_ = 	snop  }
0x1c: {  	[tilespmem:s15], [sflag:$0x2] =	stream.indirect.gather [hbm4b:s3+s10], $0x40, s10, s10, $0xb8;
	[tilespmem:$0x16800] =	vst v63  }
0x1d: {  	s16 =	simm.s32 $0x40B8  }
0x1e: {  	[tilespmem:s17], [sflag:$0x2] =	stream.indirect.gather [hbm4b:s3+s12], $0x40, s16, s12, $0xb8;
	[tilespmem:$0x16800] =	vst v63  }
0x1f: {  	s18 =	simm.s32 $0x100  }
0x20: {  	[tilespmem:s19], [sflag:$0x3] =	stream.indirect.gather [hbm4b:s3+s10], $0x40, s18, s10, $0xb8;
	[tilespmem:$0x16800] =	vst v63  }
0x21: {  	_ = 	snop  }
0x22: {  	[tilespmem:s21], [sflag:$0x3] =	stream.indirect.gather [hbm4b:s3+s12], $0x40, s20, s12, $0xb8;
	[tilespmem:$0x16800] =	vst v63  }
0x23: {  	_ = 	snop  }
0x24: {  	[tilespmem:s23], [sflag:$0x4] =	stream.indirect.gather [hbm4b:s3+s10], $0x40, s22, s10, $0xb8;
	[tilespmem:$0x16800] =	vst v63  }
0x25: {  	s0 =	simm.s32 $0x0  }
0x26: {  	[tilespmem:s25], [sflag:$0x4] =	stream.indirect.gather [hbm4b:s3+s12], $0x40, s24, s12, $0xb8;
	[tilespmem:$0x16800] =	vst v63  }
.LBB2_2:
0x27: {  	_ =	swait.ge [sflag:s26], $0x2000  }
0x28: {  	[sflag:s26] =	ssyncset.done $0x0  }
0x29: {  	[sflag:s26] =	ssyncadd.s32 $0xFFFFE000  }
0x2a: {  	_ =	swait.ge [sflag:s26], $0x1200  }
0x2b: {  	[sflag:s26] =	ssyncset.done $0x0  }
0x2c: {  	s9 =	simm.s32 $0x0;
	[sflag:s26] =	ssyncadd.s32 $0xFFFFEE00  }
0x2d: {  	v0 =	vld [tilespmem:s9+$0x8240]  }
0x2e: {  	v1 =	vld [tilespmem:s9+$0x8250]  }
0x2f: {  	v2 =	vld [tilespmem:s9+$0x8200]  }
0x30: {  	v3 =	vld [tilespmem:s9+$0x8210]  }
0x31: {  	v4 =	vld [tilespmem:s9+$0x81C0]  }
0x32: {  	v5 =	vld [tilespmem:s9+$0x81D0]  }
0x33: {  	v6 =	vld [tilespmem:s9+$0x8180]  }
0x34: {  	v7 =	vld [tilespmem:s9+$0x8190]  }
0x35: {  	v9 =	vld [tilespmem:s9+$0x8140]  }
0x36: {  	v8 =	vld [tilespmem:s9+$0x8150]  }
0x37: {  	v11 =	vld [tilespmem:s9+$0x8100]  }
0x38: {  	v10 =	vld [tilespmem:s9+$0x8110]  }
0x39: {  	v13 =	vld [tilespmem:s9+$0x80C0]  }
0x3a: {  	v12 =	vld [tilespmem:s9+$0x80D0]  }
0x3b: {  	v15 =	vld [tilespmem:s9+$0x8080]  }
0x3c: {  	v14 =	vld [tilespmem:s9+$0x8090]  }
0x3d: {  	v21 =	vld [tilespmem:s9+$0x8040]  }
0x3e: {  	v20 =	vld [tilespmem:s9+$0x8050]  }
0x3f: {  	v23 =	vld [tilespmem:s9+$0x8000]  }
0x40: {  	v16 =	vimm.f32 $0.0e+00;
	v24 =	vld [tilespmem:s9+$0x8010]  }
0x41: {  	s13 =	simm.s32 $0xA00;
	v19 =	vimm.f32 $0.0e+00;
	v18 =	vimm.f32 $0.0e+00;
	v17 =	vimm.f32 $0.0e+00;
	v22 =	vld [tilespmem:s9+$0x8020]  }
.LBB2_3:
0x42: {  	p0 =	sne.s32 s13, $0xBE00;
	v25 =	vld [tilespmem:s9+$0x8030]  }
0x43: {  	v26 =	vld [tilespmem:s9+$0x8060]  }
0x44: {  	v27 =	vld [tilespmem:s9+$0x8070]  }
0x45: {  	v28 =	vld [tilespmem:s9+$0x80A0]  }
0x46: {  	v16 =	vadd.f32 v23, v16;
	v19 =	vadd.f32 v24, v19;
	v23 =	vld [tilespmem:s9+$0x80B0]  }
0x47: {  	v18 =	vadd.f32 v22, v18;
	v17 =	vadd.f32 v25, v17;
	v22 =	vld [tilespmem:s9+$0x80E0]  }
0x48: {  	v16 =	vadd.f32 v21, v16;
	v19 =	vadd.f32 v20, v19;
	v20 =	vld [tilespmem:s9+$0x80F0]  }
0x49: {  	v18 =	vadd.f32 v26, v18;
	v17 =	vadd.f32 v27, v17;
	v21 =	vld [tilespmem:s9+$0x8120]  }
0x4a: {  	v15 =	vadd.f32 v15, v16;
	v14 =	vadd.f32 v14, v19;
	v16 =	vld [tilespmem:s9+$0x8130]  }
0x4b: {  	v18 =	vadd.f32 v28, v18;
	v17 =	vadd.f32 v23, v17;
	v19 =	vld [tilespmem:s9+$0x8160]  }
0x4c: {  	v13 =	vadd.f32 v13, v15;
	v12 =	vadd.f32 v12, v14;
	v14 =	vld [tilespmem:s9+$0x8170]  }
0x4d: {  	v15 =	vadd.f32 v22, v18;
	v17 =	vadd.f32 v20, v17;
	v18 =	vld [tilespmem:s9+$0x81A0]  }
0x4e: {  	v11 =	vadd.f32 v11, v13;
	v10 =	vadd.f32 v10, v12;
	v12 =	vld [tilespmem:s9+$0x81B0]  }
0x4f: {  	v13 =	vadd.f32 v21, v15;
	v15 =	vadd.f32 v16, v17;
	v16 =	vld [tilespmem:s9+$0x81E0]  }
0x50: {  	v9 =	vadd.f32 v9, v11;
	v8 =	vadd.f32 v8, v10;
	v10 =	vld [tilespmem:s9+$0x81F0]  }
0x51: {  	v11 =	vadd.f32 v19, v13;
	v13 =	vadd.f32 v14, v15;
	v14 =	vld [tilespmem:s9+$0x8220]  }
0x52: {  	v6 =	vadd.f32 v6, v9;
	v7 =	vadd.f32 v7, v8;
	v8 =	vld [tilespmem:s9+$0x8230]  }
0x53: {  	v9 =	vadd.f32 v18, v11;
	v11 =	vadd.f32 v12, v13;
	v12 =	vld [tilespmem:s9+$0x8260]  }
0x54: {  	v4 =	vadd.f32 v4, v6;
	v5 =	vadd.f32 v5, v7;
	v6 =	vld [tilespmem:s9+$0x8270];
	s9 =	sshra.s32 s13, $0x2  }
0x55: {  	v9 =	vadd.f32 v16, v9;
	v7 =	vld [tilespmem:s9+$0x8240];
	v10 =	vadd.f32 v10, v11  }
0x56: {  	v4 =	vadd.f32 v2, v4;
	v5 =	vadd.f32 v3, v5;
	v11 =	vld [tilespmem:s9+$0x8250]  }
0x57: {  	v9 =	vadd.f32 v14, v9;
	v2 =	vld [tilespmem:s9+$0x8200];
	v8 =	vadd.f32 v8, v10  }
0x58: {  	v16 =	vadd.f32 v0, v4;
	v19 =	vadd.f32 v1, v5;
	v3 =	vld [tilespmem:s9+$0x8210]  }
0x59: {  	v18 =	vadd.f32 v12, v9;
	v4 =	vld [tilespmem:s9+$0x81C0];
	v17 =	vadd.f32 v6, v8  }
0x5a: {  	v5 =	vld [tilespmem:s9+$0x81D0];
	v0 =	vmov v7  }
0x5b: {  	v6 =	vld [tilespmem:s9+$0x8180];
	v1 =	vmov v11  }
0x5c: {  	v7 =	vld [tilespmem:s9+$0x8190]  }
0x5d: {  	v9 =	vld [tilespmem:s9+$0x8140]  }
0x5e: {  	v8 =	vld [tilespmem:s9+$0x8150]  }
0x5f: {  	v11 =	vld [tilespmem:s9+$0x8100]  }
0x60: {  	v10 =	vld [tilespmem:s9+$0x8110]  }
0x61: {  	v13 =	vld [tilespmem:s9+$0x80C0]  }
0x62: {  	v12 =	vld [tilespmem:s9+$0x80D0]  }
0x63: {  	v15 =	vld [tilespmem:s9+$0x8080]  }
0x64: {  	v14 =	vld [tilespmem:s9+$0x8090]  }
.Ltmp0:
0x65: {  	v21 =	vld [tilespmem:s9+$0x8040];
	(pc) =	sbr.rel @p0 .LBB2_3-.Ltmp0, $4  }
0x66: {  	v20 =	vld [tilespmem:s9+$0x8050]  }
0x67: {  	v23 =	vld [tilespmem:s9+$0x8000]  }
0x68: {  	v24 =	vld [tilespmem:s9+$0x8010]  }
0x69: {  	s13 =	sadd.s32 $0xA00, s13;
	v22 =	vld [tilespmem:s9+$0x8020]  }
0x6a: {  	v25 =	vld [tilespmem:s9+$0x8030]  }
0x6b: {  	v26 =	vld [tilespmem:s9+$0x8060]  }
0x6c: {  	v27 =	vld [tilespmem:s9+$0x8070];
	v16 =	vadd.f32 v23, v16  }
0x6d: {  	v23 =	vld [tilespmem:s9+$0x80A0];
	v19 =	vadd.f32 v24, v19  }
0x6e: {  	v24 =	vld [tilespmem:s9+$0x80B0];
	v18 =	vadd.f32 v22, v18;
	v16 =	vadd.f32 v21, v16  }
0x6f: {  	v21 =	vld [tilespmem:s9+$0x80E0];
	v17 =	vadd.f32 v25, v17;
	v19 =	vadd.f32 v20, v19  }
0x70: {  	v20 =	vld [tilespmem:s9+$0x80F0];
	v18 =	vadd.f32 v26, v18;
	v15 =	vadd.f32 v15, v16  }
0x71: {  	v16 =	vadd.f32 v27, v17;
	v17 =	vld [tilespmem:s9+$0x8120];
	v14 =	vadd.f32 v14, v19  }
0x72: {  	v19 =	vld [tilespmem:s9+$0x8130];
	v18 =	vadd.f32 v23, v18;
	v13 =	vadd.f32 v13, v15  }
0x73: {  	v15 =	vadd.f32 v24, v16;
	v16 =	vld [tilespmem:s9+$0x8160];
	v12 =	vadd.f32 v12, v14  }
0x74: {  	v14 =	vld [tilespmem:s9+$0x8170];
	v18 =	vadd.f32 v21, v18;
	v11 =	vadd.f32 v11, v13  }
0x75: {  	v13 =	vadd.f32 v20, v15;
	v15 =	vld [tilespmem:s9+$0x81A0];
	v10 =	vadd.f32 v10, v12  }
0x76: {  	v12 =	vld [tilespmem:s9+$0x81B0];
	v17 =	vadd.f32 v17, v18;
	v9 =	vadd.f32 v9, v11  }
0x77: {  	v11 =	vadd.f32 v19, v13;
	v13 =	vld [tilespmem:s9+$0x81E0];
	v8 =	vadd.f32 v8, v10  }
0x78: {  	v10 =	vld [tilespmem:s9+$0x81F0];
	v16 =	vadd.f32 v16, v17;
	v6 =	vadd.f32 v6, v9  }
0x79: {  	v9 =	vadd.f32 v14, v11;
	v11 =	vld [tilespmem:s9+$0x8220];
	v7 =	vadd.f32 v7, v8  }
0x7a: {  	v8 =	vld [tilespmem:s9+$0x8230];
	v14 =	vadd.f32 v15, v16;
	v4 =	vadd.f32 v4, v6  }
0x7b: {  	v6 =	vadd.f32 v12, v9;
	v9 =	vld [tilespmem:s9+$0x8260];
	v5 =	vadd.f32 v5, v7  }
0x7c: {  	v7 =	vld [tilespmem:s9+$0x8270];
	v12 =	vadd.f32 v13, v14;
	v2 =	vadd.f32 v2, v4  }
0x7d: {  	v4 =	vadd.f32 v10, v6;
	v3 =	vadd.f32 v3, v5  }
0x7e: {  	s16 =	sshll.u32 s0, $0x8;
	v5 =	vadd.f32 v11, v12;
	v0 =	vadd.f32 v0, v2  }
0x7f: {  	s9 =	sand.u32 $0x3FFFFF00, s16;
	v2 =	vadd.f32 v8, v4;
	v1 =	vadd.f32 v1, v3  }
0x80: {  	v3 =	vadd.f32 v9, v5;
	[tilespmem:s9+$0x14800] =	vst v0  }
0x81: {  	v0 =	vadd.f32 v7, v2;
	[tilespmem:s9+$0x14810] =	vst v1  }
0x82: {  	s13 =	sshll.u32 s0, $0x9;
	[tilespmem:s9+$0x14820] =	vst v3  }
0x83: {  	s16 =	sadd.s32 $0x200, s13;
	[tilespmem:s9+$0x14830] =	vst v0  }
0x84: {  	[tilespmem:s11], [sflag:$0x1] =	stream.indirect.gather [hbm4b:s3+s10], $0x40, s16, s10, $0xb8;
	[tilespmem:$0x16800] =	vst v63  }
0x85: {  	s18 =	sadd.s32 $0x4238, s13  }
0x86: {  	[tilespmem:s14], [sflag:$0x1] =	stream.indirect.gather [hbm4b:s3+s12], $0x40, s18, s12, $0xb8;
	[tilespmem:$0x16800] =	vst v63  }
0x87: {  	_ =	swait.ge [sflag:s28], $0x2000  }
0x88: {  	[sflag:s28] =	ssyncset.done $0x0  }
0x89: {  	[sflag:s28] =	ssyncadd.s32 $0xFFFFE000  }
0x8a: {  	_ =	swait.ge [sflag:s28], $0x1200  }
0x8b: {  	[sflag:s28] =	ssyncset.done $0x0  }
0x8c: {  	s16 =	simm.s32 $0x0;
	[sflag:s28] =	ssyncadd.s32 $0xFFFFEE00  }
0x8d: {  	v0 =	vld [tilespmem:s16+$0xB440]  }
0x8e: {  	v1 =	vld [tilespmem:s16+$0xB450]  }
0x8f: {  	v2 =	vld [tilespmem:s16+$0xB400]  }
0x90: {  	v3 =	vld [tilespmem:s16+$0xB410]  }
0x91: {  	v4 =	vld [tilespmem:s16+$0xB3C0]  }
0x92: {  	v5 =	vld [tilespmem:s16+$0xB3D0]  }
0x93: {  	v6 =	vld [tilespmem:s16+$0xB380]  }
0x94: {  	v7 =	vld [tilespmem:s16+$0xB390]  }
0x95: {  	v9 =	vld [tilespmem:s16+$0xB340]  }
0x96: {  	v8 =	vld [tilespmem:s16+$0xB350]  }
0x97: {  	v11 =	vld [tilespmem:s16+$0xB300]  }
0x98: {  	v10 =	vld [tilespmem:s16+$0xB310]  }
0x99: {  	v13 =	vld [tilespmem:s16+$0xB2C0]  }
0x9a: {  	v12 =	vld [tilespmem:s16+$0xB2D0]  }
0x9b: {  	v15 =	vld [tilespmem:s16+$0xB280]  }
0x9c: {  	v14 =	vld [tilespmem:s16+$0xB290]  }
0x9d: {  	v21 =	vld [tilespmem:s16+$0xB240]  }
0x9e: {  	v20 =	vld [tilespmem:s16+$0xB250]  }
0x9f: {  	v23 =	vld [tilespmem:s16+$0xB200]  }
0xa0: {  	v18 =	vimm.f32 $0.0e+00;
	v24 =	vld [tilespmem:s16+$0xB210]  }
0xa1: {  	v19 =	vimm.f32 $0.0e+00;
	v17 =	vimm.f32 $0.0e+00;
	v16 =	vimm.f32 $0.0e+00;
	s18 =	simm.s32 $0xA00;
	v22 =	vld [tilespmem:s16+$0xB220]  }
.LBB2_5:
0xa2: {  	p0 =	sne.s32 s18, $0xBE00;
	v25 =	vld [tilespmem:s16+$0xB230]  }
0xa3: {  	v26 =	vld [tilespmem:s16+$0xB260]  }
0xa4: {  	v27 =	vld [tilespmem:s16+$0xB270]  }
0xa5: {  	v28 =	vld [tilespmem:s16+$0xB2A0]  }
0xa6: {  	v16 =	vadd.f32 v23, v16;
	v19 =	vadd.f32 v24, v19;
	v23 =	vld [tilespmem:s16+$0xB2B0]  }
0xa7: {  	v18 =	vadd.f32 v22, v18;
	v17 =	vadd.f32 v25, v17;
	v22 =	vld [tilespmem:s16+$0xB2E0]  }
0xa8: {  	v16 =	vadd.f32 v21, v16;
	v19 =	vadd.f32 v20, v19;
	v20 =	vld [tilespmem:s16+$0xB2F0]  }
0xa9: {  	v18 =	vadd.f32 v26, v18;
	v17 =	vadd.f32 v27, v17;
	v21 =	vld [tilespmem:s16+$0xB320]  }
0xaa: {  	v15 =	vadd.f32 v15, v16;
	v14 =	vadd.f32 v14, v19;
	v16 =	vld [tilespmem:s16+$0xB330]  }
0xab: {  	v18 =	vadd.f32 v28, v18;
	v17 =	vadd.f32 v23, v17;
	v19 =	vld [tilespmem:s16+$0xB360]  }
0xac: {  	v13 =	vadd.f32 v13, v15;
	v12 =	vadd.f32 v12, v14;
	v14 =	vld [tilespmem:s16+$0xB370]  }
0xad: {  	v15 =	vadd.f32 v22, v18;
	v17 =	vadd.f32 v20, v17;
	v18 =	vld [tilespmem:s16+$0xB3A0]  }
0xae: {  	v11 =	vadd.f32 v11, v13;
	v10 =	vadd.f32 v10, v12;
	v12 =	vld [tilespmem:s16+$0xB3B0]  }
0xaf: {  	v13 =	vadd.f32 v21, v15;
	v15 =	vadd.f32 v16, v17;
	v16 =	vld [tilespmem:s16+$0xB3E0]  }
0xb0: {  	v9 =	vadd.f32 v9, v11;
	v8 =	vadd.f32 v8, v10;
	v10 =	vld [tilespmem:s16+$0xB3F0]  }
0xb1: {  	v11 =	vadd.f32 v19, v13;
	v13 =	vadd.f32 v14, v15;
	v14 =	vld [tilespmem:s16+$0xB420]  }
0xb2: {  	v6 =	vadd.f32 v6, v9;
	v7 =	vadd.f32 v7, v8;
	v8 =	vld [tilespmem:s16+$0xB430]  }
0xb3: {  	v9 =	vadd.f32 v18, v11;
	v11 =	vadd.f32 v12, v13;
	v12 =	vld [tilespmem:s16+$0xB460]  }
0xb4: {  	v4 =	vadd.f32 v4, v6;
	v5 =	vadd.f32 v5, v7;
	v6 =	vld [tilespmem:s16+$0xB470];
	s16 =	sshra.s32 s18, $0x2  }
0xb5: {  	v9 =	vadd.f32 v16, v9;
	v7 =	vld [tilespmem:s16+$0xB440];
	v10 =	vadd.f32 v10, v11  }
0xb6: {  	v4 =	vadd.f32 v2, v4;
	v5 =	vadd.f32 v3, v5;
	v11 =	vld [tilespmem:s16+$0xB450]  }
0xb7: {  	v9 =	vadd.f32 v14, v9;
	v2 =	vld [tilespmem:s16+$0xB400];
	v8 =	vadd.f32 v8, v10  }
0xb8: {  	v16 =	vadd.f32 v0, v4;
	v19 =	vadd.f32 v1, v5;
	v3 =	vld [tilespmem:s16+$0xB410]  }
0xb9: {  	v18 =	vadd.f32 v12, v9;
	v4 =	vld [tilespmem:s16+$0xB3C0];
	v17 =	vadd.f32 v6, v8  }
0xba: {  	v5 =	vld [tilespmem:s16+$0xB3D0];
	v0 =	vmov v7  }
0xbb: {  	v6 =	vld [tilespmem:s16+$0xB380];
	v1 =	vmov v11  }
0xbc: {  	v7 =	vld [tilespmem:s16+$0xB390]  }
0xbd: {  	v9 =	vld [tilespmem:s16+$0xB340]  }
0xbe: {  	v8 =	vld [tilespmem:s16+$0xB350]  }
0xbf: {  	v11 =	vld [tilespmem:s16+$0xB300]  }
0xc0: {  	v10 =	vld [tilespmem:s16+$0xB310]  }
0xc1: {  	v13 =	vld [tilespmem:s16+$0xB2C0]  }
0xc2: {  	v12 =	vld [tilespmem:s16+$0xB2D0]  }
0xc3: {  	v15 =	vld [tilespmem:s16+$0xB280]  }
0xc4: {  	v14 =	vld [tilespmem:s16+$0xB290]  }
.Ltmp1:
0xc5: {  	v21 =	vld [tilespmem:s16+$0xB240];
	(pc) =	sbr.rel @p0 .LBB2_5-.Ltmp1, $4  }
0xc6: {  	v20 =	vld [tilespmem:s16+$0xB250]  }
0xc7: {  	v23 =	vld [tilespmem:s16+$0xB200]  }
0xc8: {  	v24 =	vld [tilespmem:s16+$0xB210]  }
0xc9: {  	s18 =	sadd.s32 $0xA00, s18;
	v22 =	vld [tilespmem:s16+$0xB220]  }
0xca: {  	v25 =	vld [tilespmem:s16+$0xB230]  }
0xcb: {  	v26 =	vld [tilespmem:s16+$0xB260]  }
0xcc: {  	v27 =	vld [tilespmem:s16+$0xB270];
	v16 =	vadd.f32 v23, v16  }
0xcd: {  	v23 =	vld [tilespmem:s16+$0xB2A0];
	v19 =	vadd.f32 v24, v19  }
0xce: {  	v24 =	vld [tilespmem:s16+$0xB2B0];
	v18 =	vadd.f32 v22, v18;
	v16 =	vadd.f32 v21, v16  }
0xcf: {  	v21 =	vld [tilespmem:s16+$0xB2E0];
	v17 =	vadd.f32 v25, v17;
	v19 =	vadd.f32 v20, v19  }
0xd0: {  	v20 =	vld [tilespmem:s16+$0xB2F0];
	v18 =	vadd.f32 v26, v18;
	v15 =	vadd.f32 v15, v16  }
0xd1: {  	v16 =	vadd.f32 v27, v17;
	v17 =	vld [tilespmem:s16+$0xB320];
	v14 =	vadd.f32 v14, v19  }
0xd2: {  	v19 =	vld [tilespmem:s16+$0xB330];
	v18 =	vadd.f32 v23, v18;
	v13 =	vadd.f32 v13, v15  }
0xd3: {  	v15 =	vadd.f32 v24, v16;
	v16 =	vld [tilespmem:s16+$0xB360];
	v12 =	vadd.f32 v12, v14  }
0xd4: {  	v14 =	vld [tilespmem:s16+$0xB370];
	v18 =	vadd.f32 v21, v18;
	v11 =	vadd.f32 v11, v13  }
0xd5: {  	v13 =	vadd.f32 v20, v15;
	v15 =	vld [tilespmem:s16+$0xB3A0];
	v10 =	vadd.f32 v10, v12  }
0xd6: {  	v12 =	vld [tilespmem:s16+$0xB3B0];
	v17 =	vadd.f32 v17, v18;
	v9 =	vadd.f32 v9, v11  }
0xd7: {  	v11 =	vadd.f32 v19, v13;
	v13 =	vld [tilespmem:s16+$0xB3E0];
	v8 =	vadd.f32 v8, v10  }
0xd8: {  	v10 =	vld [tilespmem:s16+$0xB3F0];
	v16 =	vadd.f32 v16, v17;
	v6 =	vadd.f32 v6, v9  }
0xd9: {  	v9 =	vadd.f32 v14, v11;
	v11 =	vld [tilespmem:s16+$0xB420];
	v7 =	vadd.f32 v7, v8  }
0xda: {  	v8 =	vld [tilespmem:s16+$0xB430];
	v14 =	vadd.f32 v15, v16;
	v4 =	vadd.f32 v4, v6  }
0xdb: {  	v6 =	vadd.f32 v12, v9;
	v9 =	vld [tilespmem:s16+$0xB460];
	v5 =	vadd.f32 v5, v7  }
0xdc: {  	v7 =	vld [tilespmem:s16+$0xB470];
	v12 =	vadd.f32 v13, v14;
	v2 =	vadd.f32 v2, v4  }
0xdd: {  	v4 =	vadd.f32 v10, v6;
	v3 =	vadd.f32 v3, v5  }
0xde: {  	v5 =	vadd.f32 v11, v12;
	v0 =	vadd.f32 v0, v2  }
0xdf: {  	v2 =	vadd.f32 v8, v4;
	v1 =	vadd.f32 v1, v3  }
0xe0: {  	v3 =	vadd.f32 v9, v5;
	[tilespmem:s9+$0x14840] =	vst v0  }
0xe1: {  	v0 =	vadd.f32 v7, v2;
	[tilespmem:s9+$0x14850] =	vst v1  }
0xe2: {  	[tilespmem:s9+$0x14860] =	vst v3  }
0xe3: {  	s18 =	sadd.s32 $0x280, s13;
	[tilespmem:s9+$0x14870] =	vst v0  }
0xe4: {  	[tilespmem:s15], [sflag:$0x2] =	stream.indirect.gather [hbm4b:s3+s10], $0x40, s18, s10, $0xb8;
	[tilespmem:$0x16800] =	vst v63  }
0xe5: {  	s18 =	sadd.s32 $0x42B8, s13  }
0xe6: {  	[tilespmem:s17], [sflag:$0x2] =	stream.indirect.gather [hbm4b:s3+s12], $0x40, s18, s12, $0xb8;
	[tilespmem:$0x16800] =	vst v63  }
0xe7: {  	_ =	swait.ge [sflag:s29], $0x2000  }
0xe8: {  	[sflag:s29] =	ssyncset.done $0x0  }
0xe9: {  	[sflag:s29] =	ssyncadd.s32 $0xFFFFE000  }
0xea: {  	_ =	swait.ge [sflag:s29], $0x1200  }
0xeb: {  	[sflag:s29] =	ssyncset.done $0x0  }
0xec: {  	s16 =	simm.s32 $0x0;
	[sflag:s29] =	ssyncadd.s32 $0xFFFFEE00  }
0xed: {  	v0 =	vld [tilespmem:s16+$0xE640]  }
0xee: {  	v1 =	vld [tilespmem:s16+$0xE650]  }
0xef: {  	v2 =	vld [tilespmem:s16+$0xE600]  }
0xf0: {  	v3 =	vld [tilespmem:s16+$0xE610]  }
0xf1: {  	v4 =	vld [tilespmem:s16+$0xE5C0]  }
0xf2: {  	v5 =	vld [tilespmem:s16+$0xE5D0]  }
0xf3: {  	v6 =	vld [tilespmem:s16+$0xE580]  }
0xf4: {  	v7 =	vld [tilespmem:s16+$0xE590]  }
0xf5: {  	v9 =	vld [tilespmem:s16+$0xE540]  }
0xf6: {  	v8 =	vld [tilespmem:s16+$0xE550]  }
0xf7: {  	v11 =	vld [tilespmem:s16+$0xE500]  }
0xf8: {  	v10 =	vld [tilespmem:s16+$0xE510]  }
0xf9: {  	v13 =	vld [tilespmem:s16+$0xE4C0]  }
0xfa: {  	v12 =	vld [tilespmem:s16+$0xE4D0]  }
0xfb: {  	v15 =	vld [tilespmem:s16+$0xE480]  }
0xfc: {  	v14 =	vld [tilespmem:s16+$0xE490]  }
0xfd: {  	v21 =	vld [tilespmem:s16+$0xE440]  }
0xfe: {  	v20 =	vld [tilespmem:s16+$0xE450]  }
0xff: {  	v23 =	vld [tilespmem:s16+$0xE400]  }
0x100: {  	v18 =	vimm.f32 $0.0e+00;
	v24 =	vld [tilespmem:s16+$0xE410]  }
0x101: {  	v19 =	vimm.f32 $0.0e+00;
	v17 =	vimm.f32 $0.0e+00;
	v16 =	vimm.f32 $0.0e+00;
	s18 =	simm.s32 $0xA00;
	v22 =	vld [tilespmem:s16+$0xE420]  }
.LBB2_7:
0x102: {  	p0 =	sne.s32 s18, $0xBE00;
	v25 =	vld [tilespmem:s16+$0xE430]  }
0x103: {  	v26 =	vld [tilespmem:s16+$0xE460]  }
0x104: {  	v27 =	vld [tilespmem:s16+$0xE470]  }
0x105: {  	v28 =	vld [tilespmem:s16+$0xE4A0]  }
0x106: {  	v16 =	vadd.f32 v23, v16;
	v19 =	vadd.f32 v24, v19;
	v23 =	vld [tilespmem:s16+$0xE4B0]  }
0x107: {  	v18 =	vadd.f32 v22, v18;
	v17 =	vadd.f32 v25, v17;
	v22 =	vld [tilespmem:s16+$0xE4E0]  }
0x108: {  	v16 =	vadd.f32 v21, v16;
	v19 =	vadd.f32 v20, v19;
	v20 =	vld [tilespmem:s16+$0xE4F0]  }
0x109: {  	v18 =	vadd.f32 v26, v18;
	v17 =	vadd.f32 v27, v17;
	v21 =	vld [tilespmem:s16+$0xE520]  }
0x10a: {  	v15 =	vadd.f32 v15, v16;
	v14 =	vadd.f32 v14, v19;
	v16 =	vld [tilespmem:s16+$0xE530]  }
0x10b: {  	v18 =	vadd.f32 v28, v18;
	v17 =	vadd.f32 v23, v17;
	v19 =	vld [tilespmem:s16+$0xE560]  }
0x10c: {  	v13 =	vadd.f32 v13, v15;
	v12 =	vadd.f32 v12, v14;
	v14 =	vld [tilespmem:s16+$0xE570]  }
0x10d: {  	v15 =	vadd.f32 v22, v18;
	v17 =	vadd.f32 v20, v17;
	v18 =	vld [tilespmem:s16+$0xE5A0]  }
0x10e: {  	v11 =	vadd.f32 v11, v13;
	v10 =	vadd.f32 v10, v12;
	v12 =	vld [tilespmem:s16+$0xE5B0]  }
0x10f: {  	v13 =	vadd.f32 v21, v15;
	v15 =	vadd.f32 v16, v17;
	v16 =	vld [tilespmem:s16+$0xE5E0]  }
0x110: {  	v9 =	vadd.f32 v9, v11;
	v8 =	vadd.f32 v8, v10;
	v10 =	vld [tilespmem:s16+$0xE5F0]  }
0x111: {  	v11 =	vadd.f32 v19, v13;
	v13 =	vadd.f32 v14, v15;
	v14 =	vld [tilespmem:s16+$0xE620]  }
0x112: {  	v6 =	vadd.f32 v6, v9;
	v7 =	vadd.f32 v7, v8;
	v8 =	vld [tilespmem:s16+$0xE630]  }
0x113: {  	v9 =	vadd.f32 v18, v11;
	v11 =	vadd.f32 v12, v13;
	v12 =	vld [tilespmem:s16+$0xE660]  }
0x114: {  	v4 =	vadd.f32 v4, v6;
	v5 =	vadd.f32 v5, v7;
	v6 =	vld [tilespmem:s16+$0xE670];
	s16 =	sshra.s32 s18, $0x2  }
0x115: {  	v9 =	vadd.f32 v16, v9;
	v7 =	vld [tilespmem:s16+$0xE640];
	v10 =	vadd.f32 v10, v11  }
0x116: {  	v4 =	vadd.f32 v2, v4;
	v5 =	vadd.f32 v3, v5;
	v11 =	vld [tilespmem:s16+$0xE650]  }
0x117: {  	v9 =	vadd.f32 v14, v9;
	v2 =	vld [tilespmem:s16+$0xE600];
	v8 =	vadd.f32 v8, v10  }
0x118: {  	v16 =	vadd.f32 v0, v4;
	v19 =	vadd.f32 v1, v5;
	v3 =	vld [tilespmem:s16+$0xE610]  }
0x119: {  	v18 =	vadd.f32 v12, v9;
	v4 =	vld [tilespmem:s16+$0xE5C0];
	v17 =	vadd.f32 v6, v8  }
0x11a: {  	v5 =	vld [tilespmem:s16+$0xE5D0];
	v0 =	vmov v7  }
0x11b: {  	v6 =	vld [tilespmem:s16+$0xE580];
	v1 =	vmov v11  }
0x11c: {  	v7 =	vld [tilespmem:s16+$0xE590]  }
0x11d: {  	v9 =	vld [tilespmem:s16+$0xE540]  }
0x11e: {  	v8 =	vld [tilespmem:s16+$0xE550]  }
0x11f: {  	v11 =	vld [tilespmem:s16+$0xE500]  }
0x120: {  	v10 =	vld [tilespmem:s16+$0xE510]  }
0x121: {  	v13 =	vld [tilespmem:s16+$0xE4C0]  }
0x122: {  	v12 =	vld [tilespmem:s16+$0xE4D0]  }
0x123: {  	v15 =	vld [tilespmem:s16+$0xE480]  }
0x124: {  	v14 =	vld [tilespmem:s16+$0xE490]  }
.Ltmp2:
0x125: {  	v21 =	vld [tilespmem:s16+$0xE440];
	(pc) =	sbr.rel @p0 .LBB2_7-.Ltmp2, $4  }
0x126: {  	v20 =	vld [tilespmem:s16+$0xE450]  }
0x127: {  	v23 =	vld [tilespmem:s16+$0xE400]  }
0x128: {  	v24 =	vld [tilespmem:s16+$0xE410]  }
0x129: {  	s18 =	sadd.s32 $0xA00, s18;
	v22 =	vld [tilespmem:s16+$0xE420]  }
0x12a: {  	v25 =	vld [tilespmem:s16+$0xE430]  }
0x12b: {  	v26 =	vld [tilespmem:s16+$0xE460]  }
0x12c: {  	v27 =	vld [tilespmem:s16+$0xE470];
	v16 =	vadd.f32 v23, v16  }
0x12d: {  	v23 =	vld [tilespmem:s16+$0xE4A0];
	v19 =	vadd.f32 v24, v19  }
0x12e: {  	v24 =	vld [tilespmem:s16+$0xE4B0];
	v18 =	vadd.f32 v22, v18;
	v16 =	vadd.f32 v21, v16  }
0x12f: {  	v21 =	vld [tilespmem:s16+$0xE4E0];
	v17 =	vadd.f32 v25, v17;
	v19 =	vadd.f32 v20, v19  }
0x130: {  	v20 =	vld [tilespmem:s16+$0xE4F0];
	v18 =	vadd.f32 v26, v18;
	v15 =	vadd.f32 v15, v16  }
0x131: {  	v16 =	vadd.f32 v27, v17;
	v17 =	vld [tilespmem:s16+$0xE520];
	v14 =	vadd.f32 v14, v19  }
0x132: {  	v19 =	vld [tilespmem:s16+$0xE530];
	v18 =	vadd.f32 v23, v18;
	v13 =	vadd.f32 v13, v15  }
0x133: {  	v15 =	vadd.f32 v24, v16;
	v16 =	vld [tilespmem:s16+$0xE560];
	v12 =	vadd.f32 v12, v14  }
0x134: {  	v14 =	vld [tilespmem:s16+$0xE570];
	v18 =	vadd.f32 v21, v18;
	v11 =	vadd.f32 v11, v13  }
0x135: {  	v13 =	vadd.f32 v20, v15;
	v15 =	vld [tilespmem:s16+$0xE5A0];
	v10 =	vadd.f32 v10, v12  }
0x136: {  	v12 =	vld [tilespmem:s16+$0xE5B0];
	v17 =	vadd.f32 v17, v18;
	v9 =	vadd.f32 v9, v11  }
0x137: {  	v11 =	vadd.f32 v19, v13;
	v13 =	vld [tilespmem:s16+$0xE5E0];
	v8 =	vadd.f32 v8, v10  }
0x138: {  	v10 =	vld [tilespmem:s16+$0xE5F0];
	v16 =	vadd.f32 v16, v17;
	v6 =	vadd.f32 v6, v9  }
0x139: {  	v9 =	vadd.f32 v14, v11;
	v11 =	vld [tilespmem:s16+$0xE620];
	v7 =	vadd.f32 v7, v8  }
0x13a: {  	v8 =	vld [tilespmem:s16+$0xE630];
	v14 =	vadd.f32 v15, v16;
	v4 =	vadd.f32 v4, v6  }
0x13b: {  	v6 =	vadd.f32 v12, v9;
	v9 =	vld [tilespmem:s16+$0xE660];
	v5 =	vadd.f32 v5, v7  }
0x13c: {  	v7 =	vld [tilespmem:s16+$0xE670];
	v12 =	vadd.f32 v13, v14;
	v2 =	vadd.f32 v2, v4  }
0x13d: {  	v4 =	vadd.f32 v10, v6;
	v3 =	vadd.f32 v3, v5  }
0x13e: {  	v5 =	vadd.f32 v11, v12;
	v0 =	vadd.f32 v0, v2  }
0x13f: {  	v2 =	vadd.f32 v8, v4;
	v1 =	vadd.f32 v1, v3  }
0x140: {  	v3 =	vadd.f32 v9, v5;
	[tilespmem:s9+$0x14880] =	vst v0  }
0x141: {  	v0 =	vadd.f32 v7, v2;
	[tilespmem:s9+$0x14890] =	vst v1  }
0x142: {  	[tilespmem:s9+$0x148A0] =	vst v3  }
0x143: {  	s18 =	sadd.s32 $0x300, s13;
	[tilespmem:s9+$0x148B0] =	vst v0  }
0x144: {  	[tilespmem:s19], [sflag:$0x3] =	stream.indirect.gather [hbm4b:s3+s10], $0x40, s18, s10, $0xb8;
	[tilespmem:$0x16800] =	vst v63  }
0x145: {  	s18 =	sadd.s32 $0x4338, s13  }
0x146: {  	[tilespmem:s21], [sflag:$0x3] =	stream.indirect.gather [hbm4b:s3+s12], $0x40, s18, s12, $0xb8;
	[tilespmem:$0x16800] =	vst v63  }
0x147: {  	_ =	swait.ge [sflag:s30], $0x2000  }
0x148: {  	[sflag:s30] =	ssyncset.done $0x0  }
0x149: {  	[sflag:s30] =	ssyncadd.s32 $0xFFFFE000  }
0x14a: {  	_ =	swait.ge [sflag:s30], $0x1200  }
0x14b: {  	[sflag:s30] =	ssyncset.done $0x0  }
0x14c: {  	s16 =	simm.s32 $0x0;
	[sflag:s30] =	ssyncadd.s32 $0xFFFFEE00  }
0x14d: {  	v0 =	vld [tilespmem:s16+$0x11840]  }
0x14e: {  	v1 =	vld [tilespmem:s16+$0x11850]  }
0x14f: {  	v2 =	vld [tilespmem:s16+$0x11800]  }
0x150: {  	v3 =	vld [tilespmem:s16+$0x11810]  }
0x151: {  	v4 =	vld [tilespmem:s16+$0x117C0]  }
0x152: {  	v5 =	vld [tilespmem:s16+$0x117D0]  }
0x153: {  	v6 =	vld [tilespmem:s16+$0x11780]  }
0x154: {  	v7 =	vld [tilespmem:s16+$0x11790]  }
0x155: {  	v9 =	vld [tilespmem:s16+$0x11740]  }
0x156: {  	v8 =	vld [tilespmem:s16+$0x11750]  }
0x157: {  	v11 =	vld [tilespmem:s16+$0x11700]  }
0x158: {  	v10 =	vld [tilespmem:s16+$0x11710]  }
0x159: {  	v13 =	vld [tilespmem:s16+$0x116C0]  }
0x15a: {  	v12 =	vld [tilespmem:s16+$0x116D0]  }
0x15b: {  	v15 =	vld [tilespmem:s16+$0x11680]  }
0x15c: {  	v14 =	vld [tilespmem:s16+$0x11690]  }
0x15d: {  	v21 =	vld [tilespmem:s16+$0x11640]  }
0x15e: {  	v20 =	vld [tilespmem:s16+$0x11650]  }
0x15f: {  	v23 =	vld [tilespmem:s16+$0x11600]  }
0x160: {  	v18 =	vimm.f32 $0.0e+00;
	v24 =	vld [tilespmem:s16+$0x11610]  }
0x161: {  	v19 =	vimm.f32 $0.0e+00;
	v17 =	vimm.f32 $0.0e+00;
	v16 =	vimm.f32 $0.0e+00;
	s18 =	simm.s32 $0xA00;
	v22 =	vld [tilespmem:s16+$0x11620]  }
.LBB2_9:
0x162: {  	p0 =	sne.s32 s18, $0xBE00;
	v25 =	vld [tilespmem:s16+$0x11630]  }
0x163: {  	v26 =	vld [tilespmem:s16+$0x11660]  }
0x164: {  	v27 =	vld [tilespmem:s16+$0x11670]  }
0x165: {  	v28 =	vld [tilespmem:s16+$0x116A0]  }
0x166: {  	v16 =	vadd.f32 v23, v16;
	v19 =	vadd.f32 v24, v19;
	v23 =	vld [tilespmem:s16+$0x116B0]  }
0x167: {  	v18 =	vadd.f32 v22, v18;
	v17 =	vadd.f32 v25, v17;
	v22 =	vld [tilespmem:s16+$0x116E0]  }
0x168: {  	v16 =	vadd.f32 v21, v16;
	v19 =	vadd.f32 v20, v19;
	v20 =	vld [tilespmem:s16+$0x116F0]  }
0x169: {  	v18 =	vadd.f32 v26, v18;
	v17 =	vadd.f32 v27, v17;
	v21 =	vld [tilespmem:s16+$0x11720]  }
0x16a: {  	v15 =	vadd.f32 v15, v16;
	v14 =	vadd.f32 v14, v19;
	v16 =	vld [tilespmem:s16+$0x11730]  }
0x16b: {  	v18 =	vadd.f32 v28, v18;
	v17 =	vadd.f32 v23, v17;
	v19 =	vld [tilespmem:s16+$0x11760]  }
0x16c: {  	v13 =	vadd.f32 v13, v15;
	v12 =	vadd.f32 v12, v14;
	v14 =	vld [tilespmem:s16+$0x11770]  }
0x16d: {  	v15 =	vadd.f32 v22, v18;
	v17 =	vadd.f32 v20, v17;
	v18 =	vld [tilespmem:s16+$0x117A0]  }
0x16e: {  	v11 =	vadd.f32 v11, v13;
	v10 =	vadd.f32 v10, v12;
	v12 =	vld [tilespmem:s16+$0x117B0]  }
0x16f: {  	v13 =	vadd.f32 v21, v15;
	v15 =	vadd.f32 v16, v17;
	v16 =	vld [tilespmem:s16+$0x117E0]  }
0x170: {  	v9 =	vadd.f32 v9, v11;
	v8 =	vadd.f32 v8, v10;
	v10 =	vld [tilespmem:s16+$0x117F0]  }
0x171: {  	v11 =	vadd.f32 v19, v13;
	v13 =	vadd.f32 v14, v15;
	v14 =	vld [tilespmem:s16+$0x11820]  }
0x172: {  	v6 =	vadd.f32 v6, v9;
	v7 =	vadd.f32 v7, v8;
	v8 =	vld [tilespmem:s16+$0x11830]  }
0x173: {  	v9 =	vadd.f32 v18, v11;
	v11 =	vadd.f32 v12, v13;
	v12 =	vld [tilespmem:s16+$0x11860]  }
0x174: {  	v4 =	vadd.f32 v4, v6;
	v5 =	vadd.f32 v5, v7;
	v6 =	vld [tilespmem:s16+$0x11870];
	s16 =	sshra.s32 s18, $0x2  }
0x175: {  	v9 =	vadd.f32 v16, v9;
	v7 =	vld [tilespmem:s16+$0x11840];
	v10 =	vadd.f32 v10, v11  }
0x176: {  	v4 =	vadd.f32 v2, v4;
	v5 =	vadd.f32 v3, v5;
	v11 =	vld [tilespmem:s16+$0x11850]  }
0x177: {  	v9 =	vadd.f32 v14, v9;
	v2 =	vld [tilespmem:s16+$0x11800];
	v8 =	vadd.f32 v8, v10  }
0x178: {  	v16 =	vadd.f32 v0, v4;
	v19 =	vadd.f32 v1, v5;
	v3 =	vld [tilespmem:s16+$0x11810]  }
0x179: {  	v18 =	vadd.f32 v12, v9;
	v4 =	vld [tilespmem:s16+$0x117C0];
	v17 =	vadd.f32 v6, v8  }
0x17a: {  	v5 =	vld [tilespmem:s16+$0x117D0];
	v0 =	vmov v7  }
0x17b: {  	v6 =	vld [tilespmem:s16+$0x11780];
	v1 =	vmov v11  }
0x17c: {  	v7 =	vld [tilespmem:s16+$0x11790]  }
0x17d: {  	v9 =	vld [tilespmem:s16+$0x11740]  }
0x17e: {  	v8 =	vld [tilespmem:s16+$0x11750]  }
0x17f: {  	v11 =	vld [tilespmem:s16+$0x11700]  }
0x180: {  	v10 =	vld [tilespmem:s16+$0x11710]  }
0x181: {  	v13 =	vld [tilespmem:s16+$0x116C0]  }
0x182: {  	v12 =	vld [tilespmem:s16+$0x116D0]  }
0x183: {  	v15 =	vld [tilespmem:s16+$0x11680]  }
0x184: {  	v14 =	vld [tilespmem:s16+$0x11690]  }
.Ltmp3:
0x185: {  	v21 =	vld [tilespmem:s16+$0x11640];
	(pc) =	sbr.rel @p0 .LBB2_9-.Ltmp3, $4  }
0x186: {  	v20 =	vld [tilespmem:s16+$0x11650]  }
0x187: {  	v23 =	vld [tilespmem:s16+$0x11600]  }
0x188: {  	v24 =	vld [tilespmem:s16+$0x11610]  }
0x189: {  	s18 =	sadd.s32 $0xA00, s18;
	v22 =	vld [tilespmem:s16+$0x11620]  }
0x18a: {  	v25 =	vld [tilespmem:s16+$0x11630]  }
0x18b: {  	v26 =	vld [tilespmem:s16+$0x11660]  }
0x18c: {  	v27 =	vld [tilespmem:s16+$0x11670];
	v16 =	vadd.f32 v23, v16  }
0x18d: {  	v35 =	vld [tilespmem:s16+$0x116A0];
	v19 =	vadd.f32 v24, v19  }
0x18e: {  	v36 =	vld [tilespmem:s16+$0x116B0];
	v18 =	vadd.f32 v22, v18;
	v16 =	vadd.f32 v21, v16  }
0x18f: {  	v37 =	vld [tilespmem:s16+$0x116E0];
	v17 =	vadd.f32 v25, v17;
	v19 =	vadd.f32 v20, v19  }
0x190: {  	v38 =	vld [tilespmem:s16+$0x116F0];
	v18 =	vadd.f32 v26, v18;
	v15 =	vadd.f32 v15, v16  }
0x191: {  	v40 =	vld [tilespmem:s16+$0x11720];
	v39 =	vadd.f32 v27, v17;
	v14 =	vadd.f32 v14, v19  }
0x192: {  	v41 =	vld [tilespmem:s16+$0x11730];
	v18 =	vadd.f32 v35, v18;
	v13 =	vadd.f32 v13, v15  }
0x193: {  	v43 =	vld [tilespmem:s16+$0x11760];
	v42 =	vadd.f32 v36, v39;
	v12 =	vadd.f32 v12, v14  }
0x194: {  	v44 =	vld [tilespmem:s16+$0x11770];
	v18 =	vadd.f32 v37, v18;
	v11 =	vadd.f32 v11, v13  }
0x195: {  	v46 =	vld [tilespmem:s16+$0x117A0];
	v45 =	vadd.f32 v38, v42;
	v10 =	vadd.f32 v10, v12  }
0x196: {  	v47 =	vld [tilespmem:s16+$0x117B0];
	v17 =	vadd.f32 v40, v18;
	v9 =	vadd.f32 v9, v11  }
0x197: {  	v49 =	vld [tilespmem:s16+$0x117E0];
	v48 =	vadd.f32 v41, v45;
	v8 =	vadd.f32 v8, v10  }
0x198: {  	v50 =	vld [tilespmem:s16+$0x117F0];
	v16 =	vadd.f32 v43, v17;
	v6 =	vadd.f32 v6, v9  }
0x199: {  	v52 =	vld [tilespmem:s16+$0x11820];
	v51 =	vadd.f32 v44, v48;
	v7 =	vadd.f32 v7, v8  }
0x19a: {  	v53 =	vld [tilespmem:s16+$0x11830];
	v54 =	vadd.f32 v46, v16;
	v4 =	vadd.f32 v4, v6  }
0x19b: {  	v56 =	vld [tilespmem:s16+$0x11860];
	v55 =	vadd.f32 v47, v51;
	v5 =	vadd.f32 v5, v7  }
0x19c: {  	v57 =	vld [tilespmem:s16+$0x11870];
	v58 =	vadd.f32 v49, v54;
	v2 =	vadd.f32 v2, v4  }
0x19d: {  	v59 =	vadd.f32 v50, v55;
	v3 =	vadd.f32 v3, v5  }
0x19e: {  	v60 =	vadd.f32 v52, v58;
	v0 =	vadd.f32 v0, v2  }
0x19f: {  	v61 =	vadd.f32 v53, v59;
	v1 =	vadd.f32 v1, v3  }
0x1a0: {  	s0 =	sadd.s32 $0x1, s0;
	v62 =	vadd.f32 v56, v60;
	[tilespmem:s9+$0x148C0] =	vst v0  }
0x1a1: {  	p0 =	sne.s32 s0, $0x1F;
	v63 =	vadd.f32 v57, v61;
	[tilespmem:s9+$0x148D0] =	vst v1  }
.Ltmp4:
0x1a2: {  	[tilespmem:s9+$0x148E0] =	vst v62;
	(pc) =	sbr.rel @p0 .LBB2_2-.Ltmp4, $4  }
0x1a3: {  	s16 =	sadd.s32 $0x380, s13;
	[tilespmem:s9+$0x148F0] =	vst v63  }
0x1a4: {  	[tilespmem:s23], [sflag:$0x4] =	stream.indirect.gather [hbm4b:s3+s10], $0x40, s16, s10, $0xb8;
	[tilespmem:$0x16800] =	vst v63  }
0x1a5: {  	s18 =	sadd.s32 $0x43B8, s13  }
0x1a6: {  	[tilespmem:s25], [sflag:$0x4] =	stream.indirect.gather [hbm4b:s3+s12], $0x40, s18, s12, $0xb8;
	[tilespmem:$0x16800] =	vst v63  }
0x1a7: {  	_ =	swait.ge [sflag:s26], $0x2000  }
0x1a8: {  	[sflag:s26] =	ssyncset.done $0x0  }
0x1a9: {  	[sflag:s26] =	ssyncadd.s32 $0xFFFFE000  }
0x1aa: {  	_ =	swait.ge [sflag:s26], $0x1200  }
0x1ab: {  	[sflag:s26] =	ssyncset.done $0x0  }
0x1ac: {  	s0 =	simm.s32 $0x0;
	[sflag:s26] =	ssyncadd.s32 $0xFFFFEE00  }
0x1ad: {  	v0 =	vld [tilespmem:s0+$0x8240]  }
0x1ae: {  	v1 =	vld [tilespmem:s0+$0x8250]  }
0x1af: {  	v2 =	vld [tilespmem:s0+$0x8200]  }
0x1b0: {  	v3 =	vld [tilespmem:s0+$0x8210]  }
0x1b1: {  	v4 =	vld [tilespmem:s0+$0x81C0]  }
0x1b2: {  	v5 =	vld [tilespmem:s0+$0x81D0]  }
0x1b3: {  	v6 =	vld [tilespmem:s0+$0x8180]  }
0x1b4: {  	v7 =	vld [tilespmem:s0+$0x8190]  }
0x1b5: {  	v9 =	vld [tilespmem:s0+$0x8140]  }
0x1b6: {  	v8 =	vld [tilespmem:s0+$0x8150]  }
0x1b7: {  	v11 =	vld [tilespmem:s0+$0x8100]  }
0x1b8: {  	v10 =	vld [tilespmem:s0+$0x8110]  }
0x1b9: {  	v13 =	vld [tilespmem:s0+$0x80C0]  }
0x1ba: {  	v12 =	vld [tilespmem:s0+$0x80D0]  }
0x1bb: {  	v15 =	vld [tilespmem:s0+$0x8080]  }
0x1bc: {  	v14 =	vld [tilespmem:s0+$0x8090]  }
0x1bd: {  	v21 =	vld [tilespmem:s0+$0x8040]  }
0x1be: {  	v20 =	vld [tilespmem:s0+$0x8050]  }
0x1bf: {  	v23 =	vld [tilespmem:s0+$0x8000]  }
0x1c0: {  	v16 =	vimm.f32 $0.0e+00;
	v24 =	vld [tilespmem:s0+$0x8010]  }
0x1c1: {  	s9 =	simm.s32 $0xA00;
	v19 =	vimm.f32 $0.0e+00;
	v18 =	vimm.f32 $0.0e+00;
	v17 =	vimm.f32 $0.0e+00;
	v22 =	vld [tilespmem:s0+$0x8020]  }
.LBB2_12:
0x1c2: {  	p0 =	sne.s32 s9, $0xBE00;
	v25 =	vld [tilespmem:s0+$0x8030]  }
0x1c3: {  	v26 =	vld [tilespmem:s0+$0x8060]  }
0x1c4: {  	v27 =	vld [tilespmem:s0+$0x8070]  }
0x1c5: {  	v28 =	vld [tilespmem:s0+$0x80A0]  }
0x1c6: {  	v16 =	vadd.f32 v23, v16;
	v19 =	vadd.f32 v24, v19;
	v23 =	vld [tilespmem:s0+$0x80B0]  }
0x1c7: {  	v18 =	vadd.f32 v22, v18;
	v17 =	vadd.f32 v25, v17;
	v22 =	vld [tilespmem:s0+$0x80E0]  }
0x1c8: {  	v16 =	vadd.f32 v21, v16;
	v19 =	vadd.f32 v20, v19;
	v20 =	vld [tilespmem:s0+$0x80F0]  }
0x1c9: {  	v18 =	vadd.f32 v26, v18;
	v17 =	vadd.f32 v27, v17;
	v21 =	vld [tilespmem:s0+$0x8120]  }
0x1ca: {  	v15 =	vadd.f32 v15, v16;
	v14 =	vadd.f32 v14, v19;
	v16 =	vld [tilespmem:s0+$0x8130]  }
0x1cb: {  	v18 =	vadd.f32 v28, v18;
	v17 =	vadd.f32 v23, v17;
	v19 =	vld [tilespmem:s0+$0x8160]  }
0x1cc: {  	v13 =	vadd.f32 v13, v15;
	v12 =	vadd.f32 v12, v14;
	v14 =	vld [tilespmem:s0+$0x8170]  }
0x1cd: {  	v15 =	vadd.f32 v22, v18;
	v17 =	vadd.f32 v20, v17;
	v18 =	vld [tilespmem:s0+$0x81A0]  }
0x1ce: {  	v11 =	vadd.f32 v11, v13;
	v10 =	vadd.f32 v10, v12;
	v12 =	vld [tilespmem:s0+$0x81B0]  }
0x1cf: {  	v13 =	vadd.f32 v21, v15;
	v15 =	vadd.f32 v16, v17;
	v16 =	vld [tilespmem:s0+$0x81E0]  }
0x1d0: {  	v9 =	vadd.f32 v9, v11;
	v8 =	vadd.f32 v8, v10;
	v10 =	vld [tilespmem:s0+$0x81F0]  }
0x1d1: {  	v11 =	vadd.f32 v19, v13;
	v13 =	vadd.f32 v14, v15;
	v14 =	vld [tilespmem:s0+$0x8220]  }
0x1d2: {  	v6 =	vadd.f32 v6, v9;
	v7 =	vadd.f32 v7, v8;
	v8 =	vld [tilespmem:s0+$0x8230]  }
0x1d3: {  	v9 =	vadd.f32 v18, v11;
	v11 =	vadd.f32 v12, v13;
	v12 =	vld [tilespmem:s0+$0x8260]  }
0x1d4: {  	v4 =	vadd.f32 v4, v6;
	v5 =	vadd.f32 v5, v7;
	v6 =	vld [tilespmem:s0+$0x8270];
	s0 =	sshra.s32 s9, $0x2  }
0x1d5: {  	v9 =	vadd.f32 v16, v9;
	v7 =	vld [tilespmem:s0+$0x8240];
	v10 =	vadd.f32 v10, v11  }
0x1d6: {  	v4 =	vadd.f32 v2, v4;
	v5 =	vadd.f32 v3, v5;
	v11 =	vld [tilespmem:s0+$0x8250]  }
0x1d7: {  	v9 =	vadd.f32 v14, v9;
	v2 =	vld [tilespmem:s0+$0x8200];
	v8 =	vadd.f32 v8, v10  }
0x1d8: {  	v16 =	vadd.f32 v0, v4;
	v19 =	vadd.f32 v1, v5;
	v3 =	vld [tilespmem:s0+$0x8210]  }
0x1d9: {  	v18 =	vadd.f32 v12, v9;
	v4 =	vld [tilespmem:s0+$0x81C0];
	v17 =	vadd.f32 v6, v8  }
0x1da: {  	v5 =	vld [tilespmem:s0+$0x81D0];
	v0 =	vmov v7  }
0x1db: {  	v6 =	vld [tilespmem:s0+$0x8180];
	v1 =	vmov v11  }
0x1dc: {  	v7 =	vld [tilespmem:s0+$0x8190]  }
0x1dd: {  	v9 =	vld [tilespmem:s0+$0x8140]  }
0x1de: {  	v8 =	vld [tilespmem:s0+$0x8150]  }
0x1df: {  	v11 =	vld [tilespmem:s0+$0x8100]  }
0x1e0: {  	v10 =	vld [tilespmem:s0+$0x8110]  }
0x1e1: {  	v13 =	vld [tilespmem:s0+$0x80C0]  }
0x1e2: {  	v12 =	vld [tilespmem:s0+$0x80D0]  }
0x1e3: {  	v15 =	vld [tilespmem:s0+$0x8080]  }
0x1e4: {  	v14 =	vld [tilespmem:s0+$0x8090]  }
.Ltmp5:
0x1e5: {  	v21 =	vld [tilespmem:s0+$0x8040];
	(pc) =	sbr.rel @p0 .LBB2_12-.Ltmp5, $4  }
0x1e6: {  	v20 =	vld [tilespmem:s0+$0x8050]  }
0x1e7: {  	v23 =	vld [tilespmem:s0+$0x8000]  }
0x1e8: {  	v24 =	vld [tilespmem:s0+$0x8010]  }
0x1e9: {  	s9 =	sadd.s32 $0xA00, s9;
	v22 =	vld [tilespmem:s0+$0x8020]  }
0x1ea: {  	v25 =	vld [tilespmem:s0+$0x8030]  }
0x1eb: {  	v26 =	vld [tilespmem:s0+$0x8060]  }
0x1ec: {  	v27 =	vld [tilespmem:s0+$0x8070];
	v16 =	vadd.f32 v23, v16  }
0x1ed: {  	v23 =	vld [tilespmem:s0+$0x80A0];
	v19 =	vadd.f32 v24, v19  }
0x1ee: {  	v24 =	vld [tilespmem:s0+$0x80B0];
	v18 =	vadd.f32 v22, v18;
	v16 =	vadd.f32 v21, v16  }
0x1ef: {  	v21 =	vld [tilespmem:s0+$0x80E0];
	v17 =	vadd.f32 v25, v17;
	v19 =	vadd.f32 v20, v19  }
0x1f0: {  	v20 =	vld [tilespmem:s0+$0x80F0];
	v18 =	vadd.f32 v26, v18;
	v15 =	vadd.f32 v15, v16  }
0x1f1: {  	v16 =	vadd.f32 v27, v17;
	v17 =	vld [tilespmem:s0+$0x8120];
	v14 =	vadd.f32 v14, v19  }
0x1f2: {  	v19 =	vld [tilespmem:s0+$0x8130];
	v18 =	vadd.f32 v23, v18;
	v13 =	vadd.f32 v13, v15  }
0x1f3: {  	v15 =	vadd.f32 v24, v16;
	v16 =	vld [tilespmem:s0+$0x8160];
	v12 =	vadd.f32 v12, v14  }
0x1f4: {  	v14 =	vld [tilespmem:s0+$0x8170];
	v18 =	vadd.f32 v21, v18;
	v11 =	vadd.f32 v11, v13  }
0x1f5: {  	v13 =	vadd.f32 v20, v15;
	v15 =	vld [tilespmem:s0+$0x81A0];
	v10 =	vadd.f32 v10, v12  }
0x1f6: {  	v12 =	vld [tilespmem:s0+$0x81B0];
	v17 =	vadd.f32 v17, v18;
	v9 =	vadd.f32 v9, v11  }
0x1f7: {  	v11 =	vadd.f32 v19, v13;
	v13 =	vld [tilespmem:s0+$0x81E0];
	v8 =	vadd.f32 v8, v10  }
0x1f8: {  	v10 =	vld [tilespmem:s0+$0x81F0];
	v16 =	vadd.f32 v16, v17;
	v6 =	vadd.f32 v6, v9  }
0x1f9: {  	v9 =	vadd.f32 v14, v11;
	v11 =	vld [tilespmem:s0+$0x8220];
	v7 =	vadd.f32 v7, v8  }
0x1fa: {  	v8 =	vld [tilespmem:s0+$0x8230];
	v14 =	vadd.f32 v15, v16;
	v4 =	vadd.f32 v4, v6  }
0x1fb: {  	v6 =	vadd.f32 v12, v9;
	v9 =	vld [tilespmem:s0+$0x8260];
	v5 =	vadd.f32 v5, v7  }
0x1fc: {  	v7 =	vld [tilespmem:s0+$0x8270];
	v12 =	vadd.f32 v13, v14;
	v2 =	vadd.f32 v2, v4  }
0x1fd: {  	v4 =	vadd.f32 v10, v6;
	v3 =	vadd.f32 v3, v5  }
0x1fe: {  	v5 =	vadd.f32 v11, v12;
	v0 =	vadd.f32 v0, v2  }
0x1ff: {  	v2 =	vadd.f32 v8, v4;
	v1 =	vadd.f32 v1, v3  }
0x200: {  	v3 =	vadd.f32 v9, v5;
	[tilespmem:$0x16700] =	vst v0  }
0x201: {  	v0 =	vadd.f32 v7, v2;
	[tilespmem:$0x16710] =	vst v1  }
0x202: {  	[tilespmem:$0x16720] =	vst v3  }
0x203: {  	[tilespmem:$0x16730] =	vst v0  }
0x204: {  	_ =	swait.ge [sflag:s28], $0x2000  }
0x205: {  	[sflag:s28] =	ssyncset.done $0x0  }
0x206: {  	[sflag:s28] =	ssyncadd.s32 $0xFFFFE000  }
0x207: {  	_ =	swait.ge [sflag:s28], $0x1200  }
0x208: {  	[sflag:s28] =	ssyncset.done $0x0  }
0x209: {  	s0 =	simm.s32 $0x0;
	[sflag:s28] =	ssyncadd.s32 $0xFFFFEE00  }
0x20a: {  	v0 =	vld [tilespmem:s0+$0xB440]  }
0x20b: {  	v1 =	vld [tilespmem:s0+$0xB450]  }
0x20c: {  	v2 =	vld [tilespmem:s0+$0xB400]  }
0x20d: {  	v3 =	vld [tilespmem:s0+$0xB410]  }
0x20e: {  	v4 =	vld [tilespmem:s0+$0xB3C0]  }
0x20f: {  	v5 =	vld [tilespmem:s0+$0xB3D0]  }
0x210: {  	v6 =	vld [tilespmem:s0+$0xB380]  }
0x211: {  	v7 =	vld [tilespmem:s0+$0xB390]  }
0x212: {  	v9 =	vld [tilespmem:s0+$0xB340]  }
0x213: {  	v8 =	vld [tilespmem:s0+$0xB350]  }
0x214: {  	v11 =	vld [tilespmem:s0+$0xB300]  }
0x215: {  	v10 =	vld [tilespmem:s0+$0xB310]  }
0x216: {  	v13 =	vld [tilespmem:s0+$0xB2C0]  }
0x217: {  	v12 =	vld [tilespmem:s0+$0xB2D0]  }
0x218: {  	v15 =	vld [tilespmem:s0+$0xB280]  }
0x219: {  	v14 =	vld [tilespmem:s0+$0xB290]  }
0x21a: {  	v21 =	vld [tilespmem:s0+$0xB240]  }
0x21b: {  	v20 =	vld [tilespmem:s0+$0xB250]  }
0x21c: {  	v23 =	vld [tilespmem:s0+$0xB200]  }
0x21d: {  	v18 =	vimm.f32 $0.0e+00;
	v24 =	vld [tilespmem:s0+$0xB210]  }
0x21e: {  	s9 =	simm.s32 $0xA00;
	v19 =	vimm.f32 $0.0e+00;
	v17 =	vimm.f32 $0.0e+00;
	v16 =	vimm.f32 $0.0e+00;
	v22 =	vld [tilespmem:s0+$0xB220]  }
.LBB2_14:
0x21f: {  	p0 =	sne.s32 s9, $0xBE00;
	v25 =	vld [tilespmem:s0+$0xB230]  }
0x220: {  	v26 =	vld [tilespmem:s0+$0xB260]  }
0x221: {  	v27 =	vld [tilespmem:s0+$0xB270]  }
0x222: {  	v28 =	vld [tilespmem:s0+$0xB2A0]  }
0x223: {  	v16 =	vadd.f32 v23, v16;
	v19 =	vadd.f32 v24, v19;
	v23 =	vld [tilespmem:s0+$0xB2B0]  }
0x224: {  	v18 =	vadd.f32 v22, v18;
	v17 =	vadd.f32 v25, v17;
	v22 =	vld [tilespmem:s0+$0xB2E0]  }
0x225: {  	v16 =	vadd.f32 v21, v16;
	v19 =	vadd.f32 v20, v19;
	v20 =	vld [tilespmem:s0+$0xB2F0]  }
0x226: {  	v18 =	vadd.f32 v26, v18;
	v17 =	vadd.f32 v27, v17;
	v21 =	vld [tilespmem:s0+$0xB320]  }
0x227: {  	v15 =	vadd.f32 v15, v16;
	v14 =	vadd.f32 v14, v19;
	v16 =	vld [tilespmem:s0+$0xB330]  }
0x228: {  	v18 =	vadd.f32 v28, v18;
	v17 =	vadd.f32 v23, v17;
	v19 =	vld [tilespmem:s0+$0xB360]  }
0x229: {  	v13 =	vadd.f32 v13, v15;
	v12 =	vadd.f32 v12, v14;
	v14 =	vld [tilespmem:s0+$0xB370]  }
0x22a: {  	v15 =	vadd.f32 v22, v18;
	v17 =	vadd.f32 v20, v17;
	v18 =	vld [tilespmem:s0+$0xB3A0]  }
0x22b: {  	v11 =	vadd.f32 v11, v13;
	v10 =	vadd.f32 v10, v12;
	v12 =	vld [tilespmem:s0+$0xB3B0]  }
0x22c: {  	v13 =	vadd.f32 v21, v15;
	v15 =	vadd.f32 v16, v17;
	v16 =	vld [tilespmem:s0+$0xB3E0]  }
0x22d: {  	v9 =	vadd.f32 v9, v11;
	v8 =	vadd.f32 v8, v10;
	v10 =	vld [tilespmem:s0+$0xB3F0]  }
0x22e: {  	v11 =	vadd.f32 v19, v13;
	v13 =	vadd.f32 v14, v15;
	v14 =	vld [tilespmem:s0+$0xB420]  }
0x22f: {  	v6 =	vadd.f32 v6, v9;
	v7 =	vadd.f32 v7, v8;
	v8 =	vld [tilespmem:s0+$0xB430]  }
0x230: {  	v9 =	vadd.f32 v18, v11;
	v11 =	vadd.f32 v12, v13;
	v12 =	vld [tilespmem:s0+$0xB460]  }
0x231: {  	v4 =	vadd.f32 v4, v6;
	v5 =	vadd.f32 v5, v7;
	v6 =	vld [tilespmem:s0+$0xB470];
	s0 =	sshra.s32 s9, $0x2  }
0x232: {  	v9 =	vadd.f32 v16, v9;
	v7 =	vld [tilespmem:s0+$0xB440];
	v10 =	vadd.f32 v10, v11  }
0x233: {  	v4 =	vadd.f32 v2, v4;
	v5 =	vadd.f32 v3, v5;
	v11 =	vld [tilespmem:s0+$0xB450]  }
0x234: {  	v9 =	vadd.f32 v14, v9;
	v2 =	vld [tilespmem:s0+$0xB400];
	v8 =	vadd.f32 v8, v10  }
0x235: {  	v16 =	vadd.f32 v0, v4;
	v19 =	vadd.f32 v1, v5;
	v3 =	vld [tilespmem:s0+$0xB410]  }
0x236: {  	v18 =	vadd.f32 v12, v9;
	v4 =	vld [tilespmem:s0+$0xB3C0];
	v17 =	vadd.f32 v6, v8  }
0x237: {  	v5 =	vld [tilespmem:s0+$0xB3D0];
	v0 =	vmov v7  }
0x238: {  	v6 =	vld [tilespmem:s0+$0xB380];
	v1 =	vmov v11  }
0x239: {  	v7 =	vld [tilespmem:s0+$0xB390]  }
0x23a: {  	v9 =	vld [tilespmem:s0+$0xB340]  }
0x23b: {  	v8 =	vld [tilespmem:s0+$0xB350]  }
0x23c: {  	v11 =	vld [tilespmem:s0+$0xB300]  }
0x23d: {  	v10 =	vld [tilespmem:s0+$0xB310]  }
0x23e: {  	v13 =	vld [tilespmem:s0+$0xB2C0]  }
0x23f: {  	v12 =	vld [tilespmem:s0+$0xB2D0]  }
0x240: {  	v15 =	vld [tilespmem:s0+$0xB280]  }
0x241: {  	v14 =	vld [tilespmem:s0+$0xB290]  }
.Ltmp6:
0x242: {  	v21 =	vld [tilespmem:s0+$0xB240];
	(pc) =	sbr.rel @p0 .LBB2_14-.Ltmp6, $4  }
0x243: {  	v20 =	vld [tilespmem:s0+$0xB250]  }
0x244: {  	v23 =	vld [tilespmem:s0+$0xB200]  }
0x245: {  	v24 =	vld [tilespmem:s0+$0xB210]  }
0x246: {  	s9 =	sadd.s32 $0xA00, s9;
	v22 =	vld [tilespmem:s0+$0xB220]  }
0x247: {  	v25 =	vld [tilespmem:s0+$0xB230]  }
0x248: {  	v26 =	vld [tilespmem:s0+$0xB260]  }
0x249: {  	v27 =	vld [tilespmem:s0+$0xB270];
	v16 =	vadd.f32 v23, v16  }
0x24a: {  	v23 =	vld [tilespmem:s0+$0xB2A0];
	v19 =	vadd.f32 v24, v19  }
0x24b: {  	v24 =	vld [tilespmem:s0+$0xB2B0];
	v18 =	vadd.f32 v22, v18;
	v16 =	vadd.f32 v21, v16  }
0x24c: {  	v21 =	vld [tilespmem:s0+$0xB2E0];
	v17 =	vadd.f32 v25, v17;
	v19 =	vadd.f32 v20, v19  }
0x24d: {  	v20 =	vld [tilespmem:s0+$0xB2F0];
	v18 =	vadd.f32 v26, v18;
	v15 =	vadd.f32 v15, v16  }
0x24e: {  	v16 =	vadd.f32 v27, v17;
	v17 =	vld [tilespmem:s0+$0xB320];
	v14 =	vadd.f32 v14, v19  }
0x24f: {  	v19 =	vld [tilespmem:s0+$0xB330];
	v18 =	vadd.f32 v23, v18;
	v13 =	vadd.f32 v13, v15  }
0x250: {  	v15 =	vadd.f32 v24, v16;
	v16 =	vld [tilespmem:s0+$0xB360];
	v12 =	vadd.f32 v12, v14  }
0x251: {  	v14 =	vld [tilespmem:s0+$0xB370];
	v18 =	vadd.f32 v21, v18;
	v11 =	vadd.f32 v11, v13  }
0x252: {  	v13 =	vadd.f32 v20, v15;
	v15 =	vld [tilespmem:s0+$0xB3A0];
	v10 =	vadd.f32 v10, v12  }
0x253: {  	v12 =	vld [tilespmem:s0+$0xB3B0];
	v17 =	vadd.f32 v17, v18;
	v9 =	vadd.f32 v9, v11  }
0x254: {  	v11 =	vadd.f32 v19, v13;
	v13 =	vld [tilespmem:s0+$0xB3E0];
	v8 =	vadd.f32 v8, v10  }
0x255: {  	v10 =	vld [tilespmem:s0+$0xB3F0];
	v16 =	vadd.f32 v16, v17;
	v6 =	vadd.f32 v6, v9  }
0x256: {  	v9 =	vadd.f32 v14, v11;
	v11 =	vld [tilespmem:s0+$0xB420];
	v7 =	vadd.f32 v7, v8  }
0x257: {  	v8 =	vld [tilespmem:s0+$0xB430];
	v14 =	vadd.f32 v15, v16;
	v4 =	vadd.f32 v4, v6  }
0x258: {  	v6 =	vadd.f32 v12, v9;
	v9 =	vld [tilespmem:s0+$0xB460];
	v5 =	vadd.f32 v5, v7  }
0x259: {  	v7 =	vld [tilespmem:s0+$0xB470];
	v12 =	vadd.f32 v13, v14;
	v2 =	vadd.f32 v2, v4  }
0x25a: {  	v4 =	vadd.f32 v10, v6;
	v3 =	vadd.f32 v3, v5  }
0x25b: {  	v5 =	vadd.f32 v11, v12;
	v0 =	vadd.f32 v0, v2  }
0x25c: {  	v2 =	vadd.f32 v8, v4;
	v1 =	vadd.f32 v1, v3  }
0x25d: {  	v3 =	vadd.f32 v9, v5;
	[tilespmem:$0x16740] =	vst v0  }
0x25e: {  	v0 =	vadd.f32 v7, v2;
	[tilespmem:$0x16750] =	vst v1  }
0x25f: {  	[tilespmem:$0x16760] =	vst v3  }
0x260: {  	[tilespmem:$0x16770] =	vst v0  }
0x261: {  	_ =	swait.ge [sflag:s29], $0x2000  }
0x262: {  	[sflag:s29] =	ssyncset.done $0x0  }
0x263: {  	[sflag:s29] =	ssyncadd.s32 $0xFFFFE000  }
0x264: {  	_ =	swait.ge [sflag:s29], $0x1200  }
0x265: {  	[sflag:s29] =	ssyncset.done $0x0  }
0x266: {  	s0 =	simm.s32 $0x0;
	[sflag:s29] =	ssyncadd.s32 $0xFFFFEE00  }
0x267: {  	v0 =	vld [tilespmem:s0+$0xE640]  }
0x268: {  	v1 =	vld [tilespmem:s0+$0xE650]  }
0x269: {  	v2 =	vld [tilespmem:s0+$0xE600]  }
0x26a: {  	v3 =	vld [tilespmem:s0+$0xE610]  }
0x26b: {  	v4 =	vld [tilespmem:s0+$0xE5C0]  }
0x26c: {  	v5 =	vld [tilespmem:s0+$0xE5D0]  }
0x26d: {  	v6 =	vld [tilespmem:s0+$0xE580]  }
0x26e: {  	v7 =	vld [tilespmem:s0+$0xE590]  }
0x26f: {  	v9 =	vld [tilespmem:s0+$0xE540]  }
0x270: {  	v8 =	vld [tilespmem:s0+$0xE550]  }
0x271: {  	v11 =	vld [tilespmem:s0+$0xE500]  }
0x272: {  	v10 =	vld [tilespmem:s0+$0xE510]  }
0x273: {  	v13 =	vld [tilespmem:s0+$0xE4C0]  }
0x274: {  	v12 =	vld [tilespmem:s0+$0xE4D0]  }
0x275: {  	v15 =	vld [tilespmem:s0+$0xE480]  }
0x276: {  	v14 =	vld [tilespmem:s0+$0xE490]  }
0x277: {  	v21 =	vld [tilespmem:s0+$0xE440]  }
0x278: {  	v20 =	vld [tilespmem:s0+$0xE450]  }
0x279: {  	v23 =	vld [tilespmem:s0+$0xE400]  }
0x27a: {  	v18 =	vimm.f32 $0.0e+00;
	v24 =	vld [tilespmem:s0+$0xE410]  }
0x27b: {  	s9 =	simm.s32 $0xA00;
	v19 =	vimm.f32 $0.0e+00;
	v17 =	vimm.f32 $0.0e+00;
	v16 =	vimm.f32 $0.0e+00;
	v22 =	vld [tilespmem:s0+$0xE420]  }
.LBB2_16:
0x27c: {  	p0 =	sne.s32 s9, $0xBE00;
	v25 =	vld [tilespmem:s0+$0xE430]  }
0x27d: {  	v26 =	vld [tilespmem:s0+$0xE460]  }
0x27e: {  	v27 =	vld [tilespmem:s0+$0xE470]  }
0x27f: {  	v28 =	vld [tilespmem:s0+$0xE4A0]  }
0x280: {  	v16 =	vadd.f32 v23, v16;
	v19 =	vadd.f32 v24, v19;
	v23 =	vld [tilespmem:s0+$0xE4B0]  }
0x281: {  	v18 =	vadd.f32 v22, v18;
	v17 =	vadd.f32 v25, v17;
	v22 =	vld [tilespmem:s0+$0xE4E0]  }
0x282: {  	v16 =	vadd.f32 v21, v16;
	v19 =	vadd.f32 v20, v19;
	v20 =	vld [tilespmem:s0+$0xE4F0]  }
0x283: {  	v18 =	vadd.f32 v26, v18;
	v17 =	vadd.f32 v27, v17;
	v21 =	vld [tilespmem:s0+$0xE520]  }
0x284: {  	v15 =	vadd.f32 v15, v16;
	v14 =	vadd.f32 v14, v19;
	v16 =	vld [tilespmem:s0+$0xE530]  }
0x285: {  	v18 =	vadd.f32 v28, v18;
	v17 =	vadd.f32 v23, v17;
	v19 =	vld [tilespmem:s0+$0xE560]  }
0x286: {  	v13 =	vadd.f32 v13, v15;
	v12 =	vadd.f32 v12, v14;
	v14 =	vld [tilespmem:s0+$0xE570]  }
0x287: {  	v15 =	vadd.f32 v22, v18;
	v17 =	vadd.f32 v20, v17;
	v18 =	vld [tilespmem:s0+$0xE5A0]  }
0x288: {  	v11 =	vadd.f32 v11, v13;
	v10 =	vadd.f32 v10, v12;
	v12 =	vld [tilespmem:s0+$0xE5B0]  }
0x289: {  	v13 =	vadd.f32 v21, v15;
	v15 =	vadd.f32 v16, v17;
	v16 =	vld [tilespmem:s0+$0xE5E0]  }
0x28a: {  	v9 =	vadd.f32 v9, v11;
	v8 =	vadd.f32 v8, v10;
	v10 =	vld [tilespmem:s0+$0xE5F0]  }
0x28b: {  	v11 =	vadd.f32 v19, v13;
	v13 =	vadd.f32 v14, v15;
	v14 =	vld [tilespmem:s0+$0xE620]  }
0x28c: {  	v6 =	vadd.f32 v6, v9;
	v7 =	vadd.f32 v7, v8;
	v8 =	vld [tilespmem:s0+$0xE630]  }
0x28d: {  	v9 =	vadd.f32 v18, v11;
	v11 =	vadd.f32 v12, v13;
	v12 =	vld [tilespmem:s0+$0xE660]  }
0x28e: {  	v4 =	vadd.f32 v4, v6;
	v5 =	vadd.f32 v5, v7;
	v6 =	vld [tilespmem:s0+$0xE670];
	s0 =	sshra.s32 s9, $0x2  }
0x28f: {  	v9 =	vadd.f32 v16, v9;
	v7 =	vld [tilespmem:s0+$0xE640];
	v10 =	vadd.f32 v10, v11  }
0x290: {  	v4 =	vadd.f32 v2, v4;
	v5 =	vadd.f32 v3, v5;
	v11 =	vld [tilespmem:s0+$0xE650]  }
0x291: {  	v9 =	vadd.f32 v14, v9;
	v2 =	vld [tilespmem:s0+$0xE600];
	v8 =	vadd.f32 v8, v10  }
0x292: {  	v16 =	vadd.f32 v0, v4;
	v19 =	vadd.f32 v1, v5;
	v3 =	vld [tilespmem:s0+$0xE610]  }
0x293: {  	v18 =	vadd.f32 v12, v9;
	v4 =	vld [tilespmem:s0+$0xE5C0];
	v17 =	vadd.f32 v6, v8  }
0x294: {  	v5 =	vld [tilespmem:s0+$0xE5D0];
	v0 =	vmov v7  }
0x295: {  	v6 =	vld [tilespmem:s0+$0xE580];
	v1 =	vmov v11  }
0x296: {  	v7 =	vld [tilespmem:s0+$0xE590]  }
0x297: {  	v9 =	vld [tilespmem:s0+$0xE540]  }
0x298: {  	v8 =	vld [tilespmem:s0+$0xE550]  }
0x299: {  	v11 =	vld [tilespmem:s0+$0xE500]  }
0x29a: {  	v10 =	vld [tilespmem:s0+$0xE510]  }
0x29b: {  	v13 =	vld [tilespmem:s0+$0xE4C0]  }
0x29c: {  	v12 =	vld [tilespmem:s0+$0xE4D0]  }
0x29d: {  	v15 =	vld [tilespmem:s0+$0xE480]  }
0x29e: {  	v14 =	vld [tilespmem:s0+$0xE490]  }
.Ltmp7:
0x29f: {  	v21 =	vld [tilespmem:s0+$0xE440];
	(pc) =	sbr.rel @p0 .LBB2_16-.Ltmp7, $4  }
0x2a0: {  	v20 =	vld [tilespmem:s0+$0xE450]  }
0x2a1: {  	v23 =	vld [tilespmem:s0+$0xE400]  }
0x2a2: {  	v24 =	vld [tilespmem:s0+$0xE410]  }
0x2a3: {  	s9 =	sadd.s32 $0xA00, s9;
	v22 =	vld [tilespmem:s0+$0xE420]  }
0x2a4: {  	v25 =	vld [tilespmem:s0+$0xE430]  }
0x2a5: {  	v26 =	vld [tilespmem:s0+$0xE460]  }
0x2a6: {  	v27 =	vld [tilespmem:s0+$0xE470];
	v16 =	vadd.f32 v23, v16  }
0x2a7: {  	v23 =	vld [tilespmem:s0+$0xE4A0];
	v19 =	vadd.f32 v24, v19  }
0x2a8: {  	v24 =	vld [tilespmem:s0+$0xE4B0];
	v18 =	vadd.f32 v22, v18;
	v16 =	vadd.f32 v21, v16  }
0x2a9: {  	v21 =	vld [tilespmem:s0+$0xE4E0];
	v17 =	vadd.f32 v25, v17;
	v19 =	vadd.f32 v20, v19  }
0x2aa: {  	v20 =	vld [tilespmem:s0+$0xE4F0];
	v18 =	vadd.f32 v26, v18;
	v15 =	vadd.f32 v15, v16  }
0x2ab: {  	v16 =	vadd.f32 v27, v17;
	v17 =	vld [tilespmem:s0+$0xE520];
	v14 =	vadd.f32 v14, v19  }
0x2ac: {  	v19 =	vld [tilespmem:s0+$0xE530];
	v18 =	vadd.f32 v23, v18;
	v13 =	vadd.f32 v13, v15  }
0x2ad: {  	v15 =	vadd.f32 v24, v16;
	v16 =	vld [tilespmem:s0+$0xE560];
	v12 =	vadd.f32 v12, v14  }
0x2ae: {  	v14 =	vld [tilespmem:s0+$0xE570];
	v18 =	vadd.f32 v21, v18;
	v11 =	vadd.f32 v11, v13  }
0x2af: {  	v13 =	vadd.f32 v20, v15;
	v15 =	vld [tilespmem:s0+$0xE5A0];
	v10 =	vadd.f32 v10, v12  }
0x2b0: {  	v12 =	vld [tilespmem:s0+$0xE5B0];
	v17 =	vadd.f32 v17, v18;
	v9 =	vadd.f32 v9, v11  }
0x2b1: {  	v11 =	vadd.f32 v19, v13;
	v13 =	vld [tilespmem:s0+$0xE5E0];
	v8 =	vadd.f32 v8, v10  }
0x2b2: {  	v10 =	vld [tilespmem:s0+$0xE5F0];
	v16 =	vadd.f32 v16, v17;
	v6 =	vadd.f32 v6, v9  }
0x2b3: {  	v9 =	vadd.f32 v14, v11;
	v11 =	vld [tilespmem:s0+$0xE620];
	v7 =	vadd.f32 v7, v8  }
0x2b4: {  	v8 =	vld [tilespmem:s0+$0xE630];
	v14 =	vadd.f32 v15, v16;
	v4 =	vadd.f32 v4, v6  }
0x2b5: {  	v6 =	vadd.f32 v12, v9;
	v9 =	vld [tilespmem:s0+$0xE660];
	v5 =	vadd.f32 v5, v7  }
0x2b6: {  	v7 =	vld [tilespmem:s0+$0xE670];
	v12 =	vadd.f32 v13, v14;
	v2 =	vadd.f32 v2, v4  }
0x2b7: {  	v4 =	vadd.f32 v10, v6;
	v3 =	vadd.f32 v3, v5  }
0x2b8: {  	v5 =	vadd.f32 v11, v12;
	v0 =	vadd.f32 v0, v2  }
0x2b9: {  	v2 =	vadd.f32 v8, v4;
	v1 =	vadd.f32 v1, v3  }
0x2ba: {  	v3 =	vadd.f32 v9, v5;
	[tilespmem:$0x16780] =	vst v0  }
0x2bb: {  	v0 =	vadd.f32 v7, v2;
	[tilespmem:$0x16790] =	vst v1  }
0x2bc: {  	[tilespmem:$0x167A0] =	vst v3  }
0x2bd: {  	[tilespmem:$0x167B0] =	vst v0  }
0x2be: {  	_ =	swait.ge [sflag:s30], $0x2000  }
0x2bf: {  	[sflag:s30] =	ssyncset.done $0x0  }
0x2c0: {  	[sflag:s30] =	ssyncadd.s32 $0xFFFFE000  }
0x2c1: {  	_ =	swait.ge [sflag:s30], $0x1200  }
0x2c2: {  	[sflag:s30] =	ssyncset.done $0x0  }
0x2c3: {  	s0 =	simm.s32 $0x0;
	[sflag:s30] =	ssyncadd.s32 $0xFFFFEE00  }
0x2c4: {  	v0 =	vld [tilespmem:s0+$0x11840]  }
0x2c5: {  	v1 =	vld [tilespmem:s0+$0x11850]  }
0x2c6: {  	v2 =	vld [tilespmem:s0+$0x11800]  }
0x2c7: {  	v3 =	vld [tilespmem:s0+$0x11810]  }
0x2c8: {  	v4 =	vld [tilespmem:s0+$0x117C0]  }
0x2c9: {  	v5 =	vld [tilespmem:s0+$0x117D0]  }
0x2ca: {  	v6 =	vld [tilespmem:s0+$0x11780]  }
0x2cb: {  	v7 =	vld [tilespmem:s0+$0x11790]  }
0x2cc: {  	v9 =	vld [tilespmem:s0+$0x11740]  }
0x2cd: {  	v8 =	vld [tilespmem:s0+$0x11750]  }
0x2ce: {  	v11 =	vld [tilespmem:s0+$0x11700]  }
0x2cf: {  	v10 =	vld [tilespmem:s0+$0x11710]  }
0x2d0: {  	v13 =	vld [tilespmem:s0+$0x116C0]  }
0x2d1: {  	v12 =	vld [tilespmem:s0+$0x116D0]  }
0x2d2: {  	v15 =	vld [tilespmem:s0+$0x11680]  }
0x2d3: {  	v14 =	vld [tilespmem:s0+$0x11690]  }
0x2d4: {  	v21 =	vld [tilespmem:s0+$0x11640]  }
0x2d5: {  	v20 =	vld [tilespmem:s0+$0x11650]  }
0x2d6: {  	v23 =	vld [tilespmem:s0+$0x11600]  }
0x2d7: {  	v18 =	vimm.f32 $0.0e+00;
	v24 =	vld [tilespmem:s0+$0x11610]  }
0x2d8: {  	s9 =	simm.s32 $0xA00;
	v19 =	vimm.f32 $0.0e+00;
	v17 =	vimm.f32 $0.0e+00;
	v16 =	vimm.f32 $0.0e+00;
	v22 =	vld [tilespmem:s0+$0x11620]  }
.LBB2_18:
0x2d9: {  	p0 =	sne.s32 s9, $0xBE00;
	v25 =	vld [tilespmem:s0+$0x11630]  }
0x2da: {  	v26 =	vld [tilespmem:s0+$0x11660]  }
0x2db: {  	v27 =	vld [tilespmem:s0+$0x11670]  }
0x2dc: {  	v28 =	vld [tilespmem:s0+$0x116A0]  }
0x2dd: {  	v16 =	vadd.f32 v23, v16;
	v19 =	vadd.f32 v24, v19;
	v23 =	vld [tilespmem:s0+$0x116B0]  }
0x2de: {  	v18 =	vadd.f32 v22, v18;
	v17 =	vadd.f32 v25, v17;
	v22 =	vld [tilespmem:s0+$0x116E0]  }
0x2df: {  	v16 =	vadd.f32 v21, v16;
	v19 =	vadd.f32 v20, v19;
	v20 =	vld [tilespmem:s0+$0x116F0]  }
0x2e0: {  	v18 =	vadd.f32 v26, v18;
	v17 =	vadd.f32 v27, v17;
	v21 =	vld [tilespmem:s0+$0x11720]  }
0x2e1: {  	v15 =	vadd.f32 v15, v16;
	v14 =	vadd.f32 v14, v19;
	v16 =	vld [tilespmem:s0+$0x11730]  }
0x2e2: {  	v18 =	vadd.f32 v28, v18;
	v17 =	vadd.f32 v23, v17;
	v19 =	vld [tilespmem:s0+$0x11760]  }
0x2e3: {  	v13 =	vadd.f32 v13, v15;
	v12 =	vadd.f32 v12, v14;
	v14 =	vld [tilespmem:s0+$0x11770]  }
0x2e4: {  	v15 =	vadd.f32 v22, v18;
	v17 =	vadd.f32 v20, v17;
	v18 =	vld [tilespmem:s0+$0x117A0]  }
0x2e5: {  	v11 =	vadd.f32 v11, v13;
	v10 =	vadd.f32 v10, v12;
	v12 =	vld [tilespmem:s0+$0x117B0]  }
0x2e6: {  	v13 =	vadd.f32 v21, v15;
	v15 =	vadd.f32 v16, v17;
	v16 =	vld [tilespmem:s0+$0x117E0]  }
0x2e7: {  	v9 =	vadd.f32 v9, v11;
	v8 =	vadd.f32 v8, v10;
	v10 =	vld [tilespmem:s0+$0x117F0]  }
0x2e8: {  	v11 =	vadd.f32 v19, v13;
	v13 =	vadd.f32 v14, v15;
	v14 =	vld [tilespmem:s0+$0x11820]  }
0x2e9: {  	v6 =	vadd.f32 v6, v9;
	v7 =	vadd.f32 v7, v8;
	v8 =	vld [tilespmem:s0+$0x11830]  }
0x2ea: {  	v9 =	vadd.f32 v18, v11;
	v11 =	vadd.f32 v12, v13;
	v12 =	vld [tilespmem:s0+$0x11860]  }
0x2eb: {  	v4 =	vadd.f32 v4, v6;
	v5 =	vadd.f32 v5, v7;
	v6 =	vld [tilespmem:s0+$0x11870];
	s0 =	sshra.s32 s9, $0x2  }
0x2ec: {  	v9 =	vadd.f32 v16, v9;
	v7 =	vld [tilespmem:s0+$0x11840];
	v10 =	vadd.f32 v10, v11  }
0x2ed: {  	v4 =	vadd.f32 v2, v4;
	v5 =	vadd.f32 v3, v5;
	v11 =	vld [tilespmem:s0+$0x11850]  }
0x2ee: {  	v9 =	vadd.f32 v14, v9;
	v2 =	vld [tilespmem:s0+$0x11800];
	v8 =	vadd.f32 v8, v10  }
0x2ef: {  	v16 =	vadd.f32 v0, v4;
	v19 =	vadd.f32 v1, v5;
	v3 =	vld [tilespmem:s0+$0x11810]  }
0x2f0: {  	v18 =	vadd.f32 v12, v9;
	v4 =	vld [tilespmem:s0+$0x117C0];
	v17 =	vadd.f32 v6, v8  }
0x2f1: {  	v5 =	vld [tilespmem:s0+$0x117D0];
	v0 =	vmov v7  }
0x2f2: {  	v6 =	vld [tilespmem:s0+$0x11780];
	v1 =	vmov v11  }
0x2f3: {  	v7 =	vld [tilespmem:s0+$0x11790]  }
0x2f4: {  	v9 =	vld [tilespmem:s0+$0x11740]  }
0x2f5: {  	v8 =	vld [tilespmem:s0+$0x11750]  }
0x2f6: {  	v11 =	vld [tilespmem:s0+$0x11700]  }
0x2f7: {  	v10 =	vld [tilespmem:s0+$0x11710]  }
0x2f8: {  	v13 =	vld [tilespmem:s0+$0x116C0]  }
0x2f9: {  	v12 =	vld [tilespmem:s0+$0x116D0]  }
0x2fa: {  	v15 =	vld [tilespmem:s0+$0x11680]  }
0x2fb: {  	v14 =	vld [tilespmem:s0+$0x11690]  }
.Ltmp8:
0x2fc: {  	v21 =	vld [tilespmem:s0+$0x11640];
	(pc) =	sbr.rel @p0 .LBB2_18-.Ltmp8, $4  }
0x2fd: {  	v20 =	vld [tilespmem:s0+$0x11650]  }
0x2fe: {  	v23 =	vld [tilespmem:s0+$0x11600]  }
0x2ff: {  	v24 =	vld [tilespmem:s0+$0x11610]  }
0x300: {  	s9 =	sadd.s32 $0xA00, s9;
	v22 =	vld [tilespmem:s0+$0x11620]  }
0x301: {  	v25 =	vld [tilespmem:s0+$0x11630]  }
0x302: {  	v26 =	vld [tilespmem:s0+$0x11660]  }
0x303: {  	v27 =	vld [tilespmem:s0+$0x11670];
	v16 =	vadd.f32 v23, v16  }
0x304: {  	v35 =	vld [tilespmem:s0+$0x116A0];
	v19 =	vadd.f32 v24, v19  }
0x305: {  	v36 =	vld [tilespmem:s0+$0x116B0];
	v18 =	vadd.f32 v22, v18;
	v16 =	vadd.f32 v21, v16  }
0x306: {  	v37 =	vld [tilespmem:s0+$0x116E0];
	v17 =	vadd.f32 v25, v17;
	v19 =	vadd.f32 v20, v19  }
0x307: {  	v38 =	vld [tilespmem:s0+$0x116F0];
	v18 =	vadd.f32 v26, v18;
	v15 =	vadd.f32 v15, v16  }
0x308: {  	v40 =	vld [tilespmem:s0+$0x11720];
	v39 =	vadd.f32 v27, v17;
	v14 =	vadd.f32 v14, v19  }
0x309: {  	v41 =	vld [tilespmem:s0+$0x11730];
	v18 =	vadd.f32 v35, v18;
	v13 =	vadd.f32 v13, v15  }
0x30a: {  	v43 =	vld [tilespmem:s0+$0x11760];
	v42 =	vadd.f32 v36, v39;
	v12 =	vadd.f32 v12, v14  }
0x30b: {  	v44 =	vld [tilespmem:s0+$0x11770];
	v18 =	vadd.f32 v37, v18;
	v11 =	vadd.f32 v11, v13  }
0x30c: {  	v46 =	vld [tilespmem:s0+$0x117A0];
	v45 =	vadd.f32 v38, v42;
	v10 =	vadd.f32 v10, v12  }
0x30d: {  	v47 =	vld [tilespmem:s0+$0x117B0];
	v17 =	vadd.f32 v40, v18;
	v9 =	vadd.f32 v9, v11  }
0x30e: {  	v49 =	vld [tilespmem:s0+$0x117E0];
	v48 =	vadd.f32 v41, v45;
	v8 =	vadd.f32 v8, v10  }
0x30f: {  	v50 =	vld [tilespmem:s0+$0x117F0];
	v16 =	vadd.f32 v43, v17;
	v6 =	vadd.f32 v6, v9  }
0x310: {  	v52 =	vld [tilespmem:s0+$0x11820];
	v51 =	vadd.f32 v44, v48;
	v7 =	vadd.f32 v7, v8  }
0x311: {  	v53 =	vld [tilespmem:s0+$0x11830];
	v54 =	vadd.f32 v46, v16;
	v4 =	vadd.f32 v4, v6  }
0x312: {  	v56 =	vld [tilespmem:s0+$0x11860];
	v55 =	vadd.f32 v47, v51;
	v5 =	vadd.f32 v5, v7  }
0x313: {  	v57 =	vld [tilespmem:s0+$0x11870];
	v58 =	vadd.f32 v49, v54;
	v2 =	vadd.f32 v2, v4  }
0x314: {  	v59 =	vadd.f32 v50, v55;
	v3 =	vadd.f32 v3, v5  }
0x315: {  	v60 =	vadd.f32 v52, v58;
	v0 =	vadd.f32 v0, v2  }
0x316: {  	v61 =	vadd.f32 v53, v59;
	v1 =	vadd.f32 v1, v3  }
0x317: {  	v62 =	vadd.f32 v56, v60;
	[tilespmem:$0x167C0] =	vst v0  }
0x318: {  	s1 =	sadd.s32 $0x1, s1;
	v63 =	vadd.f32 v57, v61;
	[tilespmem:$0x167D0] =	vst v1  }
0x319: {  	p0 =	sne.s32 s1, s7;
	[tilespmem:$0x167E0] =	vst v62  }
.Ltmp9:
0x31a: {  	[tilespmem:$0x167F0] =	vst v63;
	(pc) =	sbr.rel @p0 .LBB2_1-.Ltmp9, $4  }
0x31b: {  	[hbm4b:s6+s2] =	stream.linear.scatter [tilespmem:s31], [sflag:$0x5], $0x2000, $0x38;
	[tilespmem:$0x16800] =	vst v63  }
0x31c: {  	_ =	swait.ge [sflag:s8], $0x2000  }
0x31d: {  	[sflag:s8] =	ssyncset.done $0x0  }
0x31e: {  	[sflag:s8] =	ssyncadd.s32 $0xFFFFE000  }
0x31f: {  	_ =	sfence.sel $0x180000  }
0x320: {  	[bflag:$0x0] =	sbarrier.arrive $0xFFFF  }
0x321: {  	_ =	strace $0x90000047  }
0x322: {  	s0 =	stileid.u32;
	[bflag:$0x2] =	sbarrier.arrive $0xFFFF  }
0x323: {  	p0 =	sne.s32 s0, $0x0;
	s0 =	rddreg [dreg:$0x1]  }
0x324: {  	s0 =	sadd.s32 @!p0 $0x100000, s0  }
0x325: {  	[sflag:s0] =	ssyncadd.tile.s32 @!p0 $0x1;
	_ =	shalt  }
.Lfunc_end2:
_tile_overlayer_lowered:
.L_overlay_start_2:
0x326: {  	(tag) =	ssettag $0x2  }
0x327: {  	s0 =	rddreg [dreg:$0x0];
	s2 =	stileid.u32  }
0x328: {  	s1 =	rddreg [dreg:$0x1];
	p0 =	sne.s32 s2, $0x0  }
0x329: {  	s3 =	rddreg [dreg:$0x2];
	[bflag:$0x3] =	sbarrier.arrive $0xFFFF;
	s2 =	simm.s32 @!p0 $0x1C05  }
0x32a: {  	[timem:s3], [sflag:s2] =	dma.local @!p0 [hbm:s0], s1  }
0x32b: {  	s0 =	simm.s32 @!p0 $0x5  }
0x32c: {  	_ =	swait.ge @!p0 [sflag:s0], s1  }
0x32d: {  	s1 =	ssub.s32 @!p0 $0x0, s1;
	[sflag:s0] =	ssyncset.done @!p0 $0x0  }
0x32e: {  	[sflag:s0] =	ssyncadd.s32 @!p0 s1  }
0x32f: {  	[bflag:$0x3] =	sbarrier.arrive $0xFFFF  }
0x330: {  	_ =	shalt  }

</sc_bundles>
